<compile_context>
chip_gen: v7x
topology: tpu7x:2x2x1
jax: 0.10.2.dev20260603
libtpu: 0.0.44.dev20260713+nightly
codegen_flags: <defaults>
</compile_context>

<pallas_src>
import jax
import jax.numpy as jnp
from jax import lax
from jax.experimental import pallas as pl
from jax.experimental.pallas import tpu as pltpu
from jax.experimental.pallas import tpu_sc as plsc

N_NODES = 100000
D = 128
OUT_D = 512
NUM_WORKERS = 32
NODES_PER_TILE = 3136
LAST_TILE_NODES = N_NODES - (NUM_WORKERS - 1) * NODES_PER_TILE
GROUPS_PER_TILE = NODES_PER_TILE // 16
LAST_TILE_GROUPS = LAST_TILE_NODES // 16
NBUF = 7
OUTER = GROUPS_PER_TILE // NBUF
GROUP_WORDS = 16 * OUT_D

OFF_A = 100 * D
OFF_C = OFF_A + 2 * D
OFF_H = OFF_C + 9 * D
T_WORDS = OFF_H + 9 * D


def _body(e_hbm, a_hbm, c_hbm, h_hbm,
          we_hbm, wa_hbm, wc_hbm, wh_hbm,
          out_hbm,
          tab, tloc, ei, ai, ci, hi, pk,
          o0, o1, o2, o3, o4, o5, o6,
          s0, s1, s2, s3, s4, s5, s6,
          r0, r1, r2, r3, r4, r5, r6):
    info = plsc.get_sparse_core_info()
    nc = info.num_cores
    wid = lax.axis_index("s") * nc + lax.axis_index("c")
    base_node = wid * NODES_PER_TILE
    n_groups = jnp.where(wid == NUM_WORKERS - 1,
                         LAST_TILE_GROUPS, GROUPS_PER_TILE)

    @pl.when(lax.axis_index("s") == 0)
    def _():
        pltpu.sync_copy(we_hbm, tab.at[pl.ds(0, 100)])
        pltpu.sync_copy(wa_hbm, tab.at[pl.ds(100, 2)])

    pltpu.sync_copy(wc_hbm, tloc.at[pl.ds(0, 9)])
    pltpu.sync_copy(wh_hbm, tloc.at[pl.ds(9, 9)])

    idx_refs = (ei, ai, ci, hi)
    src_refs = (e_hbm, a_hbm, c_hbm, h_hbm)

    @pl.when(wid < NUM_WORKERS - 1)
    def _():
        for f in range(4):
            pltpu.sync_copy(src_refs[f].at[pl.ds(base_node, NODES_PER_TILE)],
                            idx_refs[f].at[pl.ds(0, NODES_PER_TILE)])

    @pl.when(wid == NUM_WORKERS - 1)
    def _():
        for f in range(4):
            pltpu.sync_copy(src_refs[f].at[pl.ds(base_node, LAST_TILE_NODES)],
                            idx_refs[f].at[pl.ds(0, LAST_TILE_NODES)])

    obufs = (o0, o1, o2, o3, o4, o5, o6)
    sems = (s0, s1, s2, s3, s4, s5, s6)
    rsems = (r0, r1, r2, r3, r4, r5, r6)

    iota = lax.iota(jnp.int32, 16)

    def pack_body(q, carry):
        e = ei[pl.ds(q * 16, 16)]
        a = ai[pl.ds(q * 16, 16)]
        c = ci[pl.ds(q * 16, 16)]
        h = hi[pl.ds(q * 16, 16)]
        pk[pl.ds(q * 16, 16)] = e + a * 128 + c * 256 + h * 4096
        return carry

    lax.fori_loop(0, GROUPS_PER_TILE, pack_body, 0, unroll=4)

    plsc.subcore_barrier()

    def outer_body(o, carry):
        for k in range(NBUF):
            g = o * NBUF + k

            @pl.when(g < n_groups)
            def _():
                pv = pk[pl.ds(g * 16, 16)]
                ob = obufs[k]

                @pl.when(o > 0)
                def _():
                    pltpu.make_async_copy(
                        ob, out_hbm.at[pl.ds(0, GROUP_WORDS)], sems[k]).wait()

                def node_body(j, carry2):
                    s = jnp.sum(jnp.where(iota == j, pv, 0))
                    re = s & 127
                    ra = ((s >> 7) & 1) + 100
                    for f, row in enumerate((re, ra)):
                        pltpu.async_copy(tab.at[row],
                                         ob.at[pl.ds(j * OUT_D + f * D, D)],
                                         rsems[k])
                    return carry2

                lax.fori_loop(0, 16, node_body, 0, unroll=4)

                cvec = (pv >> 8) & 15
                hvec = (pv >> 12) + 9
                ob_c = iota * OUT_D + 2 * D
                ob_h = iota * OUT_D + 3 * D

                @plsc.parallel_loop(0, D, 1, unroll=8)
                def _(t):
                    colv = (iota + t) & (D - 1)
                    vc = plsc.load_gather(tloc, [cvec, colv])
                    plsc.store_scatter(ob, [ob_c + colv], vc)
                    vh = plsc.load_gather(tloc, [hvec, colv])
                    plsc.store_scatter(ob, [ob_h + colv], vh)

                pltpu.make_async_copy(
                    out_hbm.at[pl.ds(0, GROUP_WORDS // 2)],
                    ob.at[pl.ds(0, GROUP_WORDS // 2)], rsems[k]).wait()

                oofs = (base_node + g * 16) * OUT_D
                pltpu.async_copy(
                    ob, out_hbm.at[pl.ds(oofs, GROUP_WORDS)], sems[k])

        return carry

    lax.fori_loop(0, OUTER, outer_body, 0)

    for k in range(NBUF):
        pltpu.make_async_copy(
            obufs[k], out_hbm.at[pl.ds(0, GROUP_WORDS)], sems[k]).wait()


@jax.jit
def kernel(element, aromatic, charge, hcount,
           W_element, W_aromatic, W_charge, W_hcount):
    mesh = plsc.VectorSubcoreMesh(core_axis_name="c", subcore_axis_name="s")
    run = pl.kernel(
        _body,
        out_type=jax.ShapeDtypeStruct((N_NODES * OUT_D,), jnp.float32),
        mesh=mesh,
        compiler_params=pltpu.CompilerParams(needs_layout_passes=False),
        scratch_types=(
            [pltpu.VMEM_SHARED((102, D), jnp.float32),
             pltpu.VMEM((18, D), jnp.float32)]
            + [pltpu.VMEM((NODES_PER_TILE,), jnp.int32) for _ in range(5)]
            + [pltpu.VMEM((GROUP_WORDS,), jnp.float32) for _ in range(NBUF)]
            + [pltpu.SemaphoreType.DMA for _ in range(2 * NBUF)]
        ),
    )
    out_flat = run(element.astype(jnp.int32), aromatic.astype(jnp.int32),
                   charge.astype(jnp.int32), hcount.astype(jnp.int32),
                   W_element, W_aromatic, W_charge, W_hcount)
    return out_flat.reshape(N_NODES, OUT_D)

# --- scband reference (transcript-rebuilt; emitter-appended) ---
"""Pipeline reference for scband-graph-embedding-4947802325634 (READ-ONLY COPY).

The authoritative reference and input builder live on the scoring server;
editing this copy changes nothing except your own understanding.
"""

import jax, jax.numpy as jnp
import numpy as np

N_NODES = 100000
EMBED_DIM = 128
V_ELEM, V_AROM, V_CHG, V_HC = 100, 2, 9, 9

def setup_inputs(seed: int = 0) -> dict:
    key = jax.random.key(seed)
    ks = jax.random.split(key, 8)
    element = jax.random.randint(ks[0], (N_NODES,), 0, V_ELEM, dtype=jnp.int64 if jax.config.jax_enable_x64 else jnp.int32)
    aromatic = jax.random.randint(ks[1], (N_NODES,), 0, V_AROM, dtype=element.dtype)
    charge = jax.random.randint(ks[2], (N_NODES,), 0, V_CHG, dtype=element.dtype)
    hcount = jax.random.randint(ks[3], (N_NODES,), 0, V_HC, dtype=element.dtype)
    W_element = jax.random.normal(ks[4], (V_ELEM, EMBED_DIM), dtype=jnp.float32)
    W_aromatic = jax.random.normal(ks[5], (V_AROM, EMBED_DIM), dtype=jnp.float32)
    W_charge = jax.random.normal(ks[6], (V_CHG, EMBED_DIM), dtype=jnp.float32)
    W_hcount = jax.random.normal(ks[7], (V_HC, EMBED_DIM), dtype=jnp.float32)
    return {"element": element, "aromatic": aromatic, "charge": charge, "hcount": hcount,
            "W_element": W_element, "W_aromatic": W_aromatic, "W_charge": W_charge, "W_hcount": W_hcount}

def reference(element, aromatic, charge, hcount, W_element, W_aromatic, W_charge, W_hcount):
    t_element = jnp.take(W_element, element, axis=0)
    t_aromatic = jnp.take(W_aromatic, aromatic, axis=0)
    t_charge = jnp.take(W_charge, charge, axis=0)
    t_hcount = jnp.take(W_hcount, hcount, axis=0)
    return jnp.concatenate((t_element, t_aromatic, t_charge, t_hcount), axis=-1)

if __name__ == "__main__":
    import jax
    _d = setup_inputs()
    print(jax.jit(kernel)(*tuple(_d.values())))

</pallas_src>

<mosaic_0001>
#map = affine_map<(d0, d1) -> (0)>
#map1 = affine_map<(d0, d1) -> (0, 0)>
module attributes {stable_mosaic.version = 14 : i64} {
  func.func @_body(%arg0: i32, %arg1: i32, %arg2: memref<100000xi32, #tpu.memory_space<hbm>>, %arg3: memref<100000xi32, #tpu.memory_space<hbm>>, %arg4: memref<100000xi32, #tpu.memory_space<hbm>>, %arg5: memref<100000xi32, #tpu.memory_space<hbm>>, %arg6: memref<100x128xf32, #tpu.memory_space<hbm>>, %arg7: memref<2x128xf32, #tpu.memory_space<hbm>>, %arg8: memref<9x128xf32, #tpu.memory_space<hbm>>, %arg9: memref<9x128xf32, #tpu.memory_space<hbm>>, %arg10: memref<51200000xf32, #tpu.memory_space<hbm>>, %arg11: memref<102x128xf32, #tpu.memory_space<vmem_shared>>, %arg12: memref<18x128xf32, #tpu.memory_space<vmem>>, %arg13: memref<3136xi32, #tpu.memory_space<vmem>>, %arg14: memref<3136xi32, #tpu.memory_space<vmem>>, %arg15: memref<3136xi32, #tpu.memory_space<vmem>>, %arg16: memref<3136xi32, #tpu.memory_space<vmem>>, %arg17: memref<3136xi32, #tpu.memory_space<vmem>>, %arg18: memref<8192xf32, #tpu.memory_space<vmem>>, %arg19: memref<8192xf32, #tpu.memory_space<vmem>>, %arg20: memref<8192xf32, #tpu.memory_space<vmem>>, %arg21: memref<8192xf32, #tpu.memory_space<vmem>>, %arg22: memref<8192xf32, #tpu.memory_space<vmem>>, %arg23: memref<8192xf32, #tpu.memory_space<vmem>>, %arg24: memref<8192xf32, #tpu.memory_space<vmem>>, %arg25: memref<!tpu.dma_semaphore, #tpu.memory_space<semaphore_mem>>, %arg26: memref<!tpu.dma_semaphore, #tpu.memory_space<semaphore_mem>>, %arg27: memref<!tpu.dma_semaphore, #tpu.memory_space<semaphore_mem>>, %arg28: memref<!tpu.dma_semaphore, #tpu.memory_space<semaphore_mem>>, %arg29: memref<!tpu.dma_semaphore, #tpu.memory_space<semaphore_mem>>, %arg30: memref<!tpu.dma_semaphore, #tpu.memory_space<semaphore_mem>>, %arg31: memref<!tpu.dma_semaphore, #tpu.memory_space<semaphore_mem>>, %arg32: memref<!tpu.dma_semaphore, #tpu.memory_space<semaphore_mem>>, %arg33: memref<!tpu.dma_semaphore, #tpu.memory_space<semaphore_mem>>, %arg34: memref<!tpu.dma_semaphore, #tpu.memory_space<semaphore_mem>>, %arg35: memref<!tpu.dma_semaphore, #tpu.memory_space<semaphore_mem>>, %arg36: memref<!tpu.dma_semaphore, #tpu.memory_space<semaphore_mem>>, %arg37: memref<!tpu.dma_semaphore, #tpu.memory_space<semaphore_mem>>, %arg38: memref<!tpu.dma_semaphore, #tpu.memory_space<semaphore_mem>>) attributes {dimension_semantics = [#tpu.dimension_semantics<core_parallel>, #tpu.dimension_semantics<subcore_parallel>], iteration_bounds = array<i64: 2, 16>, scalar_prefetch = 0 : i64, scratch_operands = 28 : i64, tpu.core_type = #tpu.core_type<sc_vector_subcore>, window_params = [{transform_indices = #map}, {transform_indices = #map}, {transform_indices = #map}, {transform_indices = #map}, {transform_indices = #map1}, {transform_indices = #map1}, {transform_indices = #map1}, {transform_indices = #map1}, {transform_indices = #map}]} {
    %mul3A = arith.constant 2 : i32
    %mul3A_0 = arith.muli %arg1, %mul3A : i32
    %add3A = arith.addi %mul3A_0, %arg0 : i32
    %mul3A_1 = arith.constant 3136 : i32
    %mul3A_2 = arith.muli %add3A, %mul3A_1 : i32
    %eq3A = arith.constant 31 : i32
    %eq3A_3 = arith.cmpi eq, %add3A, %eq3A : i32
    %jit3A = arith.constant 174 : i32
    %jit3A_4 = arith.constant 196 : i32
    %select_n3A = arith.select %eq3A_3, %jit3A, %jit3A_4 : i32
    %eq3A_5 = arith.constant 0 : i32
    %eq3A_6 = arith.cmpi eq, %arg1, %eq3A_5 : i32
    %convert_element_type3A = arith.extui %eq3A_6 : i1 to i32
    %cond3A = arith.constant 0 : i32
    %cond3A_7 = arith.cmpi ne, %convert_element_type3A, %cond3A : i32
    scf.if %cond3A_7 {
      "tpu.region"() ({
        %run_scoped3A = tpu.sem_alloc : memref<!tpu.dma_semaphore, #tpu.memory_space<semaphore_mem>>
        %dma_start3A = arith.constant 0 : i32
        %dma_start3A_55 = arith.constant 0 : i32
        %dma_start3A_56 = tpu.memref_slice %arg11[%dma_start3A, %dma_start3A_55] : memref<102x128xf32, #tpu.memory_space<vmem_shared>> -> memref<100x128xf32, #tpu.memory_space<vmem_shared>>
        tpu.enqueue_dma source(%arg6 : memref<100x128xf32, #tpu.memory_space<hbm>>) target(%dma_start3A_56 : memref<100x128xf32, #tpu.memory_space<vmem_shared>>) target_semaphore(%run_scoped3A : memref<!tpu.dma_semaphore, #tpu.memory_space<semaphore_mem>>)
        %dma_wait3A_57 = arith.constant 0 : i32
        %dma_wait3A_58 = arith.constant 0 : i32
        %dma_wait3A_59 = tpu.memref_slice %arg11[%dma_wait3A_57, %dma_wait3A_58] : memref<102x128xf32, #tpu.memory_space<vmem_shared>> -> memref<100x128xf32, #tpu.memory_space<vmem_shared>>
        tpu.wait_dma2 semaphore(%run_scoped3A : memref<!tpu.dma_semaphore, #tpu.memory_space<semaphore_mem>>) src(%arg6 : memref<100x128xf32, #tpu.memory_space<hbm>>) dst(%dma_wait3A_59 : memref<100x128xf32, #tpu.memory_space<vmem_shared>>)
        tpu.yield
      }) : () -> ()
      "tpu.region"() ({
        %run_scoped3A = tpu.sem_alloc : memref<!tpu.dma_semaphore, #tpu.memory_space<semaphore_mem>>
        %dma_start3A = arith.constant 100 : i32
        %dma_start3A_55 = arith.constant 0 : i32
        %dma_start3A_56 = tpu.memref_slice %arg11[%dma_start3A, %dma_start3A_55] : memref<102x128xf32, #tpu.memory_space<vmem_shared>> -> memref<2x128xf32, #tpu.memory_space<vmem_shared>>
        tpu.enqueue_dma source(%arg7 : memref<2x128xf32, #tpu.memory_space<hbm>>) target(%dma_start3A_56 : memref<2x128xf32, #tpu.memory_space<vmem_shared>>) target_semaphore(%run_scoped3A : memref<!tpu.dma_semaphore, #tpu.memory_space<semaphore_mem>>)
        %dma_wait3A_57 = arith.constant 100 : i32
        %dma_wait3A_58 = arith.constant 0 : i32
        %dma_wait3A_59 = tpu.memref_slice %arg11[%dma_wait3A_57, %dma_wait3A_58] : memref<102x128xf32, #tpu.memory_space<vmem_shared>> -> memref<2x128xf32, #tpu.memory_space<vmem_shared>>
        tpu.wait_dma2 semaphore(%run_scoped3A : memref<!tpu.dma_semaphore, #tpu.memory_space<semaphore_mem>>) src(%arg7 : memref<2x128xf32, #tpu.memory_space<hbm>>) dst(%dma_wait3A_59 : memref<2x128xf32, #tpu.memory_space<vmem_shared>>)
        tpu.yield
      }) : () -> ()
    } else {
    }
    "tpu.region"() ({
      %run_scoped3A = tpu.sem_alloc : memref<!tpu.dma_semaphore, #tpu.memory_space<semaphore_mem>>
      %dma_start3A = arith.constant 0 : i32
      %dma_start3A_55 = arith.constant 0 : i32
      %dma_start3A_56 = tpu.memref_slice %arg12[%dma_start3A, %dma_start3A_55] : memref<18x128xf32, #tpu.memory_space<vmem>> -> memref<9x128xf32, #tpu.memory_space<vmem>>
      %dma_start3A_57 = arith.constant 0 : i32
      %dma_start3A_58 = arith.constant 0 : i32
      %dma_start3A_59 = tpu.memref_slice %arg12[%dma_start3A_57, %dma_start3A_58] : memref<18x128xf32, #tpu.memory_space<vmem>> -> memref<9x128xf32, #tpu.memory_space<vmem>>
      tpu.enqueue_dma source(%arg8 : memref<9x128xf32, #tpu.memory_space<hbm>>) target(%dma_start3A_59 : memref<9x128xf32, #tpu.memory_space<vmem>>) target_semaphore(%run_scoped3A : memref<!tpu.dma_semaphore, #tpu.memory_space<semaphore_mem>>)
      %dma_wait3A_60 = arith.constant 0 : i32
      %dma_wait3A_61 = arith.constant 0 : i32
      %dma_wait3A_62 = tpu.memref_slice %arg12[%dma_wait3A_60, %dma_wait3A_61] : memref<18x128xf32, #tpu.memory_space<vmem>> -> memref<9x128xf32, #tpu.memory_space<vmem>>
      %dma_wait3A_63 = arith.constant 0 : i32
      %dma_wait3A_64 = arith.constant 0 : i32
      %dma_wait3A_65 = tpu.memref_slice %arg12[%dma_wait3A_63, %dma_wait3A_64] : memref<18x128xf32, #tpu.memory_space<vmem>> -> memref<9x128xf32, #tpu.memory_space<vmem>>
      tpu.wait_dma2 semaphore(%run_scoped3A : memref<!tpu.dma_semaphore, #tpu.memory_space<semaphore_mem>>) src(%arg8 : memref<9x128xf32, #tpu.memory_space<hbm>>) dst(%dma_wait3A_65 : memref<9x128xf32, #tpu.memory_space<vmem>>)
      tpu.yield
    }) : () -> ()
    "tpu.region"() ({
      %run_scoped3A = tpu.sem_alloc : memref<!tpu.dma_semaphore, #tpu.memory_space<semaphore_mem>>
      %dma_start3A = arith.constant 9 : i32
      %dma_start3A_55 = arith.constant 0 : i32
      %dma_start3A_56 = tpu.memref_slice %arg12[%dma_start3A, %dma_start3A_55] : memref<18x128xf32, #tpu.memory_space<vmem>> -> memref<9x128xf32, #tpu.memory_space<vmem>>
      %dma_start3A_57 = arith.constant 9 : i32
      %dma_start3A_58 = arith.constant 0 : i32
      %dma_start3A_59 = tpu.memref_slice %arg12[%dma_start3A_57, %dma_start3A_58] : memref<18x128xf32, #tpu.memory_space<vmem>> -> memref<9x128xf32, #tpu.memory_space<vmem>>
      tpu.enqueue_dma source(%arg9 : memref<9x128xf32, #tpu.memory_space<hbm>>) target(%dma_start3A_59 : memref<9x128xf32, #tpu.memory_space<vmem>>) target_semaphore(%run_scoped3A : memref<!tpu.dma_semaphore, #tpu.memory_space<semaphore_mem>>)
      %dma_wait3A_60 = arith.constant 9 : i32
      %dma_wait3A_61 = arith.constant 0 : i32
      %dma_wait3A_62 = tpu.memref_slice %arg12[%dma_wait3A_60, %dma_wait3A_61] : memref<18x128xf32, #tpu.memory_space<vmem>> -> memref<9x128xf32, #tpu.memory_space<vmem>>
      %dma_wait3A_63 = arith.constant 9 : i32
      %dma_wait3A_64 = arith.constant 0 : i32
      %dma_wait3A_65 = tpu.memref_slice %arg12[%dma_wait3A_63, %dma_wait3A_64] : memref<18x128xf32, #tpu.memory_space<vmem>> -> memref<9x128xf32, #tpu.memory_space<vmem>>
      tpu.wait_dma2 semaphore(%run_scoped3A : memref<!tpu.dma_semaphore, #tpu.memory_space<semaphore_mem>>) src(%arg9 : memref<9x128xf32, #tpu.memory_space<hbm>>) dst(%dma_wait3A_65 : memref<9x128xf32, #tpu.memory_space<vmem>>)
      tpu.yield
    }) : () -> ()
    %lt3A = arith.constant 31 : i32
    %lt3A_8 = arith.cmpi slt, %add3A, %lt3A : i32
    %convert_element_type3A_9 = arith.extui %lt3A_8 : i1 to i32
    %cond3A_10 = arith.constant 0 : i32
    %cond3A_11 = arith.cmpi ne, %convert_element_type3A_9, %cond3A_10 : i32
    scf.if %cond3A_11 {
      "tpu.region"() ({
        %run_scoped3A = tpu.sem_alloc : memref<!tpu.dma_semaphore, #tpu.memory_space<semaphore_mem>>
        %dma_start3A = arith.constant 0 : i32
        %dma_start3A_55 = tpu.memref_slice %arg13[%dma_start3A] : memref<3136xi32, #tpu.memory_space<vmem>> -> memref<3136xi32, #tpu.memory_space<vmem>>
        %dma_start3A_56 = tpu.memref_slice %arg2[%mul3A_2] : memref<100000xi32, #tpu.memory_space<hbm>> -> memref<3136xi32, #tpu.memory_space<hbm>>
        %dma_start3A_57 = arith.constant 0 : i32
        %dma_start3A_58 = tpu.memref_slice %arg13[%dma_start3A_57] : memref<3136xi32, #tpu.memory_space<vmem>> -> memref<3136xi32, #tpu.memory_space<vmem>>
        %dma_start3A_59 = tpu.memref_slice %arg2[%mul3A_2] : memref<100000xi32, #tpu.memory_space<hbm>> -> memref<3136xi32, #tpu.memory_space<hbm>>
        tpu.enqueue_dma source(%dma_start3A_59 : memref<3136xi32, #tpu.memory_space<hbm>>) target(%dma_start3A_58 : memref<3136xi32, #tpu.memory_space<vmem>>) target_semaphore(%run_scoped3A : memref<!tpu.dma_semaphore, #tpu.memory_space<semaphore_mem>>)
        %dma_wait3A_60 = arith.constant 0 : i32
        %dma_wait3A_61 = tpu.memref_slice %arg13[%dma_wait3A_60] : memref<3136xi32, #tpu.memory_space<vmem>> -> memref<3136xi32, #tpu.memory_space<vmem>>
        %dma_wait3A_62 = tpu.memref_slice %arg2[%mul3A_2] : memref<100000xi32, #tpu.memory_space<hbm>> -> memref<3136xi32, #tpu.memory_space<hbm>>
        %dma_wait3A_63 = arith.constant 0 : i32
        %dma_wait3A_64 = tpu.memref_slice %arg13[%dma_wait3A_63] : memref<3136xi32, #tpu.memory_space<vmem>> -> memref<3136xi32, #tpu.memory_space<vmem>>
        %dma_wait3A_65 = tpu.memref_slice %arg2[%mul3A_2] : memref<100000xi32, #tpu.memory_space<hbm>> -> memref<3136xi32, #tpu.memory_space<hbm>>
        tpu.wait_dma2 semaphore(%run_scoped3A : memref<!tpu.dma_semaphore, #tpu.memory_space<semaphore_mem>>) src(%dma_wait3A_65 : memref<3136xi32, #tpu.memory_space<hbm>>) dst(%dma_wait3A_64 : memref<3136xi32, #tpu.memory_space<vmem>>)
        tpu.yield
      }) : () -> ()
      "tpu.region"() ({
        %run_scoped3A = tpu.sem_alloc : memref<!tpu.dma_semaphore, #tpu.memory_space<semaphore_mem>>
        %dma_start3A = arith.constant 0 : i32
        %dma_start3A_55 = tpu.memref_slice %arg14[%dma_start3A] : memref<3136xi32, #tpu.memory_space<vmem>> -> memref<3136xi32, #tpu.memory_space<vmem>>
        %dma_start3A_56 = tpu.memref_slice %arg3[%mul3A_2] : memref<100000xi32, #tpu.memory_space<hbm>> -> memref<3136xi32, #tpu.memory_space<hbm>>
        %dma_start3A_57 = arith.constant 0 : i32
        %dma_start3A_58 = tpu.memref_slice %arg14[%dma_start3A_57] : memref<3136xi32, #tpu.memory_space<vmem>> -> memref<3136xi32, #tpu.memory_space<vmem>>
        %dma_start3A_59 = tpu.memref_slice %arg3[%mul3A_2] : memref<100000xi32, #tpu.memory_space<hbm>> -> memref<3136xi32, #tpu.memory_space<hbm>>
        tpu.enqueue_dma source(%dma_start3A_59 : memref<3136xi32, #tpu.memory_space<hbm>>) target(%dma_start3A_58 : memref<3136xi32, #tpu.memory_space<vmem>>) target_semaphore(%run_scoped3A : memref<!tpu.dma_semaphore, #tpu.memory_space<semaphore_mem>>)
        %dma_wait3A_60 = arith.constant 0 : i32
        %dma_wait3A_61 = tpu.memref_slice %arg14[%dma_wait3A_60] : memref<3136xi32, #tpu.memory_space<vmem>> -> memref<3136xi32, #tpu.memory_space<vmem>>
        %dma_wait3A_62 = tpu.memref_slice %arg3[%mul3A_2] : memref<100000xi32, #tpu.memory_space<hbm>> -> memref<3136xi32, #tpu.memory_space<hbm>>
        %dma_wait3A_63 = arith.constant 0 : i32
        %dma_wait3A_64 = tpu.memref_slice %arg14[%dma_wait3A_63] : memref<3136xi32, #tpu.memory_space<vmem>> -> memref<3136xi32, #tpu.memory_space<vmem>>
        %dma_wait3A_65 = tpu.memref_slice %arg3[%mul3A_2] : memref<100000xi32, #tpu.memory_space<hbm>> -> memref<3136xi32, #tpu.memory_space<hbm>>
        tpu.wait_dma2 semaphore(%run_scoped3A : memref<!tpu.dma_semaphore, #tpu.memory_space<semaphore_mem>>) src(%dma_wait3A_65 : memref<3136xi32, #tpu.memory_space<hbm>>) dst(%dma_wait3A_64 : memref<3136xi32, #tpu.memory_space<vmem>>)
        tpu.yield
      }) : () -> ()
      "tpu.region"() ({
        %run_scoped3A = tpu.sem_alloc : memref<!tpu.dma_semaphore, #tpu.memory_space<semaphore_mem>>
        %dma_start3A = arith.constant 0 : i32
        %dma_start3A_55 = tpu.memref_slice %arg15[%dma_start3A] : memref<3136xi32, #tpu.memory_space<vmem>> -> memref<3136xi32, #tpu.memory_space<vmem>>
        %dma_start3A_56 = tpu.memref_slice %arg4[%mul3A_2] : memref<100000xi32, #tpu.memory_space<hbm>> -> memref<3136xi32, #tpu.memory_space<hbm>>
        %dma_start3A_57 = arith.constant 0 : i32
        %dma_start3A_58 = tpu.memref_slice %arg15[%dma_start3A_57] : memref<3136xi32, #tpu.memory_space<vmem>> -> memref<3136xi32, #tpu.memory_space<vmem>>
        %dma_start3A_59 = tpu.memref_slice %arg4[%mul3A_2] : memref<100000xi32, #tpu.memory_space<hbm>> -> memref<3136xi32, #tpu.memory_space<hbm>>
        tpu.enqueue_dma source(%dma_start3A_59 : memref<3136xi32, #tpu.memory_space<hbm>>) target(%dma_start3A_58 : memref<3136xi32, #tpu.memory_space<vmem>>) target_semaphore(%run_scoped3A : memref<!tpu.dma_semaphore, #tpu.memory_space<semaphore_mem>>)
        %dma_wait3A_60 = arith.constant 0 : i32
        %dma_wait3A_61 = tpu.memref_slice %arg15[%dma_wait3A_60] : memref<3136xi32, #tpu.memory_space<vmem>> -> memref<3136xi32, #tpu.memory_space<vmem>>
        %dma_wait3A_62 = tpu.memref_slice %arg4[%mul3A_2] : memref<100000xi32, #tpu.memory_space<hbm>> -> memref<3136xi32, #tpu.memory_space<hbm>>
        %dma_wait3A_63 = arith.constant 0 : i32
        %dma_wait3A_64 = tpu.memref_slice %arg15[%dma_wait3A_63] : memref<3136xi32, #tpu.memory_space<vmem>> -> memref<3136xi32, #tpu.memory_space<vmem>>
        %dma_wait3A_65 = tpu.memref_slice %arg4[%mul3A_2] : memref<100000xi32, #tpu.memory_space<hbm>> -> memref<3136xi32, #tpu.memory_space<hbm>>
        tpu.wait_dma2 semaphore(%run_scoped3A : memref<!tpu.dma_semaphore, #tpu.memory_space<semaphore_mem>>) src(%dma_wait3A_65 : memref<3136xi32, #tpu.memory_space<hbm>>) dst(%dma_wait3A_64 : memref<3136xi32, #tpu.memory_space<vmem>>)
        tpu.yield
      }) : () -> ()
      "tpu.region"() ({
        %run_scoped3A = tpu.sem_alloc : memref<!tpu.dma_semaphore, #tpu.memory_space<semaphore_mem>>
        %dma_start3A = arith.constant 0 : i32
        %dma_start3A_55 = tpu.memref_slice %arg16[%dma_start3A] : memref<3136xi32, #tpu.memory_space<vmem>> -> memref<3136xi32, #tpu.memory_space<vmem>>
        %dma_start3A_56 = tpu.memref_slice %arg5[%mul3A_2] : memref<100000xi32, #tpu.memory_space<hbm>> -> memref<3136xi32, #tpu.memory_space<hbm>>
        %dma_start3A_57 = arith.constant 0 : i32
        %dma_start3A_58 = tpu.memref_slice %arg16[%dma_start3A_57] : memref<3136xi32, #tpu.memory_space<vmem>> -> memref<3136xi32, #tpu.memory_space<vmem>>
        %dma_start3A_59 = tpu.memref_slice %arg5[%mul3A_2] : memref<100000xi32, #tpu.memory_space<hbm>> -> memref<3136xi32, #tpu.memory_space<hbm>>
        tpu.enqueue_dma source(%dma_start3A_59 : memref<3136xi32, #tpu.memory_space<hbm>>) target(%dma_start3A_58 : memref<3136xi32, #tpu.memory_space<vmem>>) target_semaphore(%run_scoped3A : memref<!tpu.dma_semaphore, #tpu.memory_space<semaphore_mem>>)
        %dma_wait3A_60 = arith.constant 0 : i32
        %dma_wait3A_61 = tpu.memref_slice %arg16[%dma_wait3A_60] : memref<3136xi32, #tpu.memory_space<vmem>> -> memref<3136xi32, #tpu.memory_space<vmem>>
        %dma_wait3A_62 = tpu.memref_slice %arg5[%mul3A_2] : memref<100000xi32, #tpu.memory_space<hbm>> -> memref<3136xi32, #tpu.memory_space<hbm>>
        %dma_wait3A_63 = arith.constant 0 : i32
        %dma_wait3A_64 = tpu.memref_slice %arg16[%dma_wait3A_63] : memref<3136xi32, #tpu.memory_space<vmem>> -> memref<3136xi32, #tpu.memory_space<vmem>>
        %dma_wait3A_65 = tpu.memref_slice %arg5[%mul3A_2] : memref<100000xi32, #tpu.memory_space<hbm>> -> memref<3136xi32, #tpu.memory_space<hbm>>
        tpu.wait_dma2 semaphore(%run_scoped3A : memref<!tpu.dma_semaphore, #tpu.memory_space<semaphore_mem>>) src(%dma_wait3A_65 : memref<3136xi32, #tpu.memory_space<hbm>>) dst(%dma_wait3A_64 : memref<3136xi32, #tpu.memory_space<vmem>>)
        tpu.yield
      }) : () -> ()
    } else {
    }
    %eq3A_12 = arith.constant 31 : i32
    %eq3A_13 = arith.cmpi eq, %add3A, %eq3A_12 : i32
    %convert_element_type3A_14 = arith.extui %eq3A_13 : i1 to i32
    %cond3A_15 = arith.constant 0 : i32
    %cond3A_16 = arith.cmpi ne, %convert_element_type3A_14, %cond3A_15 : i32
    scf.if %cond3A_16 {
      "tpu.region"() ({
        %run_scoped3A = tpu.sem_alloc : memref<!tpu.dma_semaphore, #tpu.memory_space<semaphore_mem>>
        %dma_start3A = arith.constant 0 : i32
        %dma_start3A_55 = tpu.memref_slice %arg13[%dma_start3A] : memref<3136xi32, #tpu.memory_space<vmem>> -> memref<2784xi32, #tpu.memory_space<vmem>>
        %dma_start3A_56 = tpu.memref_slice %arg2[%mul3A_2] : memref<100000xi32, #tpu.memory_space<hbm>> -> memref<2784xi32, #tpu.memory_space<hbm>>
        %dma_start3A_57 = arith.constant 0 : i32
        %dma_start3A_58 = tpu.memref_slice %arg13[%dma_start3A_57] : memref<3136xi32, #tpu.memory_space<vmem>> -> memref<2784xi32, #tpu.memory_space<vmem>>
        %dma_start3A_59 = tpu.memref_slice %arg2[%mul3A_2] : memref<100000xi32, #tpu.memory_space<hbm>> -> memref<2784xi32, #tpu.memory_space<hbm>>
        tpu.enqueue_dma source(%dma_start3A_59 : memref<2784xi32, #tpu.memory_space<hbm>>) target(%dma_start3A_58 : memref<2784xi32, #tpu.memory_space<vmem>>) target_semaphore(%run_scoped3A : memref<!tpu.dma_semaphore, #tpu.memory_space<semaphore_mem>>)
        %dma_wait3A_60 = arith.constant 0 : i32
        %dma_wait3A_61 = tpu.memref_slice %arg13[%dma_wait3A_60] : memref<3136xi32, #tpu.memory_space<vmem>> -> memref<2784xi32, #tpu.memory_space<vmem>>
        %dma_wait3A_62 = tpu.memref_slice %arg2[%mul3A_2] : memref<100000xi32, #tpu.memory_space<hbm>> -> memref<2784xi32, #tpu.memory_space<hbm>>
        %dma_wait3A_63 = arith.constant 0 : i32
        %dma_wait3A_64 = tpu.memref_slice %arg13[%dma_wait3A_63] : memref<3136xi32, #tpu.memory_space<vmem>> -> memref<2784xi32, #tpu.memory_space<vmem>>
        %dma_wait3A_65 = tpu.memref_slice %arg2[%mul3A_2] : memref<100000xi32, #tpu.memory_space<hbm>> -> memref<2784xi32, #tpu.memory_space<hbm>>
        tpu.wait_dma2 semaphore(%run_scoped3A : memref<!tpu.dma_semaphore, #tpu.memory_space<semaphore_mem>>) src(%dma_wait3A_65 : memref<2784xi32, #tpu.memory_space<hbm>>) dst(%dma_wait3A_64 : memref<2784xi32, #tpu.memory_space<vmem>>)
        tpu.yield
      }) : () -> ()
      "tpu.region"() ({
        %run_scoped3A = tpu.sem_alloc : memref<!tpu.dma_semaphore, #tpu.memory_space<semaphore_mem>>
        %dma_start3A = arith.constant 0 : i32
        %dma_start3A_55 = tpu.memref_slice %arg14[%dma_start3A] : memref<3136xi32, #tpu.memory_space<vmem>> -> memref<2784xi32, #tpu.memory_space<vmem>>
        %dma_start3A_56 = tpu.memref_slice %arg3[%mul3A_2] : memref<100000xi32, #tpu.memory_space<hbm>> -> memref<2784xi32, #tpu.memory_space<hbm>>
        %dma_start3A_57 = arith.constant 0 : i32
        %dma_start3A_58 = tpu.memref_slice %arg14[%dma_start3A_57] : memref<3136xi32, #tpu.memory_space<vmem>> -> memref<2784xi32, #tpu.memory_space<vmem>>
        %dma_start3A_59 = tpu.memref_slice %arg3[%mul3A_2] : memref<100000xi32, #tpu.memory_space<hbm>> -> memref<2784xi32, #tpu.memory_space<hbm>>
        tpu.enqueue_dma source(%dma_start3A_59 : memref<2784xi32, #tpu.memory_space<hbm>>) target(%dma_start3A_58 : memref<2784xi32, #tpu.memory_space<vmem>>) target_semaphore(%run_scoped3A : memref<!tpu.dma_semaphore, #tpu.memory_space<semaphore_mem>>)
        %dma_wait3A_60 = arith.constant 0 : i32
        %dma_wait3A_61 = tpu.memref_slice %arg14[%dma_wait3A_60] : memref<3136xi32, #tpu.memory_space<vmem>> -> memref<2784xi32, #tpu.memory_space<vmem>>
        %dma_wait3A_62 = tpu.memref_slice %arg3[%mul3A_2] : memref<100000xi32, #tpu.memory_space<hbm>> -> memref<2784xi32, #tpu.memory_space<hbm>>
        %dma_wait3A_63 = arith.constant 0 : i32
        %dma_wait3A_64 = tpu.memref_slice %arg14[%dma_wait3A_63] : memref<3136xi32, #tpu.memory_space<vmem>> -> memref<2784xi32, #tpu.memory_space<vmem>>
        %dma_wait3A_65 = tpu.memref_slice %arg3[%mul3A_2] : memref<100000xi32, #tpu.memory_space<hbm>> -> memref<2784xi32, #tpu.memory_space<hbm>>
        tpu.wait_dma2 semaphore(%run_scoped3A : memref<!tpu.dma_semaphore, #tpu.memory_space<semaphore_mem>>) src(%dma_wait3A_65 : memref<2784xi32, #tpu.memory_space<hbm>>) dst(%dma_wait3A_64 : memref<2784xi32, #tpu.memory_space<vmem>>)
        tpu.yield
      }) : () -> ()
      "tpu.region"() ({
        %run_scoped3A = tpu.sem_alloc : memref<!tpu.dma_semaphore, #tpu.memory_space<semaphore_mem>>
        %dma_start3A = arith.constant 0 : i32
        %dma_start3A_55 = tpu.memref_slice %arg15[%dma_start3A] : memref<3136xi32, #tpu.memory_space<vmem>> -> memref<2784xi32, #tpu.memory_space<vmem>>
        %dma_start3A_56 = tpu.memref_slice %arg4[%mul3A_2] : memref<100000xi32, #tpu.memory_space<hbm>> -> memref<2784xi32, #tpu.memory_space<hbm>>
        %dma_start3A_57 = arith.constant 0 : i32
        %dma_start3A_58 = tpu.memref_slice %arg15[%dma_start3A_57] : memref<3136xi32, #tpu.memory_space<vmem>> -> memref<2784xi32, #tpu.memory_space<vmem>>
        %dma_start3A_59 = tpu.memref_slice %arg4[%mul3A_2] : memref<100000xi32, #tpu.memory_space<hbm>> -> memref<2784xi32, #tpu.memory_space<hbm>>
        tpu.enqueue_dma source(%dma_start3A_59 : memref<2784xi32, #tpu.memory_space<hbm>>) target(%dma_start3A_58 : memref<2784xi32, #tpu.memory_space<vmem>>) target_semaphore(%run_scoped3A : memref<!tpu.dma_semaphore, #tpu.memory_space<semaphore_mem>>)
        %dma_wait3A_60 = arith.constant 0 : i32
        %dma_wait3A_61 = tpu.memref_slice %arg15[%dma_wait3A_60] : memref<3136xi32, #tpu.memory_space<vmem>> -> memref<2784xi32, #tpu.memory_space<vmem>>
        %dma_wait3A_62 = tpu.memref_slice %arg4[%mul3A_2] : memref<100000xi32, #tpu.memory_space<hbm>> -> memref<2784xi32, #tpu.memory_space<hbm>>
        %dma_wait3A_63 = arith.constant 0 : i32
        %dma_wait3A_64 = tpu.memref_slice %arg15[%dma_wait3A_63] : memref<3136xi32, #tpu.memory_space<vmem>> -> memref<2784xi32, #tpu.memory_space<vmem>>
        %dma_wait3A_65 = tpu.memref_slice %arg4[%mul3A_2] : memref<100000xi32, #tpu.memory_space<hbm>> -> memref<2784xi32, #tpu.memory_space<hbm>>
        tpu.wait_dma2 semaphore(%run_scoped3A : memref<!tpu.dma_semaphore, #tpu.memory_space<semaphore_mem>>) src(%dma_wait3A_65 : memref<2784xi32, #tpu.memory_space<hbm>>) dst(%dma_wait3A_64 : memref<2784xi32, #tpu.memory_space<vmem>>)
        tpu.yield
      }) : () -> ()
      "tpu.region"() ({
        %run_scoped3A = tpu.sem_alloc : memref<!tpu.dma_semaphore, #tpu.memory_space<semaphore_mem>>
        %dma_start3A = arith.constant 0 : i32
        %dma_start3A_55 = tpu.memref_slice %arg16[%dma_start3A] : memref<3136xi32, #tpu.memory_space<vmem>> -> memref<2784xi32, #tpu.memory_space<vmem>>
        %dma_start3A_56 = tpu.memref_slice %arg5[%mul3A_2] : memref<100000xi32, #tpu.memory_space<hbm>> -> memref<2784xi32, #tpu.memory_space<hbm>>
        %dma_start3A_57 = arith.constant 0 : i32
        %dma_start3A_58 = tpu.memref_slice %arg16[%dma_start3A_57] : memref<3136xi32, #tpu.memory_space<vmem>> -> memref<2784xi32, #tpu.memory_space<vmem>>
        %dma_start3A_59 = tpu.memref_slice %arg5[%mul3A_2] : memref<100000xi32, #tpu.memory_space<hbm>> -> memref<2784xi32, #tpu.memory_space<hbm>>
        tpu.enqueue_dma source(%dma_start3A_59 : memref<2784xi32, #tpu.memory_space<hbm>>) target(%dma_start3A_58 : memref<2784xi32, #tpu.memory_space<vmem>>) target_semaphore(%run_scoped3A : memref<!tpu.dma_semaphore, #tpu.memory_space<semaphore_mem>>)
        %dma_wait3A_60 = arith.constant 0 : i32
        %dma_wait3A_61 = tpu.memref_slice %arg16[%dma_wait3A_60] : memref<3136xi32, #tpu.memory_space<vmem>> -> memref<2784xi32, #tpu.memory_space<vmem>>
        %dma_wait3A_62 = tpu.memref_slice %arg5[%mul3A_2] : memref<100000xi32, #tpu.memory_space<hbm>> -> memref<2784xi32, #tpu.memory_space<hbm>>
        %dma_wait3A_63 = arith.constant 0 : i32
        %dma_wait3A_64 = tpu.memref_slice %arg16[%dma_wait3A_63] : memref<3136xi32, #tpu.memory_space<vmem>> -> memref<2784xi32, #tpu.memory_space<vmem>>
        %dma_wait3A_65 = tpu.memref_slice %arg5[%mul3A_2] : memref<100000xi32, #tpu.memory_space<hbm>> -> memref<2784xi32, #tpu.memory_space<hbm>>
        tpu.wait_dma2 semaphore(%run_scoped3A : memref<!tpu.dma_semaphore, #tpu.memory_space<semaphore_mem>>) src(%dma_wait3A_65 : memref<2784xi32, #tpu.memory_space<hbm>>) dst(%dma_wait3A_64 : memref<2784xi32, #tpu.memory_space<vmem>>)
        tpu.yield
      }) : () -> ()
    } else {
    }
    %iota3A = tpu.iota {dimensions = array<i32: 0>} : vector<16xi32>
    %scan3A = arith.constant 0 : i32
    %scan3A_17 = arith.constant 0 : i32
    %scan3A_18 = arith.constant 196 : i32
    %scan3A_19 = arith.addi %scan3A_17, %scan3A_18 : i32
    %scan3A_20 = arith.constant 4 : i32
    scf.for %scan3A_55 = %scan3A_17 to %scan3A_19 step %scan3A_20  : i32 {
      %mul3A_56 = arith.constant 16 : i32
      %mul3A_57 = arith.muli %scan3A_55, %mul3A_56 : i32
      %get3A = arith.index_cast %mul3A_57 : i32 to index
      %get3A_58 = tpu.vector_load %arg13[%get3A] {strides = array<i32>} : memref<3136xi32, #tpu.memory_space<vmem>>, vector<16xi32>,
      %mul3A_59 = arith.constant 16 : i32
      %mul3A_60 = arith.muli %scan3A_55, %mul3A_59 : i32
      %get3A_61 = arith.index_cast %mul3A_60 : i32 to index
      %get3A_62 = tpu.vector_load %arg14[%get3A_61] {strides = array<i32>} : memref<3136xi32, #tpu.memory_space<vmem>>, vector<16xi32>,
      %mul3A_63 = arith.constant 16 : i32
      %mul3A_64 = arith.muli %scan3A_55, %mul3A_63 : i32
      %get3A_65 = arith.index_cast %mul3A_64 : i32 to index
      %get3A_66 = tpu.vector_load %arg15[%get3A_65] {strides = array<i32>} : memref<3136xi32, #tpu.memory_space<vmem>>, vector<16xi32>,
      %mul3A_67 = arith.constant 16 : i32
      %mul3A_68 = arith.muli %scan3A_55, %mul3A_67 : i32
      %get3A_69 = arith.index_cast %mul3A_68 : i32 to index
      %get3A_70 = tpu.vector_load %arg16[%get3A_69] {strides = array<i32>} : memref<3136xi32, #tpu.memory_space<vmem>>, vector<16xi32>,
      %mul3A_71 = arith.constant 128 : i32
      %mul3A_72 = vector.broadcast %mul3A_71 : i32 to vector<16xi32>
      %mul3A_73 = arith.muli %get3A_62, %mul3A_72 : vector<16xi32>
      %add3A_74 = arith.addi %get3A_58, %mul3A_73 : vector<16xi32>
      %mul3A_75 = arith.constant 256 : i32
      %mul3A_76 = vector.broadcast %mul3A_75 : i32 to vector<16xi32>
      %mul3A_77 = arith.muli %get3A_66, %mul3A_76 : vector<16xi32>
      %add3A_78 = arith.addi %add3A_74, %mul3A_77 : vector<16xi32>
      %mul3A_79 = arith.constant 4096 : i32
      %mul3A_80 = vector.broadcast %mul3A_79 : i32 to vector<16xi32>
      %mul3A_81 = arith.muli %get3A_70, %mul3A_80 : vector<16xi32>
      %add3A_82 = arith.addi %add3A_78, %mul3A_81 : vector<16xi32>
      %mul3A_83 = arith.constant 16 : i32
      %mul3A_84 = arith.muli %scan3A_55, %mul3A_83 : i32
      %swap3A = arith.index_cast %mul3A_84 : i32 to index
      %swap3A_85 = tpu.vector_load %arg17[%swap3A] {strides = array<i32>} : memref<3136xi32, #tpu.memory_space<vmem>>, vector<16xi32>,
      tpu.vector_store %arg17[%swap3A], %add3A_82 {strides = array<i32>} : memref<3136xi32, #tpu.memory_space<vmem>>, vector<16xi32>,
      %scan3A_86 = arith.constant 1 : i32
      %scan3A_87 = arith.addi %scan3A_55, %scan3A_86 : i32
      %mul3A_88 = arith.constant 16 : i32
      %mul3A_89 = arith.muli %scan3A_87, %mul3A_88 : i32
      %get3A_90 = arith.index_cast %mul3A_89 : i32 to index
      %get3A_91 = tpu.vector_load %arg13[%get3A_90] {strides = array<i32>} : memref<3136xi32, #tpu.memory_space<vmem>>, vector<16xi32>,
      %mul3A_92 = arith.constant 16 : i32
      %mul3A_93 = arith.muli %scan3A_87, %mul3A_92 : i32
      %get3A_94 = arith.index_cast %mul3A_93 : i32 to index
      %get3A_95 = tpu.vector_load %arg14[%get3A_94] {strides = array<i32>} : memref<3136xi32, #tpu.memory_space<vmem>>, vector<16xi32>,
      %mul3A_96 = arith.constant 16 : i32
      %mul3A_97 = arith.muli %scan3A_87, %mul3A_96 : i32
      %get3A_98 = arith.index_cast %mul3A_97 : i32 to index
      %get3A_99 = tpu.vector_load %arg15[%get3A_98] {strides = array<i32>} : memref<3136xi32, #tpu.memory_space<vmem>>, vector<16xi32>,
      %mul3A_100 = arith.constant 16 : i32
      %mul3A_101 = arith.muli %scan3A_87, %mul3A_100 : i32
      %get3A_102 = arith.index_cast %mul3A_101 : i32 to index
      %get3A_103 = tpu.vector_load %arg16[%get3A_102] {strides = array<i32>} : memref<3136xi32, #tpu.memory_space<vmem>>, vector<16xi32>,
      %mul3A_104 = arith.constant 128 : i32
      %mul3A_105 = vector.broadcast %mul3A_104 : i32 to vector<16xi32>
      %mul3A_106 = arith.muli %get3A_95, %mul3A_105 : vector<16xi32>
      %add3A_107 = arith.addi %get3A_91, %mul3A_106 : vector<16xi32>
      %mul3A_108 = arith.constant 256 : i32
      %mul3A_109 = vector.broadcast %mul3A_108 : i32 to vector<16xi32>
      %mul3A_110 = arith.muli %get3A_99, %mul3A_109 : vector<16xi32>
      %add3A_111 = arith.addi %add3A_107, %mul3A_110 : vector<16xi32>
      %mul3A_112 = arith.constant 4096 : i32
      %mul3A_113 = vector.broadcast %mul3A_112 : i32 to vector<16xi32>
      %mul3A_114 = arith.muli %get3A_103, %mul3A_113 : vector<16xi32>
      %add3A_115 = arith.addi %add3A_111, %mul3A_114 : vector<16xi32>
      %mul3A_116 = arith.constant 16 : i32
      %mul3A_117 = arith.muli %scan3A_87, %mul3A_116 : i32
      %swap3A_118 = arith.index_cast %mul3A_117 : i32 to index
      %swap3A_119 = tpu.vector_load %arg17[%swap3A_118] {strides = array<i32>} : memref<3136xi32, #tpu.memory_space<vmem>>, vector<16xi32>,
      tpu.vector_store %arg17[%swap3A_118], %add3A_115 {strides = array<i32>} : memref<3136xi32, #tpu.memory_space<vmem>>, vector<16xi32>,
      %scan3A_120 = arith.constant 2 : i32
      %scan3A_121 = arith.addi %scan3A_55, %scan3A_120 : i32
      %mul3A_122 = arith.constant 16 : i32
      %mul3A_123 = arith.muli %scan3A_121, %mul3A_122 : i32
      %get3A_124 = arith.index_cast %mul3A_123 : i32 to index
      %get3A_125 = tpu.vector_load %arg13[%get3A_124] {strides = array<i32>} : memref<3136xi32, #tpu.memory_space<vmem>>, vector<16xi32>,
      %mul3A_126 = arith.constant 16 : i32
      %mul3A_127 = arith.muli %scan3A_121, %mul3A_126 : i32
      %get3A_128 = arith.index_cast %mul3A_127 : i32 to index
      %get3A_129 = tpu.vector_load %arg14[%get3A_128] {strides = array<i32>} : memref<3136xi32, #tpu.memory_space<vmem>>, vector<16xi32>,
      %mul3A_130 = arith.constant 16 : i32
      %mul3A_131 = arith.muli %scan3A_121, %mul3A_130 : i32
      %get3A_132 = arith.index_cast %mul3A_131 : i32 to index
      %get3A_133 = tpu.vector_load %arg15[%get3A_132] {strides = array<i32>} : memref<3136xi32, #tpu.memory_space<vmem>>, vector<16xi32>,
      %mul3A_134 = arith.constant 16 : i32
      %mul3A_135 = arith.muli %scan3A_121, %mul3A_134 : i32
      %get3A_136 = arith.index_cast %mul3A_135 : i32 to index
      %get3A_137 = tpu.vector_load %arg16[%get3A_136] {strides = array<i32>} : memref<3136xi32, #tpu.memory_space<vmem>>, vector<16xi32>,
      %mul3A_138 = arith.constant 128 : i32
      %mul3A_139 = vector.broadcast %mul3A_138 : i32 to vector<16xi32>
      %mul3A_140 = arith.muli %get3A_129, %mul3A_139 : vector<16xi32>
      %add3A_141 = arith.addi %get3A_125, %mul3A_140 : vector<16xi32>
      %mul3A_142 = arith.constant 256 : i32
      %mul3A_143 = vector.broadcast %mul3A_142 : i32 to vector<16xi32>
      %mul3A_144 = arith.muli %get3A_133, %mul3A_143 : vector<16xi32>
      %add3A_145 = arith.addi %add3A_141, %mul3A_144 : vector<16xi32>
      %mul3A_146 = arith.constant 4096 : i32
      %mul3A_147 = vector.broadcast %mul3A_146 : i32 to vector<16xi32>
      %mul3A_148 = arith.muli %get3A_137, %mul3A_147 : vector<16xi32>
      %add3A_149 = arith.addi %add3A_145, %mul3A_148 : vector<16xi32>
      %mul3A_150 = arith.constant 16 : i32
      %mul3A_151 = arith.muli %scan3A_121, %mul3A_150 : i32
      %swap3A_152 = arith.index_cast %mul3A_151 : i32 to index
      %swap3A_153 = tpu.vector_load %arg17[%swap3A_152] {strides = array<i32>} : memref<3136xi32, #tpu.memory_space<vmem>>, vector<16xi32>,
      tpu.vector_store %arg17[%swap3A_152], %add3A_149 {strides = array<i32>} : memref<3136xi32, #tpu.memory_space<vmem>>, vector<16xi32>,
      %scan3A_154 = arith.constant 3 : i32
      %scan3A_155 = arith.addi %scan3A_55, %scan3A_154 : i32
      %mul3A_156 = arith.constant 16 : i32
      %mul3A_157 = arith.muli %scan3A_155, %mul3A_156 : i32
      %get3A_158 = arith.index_cast %mul3A_157 : i32 to index
      %get3A_159 = tpu.vector_load %arg13[%get3A_158] {strides = array<i32>} : memref<3136xi32, #tpu.memory_space<vmem>>, vector<16xi32>,
      %mul3A_160 = arith.constant 16 : i32
      %mul3A_161 = arith.muli %scan3A_155, %mul3A_160 : i32
      %get3A_162 = arith.index_cast %mul3A_161 : i32 to index
      %get3A_163 = tpu.vector_load %arg14[%get3A_162] {strides = array<i32>} : memref<3136xi32, #tpu.memory_space<vmem>>, vector<16xi32>,
      %mul3A_164 = arith.constant 16 : i32
      %mul3A_165 = arith.muli %scan3A_155, %mul3A_164 : i32
      %get3A_166 = arith.index_cast %mul3A_165 : i32 to index
      %get3A_167 = tpu.vector_load %arg15[%get3A_166] {strides = array<i32>} : memref<3136xi32, #tpu.memory_space<vmem>>, vector<16xi32>,
      %mul3A_168 = arith.constant 16 : i32
      %mul3A_169 = arith.muli %scan3A_155, %mul3A_168 : i32
      %get3A_170 = arith.index_cast %mul3A_169 : i32 to index
      %get3A_171 = tpu.vector_load %arg16[%get3A_170] {strides = array<i32>} : memref<3136xi32, #tpu.memory_space<vmem>>, vector<16xi32>,
      %mul3A_172 = arith.constant 128 : i32
      %mul3A_173 = vector.broadcast %mul3A_172 : i32 to vector<16xi32>
      %mul3A_174 = arith.muli %get3A_163, %mul3A_173 : vector<16xi32>
      %add3A_175 = arith.addi %get3A_159, %mul3A_174 : vector<16xi32>
      %mul3A_176 = arith.constant 256 : i32
      %mul3A_177 = vector.broadcast %mul3A_176 : i32 to vector<16xi32>
      %mul3A_178 = arith.muli %get3A_167, %mul3A_177 : vector<16xi32>
      %add3A_179 = arith.addi %add3A_175, %mul3A_178 : vector<16xi32>
      %mul3A_180 = arith.constant 4096 : i32
      %mul3A_181 = vector.broadcast %mul3A_180 : i32 to vector<16xi32>
      %mul3A_182 = arith.muli %get3A_171, %mul3A_181 : vector<16xi32>
      %add3A_183 = arith.addi %add3A_179, %mul3A_182 : vector<16xi32>
      %mul3A_184 = arith.constant 16 : i32
      %mul3A_185 = arith.muli %scan3A_155, %mul3A_184 : i32
      %swap3A_186 = arith.index_cast %mul3A_185 : i32 to index
      %swap3A_187 = tpu.vector_load %arg17[%swap3A_186] {strides = array<i32>} : memref<3136xi32, #tpu.memory_space<vmem>>, vector<16xi32>,
      tpu.vector_store %arg17[%swap3A_186], %add3A_183 {strides = array<i32>} : memref<3136xi32, #tpu.memory_space<vmem>>, vector<16xi32>,
    }
    %scan3A_21 = arith.constant 196 : i32
    %barrier3A = arith.constant 0 : index
    tpu.barrier barrier_id(%barrier3A)
    %scan3A_22 = arith.constant 0 : i32
    %scan3A_23 = arith.constant 0 : i32
    %scan3A_24 = arith.constant 28 : i32
    %scan3A_25 = arith.addi %scan3A_23, %scan3A_24 : i32
    %scan3A_26 = arith.constant 1 : i32
    scf.for %scan3A_55 = %scan3A_23 to %scan3A_25 step %scan3A_26  : i32 {
      %mul3A_56 = arith.constant 7 : i32
      %mul3A_57 = arith.muli %scan3A_55, %mul3A_56 : i32
      %add3A_58 = arith.constant 0 : i32
      %add3A_59 = arith.addi %mul3A_57, %add3A_58 : i32
      %lt3A_60 = arith.cmpi slt, %add3A_59, %select_n3A : i32
      %convert_element_type3A_61 = arith.extui %lt3A_60 : i1 to i32
      %cond3A_62 = arith.constant 0 : i32
      %cond3A_63 = arith.cmpi ne, %convert_element_type3A_61, %cond3A_62 : i32
      scf.if %cond3A_63 {
        %mul3A_112 = arith.constant 16 : i32
        %mul3A_113 = arith.muli %add3A_59, %mul3A_112 : i32
        %get3A = arith.index_cast %mul3A_113 : i32 to index
        %get3A_114 = tpu.vector_load %arg17[%get3A] {strides = array<i32>} : memref<3136xi32, #tpu.memory_space<vmem>>, vector<16xi32>,
        %gt3A = arith.constant 0 : i32
        %gt3A_115 = arith.cmpi sgt, %scan3A_55, %gt3A : i32
        %convert_element_type3A_116 = arith.extui %gt3A_115 : i1 to i32
        %cond3A_117 = arith.constant 0 : i32
        %cond3A_118 = arith.cmpi ne, %convert_element_type3A_116, %cond3A_117 : i32
        scf.if %cond3A_118 {
          %dma_wait3A_163 = arith.constant 0 : i32
          %dma_wait3A_164 = tpu.memref_slice %arg10[%dma_wait3A_163] : memref<51200000xf32, #tpu.memory_space<hbm>> -> memref<8192xf32, #tpu.memory_space<hbm>>
          %dma_wait3A_165 = arith.constant 0 : i32
          %dma_wait3A_166 = tpu.memref_slice %arg10[%dma_wait3A_165] : memref<51200000xf32, #tpu.memory_space<hbm>> -> memref<8192xf32, #tpu.memory_space<hbm>>
          tpu.wait_dma2 semaphore(%arg25 : memref<!tpu.dma_semaphore, #tpu.memory_space<semaphore_mem>>) src(%arg18 : memref<8192xf32, #tpu.memory_space<vmem>>) dst(%dma_wait3A_166 : memref<8192xf32, #tpu.memory_space<hbm>>)
        } else {
        }
        %scan3A_119 = arith.constant 0 : i32
        %scan3A_120 = arith.constant 0 : i32
        %scan3A_121 = arith.constant 16 : i32
        %scan3A_122 = arith.addi %scan3A_120, %scan3A_121 : i32
        %scan3A_123 = arith.constant 4 : i32
        scf.for %scan3A_163 = %scan3A_120 to %scan3A_122 step %scan3A_123  : i32 {
          %eq3A_164 = vector.broadcast %scan3A_163 : i32 to vector<16xi32>
          %eq3A_165 = arith.cmpi eq, %iota3A, %eq3A_164 : vector<16xi32>
          %jit3A_166 = arith.constant 0 : i32
          %broadcast_in_dim3A = vector.broadcast %jit3A_166 : i32 to vector<16xi32>
          %select_n3A_167 = arith.select %eq3A_165, %get3A_114, %broadcast_in_dim3A : vector<16xi1>, vector<16xi32>
          %reduce_sum3A = arith.constant true
          %reduce_sum3A_168 = vector.broadcast %reduce_sum3A : i1 to vector<16xi1>
          %reduce_sum3A_169 = tpu.scan <sum>, %select_n3A_167 masked %reduce_sum3A_168 : vector<16xi32>, vector<16xi1> -> vector<16xi32>
          %reduce_sum3A_170 = vector.extract %reduce_sum3A_169[15] : i32 from vector<16xi32>
          %and3A_171 = arith.constant 127 : i32
          %and3A_172 = arith.andi %reduce_sum3A_170, %and3A_171 : i32
          %shift_right_arithmetic3A_173 = arith.constant 7 : i32
          %shift_right_arithmetic3A_174 = arith.shrsi %reduce_sum3A_170, %shift_right_arithmetic3A_173 : i32
          %and3A_175 = arith.constant 1 : i32
          %and3A_176 = arith.andi %shift_right_arithmetic3A_174, %and3A_175 : i32
          %add3A_177 = arith.constant 100 : i32
          %add3A_178 = arith.addi %and3A_176, %add3A_177 : i32
          %mul3A_179 = arith.constant 512 : i32
          %mul3A_180 = arith.muli %scan3A_163, %mul3A_179 : i32
          %add3A_181 = arith.constant 0 : i32
          %add3A_182 = arith.addi %mul3A_180, %add3A_181 : i32
          %dma_start3A_183 = tpu.memref_slice %arg18[%add3A_182] : memref<8192xf32, #tpu.memory_space<vmem>> -> memref<128xf32, #tpu.memory_space<vmem>>
          %dma_start3A_184 = arith.constant 0 : i32
          %dma_start3A_185 = tpu.memref_slice %arg11[%and3A_172, %dma_start3A_184] : memref<102x128xf32, #tpu.memory_space<vmem_shared>> -> memref<1x128xf32, #tpu.memory_space<vmem_shared>>
          %dma_start3A_186 = tpu.memref_squeeze %dma_start3A_185 : memref<1x128xf32, #tpu.memory_space<vmem_shared>> -> memref<128xf32, #tpu.memory_space<vmem_shared>>
          %dma_start3A_187 = tpu.memref_slice %arg18[%add3A_182] : memref<8192xf32, #tpu.memory_space<vmem>> -> memref<128xf32, #tpu.memory_space<vmem>>
          %dma_start3A_188 = arith.constant 0 : i32
          %dma_start3A_189 = tpu.memref_slice %arg11[%and3A_172, %dma_start3A_188] : memref<102x128xf32, #tpu.memory_space<vmem_shared>> -> memref<1x128xf32, #tpu.memory_space<vmem_shared>>
          %dma_start3A_190 = tpu.memref_squeeze %dma_start3A_189 : memref<1x128xf32, #tpu.memory_space<vmem_shared>> -> memref<128xf32, #tpu.memory_space<vmem_shared>>
          tpu.enqueue_dma source(%dma_start3A_190 : memref<128xf32, #tpu.memory_space<vmem_shared>>) target(%dma_start3A_187 : memref<128xf32, #tpu.memory_space<vmem>>) target_semaphore(%arg32 : memref<!tpu.dma_semaphore, #tpu.memory_space<semaphore_mem>>)
          %mul3A_191 = arith.constant 512 : i32
          %mul3A_192 = arith.muli %scan3A_163, %mul3A_191 : i32
          %add3A_193 = arith.constant 128 : i32
          %add3A_194 = arith.addi %mul3A_192, %add3A_193 : i32
          %dma_start3A_195 = tpu.memref_slice %arg18[%add3A_194] : memref<8192xf32, #tpu.memory_space<vmem>> -> memref<128xf32, #tpu.memory_space<vmem>>
          %dma_start3A_196 = arith.constant 0 : i32
          %dma_start3A_197 = tpu.memref_slice %arg11[%add3A_178, %dma_start3A_196] : memref<102x128xf32, #tpu.memory_space<vmem_shared>> -> memref<1x128xf32, #tpu.memory_space<vmem_shared>>
          %dma_start3A_198 = tpu.memref_squeeze %dma_start3A_197 : memref<1x128xf32, #tpu.memory_space<vmem_shared>> -> memref<128xf32, #tpu.memory_space<vmem_shared>>
          %dma_start3A_199 = tpu.memref_slice %arg18[%add3A_194] : memref<8192xf32, #tpu.memory_space<vmem>> -> memref<128xf32, #tpu.memory_space<vmem>>
          %dma_start3A_200 = arith.constant 0 : i32
          %dma_start3A_201 = tpu.memref_slice %arg11[%add3A_178, %dma_start3A_200] : memref<102x128xf32, #tpu.memory_space<vmem_shared>> -> memref<1x128xf32, #tpu.memory_space<vmem_shared>>
          %dma_start3A_202 = tpu.memref_squeeze %dma_start3A_201 : memref<1x128xf32, #tpu.memory_space<vmem_shared>> -> memref<128xf32, #tpu.memory_space<vmem_shared>>
          tpu.enqueue_dma source(%dma_start3A_202 : memref<128xf32, #tpu.memory_space<vmem_shared>>) target(%dma_start3A_199 : memref<128xf32, #tpu.memory_space<vmem>>) target_semaphore(%arg32 : memref<!tpu.dma_semaphore, #tpu.memory_space<semaphore_mem>>)
          %scan3A_203 = arith.constant 1 : i32
          %scan3A_204 = arith.addi %scan3A_163, %scan3A_203 : i32
          %eq3A_205 = vector.broadcast %scan3A_204 : i32 to vector<16xi32>
          %eq3A_206 = arith.cmpi eq, %iota3A, %eq3A_205 : vector<16xi32>
          %jit3A_207 = arith.constant 0 : i32
          %broadcast_in_dim3A_208 = vector.broadcast %jit3A_207 : i32 to vector<16xi32>
          %select_n3A_209 = arith.select %eq3A_206, %get3A_114, %broadcast_in_dim3A_208 : vector<16xi1>, vector<16xi32>
          %reduce_sum3A_210 = arith.constant true
          %reduce_sum3A_211 = vector.broadcast %reduce_sum3A_210 : i1 to vector<16xi1>
          %reduce_sum3A_212 = tpu.scan <sum>, %select_n3A_209 masked %reduce_sum3A_211 : vector<16xi32>, vector<16xi1> -> vector<16xi32>
          %reduce_sum3A_213 = vector.extract %reduce_sum3A_212[15] : i32 from vector<16xi32>
          %and3A_214 = arith.constant 127 : i32
          %and3A_215 = arith.andi %reduce_sum3A_213, %and3A_214 : i32
          %shift_right_arithmetic3A_216 = arith.constant 7 : i32
          %shift_right_arithmetic3A_217 = arith.shrsi %reduce_sum3A_213, %shift_right_arithmetic3A_216 : i32
          %and3A_218 = arith.constant 1 : i32
          %and3A_219 = arith.andi %shift_right_arithmetic3A_217, %and3A_218 : i32
          %add3A_220 = arith.constant 100 : i32
          %add3A_221 = arith.addi %and3A_219, %add3A_220 : i32
          %mul3A_222 = arith.constant 512 : i32
          %mul3A_223 = arith.muli %scan3A_204, %mul3A_222 : i32
          %add3A_224 = arith.constant 0 : i32
          %add3A_225 = arith.addi %mul3A_223, %add3A_224 : i32
          %dma_start3A_226 = tpu.memref_slice %arg18[%add3A_225] : memref<8192xf32, #tpu.memory_space<vmem>> -> memref<128xf32, #tpu.memory_space<vmem>>
          %dma_start3A_227 = arith.constant 0 : i32
          %dma_start3A_228 = tpu.memref_slice %arg11[%and3A_215, %dma_start3A_227] : memref<102x128xf32, #tpu.memory_space<vmem_shared>> -> memref<1x128xf32, #tpu.memory_space<vmem_shared>>
          %dma_start3A_229 = tpu.memref_squeeze %dma_start3A_228 : memref<1x128xf32, #tpu.memory_space<vmem_shared>> -> memref<128xf32, #tpu.memory_space<vmem_shared>>
          %dma_start3A_230 = tpu.memref_slice %arg18[%add3A_225] : memref<8192xf32, #tpu.memory_space<vmem>> -> memref<128xf32, #tpu.memory_space<vmem>>
          %dma_start3A_231 = arith.constant 0 : i32
          %dma_start3A_232 = tpu.memref_slice %arg11[%and3A_215, %dma_start3A_231] : memref<102x128xf32, #tpu.memory_space<vmem_shared>> -> memref<1x128xf32, #tpu.memory_space<vmem_shared>>
          %dma_start3A_233 = tpu.memref_squeeze %dma_start3A_232 : memref<1x128xf32, #tpu.memory_space<vmem_shared>> -> memref<128xf32, #tpu.memory_space<vmem_shared>>
          tpu.enqueue_dma source(%dma_start3A_233 : memref<128xf32, #tpu.memory_space<vmem_shared>>) target(%dma_start3A_230 : memref<128xf32, #tpu.memory_space<vmem>>) target_semaphore(%arg32 : memref<!tpu.dma_semaphore, #tpu.memory_space<semaphore_mem>>)
          %mul3A_234 = arith.constant 512 : i32
          %mul3A_235 = arith.muli %scan3A_204, %mul3A_234 : i32
          %add3A_236 = arith.constant 128 : i32
          %add3A_237 = arith.addi %mul3A_235, %add3A_236 : i32
          %dma_start3A_238 = tpu.memref_slice %arg18[%add3A_237] : memref<8192xf32, #tpu.memory_space<vmem>> -> memref<128xf32, #tpu.memory_space<vmem>>
          %dma_start3A_239 = arith.constant 0 : i32
          %dma_start3A_240 = tpu.memref_slice %arg11[%add3A_221, %dma_start3A_239] : memref<102x128xf32, #tpu.memory_space<vmem_shared>> -> memref<1x128xf32, #tpu.memory_space<vmem_shared>>
          %dma_start3A_241 = tpu.memref_squeeze %dma_start3A_240 : memref<1x128xf32, #tpu.memory_space<vmem_shared>> -> memref<128xf32, #tpu.memory_space<vmem_shared>>
          %dma_start3A_242 = tpu.memref_slice %arg18[%add3A_237] : memref<8192xf32, #tpu.memory_space<vmem>> -> memref<128xf32, #tpu.memory_space<vmem>>
          %dma_start3A_243 = arith.constant 0 : i32
          %dma_start3A_244 = tpu.memref_slice %arg11[%add3A_221, %dma_start3A_243] : memref<102x128xf32, #tpu.memory_space<vmem_shared>> -> memref<1x128xf32, #tpu.memory_space<vmem_shared>>
          %dma_start3A_245 = tpu.memref_squeeze %dma_start3A_244 : memref<1x128xf32, #tpu.memory_space<vmem_shared>> -> memref<128xf32, #tpu.memory_space<vmem_shared>>
          tpu.enqueue_dma source(%dma_start3A_245 : memref<128xf32, #tpu.memory_space<vmem_shared>>) target(%dma_start3A_242 : memref<128xf32, #tpu.memory_space<vmem>>) target_semaphore(%arg32 : memref<!tpu.dma_semaphore, #tpu.memory_space<semaphore_mem>>)
          %scan3A_246 = arith.constant 2 : i32
          %scan3A_247 = arith.addi %scan3A_163, %scan3A_246 : i32
          %eq3A_248 = vector.broadcast %scan3A_247 : i32 to vector<16xi32>
          %eq3A_249 = arith.cmpi eq, %iota3A, %eq3A_248 : vector<16xi32>
          %jit3A_250 = arith.constant 0 : i32
          %broadcast_in_dim3A_251 = vector.broadcast %jit3A_250 : i32 to vector<16xi32>
          %select_n3A_252 = arith.select %eq3A_249, %get3A_114, %broadcast_in_dim3A_251 : vector<16xi1>, vector<16xi32>
          %reduce_sum3A_253 = arith.constant true
          %reduce_sum3A_254 = vector.broadcast %reduce_sum3A_253 : i1 to vector<16xi1>
          %reduce_sum3A_255 = tpu.scan <sum>, %select_n3A_252 masked %reduce_sum3A_254 : vector<16xi32>, vector<16xi1> -> vector<16xi32>
          %reduce_sum3A_256 = vector.extract %reduce_sum3A_255[15] : i32 from vector<16xi32>
          %and3A_257 = arith.constant 127 : i32
          %and3A_258 = arith.andi %reduce_sum3A_256, %and3A_257 : i32
          %shift_right_arithmetic3A_259 = arith.constant 7 : i32
          %shift_right_arithmetic3A_260 = arith.shrsi %reduce_sum3A_256, %shift_right_arithmetic3A_259 : i32
          %and3A_261 = arith.constant 1 : i32
          %and3A_262 = arith.andi %shift_right_arithmetic3A_260, %and3A_261 : i32
          %add3A_263 = arith.constant 100 : i32
          %add3A_264 = arith.addi %and3A_262, %add3A_263 : i32
          %mul3A_265 = arith.constant 512 : i32
          %mul3A_266 = arith.muli %scan3A_247, %mul3A_265 : i32
          %add3A_267 = arith.constant 0 : i32
          %add3A_268 = arith.addi %mul3A_266, %add3A_267 : i32
          %dma_start3A_269 = tpu.memref_slice %arg18[%add3A_268] : memref<8192xf32, #tpu.memory_space<vmem>> -> memref<128xf32, #tpu.memory_space<vmem>>
          %dma_start3A_270 = arith.constant 0 : i32
          %dma_start3A_271 = tpu.memref_slice %arg11[%and3A_258, %dma_start3A_270] : memref<102x128xf32, #tpu.memory_space<vmem_shared>> -> memref<1x128xf32, #tpu.memory_space<vmem_shared>>
          %dma_start3A_272 = tpu.memref_squeeze %dma_start3A_271 : memref<1x128xf32, #tpu.memory_space<vmem_shared>> -> memref<128xf32, #tpu.memory_space<vmem_shared>>
          %dma_start3A_273 = tpu.memref_slice %arg18[%add3A_268] : memref<8192xf32, #tpu.memory_space<vmem>> -> memref<128xf32, #tpu.memory_space<vmem>>
          %dma_start3A_274 = arith.constant 0 : i32
          %dma_start3A_275 = tpu.memref_slice %arg11[%and3A_258, %dma_start3A_274] : memref<102x128xf32, #tpu.memory_space<vmem_shared>> -> memref<1x128xf32, #tpu.memory_space<vmem_shared>>
          %dma_start3A_276 = tpu.memref_squeeze %dma_start3A_275 : memref<1x128xf32, #tpu.memory_space<vmem_shared>> -> memref<128xf32, #tpu.memory_space<vmem_shared>>
          tpu.enqueue_dma source(%dma_start3A_276 : memref<128xf32, #tpu.memory_space<vmem_shared>>) target(%dma_start3A_273 : memref<128xf32, #tpu.memory_space<vmem>>) target_semaphore(%arg32 : memref<!tpu.dma_semaphore, #tpu.memory_space<semaphore_mem>>)
          %mul3A_277 = arith.constant 512 : i32
          %mul3A_278 = arith.muli %scan3A_247, %mul3A_277 : i32
          %add3A_279 = arith.constant 128 : i32
          %add3A_280 = arith.addi %mul3A_278, %add3A_279 : i32
          %dma_start3A_281 = tpu.memref_slice %arg18[%add3A_280] : memref<8192xf32, #tpu.memory_space<vmem>> -> memref<128xf32, #tpu.memory_space<vmem>>
          %dma_start3A_282 = arith.constant 0 : i32
          %dma_start3A_283 = tpu.memref_slice %arg11[%add3A_264, %dma_start3A_282] : memref<102x128xf32, #tpu.memory_space<vmem_shared>> -> memref<1x128xf32, #tpu.memory_space<vmem_shared>>
          %dma_start3A_284 = tpu.memref_squeeze %dma_start3A_283 : memref<1x128xf32, #tpu.memory_space<vmem_shared>> -> memref<128xf32, #tpu.memory_space<vmem_shared>>
          %dma_start3A_285 = tpu.memref_slice %arg18[%add3A_280] : memref<8192xf32, #tpu.memory_space<vmem>> -> memref<128xf32, #tpu.memory_space<vmem>>
          %dma_start3A_286 = arith.constant 0 : i32
          %dma_start3A_287 = tpu.memref_slice %arg11[%add3A_264, %dma_start3A_286] : memref<102x128xf32, #tpu.memory_space<vmem_shared>> -> memref<1x128xf32, #tpu.memory_space<vmem_shared>>
          %dma_start3A_288 = tpu.memref_squeeze %dma_start3A_287 : memref<1x128xf32, #tpu.memory_space<vmem_shared>> -> memref<128xf32, #tpu.memory_space<vmem_shared>>
          tpu.enqueue_dma source(%dma_start3A_288 : memref<128xf32, #tpu.memory_space<vmem_shared>>) target(%dma_start3A_285 : memref<128xf32, #tpu.memory_space<vmem>>) target_semaphore(%arg32 : memref<!tpu.dma_semaphore, #tpu.memory_space<semaphore_mem>>)
          %scan3A_289 = arith.constant 3 : i32
          %scan3A_290 = arith.addi %scan3A_163, %scan3A_289 : i32
          %eq3A_291 = vector.broadcast %scan3A_290 : i32 to vector<16xi32>
          %eq3A_292 = arith.cmpi eq, %iota3A, %eq3A_291 : vector<16xi32>
          %jit3A_293 = arith.constant 0 : i32
          %broadcast_in_dim3A_294 = vector.broadcast %jit3A_293 : i32 to vector<16xi32>
          %select_n3A_295 = arith.select %eq3A_292, %get3A_114, %broadcast_in_dim3A_294 : vector<16xi1>, vector<16xi32>
          %reduce_sum3A_296 = arith.constant true
          %reduce_sum3A_297 = vector.broadcast %reduce_sum3A_296 : i1 to vector<16xi1>
          %reduce_sum3A_298 = tpu.scan <sum>, %select_n3A_295 masked %reduce_sum3A_297 : vector<16xi32>, vector<16xi1> -> vector<16xi32>
          %reduce_sum3A_299 = vector.extract %reduce_sum3A_298[15] : i32 from vector<16xi32>
          %and3A_300 = arith.constant 127 : i32
          %and3A_301 = arith.andi %reduce_sum3A_299, %and3A_300 : i32
          %shift_right_arithmetic3A_302 = arith.constant 7 : i32
          %shift_right_arithmetic3A_303 = arith.shrsi %reduce_sum3A_299, %shift_right_arithmetic3A_302 : i32
          %and3A_304 = arith.constant 1 : i32
          %and3A_305 = arith.andi %shift_right_arithmetic3A_303, %and3A_304 : i32
          %add3A_306 = arith.constant 100 : i32
          %add3A_307 = arith.addi %and3A_305, %add3A_306 : i32
          %mul3A_308 = arith.constant 512 : i32
          %mul3A_309 = arith.muli %scan3A_290, %mul3A_308 : i32
          %add3A_310 = arith.constant 0 : i32
          %add3A_311 = arith.addi %mul3A_309, %add3A_310 : i32
          %dma_start3A_312 = tpu.memref_slice %arg18[%add3A_311] : memref<8192xf32, #tpu.memory_space<vmem>> -> memref<128xf32, #tpu.memory_space<vmem>>
          %dma_start3A_313 = arith.constant 0 : i32
          %dma_start3A_314 = tpu.memref_slice %arg11[%and3A_301, %dma_start3A_313] : memref<102x128xf32, #tpu.memory_space<vmem_shared>> -> memref<1x128xf32, #tpu.memory_space<vmem_shared>>
          %dma_start3A_315 = tpu.memref_squeeze %dma_start3A_314 : memref<1x128xf32, #tpu.memory_space<vmem_shared>> -> memref<128xf32, #tpu.memory_space<vmem_shared>>
          %dma_start3A_316 = tpu.memref_slice %arg18[%add3A_311] : memref<8192xf32, #tpu.memory_space<vmem>> -> memref<128xf32, #tpu.memory_space<vmem>>
          %dma_start3A_317 = arith.constant 0 : i32
          %dma_start3A_318 = tpu.memref_slice %arg11[%and3A_301, %dma_start3A_317] : memref<102x128xf32, #tpu.memory_space<vmem_shared>> -> memref<1x128xf32, #tpu.memory_space<vmem_shared>>
          %dma_start3A_319 = tpu.memref_squeeze %dma_start3A_318 : memref<1x128xf32, #tpu.memory_space<vmem_shared>> -> memref<128xf32, #tpu.memory_space<vmem_shared>>
          tpu.enqueue_dma source(%dma_start3A_319 : memref<128xf32, #tpu.memory_space<vmem_shared>>) target(%dma_start3A_316 : memref<128xf32, #tpu.memory_space<vmem>>) target_semaphore(%arg32 : memref<!tpu.dma_semaphore, #tpu.memory_space<semaphore_mem>>)
          %mul3A_320 = arith.constant 512 : i32
          %mul3A_321 = arith.muli %scan3A_290, %mul3A_320 : i32
          %add3A_322 = arith.constant 128 : i32
          %add3A_323 = arith.addi %mul3A_321, %add3A_322 : i32
          %dma_start3A_324 = tpu.memref_slice %arg18[%add3A_323] : memref<8192xf32, #tpu.memory_space<vmem>> -> memref<128xf32, #tpu.memory_space<vmem>>
          %dma_start3A_325 = arith.constant 0 : i32
          %dma_start3A_326 = tpu.memref_slice %arg11[%add3A_307, %dma_start3A_325] : memref<102x128xf32, #tpu.memory_space<vmem_shared>> -> memref<1x128xf32, #tpu.memory_space<vmem_shared>>
          %dma_start3A_327 = tpu.memref_squeeze %dma_start3A_326 : memref<1x128xf32, #tpu.memory_space<vmem_shared>> -> memref<128xf32, #tpu.memory_space<vmem_shared>>
          %dma_start3A_328 = tpu.memref_slice %arg18[%add3A_323] : memref<8192xf32, #tpu.memory_space<vmem>> -> memref<128xf32, #tpu.memory_space<vmem>>
          %dma_start3A_329 = arith.constant 0 : i32
          %dma_start3A_330 = tpu.memref_slice %arg11[%add3A_307, %dma_start3A_329] : memref<102x128xf32, #tpu.memory_space<vmem_shared>> -> memref<1x128xf32, #tpu.memory_space<vmem_shared>>
          %dma_start3A_331 = tpu.memref_squeeze %dma_start3A_330 : memref<1x128xf32, #tpu.memory_space<vmem_shared>> -> memref<128xf32, #tpu.memory_space<vmem_shared>>
          tpu.enqueue_dma source(%dma_start3A_331 : memref<128xf32, #tpu.memory_space<vmem_shared>>) target(%dma_start3A_328 : memref<128xf32, #tpu.memory_space<vmem>>) target_semaphore(%arg32 : memref<!tpu.dma_semaphore, #tpu.memory_space<semaphore_mem>>)
        }
        %scan3A_124 = arith.constant 16 : i32
        %shift_right_arithmetic3A = arith.constant 8 : i32
        %shift_right_arithmetic3A_125 = vector.broadcast %shift_right_arithmetic3A : i32 to vector<16xi32>
        %shift_right_arithmetic3A_126 = arith.shrsi %get3A_114, %shift_right_arithmetic3A_125 : vector<16xi32>
        %and3A = arith.constant 15 : i32
        %and3A_127 = vector.broadcast %and3A : i32 to vector<16xi32>
        %and3A_128 = arith.andi %shift_right_arithmetic3A_126, %and3A_127 : vector<16xi32>
        %shift_right_arithmetic3A_129 = arith.constant 12 : i32
        %shift_right_arithmetic3A_130 = vector.broadcast %shift_right_arithmetic3A_129 : i32 to vector<16xi32>
        %shift_right_arithmetic3A_131 = arith.shrsi %get3A_114, %shift_right_arithmetic3A_130 : vector<16xi32>
        %add3A_132 = arith.constant 9 : i32
        %add3A_133 = vector.broadcast %add3A_132 : i32 to vector<16xi32>
        %add3A_134 = arith.addi %shift_right_arithmetic3A_131, %add3A_133 : vector<16xi32>
        %mul3A_135 = arith.constant 512 : i32
        %mul3A_136 = vector.broadcast %mul3A_135 : i32 to vector<16xi32>
        %mul3A_137 = arith.muli %iota3A, %mul3A_136 : vector<16xi32>
        %add3A_138 = arith.constant 256 : i32
        %add3A_139 = vector.broadcast %add3A_138 : i32 to vector<16xi32>
        %add3A_140 = arith.addi %mul3A_137, %add3A_139 : vector<16xi32>
        %mul3A_141 = arith.constant 512 : i32
        %mul3A_142 = vector.broadcast %mul3A_141 : i32 to vector<16xi32>
        %mul3A_143 = arith.muli %iota3A, %mul3A_142 : vector<16xi32>
        %add3A_144 = arith.constant 384 : i32
        %add3A_145 = vector.broadcast %add3A_144 : i32 to vector<16xi32>
        %add3A_146 = arith.addi %mul3A_143, %add3A_145 : vector<16xi32>
        %parallel_loop3A = arith.constant 0 : i32
        %parallel_loop3A_147 = arith.constant 128 : i32
        %parallel_loop3A_148 = arith.constant 1 : i32
        scf.for %parallel_loop3A_163 = %parallel_loop3A to %parallel_loop3A_147 step %parallel_loop3A_148  : i32 {
          %parallel_loop3A_164 = vector.broadcast %parallel_loop3A_163 : i32 to vector<16xi32>
          %parallel_loop3A_165 = arith.addi %iota3A, %parallel_loop3A_164 : vector<16xi32>
          %parallel_loop3A_166 = arith.constant 127 : i32
          %parallel_loop3A_167 = vector.broadcast %parallel_loop3A_166 : i32 to vector<16xi32>
          %parallel_loop3A_168 = arith.andi %parallel_loop3A_165, %parallel_loop3A_167 : vector<16xi32>
          %parallel_loop3A_169 = tpu.vector_load_idx %arg12[%and3A_128, %parallel_loop3A_168] : memref<18x128xf32, #tpu.memory_space<vmem>>[vector<16xi32>, vector<16xi32>], vector<16xf32>,
          %parallel_loop3A_170 = arith.addi %add3A_140, %parallel_loop3A_168 : vector<16xi32>
          tpu.vector_store_idx %arg18[%parallel_loop3A_170], %parallel_loop3A_169 : memref<8192xf32, #tpu.memory_space<vmem>>[vector<16xi32>], vector<16xf32>,
          %parallel_loop3A_171 = tpu.vector_load_idx %arg12[%add3A_134, %parallel_loop3A_168] : memref<18x128xf32, #tpu.memory_space<vmem>>[vector<16xi32>, vector<16xi32>], vector<16xf32>,
          %parallel_loop3A_172 = arith.addi %add3A_146, %parallel_loop3A_168 : vector<16xi32>
          tpu.vector_store_idx %arg18[%parallel_loop3A_172], %parallel_loop3A_171 : memref<8192xf32, #tpu.memory_space<vmem>>[vector<16xi32>], vector<16xf32>,
        } {sc.loop_unroll_factor = 8 : i64, sc.parallel_access}
        %dma_wait3A_149 = arith.constant 0 : i32
        %dma_wait3A_150 = tpu.memref_slice %arg18[%dma_wait3A_149] : memref<8192xf32, #tpu.memory_space<vmem>> -> memref<4096xf32, #tpu.memory_space<vmem>>
        %dma_wait3A_151 = arith.constant 0 : i32
        %dma_wait3A_152 = tpu.memref_slice %arg10[%dma_wait3A_151] : memref<51200000xf32, #tpu.memory_space<hbm>> -> memref<4096xf32, #tpu.memory_space<hbm>>
        %dma_wait3A_153 = arith.constant 0 : i32
        %dma_wait3A_154 = tpu.memref_slice %arg18[%dma_wait3A_153] : memref<8192xf32, #tpu.memory_space<vmem>> -> memref<4096xf32, #tpu.memory_space<vmem>>
        %dma_wait3A_155 = arith.constant 0 : i32
        %dma_wait3A_156 = tpu.memref_slice %arg10[%dma_wait3A_155] : memref<51200000xf32, #tpu.memory_space<hbm>> -> memref<4096xf32, #tpu.memory_space<hbm>>
        tpu.wait_dma2 semaphore(%arg32 : memref<!tpu.dma_semaphore, #tpu.memory_space<semaphore_mem>>) src(%dma_wait3A_156 : memref<4096xf32, #tpu.memory_space<hbm>>) dst(%dma_wait3A_154 : memref<4096xf32, #tpu.memory_space<vmem>>)
        %mul3A_157 = arith.constant 16 : i32
        %mul3A_158 = arith.muli %add3A_59, %mul3A_157 : i32
        %add3A_159 = arith.addi %mul3A_2, %mul3A_158 : i32
        %mul3A_160 = arith.constant 512 : i32
        %mul3A_161 = arith.muli %add3A_159, %mul3A_160 : i32
        %dma_start3A = tpu.memref_slice %arg10[%mul3A_161] : memref<51200000xf32, #tpu.memory_space<hbm>> -> memref<8192xf32, #tpu.memory_space<hbm>>
        %dma_start3A_162 = tpu.memref_slice %arg10[%mul3A_161] : memref<51200000xf32, #tpu.memory_space<hbm>> -> memref<8192xf32, #tpu.memory_space<hbm>>
        tpu.enqueue_dma source(%arg18 : memref<8192xf32, #tpu.memory_space<vmem>>) target(%dma_start3A_162 : memref<8192xf32, #tpu.memory_space<hbm>>) target_semaphore(%arg25 : memref<!tpu.dma_semaphore, #tpu.memory_space<semaphore_mem>>)
      } else {
      }
      %mul3A_64 = arith.constant 7 : i32
      %mul3A_65 = arith.muli %scan3A_55, %mul3A_64 : i32
      %add3A_66 = arith.constant 1 : i32
      %add3A_67 = arith.addi %mul3A_65, %add3A_66 : i32
      %lt3A_68 = arith.cmpi slt, %add3A_67, %select_n3A : i32
      %convert_element_type3A_69 = arith.extui %lt3A_68 : i1 to i32
      %cond3A_70 = arith.constant 0 : i32
      %cond3A_71 = arith.cmpi ne, %convert_element_type3A_69, %cond3A_70 : i32
      scf.if %cond3A_71 {
        %mul3A_112 = arith.constant 16 : i32
        %mul3A_113 = arith.muli %add3A_67, %mul3A_112 : i32
        %get3A = arith.index_cast %mul3A_113 : i32 to index
        %get3A_114 = tpu.vector_load %arg17[%get3A] {strides = array<i32>} : memref<3136xi32, #tpu.memory_space<vmem>>, vector<16xi32>,
        %gt3A = arith.constant 0 : i32
        %gt3A_115 = arith.cmpi sgt, %scan3A_55, %gt3A : i32
        %convert_element_type3A_116 = arith.extui %gt3A_115 : i1 to i32
        %cond3A_117 = arith.constant 0 : i32
        %cond3A_118 = arith.cmpi ne, %convert_element_type3A_116, %cond3A_117 : i32
        scf.if %cond3A_118 {
          %dma_wait3A_163 = arith.constant 0 : i32
          %dma_wait3A_164 = tpu.memref_slice %arg10[%dma_wait3A_163] : memref<51200000xf32, #tpu.memory_space<hbm>> -> memref<8192xf32, #tpu.memory_space<hbm>>
          %dma_wait3A_165 = arith.constant 0 : i32
          %dma_wait3A_166 = tpu.memref_slice %arg10[%dma_wait3A_165] : memref<51200000xf32, #tpu.memory_space<hbm>> -> memref<8192xf32, #tpu.memory_space<hbm>>
          tpu.wait_dma2 semaphore(%arg26 : memref<!tpu.dma_semaphore, #tpu.memory_space<semaphore_mem>>) src(%arg19 : memref<8192xf32, #tpu.memory_space<vmem>>) dst(%dma_wait3A_166 : memref<8192xf32, #tpu.memory_space<hbm>>)
        } else {
        }
        %scan3A_119 = arith.constant 0 : i32
        %scan3A_120 = arith.constant 0 : i32
        %scan3A_121 = arith.constant 16 : i32
        %scan3A_122 = arith.addi %scan3A_120, %scan3A_121 : i32
        %scan3A_123 = arith.constant 4 : i32
        scf.for %scan3A_163 = %scan3A_120 to %scan3A_122 step %scan3A_123  : i32 {
          %eq3A_164 = vector.broadcast %scan3A_163 : i32 to vector<16xi32>
          %eq3A_165 = arith.cmpi eq, %iota3A, %eq3A_164 : vector<16xi32>
          %jit3A_166 = arith.constant 0 : i32
          %broadcast_in_dim3A = vector.broadcast %jit3A_166 : i32 to vector<16xi32>
          %select_n3A_167 = arith.select %eq3A_165, %get3A_114, %broadcast_in_dim3A : vector<16xi1>, vector<16xi32>
          %reduce_sum3A = arith.constant true
          %reduce_sum3A_168 = vector.broadcast %reduce_sum3A : i1 to vector<16xi1>
          %reduce_sum3A_169 = tpu.scan <sum>, %select_n3A_167 masked %reduce_sum3A_168 : vector<16xi32>, vector<16xi1> -> vector<16xi32>
          %reduce_sum3A_170 = vector.extract %reduce_sum3A_169[15] : i32 from vector<16xi32>
          %and3A_171 = arith.constant 127 : i32
          %and3A_172 = arith.andi %reduce_sum3A_170, %and3A_171 : i32
          %shift_right_arithmetic3A_173 = arith.constant 7 : i32
          %shift_right_arithmetic3A_174 = arith.shrsi %reduce_sum3A_170, %shift_right_arithmetic3A_173 : i32
          %and3A_175 = arith.constant 1 : i32
          %and3A_176 = arith.andi %shift_right_arithmetic3A_174, %and3A_175 : i32
          %add3A_177 = arith.constant 100 : i32
          %add3A_178 = arith.addi %and3A_176, %add3A_177 : i32
          %mul3A_179 = arith.constant 512 : i32
          %mul3A_180 = arith.muli %scan3A_163, %mul3A_179 : i32
          %add3A_181 = arith.constant 0 : i32
          %add3A_182 = arith.addi %mul3A_180, %add3A_181 : i32
          %dma_start3A_183 = tpu.memref_slice %arg19[%add3A_182] : memref<8192xf32, #tpu.memory_space<vmem>> -> memref<128xf32, #tpu.memory_space<vmem>>
          %dma_start3A_184 = arith.constant 0 : i32
          %dma_start3A_185 = tpu.memref_slice %arg11[%and3A_172, %dma_start3A_184] : memref<102x128xf32, #tpu.memory_space<vmem_shared>> -> memref<1x128xf32, #tpu.memory_space<vmem_shared>>
          %dma_start3A_186 = tpu.memref_squeeze %dma_start3A_185 : memref<1x128xf32, #tpu.memory_space<vmem_shared>> -> memref<128xf32, #tpu.memory_space<vmem_shared>>
          %dma_start3A_187 = tpu.memref_slice %arg19[%add3A_182] : memref<8192xf32, #tpu.memory_space<vmem>> -> memref<128xf32, #tpu.memory_space<vmem>>
          %dma_start3A_188 = arith.constant 0 : i32
          %dma_start3A_189 = tpu.memref_slice %arg11[%and3A_172, %dma_start3A_188] : memref<102x128xf32, #tpu.memory_space<vmem_shared>> -> memref<1x128xf32, #tpu.memory_space<vmem_shared>>
          %dma_start3A_190 = tpu.memref_squeeze %dma_start3A_189 : memref<1x128xf32, #tpu.memory_space<vmem_shared>> -> memref<128xf32, #tpu.memory_space<vmem_shared>>
          tpu.enqueue_dma source(%dma_start3A_190 : memref<128xf32, #tpu.memory_space<vmem_shared>>) target(%dma_start3A_187 : memref<128xf32, #tpu.memory_space<vmem>>) target_semaphore(%arg33 : memref<!tpu.dma_semaphore, #tpu.memory_space<semaphore_mem>>)
          %mul3A_191 = arith.constant 512 : i32
          %mul3A_192 = arith.muli %scan3A_163, %mul3A_191 : i32
          %add3A_193 = arith.constant 128 : i32
          %add3A_194 = arith.addi %mul3A_192, %add3A_193 : i32
          %dma_start3A_195 = tpu.memref_slice %arg19[%add3A_194] : memref<8192xf32, #tpu.memory_space<vmem>> -> memref<128xf32, #tpu.memory_space<vmem>>
          %dma_start3A_196 = arith.constant 0 : i32
          %dma_start3A_197 = tpu.memref_slice %arg11[%add3A_178, %dma_start3A_196] : memref<102x128xf32, #tpu.memory_space<vmem_shared>> -> memref<1x128xf32, #tpu.memory_space<vmem_shared>>
          %dma_start3A_198 = tpu.memref_squeeze %dma_start3A_197 : memref<1x128xf32, #tpu.memory_space<vmem_shared>> -> memref<128xf32, #tpu.memory_space<vmem_shared>>
          %dma_start3A_199 = tpu.memref_slice %arg19[%add3A_194] : memref<8192xf32, #tpu.memory_space<vmem>> -> memref<128xf32, #tpu.memory_space<vmem>>
          %dma_start3A_200 = arith.constant 0 : i32
          %dma_start3A_201 = tpu.memref_slice %arg11[%add3A_178, %dma_start3A_200] : memref<102x128xf32, #tpu.memory_space<vmem_shared>> -> memref<1x128xf32, #tpu.memory_space<vmem_shared>>
          %dma_start3A_202 = tpu.memref_squeeze %dma_start3A_201 : memref<1x128xf32, #tpu.memory_space<vmem_shared>> -> memref<128xf32, #tpu.memory_space<vmem_shared>>
          tpu.enqueue_dma source(%dma_start3A_202 : memref<128xf32, #tpu.memory_space<vmem_shared>>) target(%dma_start3A_199 : memref<128xf32, #tpu.memory_space<vmem>>) target_semaphore(%arg33 : memref<!tpu.dma_semaphore, #tpu.memory_space<semaphore_mem>>)
          %scan3A_203 = arith.constant 1 : i32
          %scan3A_204 = arith.addi %scan3A_163, %scan3A_203 : i32
          %eq3A_205 = vector.broadcast %scan3A_204 : i32 to vector<16xi32>
          %eq3A_206 = arith.cmpi eq, %iota3A, %eq3A_205 : vector<16xi32>
          %jit3A_207 = arith.constant 0 : i32
          %broadcast_in_dim3A_208 = vector.broadcast %jit3A_207 : i32 to vector<16xi32>
          %select_n3A_209 = arith.select %eq3A_206, %get3A_114, %broadcast_in_dim3A_208 : vector<16xi1>, vector<16xi32>
          %reduce_sum3A_210 = arith.constant true
          %reduce_sum3A_211 = vector.broadcast %reduce_sum3A_210 : i1 to vector<16xi1>
          %reduce_sum3A_212 = tpu.scan <sum>, %select_n3A_209 masked %reduce_sum3A_211 : vector<16xi32>, vector<16xi1> -> vector<16xi32>
          %reduce_sum3A_213 = vector.extract %reduce_sum3A_212[15] : i32 from vector<16xi32>
          %and3A_214 = arith.constant 127 : i32
          %and3A_215 = arith.andi %reduce_sum3A_213, %and3A_214 : i32
          %shift_right_arithmetic3A_216 = arith.constant 7 : i32
          %shift_right_arithmetic3A_217 = arith.shrsi %reduce_sum3A_213, %shift_right_arithmetic3A_216 : i32
          %and3A_218 = arith.constant 1 : i32
          %and3A_219 = arith.andi %shift_right_arithmetic3A_217, %and3A_218 : i32
          %add3A_220 = arith.constant 100 : i32
          %add3A_221 = arith.addi %and3A_219, %add3A_220 : i32
          %mul3A_222 = arith.constant 512 : i32
          %mul3A_223 = arith.muli %scan3A_204, %mul3A_222 : i32
          %add3A_224 = arith.constant 0 : i32
          %add3A_225 = arith.addi %mul3A_223, %add3A_224 : i32
          %dma_start3A_226 = tpu.memref_slice %arg19[%add3A_225] : memref<8192xf32, #tpu.memory_space<vmem>> -> memref<128xf32, #tpu.memory_space<vmem>>
          %dma_start3A_227 = arith.constant 0 : i32
          %dma_start3A_228 = tpu.memref_slice %arg11[%and3A_215, %dma_start3A_227] : memref<102x128xf32, #tpu.memory_space<vmem_shared>> -> memref<1x128xf32, #tpu.memory_space<vmem_shared>>
          %dma_start3A_229 = tpu.memref_squeeze %dma_start3A_228 : memref<1x128xf32, #tpu.memory_space<vmem_shared>> -> memref<128xf32, #tpu.memory_space<vmem_shared>>
          %dma_start3A_230 = tpu.memref_slice %arg19[%add3A_225] : memref<8192xf32, #tpu.memory_space<vmem>> -> memref<128xf32, #tpu.memory_space<vmem>>
          %dma_start3A_231 = arith.constant 0 : i32
          %dma_start3A_232 = tpu.memref_slice %arg11[%and3A_215, %dma_start3A_231] : memref<102x128xf32, #tpu.memory_space<vmem_shared>> -> memref<1x128xf32, #tpu.memory_space<vmem_shared>>
          %dma_start3A_233 = tpu.memref_squeeze %dma_start3A_232 : memref<1x128xf32, #tpu.memory_space<vmem_shared>> -> memref<128xf32, #tpu.memory_space<vmem_shared>>
          tpu.enqueue_dma source(%dma_start3A_233 : memref<128xf32, #tpu.memory_space<vmem_shared>>) target(%dma_start3A_230 : memref<128xf32, #tpu.memory_space<vmem>>) target_semaphore(%arg33 : memref<!tpu.dma_semaphore, #tpu.memory_space<semaphore_mem>>)
          %mul3A_234 = arith.constant 512 : i32
          %mul3A_235 = arith.muli %scan3A_204, %mul3A_234 : i32
          %add3A_236 = arith.constant 128 : i32
          %add3A_237 = arith.addi %mul3A_235, %add3A_236 : i32
          %dma_start3A_238 = tpu.memref_slice %arg19[%add3A_237] : memref<8192xf32, #tpu.memory_space<vmem>> -> memref<128xf32, #tpu.memory_space<vmem>>
          %dma_start3A_239 = arith.constant 0 : i32
          %dma_start3A_240 = tpu.memref_slice %arg11[%add3A_221, %dma_start3A_239] : memref<102x128xf32, #tpu.memory_space<vmem_shared>> -> memref<1x128xf32, #tpu.memory_space<vmem_shared>>
          %dma_start3A_241 = tpu.memref_squeeze %dma_start3A_240 : memref<1x128xf32, #tpu.memory_space<vmem_shared>> -> memref<128xf32, #tpu.memory_space<vmem_shared>>
          %dma_start3A_242 = tpu.memref_slice %arg19[%add3A_237] : memref<8192xf32, #tpu.memory_space<vmem>> -> memref<128xf32, #tpu.memory_space<vmem>>
          %dma_start3A_243 = arith.constant 0 : i32
          %dma_start3A_244 = tpu.memref_slice %arg11[%add3A_221, %dma_start3A_243] : memref<102x128xf32, #tpu.memory_space<vmem_shared>> -> memref<1x128xf32, #tpu.memory_space<vmem_shared>>
          %dma_start3A_245 = tpu.memref_squeeze %dma_start3A_244 : memref<1x128xf32, #tpu.memory_space<vmem_shared>> -> memref<128xf32, #tpu.memory_space<vmem_shared>>
          tpu.enqueue_dma source(%dma_start3A_245 : memref<128xf32, #tpu.memory_space<vmem_shared>>) target(%dma_start3A_242 : memref<128xf32, #tpu.memory_space<vmem>>) target_semaphore(%arg33 : memref<!tpu.dma_semaphore, #tpu.memory_space<semaphore_mem>>)
          %scan3A_246 = arith.constant 2 : i32
          %scan3A_247 = arith.addi %scan3A_163, %scan3A_246 : i32
          %eq3A_248 = vector.broadcast %scan3A_247 : i32 to vector<16xi32>
          %eq3A_249 = arith.cmpi eq, %iota3A, %eq3A_248 : vector<16xi32>
          %jit3A_250 = arith.constant 0 : i32
          %broadcast_in_dim3A_251 = vector.broadcast %jit3A_250 : i32 to vector<16xi32>
          %select_n3A_252 = arith.select %eq3A_249, %get3A_114, %broadcast_in_dim3A_251 : vector<16xi1>, vector<16xi32>
          %reduce_sum3A_253 = arith.constant true
          %reduce_sum3A_254 = vector.broadcast %reduce_sum3A_253 : i1 to vector<16xi1>
          %reduce_sum3A_255 = tpu.scan <sum>, %select_n3A_252 masked %reduce_sum3A_254 : vector<16xi32>, vector<16xi1> -> vector<16xi32>
          %reduce_sum3A_256 = vector.extract %reduce_sum3A_255[15] : i32 from vector<16xi32>
          %and3A_257 = arith.constant 127 : i32
          %and3A_258 = arith.andi %reduce_sum3A_256, %and3A_257 : i32
          %shift_right_arithmetic3A_259 = arith.constant 7 : i32
          %shift_right_arithmetic3A_260 = arith.shrsi %reduce_sum3A_256, %shift_right_arithmetic3A_259 : i32
          %and3A_261 = arith.constant 1 : i32
          %and3A_262 = arith.andi %shift_right_arithmetic3A_260, %and3A_261 : i32
          %add3A_263 = arith.constant 100 : i32
          %add3A_264 = arith.addi %and3A_262, %add3A_263 : i32
          %mul3A_265 = arith.constant 512 : i32
          %mul3A_266 = arith.muli %scan3A_247, %mul3A_265 : i32
          %add3A_267 = arith.constant 0 : i32
          %add3A_268 = arith.addi %mul3A_266, %add3A_267 : i32
          %dma_start3A_269 = tpu.memref_slice %arg19[%add3A_268] : memref<8192xf32, #tpu.memory_space<vmem>> -> memref<128xf32, #tpu.memory_space<vmem>>
          %dma_start3A_270 = arith.constant 0 : i32
          %dma_start3A_271 = tpu.memref_slice %arg11[%and3A_258, %dma_start3A_270] : memref<102x128xf32, #tpu.memory_space<vmem_shared>> -> memref<1x128xf32, #tpu.memory_space<vmem_shared>>
          %dma_start3A_272 = tpu.memref_squeeze %dma_start3A_271 : memref<1x128xf32, #tpu.memory_space<vmem_shared>> -> memref<128xf32, #tpu.memory_space<vmem_shared>>
          %dma_start3A_273 = tpu.memref_slice %arg19[%add3A_268] : memref<8192xf32, #tpu.memory_space<vmem>> -> memref<128xf32, #tpu.memory_space<vmem>>
          %dma_start3A_274 = arith.constant 0 : i32
          %dma_start3A_275 = tpu.memref_slice %arg11[%and3A_258, %dma_start3A_274] : memref<102x128xf32, #tpu.memory_space<vmem_shared>> -> memref<1x128xf32, #tpu.memory_space<vmem_shared>>
          %dma_start3A_276 = tpu.memref_squeeze %dma_start3A_275 : memref<1x128xf32, #tpu.memory_space<vmem_shared>> -> memref<128xf32, #tpu.memory_space<vmem_shared>>
          tpu.enqueue_dma source(%dma_start3A_276 : memref<128xf32, #tpu.memory_space<vmem_shared>>) target(%dma_start3A_273 : memref<128xf32, #tpu.memory_space<vmem>>) target_semaphore(%arg33 : memref<!tpu.dma_semaphore, #tpu.memory_space<semaphore_mem>>)
          %mul3A_277 = arith.constant 512 : i32
          %mul3A_278 = arith.muli %scan3A_247, %mul3A_277 : i32
          %add3A_279 = arith.constant 128 : i32
          %add3A_280 = arith.addi %mul3A_278, %add3A_279 : i32
          %dma_start3A_281 = tpu.memref_slice %arg19[%add3A_280] : memref<8192xf32, #tpu.memory_space<vmem>> -> memref<128xf32, #tpu.memory_space<vmem>>
          %dma_start3A_282 = arith.constant 0 : i32
          %dma_start3A_283 = tpu.memref_slice %arg11[%add3A_264, %dma_start3A_282] : memref<102x128xf32, #tpu.memory_space<vmem_shared>> -> memref<1x128xf32, #tpu.memory_space<vmem_shared>>
          %dma_start3A_284 = tpu.memref_squeeze %dma_start3A_283 : memref<1x128xf32, #tpu.memory_space<vmem_shared>> -> memref<128xf32, #tpu.memory_space<vmem_shared>>
          %dma_start3A_285 = tpu.memref_slice %arg19[%add3A_280] : memref<8192xf32, #tpu.memory_space<vmem>> -> memref<128xf32, #tpu.memory_space<vmem>>
          %dma_start3A_286 = arith.constant 0 : i32
          %dma_start3A_287 = tpu.memref_slice %arg11[%add3A_264, %dma_start3A_286] : memref<102x128xf32, #tpu.memory_space<vmem_shared>> -> memref<1x128xf32, #tpu.memory_space<vmem_shared>>
          %dma_start3A_288 = tpu.memref_squeeze %dma_start3A_287 : memref<1x128xf32, #tpu.memory_space<vmem_shared>> -> memref<128xf32, #tpu.memory_space<vmem_shared>>
          tpu.enqueue_dma source(%dma_start3A_288 : memref<128xf32, #tpu.memory_space<vmem_shared>>) target(%dma_start3A_285 : memref<128xf32, #tpu.memory_space<vmem>>) target_semaphore(%arg33 : memref<!tpu.dma_semaphore, #tpu.memory_space<semaphore_mem>>)
          %scan3A_289 = arith.constant 3 : i32
          %scan3A_290 = arith.addi %scan3A_163, %scan3A_289 : i32
          %eq3A_291 = vector.broadcast %scan3A_290 : i32 to vector<16xi32>
          %eq3A_292 = arith.cmpi eq, %iota3A, %eq3A_291 : vector<16xi32>
          %jit3A_293 = arith.constant 0 : i32
          %broadcast_in_dim3A_294 = vector.broadcast %jit3A_293 : i32 to vector<16xi32>
          %select_n3A_295 = arith.select %eq3A_292, %get3A_114, %broadcast_in_dim3A_294 : vector<16xi1>, vector<16xi32>
          %reduce_sum3A_296 = arith.constant true
          %reduce_sum3A_297 = vector.broadcast %reduce_sum3A_296 : i1 to vector<16xi1>
          %reduce_sum3A_298 = tpu.scan <sum>, %select_n3A_295 masked %reduce_sum3A_297 : vector<16xi32>, vector<16xi1> -> vector<16xi32>
          %reduce_sum3A_299 = vector.extract %reduce_sum3A_298[15] : i32 from vector<16xi32>
          %and3A_300 = arith.constant 127 : i32
          %and3A_301 = arith.andi %reduce_sum3A_299, %and3A_300 : i32
          %shift_right_arithmetic3A_302 = arith.constant 7 : i32
          %shift_right_arithmetic3A_303 = arith.shrsi %reduce_sum3A_299, %shift_right_arithmetic3A_302 : i32
          %and3A_304 = arith.constant 1 : i32
          %and3A_305 = arith.andi %shift_right_arithmetic3A_303, %and3A_304 : i32
          %add3A_306 = arith.constant 100 : i32
          %add3A_307 = arith.addi %and3A_305, %add3A_306 : i32
          %mul3A_308 = arith.constant 512 : i32
          %mul3A_309 = arith.muli %scan3A_290, %mul3A_308 : i32
          %add3A_310 = arith.constant 0 : i32
          %add3A_311 = arith.addi %mul3A_309, %add3A_310 : i32
          %dma_start3A_312 = tpu.memref_slice %arg19[%add3A_311] : memref<8192xf32, #tpu.memory_space<vmem>> -> memref<128xf32, #tpu.memory_space<vmem>>
          %dma_start3A_313 = arith.constant 0 : i32
          %dma_start3A_314 = tpu.memref_slice %arg11[%and3A_301, %dma_start3A_313] : memref<102x128xf32, #tpu.memory_space<vmem_shared>> -> memref<1x128xf32, #tpu.memory_space<vmem_shared>>
          %dma_start3A_315 = tpu.memref_squeeze %dma_start3A_314 : memref<1x128xf32, #tpu.memory_space<vmem_shared>> -> memref<128xf32, #tpu.memory_space<vmem_shared>>
          %dma_start3A_316 = tpu.memref_slice %arg19[%add3A_311] : memref<8192xf32, #tpu.memory_space<vmem>> -> memref<128xf32, #tpu.memory_space<vmem>>
          %dma_start3A_317 = arith.constant 0 : i32
          %dma_start3A_318 = tpu.memref_slice %arg11[%and3A_301, %dma_start3A_317] : memref<102x128xf32, #tpu.memory_space<vmem_shared>> -> memref<1x128xf32, #tpu.memory_space<vmem_shared>>
          %dma_start3A_319 = tpu.memref_squeeze %dma_start3A_318 : memref<1x128xf32, #tpu.memory_space<vmem_shared>> -> memref<128xf32, #tpu.memory_space<vmem_shared>>
          tpu.enqueue_dma source(%dma_start3A_319 : memref<128xf32, #tpu.memory_space<vmem_shared>>) target(%dma_start3A_316 : memref<128xf32, #tpu.memory_space<vmem>>) target_semaphore(%arg33 : memref<!tpu.dma_semaphore, #tpu.memory_space<semaphore_mem>>)
          %mul3A_320 = arith.constant 512 : i32
          %mul3A_321 = arith.muli %scan3A_290, %mul3A_320 : i32
          %add3A_322 = arith.constant 128 : i32
          %add3A_323 = arith.addi %mul3A_321, %add3A_322 : i32
          %dma_start3A_324 = tpu.memref_slice %arg19[%add3A_323] : memref<8192xf32, #tpu.memory_space<vmem>> -> memref<128xf32, #tpu.memory_space<vmem>>
          %dma_start3A_325 = arith.constant 0 : i32
          %dma_start3A_326 = tpu.memref_slice %arg11[%add3A_307, %dma_start3A_325] : memref<102x128xf32, #tpu.memory_space<vmem_shared>> -> memref<1x128xf32, #tpu.memory_space<vmem_shared>>
          %dma_start3A_327 = tpu.memref_squeeze %dma_start3A_326 : memref<1x128xf32, #tpu.memory_space<vmem_shared>> -> memref<128xf32, #tpu.memory_space<vmem_shared>>
          %dma_start3A_328 = tpu.memref_slice %arg19[%add3A_323] : memref<8192xf32, #tpu.memory_space<vmem>> -> memref<128xf32, #tpu.memory_space<vmem>>
          %dma_start3A_329 = arith.constant 0 : i32
          %dma_start3A_330 = tpu.memref_slice %arg11[%add3A_307, %dma_start3A_329] : memref<102x128xf32, #tpu.memory_space<vmem_shared>> -> memref<1x128xf32, #tpu.memory_space<vmem_shared>>
          %dma_start3A_331 = tpu.memref_squeeze %dma_start3A_330 : memref<1x128xf32, #tpu.memory_space<vmem_shared>> -> memref<128xf32, #tpu.memory_space<vmem_shared>>
          tpu.enqueue_dma source(%dma_start3A_331 : memref<128xf32, #tpu.memory_space<vmem_shared>>) target(%dma_start3A_328 : memref<128xf32, #tpu.memory_space<vmem>>) target_semaphore(%arg33 : memref<!tpu.dma_semaphore, #tpu.memory_space<semaphore_mem>>)
        }
        %scan3A_124 = arith.constant 16 : i32
        %shift_right_arithmetic3A = arith.constant 8 : i32
        %shift_right_arithmetic3A_125 = vector.broadcast %shift_right_arithmetic3A : i32 to vector<16xi32>
        %shift_right_arithmetic3A_126 = arith.shrsi %get3A_114, %shift_right_arithmetic3A_125 : vector<16xi32>
        %and3A = arith.constant 15 : i32
        %and3A_127 = vector.broadcast %and3A : i32 to vector<16xi32>
        %and3A_128 = arith.andi %shift_right_arithmetic3A_126, %and3A_127 : vector<16xi32>
        %shift_right_arithmetic3A_129 = arith.constant 12 : i32
        %shift_right_arithmetic3A_130 = vector.broadcast %shift_right_arithmetic3A_129 : i32 to vector<16xi32>
        %shift_right_arithmetic3A_131 = arith.shrsi %get3A_114, %shift_right_arithmetic3A_130 : vector<16xi32>
        %add3A_132 = arith.constant 9 : i32
        %add3A_133 = vector.broadcast %add3A_132 : i32 to vector<16xi32>
        %add3A_134 = arith.addi %shift_right_arithmetic3A_131, %add3A_133 : vector<16xi32>
        %mul3A_135 = arith.constant 512 : i32
        %mul3A_136 = vector.broadcast %mul3A_135 : i32 to vector<16xi32>
        %mul3A_137 = arith.muli %iota3A, %mul3A_136 : vector<16xi32>
        %add3A_138 = arith.constant 256 : i32
        %add3A_139 = vector.broadcast %add3A_138 : i32 to vector<16xi32>
        %add3A_140 = arith.addi %mul3A_137, %add3A_139 : vector<16xi32>
        %mul3A_141 = arith.constant 512 : i32
        %mul3A_142 = vector.broadcast %mul3A_141 : i32 to vector<16xi32>
        %mul3A_143 = arith.muli %iota3A, %mul3A_142 : vector<16xi32>
        %add3A_144 = arith.constant 384 : i32
        %add3A_145 = vector.broadcast %add3A_144 : i32 to vector<16xi32>
        %add3A_146 = arith.addi %mul3A_143, %add3A_145 : vector<16xi32>
        %parallel_loop3A = arith.constant 0 : i32
        %parallel_loop3A_147 = arith.constant 128 : i32
        %parallel_loop3A_148 = arith.constant 1 : i32
        scf.for %parallel_loop3A_163 = %parallel_loop3A to %parallel_loop3A_147 step %parallel_loop3A_148  : i32 {
          %parallel_loop3A_164 = vector.broadcast %parallel_loop3A_163 : i32 to vector<16xi32>
          %parallel_loop3A_165 = arith.addi %iota3A, %parallel_loop3A_164 : vector<16xi32>
          %parallel_loop3A_166 = arith.constant 127 : i32
          %parallel_loop3A_167 = vector.broadcast %parallel_loop3A_166 : i32 to vector<16xi32>
          %parallel_loop3A_168 = arith.andi %parallel_loop3A_165, %parallel_loop3A_167 : vector<16xi32>
          %parallel_loop3A_169 = tpu.vector_load_idx %arg12[%and3A_128, %parallel_loop3A_168] : memref<18x128xf32, #tpu.memory_space<vmem>>[vector<16xi32>, vector<16xi32>], vector<16xf32>,
          %parallel_loop3A_170 = arith.addi %add3A_140, %parallel_loop3A_168 : vector<16xi32>
          tpu.vector_store_idx %arg19[%parallel_loop3A_170], %parallel_loop3A_169 : memref<8192xf32, #tpu.memory_space<vmem>>[vector<16xi32>], vector<16xf32>,
          %parallel_loop3A_171 = tpu.vector_load_idx %arg12[%add3A_134, %parallel_loop3A_168] : memref<18x128xf32, #tpu.memory_space<vmem>>[vector<16xi32>, vector<16xi32>], vector<16xf32>,
          %parallel_loop3A_172 = arith.addi %add3A_146, %parallel_loop3A_168 : vector<16xi32>
          tpu.vector_store_idx %arg19[%parallel_loop3A_172], %parallel_loop3A_171 : memref<8192xf32, #tpu.memory_space<vmem>>[vector<16xi32>], vector<16xf32>,
        } {sc.loop_unroll_factor = 8 : i64, sc.parallel_access}
        %dma_wait3A_149 = arith.constant 0 : i32
        %dma_wait3A_150 = tpu.memref_slice %arg19[%dma_wait3A_149] : memref<8192xf32, #tpu.memory_space<vmem>> -> memref<4096xf32, #tpu.memory_space<vmem>>
        %dma_wait3A_151 = arith.constant 0 : i32
        %dma_wait3A_152 = tpu.memref_slice %arg10[%dma_wait3A_151] : memref<51200000xf32, #tpu.memory_space<hbm>> -> memref<4096xf32, #tpu.memory_space<hbm>>
        %dma_wait3A_153 = arith.constant 0 : i32
        %dma_wait3A_154 = tpu.memref_slice %arg19[%dma_wait3A_153] : memref<8192xf32, #tpu.memory_space<vmem>> -> memref<4096xf32, #tpu.memory_space<vmem>>
        %dma_wait3A_155 = arith.constant 0 : i32
        %dma_wait3A_156 = tpu.memref_slice %arg10[%dma_wait3A_155] : memref<51200000xf32, #tpu.memory_space<hbm>> -> memref<4096xf32, #tpu.memory_space<hbm>>
        tpu.wait_dma2 semaphore(%arg33 : memref<!tpu.dma_semaphore, #tpu.memory_space<semaphore_mem>>) src(%dma_wait3A_156 : memref<4096xf32, #tpu.memory_space<hbm>>) dst(%dma_wait3A_154 : memref<4096xf32, #tpu.memory_space<vmem>>)
        %mul3A_157 = arith.constant 16 : i32
        %mul3A_158 = arith.muli %add3A_67, %mul3A_157 : i32
        %add3A_159 = arith.addi %mul3A_2, %mul3A_158 : i32
        %mul3A_160 = arith.constant 512 : i32
        %mul3A_161 = arith.muli %add3A_159, %mul3A_160 : i32
        %dma_start3A = tpu.memref_slice %arg10[%mul3A_161] : memref<51200000xf32, #tpu.memory_space<hbm>> -> memref<8192xf32, #tpu.memory_space<hbm>>
        %dma_start3A_162 = tpu.memref_slice %arg10[%mul3A_161] : memref<51200000xf32, #tpu.memory_space<hbm>> -> memref<8192xf32, #tpu.memory_space<hbm>>
        tpu.enqueue_dma source(%arg19 : memref<8192xf32, #tpu.memory_space<vmem>>) target(%dma_start3A_162 : memref<8192xf32, #tpu.memory_space<hbm>>) target_semaphore(%arg26 : memref<!tpu.dma_semaphore, #tpu.memory_space<semaphore_mem>>)
      } else {
      }
      %mul3A_72 = arith.constant 7 : i32
      %mul3A_73 = arith.muli %scan3A_55, %mul3A_72 : i32
      %add3A_74 = arith.constant 2 : i32
      %add3A_75 = arith.addi %mul3A_73, %add3A_74 : i32
      %lt3A_76 = arith.cmpi slt, %add3A_75, %select_n3A : i32
      %convert_element_type3A_77 = arith.extui %lt3A_76 : i1 to i32
      %cond3A_78 = arith.constant 0 : i32
      %cond3A_79 = arith.cmpi ne, %convert_element_type3A_77, %cond3A_78 : i32
      scf.if %cond3A_79 {
        %mul3A_112 = arith.constant 16 : i32
        %mul3A_113 = arith.muli %add3A_75, %mul3A_112 : i32
        %get3A = arith.index_cast %mul3A_113 : i32 to index
        %get3A_114 = tpu.vector_load %arg17[%get3A] {strides = array<i32>} : memref<3136xi32, #tpu.memory_space<vmem>>, vector<16xi32>,
        %gt3A = arith.constant 0 : i32
        %gt3A_115 = arith.cmpi sgt, %scan3A_55, %gt3A : i32
        %convert_element_type3A_116 = arith.extui %gt3A_115 : i1 to i32
        %cond3A_117 = arith.constant 0 : i32
        %cond3A_118 = arith.cmpi ne, %convert_element_type3A_116, %cond3A_117 : i32
        scf.if %cond3A_118 {
          %dma_wait3A_163 = arith.constant 0 : i32
          %dma_wait3A_164 = tpu.memref_slice %arg10[%dma_wait3A_163] : memref<51200000xf32, #tpu.memory_space<hbm>> -> memref<8192xf32, #tpu.memory_space<hbm>>
          %dma_wait3A_165 = arith.constant 0 : i32
          %dma_wait3A_166 = tpu.memref_slice %arg10[%dma_wait3A_165] : memref<51200000xf32, #tpu.memory_space<hbm>> -> memref<8192xf32, #tpu.memory_space<hbm>>
          tpu.wait_dma2 semaphore(%arg27 : memref<!tpu.dma_semaphore, #tpu.memory_space<semaphore_mem>>) src(%arg20 : memref<8192xf32, #tpu.memory_space<vmem>>) dst(%dma_wait3A_166 : memref<8192xf32, #tpu.memory_space<hbm>>)
        } else {
        }
        %scan3A_119 = arith.constant 0 : i32
        %scan3A_120 = arith.constant 0 : i32
        %scan3A_121 = arith.constant 16 : i32
        %scan3A_122 = arith.addi %scan3A_120, %scan3A_121 : i32
        %scan3A_123 = arith.constant 4 : i32
        scf.for %scan3A_163 = %scan3A_120 to %scan3A_122 step %scan3A_123  : i32 {
          %eq3A_164 = vector.broadcast %scan3A_163 : i32 to vector<16xi32>
          %eq3A_165 = arith.cmpi eq, %iota3A, %eq3A_164 : vector<16xi32>
          %jit3A_166 = arith.constant 0 : i32
          %broadcast_in_dim3A = vector.broadcast %jit3A_166 : i32 to vector<16xi32>
          %select_n3A_167 = arith.select %eq3A_165, %get3A_114, %broadcast_in_dim3A : vector<16xi1>, vector<16xi32>
          %reduce_sum3A = arith.constant true
          %reduce_sum3A_168 = vector.broadcast %reduce_sum3A : i1 to vector<16xi1>
          %reduce_sum3A_169 = tpu.scan <sum>, %select_n3A_167 masked %reduce_sum3A_168 : vector<16xi32>, vector<16xi1> -> vector<16xi32>
          %reduce_sum3A_170 = vector.extract %reduce_sum3A_169[15] : i32 from vector<16xi32>
          %and3A_171 = arith.constant 127 : i32
          %and3A_172 = arith.andi %reduce_sum3A_170, %and3A_171 : i32
          %shift_right_arithmetic3A_173 = arith.constant 7 : i32
          %shift_right_arithmetic3A_174 = arith.shrsi %reduce_sum3A_170, %shift_right_arithmetic3A_173 : i32
          %and3A_175 = arith.constant 1 : i32
          %and3A_176 = arith.andi %shift_right_arithmetic3A_174, %and3A_175 : i32
          %add3A_177 = arith.constant 100 : i32
          %add3A_178 = arith.addi %and3A_176, %add3A_177 : i32
          %mul3A_179 = arith.constant 512 : i32
          %mul3A_180 = arith.muli %scan3A_163, %mul3A_179 : i32
          %add3A_181 = arith.constant 0 : i32
          %add3A_182 = arith.addi %mul3A_180, %add3A_181 : i32
          %dma_start3A_183 = tpu.memref_slice %arg20[%add3A_182] : memref<8192xf32, #tpu.memory_space<vmem>> -> memref<128xf32, #tpu.memory_space<vmem>>
          %dma_start3A_184 = arith.constant 0 : i32
          %dma_start3A_185 = tpu.memref_slice %arg11[%and3A_172, %dma_start3A_184] : memref<102x128xf32, #tpu.memory_space<vmem_shared>> -> memref<1x128xf32, #tpu.memory_space<vmem_shared>>
          %dma_start3A_186 = tpu.memref_squeeze %dma_start3A_185 : memref<1x128xf32, #tpu.memory_space<vmem_shared>> -> memref<128xf32, #tpu.memory_space<vmem_shared>>
          %dma_start3A_187 = tpu.memref_slice %arg20[%add3A_182] : memref<8192xf32, #tpu.memory_space<vmem>> -> memref<128xf32, #tpu.memory_space<vmem>>
          %dma_start3A_188 = arith.constant 0 : i32
          %dma_start3A_189 = tpu.memref_slice %arg11[%and3A_172, %dma_start3A_188] : memref<102x128xf32, #tpu.memory_space<vmem_shared>> -> memref<1x128xf32, #tpu.memory_space<vmem_shared>>
          %dma_start3A_190 = tpu.memref_squeeze %dma_start3A_189 : memref<1x128xf32, #tpu.memory_space<vmem_shared>> -> memref<128xf32, #tpu.memory_space<vmem_shared>>
          tpu.enqueue_dma source(%dma_start3A_190 : memref<128xf32, #tpu.memory_space<vmem_shared>>) target(%dma_start3A_187 : memref<128xf32, #tpu.memory_space<vmem>>) target_semaphore(%arg34 : memref<!tpu.dma_semaphore, #tpu.memory_space<semaphore_mem>>)
          %mul3A_191 = arith.constant 512 : i32
          %mul3A_192 = arith.muli %scan3A_163, %mul3A_191 : i32
          %add3A_193 = arith.constant 128 : i32
          %add3A_194 = arith.addi %mul3A_192, %add3A_193 : i32
          %dma_start3A_195 = tpu.memref_slice %arg20[%add3A_194] : memref<8192xf32, #tpu.memory_space<vmem>> -> memref<128xf32, #tpu.memory_space<vmem>>
          %dma_start3A_196 = arith.constant 0 : i32
          %dma_start3A_197 = tpu.memref_slice %arg11[%add3A_178, %dma_start3A_196] : memref<102x128xf32, #tpu.memory_space<vmem_shared>> -> memref<1x128xf32, #tpu.memory_space<vmem_shared>>
          %dma_start3A_198 = tpu.memref_squeeze %dma_start3A_197 : memref<1x128xf32, #tpu.memory_space<vmem_shared>> -> memref<128xf32, #tpu.memory_space<vmem_shared>>
          %dma_start3A_199 = tpu.memref_slice %arg20[%add3A_194] : memref<8192xf32, #tpu.memory_space<vmem>> -> memref<128xf32, #tpu.memory_space<vmem>>
          %dma_start3A_200 = arith.constant 0 : i32
          %dma_start3A_201 = tpu.memref_slice %arg11[%add3A_178, %dma_start3A_200] : memref<102x128xf32, #tpu.memory_space<vmem_shared>> -> memref<1x128xf32, #tpu.memory_space<vmem_shared>>
          %dma_start3A_202 = tpu.memref_squeeze %dma_start3A_201 : memref<1x128xf32, #tpu.memory_space<vmem_shared>> -> memref<128xf32, #tpu.memory_space<vmem_shared>>
          tpu.enqueue_dma source(%dma_start3A_202 : memref<128xf32, #tpu.memory_space<vmem_shared>>) target(%dma_start3A_199 : memref<128xf32, #tpu.memory_space<vmem>>) target_semaphore(%arg34 : memref<!tpu.dma_semaphore, #tpu.memory_space<semaphore_mem>>)
          %scan3A_203 = arith.constant 1 : i32
          %scan3A_204 = arith.addi %scan3A_163, %scan3A_203 : i32
          %eq3A_205 = vector.broadcast %scan3A_204 : i32 to vector<16xi32>
          %eq3A_206 = arith.cmpi eq, %iota3A, %eq3A_205 : vector<16xi32>
          %jit3A_207 = arith.constant 0 : i32
          %broadcast_in_dim3A_208 = vector.broadcast %jit3A_207 : i32 to vector<16xi32>
          %select_n3A_209 = arith.select %eq3A_206, %get3A_114, %broadcast_in_dim3A_208 : vector<16xi1>, vector<16xi32>
          %reduce_sum3A_210 = arith.constant true
          %reduce_sum3A_211 = vector.broadcast %reduce_sum3A_210 : i1 to vector<16xi1>
          %reduce_sum3A_212 = tpu.scan <sum>, %select_n3A_209 masked %reduce_sum3A_211 : vector<16xi32>, vector<16xi1> -> vector<16xi32>
          %reduce_sum3A_213 = vector.extract %reduce_sum3A_212[15] : i32 from vector<16xi32>
          %and3A_214 = arith.constant 127 : i32
          %and3A_215 = arith.andi %reduce_sum3A_213, %and3A_214 : i32
          %shift_right_arithmetic3A_216 = arith.constant 7 : i32
          %shift_right_arithmetic3A_217 = arith.shrsi %reduce_sum3A_213, %shift_right_arithmetic3A_216 : i32
          %and3A_218 = arith.constant 1 : i32
          %and3A_219 = arith.andi %shift_right_arithmetic3A_217, %and3A_218 : i32
          %add3A_220 = arith.constant 100 : i32
          %add3A_221 = arith.addi %and3A_219, %add3A_220 : i32
          %mul3A_222 = arith.constant 512 : i32
          %mul3A_223 = arith.muli %scan3A_204, %mul3A_222 : i32
          %add3A_224 = arith.constant 0 : i32
          %add3A_225 = arith.addi %mul3A_223, %add3A_224 : i32
          %dma_start3A_226 = tpu.memref_slice %arg20[%add3A_225] : memref<8192xf32, #tpu.memory_space<vmem>> -> memref<128xf32, #tpu.memory_space<vmem>>
          %dma_start3A_227 = arith.constant 0 : i32
          %dma_start3A_228 = tpu.memref_slice %arg11[%and3A_215, %dma_start3A_227] : memref<102x128xf32, #tpu.memory_space<vmem_shared>> -> memref<1x128xf32, #tpu.memory_space<vmem_shared>>
          %dma_start3A_229 = tpu.memref_squeeze %dma_start3A_228 : memref<1x128xf32, #tpu.memory_space<vmem_shared>> -> memref<128xf32, #tpu.memory_space<vmem_shared>>
          %dma_start3A_230 = tpu.memref_slice %arg20[%add3A_225] : memref<8192xf32, #tpu.memory_space<vmem>> -> memref<128xf32, #tpu.memory_space<vmem>>
          %dma_start3A_231 = arith.constant 0 : i32
          %dma_start3A_232 = tpu.memref_slice %arg11[%and3A_215, %dma_start3A_231] : memref<102x128xf32, #tpu.memory_space<vmem_shared>> -> memref<1x128xf32, #tpu.memory_space<vmem_shared>>
          %dma_start3A_233 = tpu.memref_squeeze %dma_start3A_232 : memref<1x128xf32, #tpu.memory_space<vmem_shared>> -> memref<128xf32, #tpu.memory_space<vmem_shared>>
          tpu.enqueue_dma source(%dma_start3A_233 : memref<128xf32, #tpu.memory_space<vmem_shared>>) target(%dma_start3A_230 : memref<128xf32, #tpu.memory_space<vmem>>) target_semaphore(%arg34 : memref<!tpu.dma_semaphore, #tpu.memory_space<semaphore_mem>>)
          %mul3A_234 = arith.constant 512 : i32
          %mul3A_235 = arith.muli %scan3A_204, %mul3A_234 : i32
          %add3A_236 = arith.constant 128 : i32
          %add3A_237 = arith.addi %mul3A_235, %add3A_236 : i32
          %dma_start3A_238 = tpu.memref_slice %arg20[%add3A_237] : memref<8192xf32, #tpu.memory_space<vmem>> -> memref<128xf32, #tpu.memory_space<vmem>>
          %dma_start3A_239 = arith.constant 0 : i32
          %dma_start3A_240 = tpu.memref_slice %arg11[%add3A_221, %dma_start3A_239] : memref<102x128xf32, #tpu.memory_space<vmem_shared>> -> memref<1x128xf32, #tpu.memory_space<vmem_shared>>
          %dma_start3A_241 = tpu.memref_squeeze %dma_start3A_240 : memref<1x128xf32, #tpu.memory_space<vmem_shared>> -> memref<128xf32, #tpu.memory_space<vmem_shared>>
          %dma_start3A_242 = tpu.memref_slice %arg20[%add3A_237] : memref<8192xf32, #tpu.memory_space<vmem>> -> memref<128xf32, #tpu.memory_space<vmem>>
          %dma_start3A_243 = arith.constant 0 : i32
          %dma_start3A_244 = tpu.memref_slice %arg11[%add3A_221, %dma_start3A_243] : memref<102x128xf32, #tpu.memory_space<vmem_shared>> -> memref<1x128xf32, #tpu.memory_space<vmem_shared>>
          %dma_start3A_245 = tpu.memref_squeeze %dma_start3A_244 : memref<1x128xf32, #tpu.memory_space<vmem_shared>> -> memref<128xf32, #tpu.memory_space<vmem_shared>>
          tpu.enqueue_dma source(%dma_start3A_245 : memref<128xf32, #tpu.memory_space<vmem_shared>>) target(%dma_start3A_242 : memref<128xf32, #tpu.memory_space<vmem>>) target_semaphore(%arg34 : memref<!tpu.dma_semaphore, #tpu.memory_space<semaphore_mem>>)
          %scan3A_246 = arith.constant 2 : i32
          %scan3A_247 = arith.addi %scan3A_163, %scan3A_246 : i32
          %eq3A_248 = vector.broadcast %scan3A_247 : i32 to vector<16xi32>
          %eq3A_249 = arith.cmpi eq, %iota3A, %eq3A_248 : vector<16xi32>
          %jit3A_250 = arith.constant 0 : i32
          %broadcast_in_dim3A_251 = vector.broadcast %jit3A_250 : i32 to vector<16xi32>
          %select_n3A_252 = arith.select %eq3A_249, %get3A_114, %broadcast_in_dim3A_251 : vector<16xi1>, vector<16xi32>
          %reduce_sum3A_253 = arith.constant true
          %reduce_sum3A_254 = vector.broadcast %reduce_sum3A_253 : i1 to vector<16xi1>
          %reduce_sum3A_255 = tpu.scan <sum>, %select_n3A_252 masked %reduce_sum3A_254 : vector<16xi32>, vector<16xi1> -> vector<16xi32>
          %reduce_sum3A_256 = vector.extract %reduce_sum3A_255[15] : i32 from vector<16xi32>
          %and3A_257 = arith.constant 127 : i32
          %and3A_258 = arith.andi %reduce_sum3A_256, %and3A_257 : i32
          %shift_right_arithmetic3A_259 = arith.constant 7 : i32
          %shift_right_arithmetic3A_260 = arith.shrsi %reduce_sum3A_256, %shift_right_arithmetic3A_259 : i32
          %and3A_261 = arith.constant 1 : i32
          %and3A_262 = arith.andi %shift_right_arithmetic3A_260, %and3A_261 : i32
          %add3A_263 = arith.constant 100 : i32
          %add3A_264 = arith.addi %and3A_262, %add3A_263 : i32
          %mul3A_265 = arith.constant 512 : i32
          %mul3A_266 = arith.muli %scan3A_247, %mul3A_265 : i32
          %add3A_267 = arith.constant 0 : i32
          %add3A_268 = arith.addi %mul3A_266, %add3A_267 : i32
          %dma_start3A_269 = tpu.memref_slice %arg20[%add3A_268] : memref<8192xf32, #tpu.memory_space<vmem>> -> memref<128xf32, #tpu.memory_space<vmem>>
          %dma_start3A_270 = arith.constant 0 : i32
          %dma_start3A_271 = tpu.memref_slice %arg11[%and3A_258, %dma_start3A_270] : memref<102x128xf32, #tpu.memory_space<vmem_shared>> -> memref<1x128xf32, #tpu.memory_space<vmem_shared>>
          %dma_start3A_272 = tpu.memref_squeeze %dma_start3A_271 : memref<1x128xf32, #tpu.memory_space<vmem_shared>> -> memref<128xf32, #tpu.memory_space<vmem_shared>>
          %dma_start3A_273 = tpu.memref_slice %arg20[%add3A_268] : memref<8192xf32, #tpu.memory_space<vmem>> -> memref<128xf32, #tpu.memory_space<vmem>>
          %dma_start3A_274 = arith.constant 0 : i32
          %dma_start3A_275 = tpu.memref_slice %arg11[%and3A_258, %dma_start3A_274] : memref<102x128xf32, #tpu.memory_space<vmem_shared>> -> memref<1x128xf32, #tpu.memory_space<vmem_shared>>
          %dma_start3A_276 = tpu.memref_squeeze %dma_start3A_275 : memref<1x128xf32, #tpu.memory_space<vmem_shared>> -> memref<128xf32, #tpu.memory_space<vmem_shared>>
          tpu.enqueue_dma source(%dma_start3A_276 : memref<128xf32, #tpu.memory_space<vmem_shared>>) target(%dma_start3A_273 : memref<128xf32, #tpu.memory_space<vmem>>) target_semaphore(%arg34 : memref<!tpu.dma_semaphore, #tpu.memory_space<semaphore_mem>>)
          %mul3A_277 = arith.constant 512 : i32
          %mul3A_278 = arith.muli %scan3A_247, %mul3A_277 : i32
          %add3A_279 = arith.constant 128 : i32
          %add3A_280 = arith.addi %mul3A_278, %add3A_279 : i32
          %dma_start3A_281 = tpu.memref_slice %arg20[%add3A_280] : memref<8192xf32, #tpu.memory_space<vmem>> -> memref<128xf32, #tpu.memory_space<vmem>>
          %dma_start3A_282 = arith.constant 0 : i32
          %dma_start3A_283 = tpu.memref_slice %arg11[%add3A_264, %dma_start3A_282] : memref<102x128xf32, #tpu.memory_space<vmem_shared>> -> memref<1x128xf32, #tpu.memory_space<vmem_shared>>
          %dma_start3A_284 = tpu.memref_squeeze %dma_start3A_283 : memref<1x128xf32, #tpu.memory_space<vmem_shared>> -> memref<128xf32, #tpu.memory_space<vmem_shared>>
          %dma_start3A_285 = tpu.memref_slice %arg20[%add3A_280] : memref<8192xf32, #tpu.memory_space<vmem>> -> memref<128xf32, #tpu.memory_space<vmem>>
          %dma_start3A_286 = arith.constant 0 : i32
          %dma_start3A_287 = tpu.memref_slice %arg11[%add3A_264, %dma_start3A_286] : memref<102x128xf32, #tpu.memory_space<vmem_shared>> -> memref<1x128xf32, #tpu.memory_space<vmem_shared>>
          %dma_start3A_288 = tpu.memref_squeeze %dma_start3A_287 : memref<1x128xf32, #tpu.memory_space<vmem_shared>> -> memref<128xf32, #tpu.memory_space<vmem_shared>>
          tpu.enqueue_dma source(%dma_start3A_288 : memref<128xf32, #tpu.memory_space<vmem_shared>>) target(%dma_start3A_285 : memref<128xf32, #tpu.memory_space<vmem>>) target_semaphore(%arg34 : memref<!tpu.dma_semaphore, #tpu.memory_space<semaphore_mem>>)
          %scan3A_289 = arith.constant 3 : i32
          %scan3A_290 = arith.addi %scan3A_163, %scan3A_289 : i32
          %eq3A_291 = vector.broadcast %scan3A_290 : i32 to vector<16xi32>
          %eq3A_292 = arith.cmpi eq, %iota3A, %eq3A_291 : vector<16xi32>
          %jit3A_293 = arith.constant 0 : i32
          %broadcast_in_dim3A_294 = vector.broadcast %jit3A_293 : i32 to vector<16xi32>
          %select_n3A_295 = arith.select %eq3A_292, %get3A_114, %broadcast_in_dim3A_294 : vector<16xi1>, vector<16xi32>
          %reduce_sum3A_296 = arith.constant true
          %reduce_sum3A_297 = vector.broadcast %reduce_sum3A_296 : i1 to vector<16xi1>
          %reduce_sum3A_298 = tpu.scan <sum>, %select_n3A_295 masked %reduce_sum3A_297 : vector<16xi32>, vector<16xi1> -> vector<16xi32>
          %reduce_sum3A_299 = vector.extract %reduce_sum3A_298[15] : i32 from vector<16xi32>
          %and3A_300 = arith.constant 127 : i32
          %and3A_301 = arith.andi %reduce_sum3A_299, %and3A_300 : i32
          %shift_right_arithmetic3A_302 = arith.constant 7 : i32
          %shift_right_arithmetic3A_303 = arith.shrsi %reduce_sum3A_299, %shift_right_arithmetic3A_302 : i32
          %and3A_304 = arith.constant 1 : i32
          %and3A_305 = arith.andi %shift_right_arithmetic3A_303, %and3A_304 : i32
          %add3A_306 = arith.constant 100 : i32
          %add3A_307 = arith.addi %and3A_305, %add3A_306 : i32
          %mul3A_308 = arith.constant 512 : i32
          %mul3A_309 = arith.muli %scan3A_290, %mul3A_308 : i32
          %add3A_310 = arith.constant 0 : i32
          %add3A_311 = arith.addi %mul3A_309, %add3A_310 : i32
          %dma_start3A_312 = tpu.memref_slice %arg20[%add3A_311] : memref<8192xf32, #tpu.memory_space<vmem>> -> memref<128xf32, #tpu.memory_space<vmem>>
          %dma_start3A_313 = arith.constant 0 : i32
          %dma_start3A_314 = tpu.memref_slice %arg11[%and3A_301, %dma_start3A_313] : memref<102x128xf32, #tpu.memory_space<vmem_shared>> -> memref<1x128xf32, #tpu.memory_space<vmem_shared>>
          %dma_start3A_315 = tpu.memref_squeeze %dma_start3A_314 : memref<1x128xf32, #tpu.memory_space<vmem_shared>> -> memref<128xf32, #tpu.memory_space<vmem_shared>>
          %dma_start3A_316 = tpu.memref_slice %arg20[%add3A_311] : memref<8192xf32, #tpu.memory_space<vmem>> -> memref<128xf32, #tpu.memory_space<vmem>>
          %dma_start3A_317 = arith.constant 0 : i32
          %dma_start3A_318 = tpu.memref_slice %arg11[%and3A_301, %dma_start3A_317] : memref<102x128xf32, #tpu.memory_space<vmem_shared>> -> memref<1x128xf32, #tpu.memory_space<vmem_shared>>
          %dma_start3A_319 = tpu.memref_squeeze %dma_start3A_318 : memref<1x128xf32, #tpu.memory_space<vmem_shared>> -> memref<128xf32, #tpu.memory_space<vmem_shared>>
          tpu.enqueue_dma source(%dma_start3A_319 : memref<128xf32, #tpu.memory_space<vmem_shared>>) target(%dma_start3A_316 : memref<128xf32, #tpu.memory_space<vmem>>) target_semaphore(%arg34 : memref<!tpu.dma_semaphore, #tpu.memory_space<semaphore_mem>>)
          %mul3A_320 = arith.constant 512 : i32
          %mul3A_321 = arith.muli %scan3A_290, %mul3A_320 : i32
          %add3A_322 = arith.constant 128 : i32
          %add3A_323 = arith.addi %mul3A_321, %add3A_322 : i32
          %dma_start3A_324 = tpu.memref_slice %arg20[%add3A_323] : memref<8192xf32, #tpu.memory_space<vmem>> -> memref<128xf32, #tpu.memory_space<vmem>>
          %dma_start3A_325 = arith.constant 0 : i32
          %dma_start3A_326 = tpu.memref_slice %arg11[%add3A_307, %dma_start3A_325] : memref<102x128xf32, #tpu.memory_space<vmem_shared>> -> memref<1x128xf32, #tpu.memory_space<vmem_shared>>
          %dma_start3A_327 = tpu.memref_squeeze %dma_start3A_326 : memref<1x128xf32, #tpu.memory_space<vmem_shared>> -> memref<128xf32, #tpu.memory_space<vmem_shared>>
          %dma_start3A_328 = tpu.memref_slice %arg20[%add3A_323] : memref<8192xf32, #tpu.memory_space<vmem>> -> memref<128xf32, #tpu.memory_space<vmem>>
          %dma_start3A_329 = arith.constant 0 : i32
          %dma_start3A_330 = tpu.memref_slice %arg11[%add3A_307, %dma_start3A_329] : memref<102x128xf32, #tpu.memory_space<vmem_shared>> -> memref<1x128xf32, #tpu.memory_space<vmem_shared>>
          %dma_start3A_331 = tpu.memref_squeeze %dma_start3A_330 : memref<1x128xf32, #tpu.memory_space<vmem_shared>> -> memref<128xf32, #tpu.memory_space<vmem_shared>>
          tpu.enqueue_dma source(%dma_start3A_331 : memref<128xf32, #tpu.memory_space<vmem_shared>>) target(%dma_start3A_328 : memref<128xf32, #tpu.memory_space<vmem>>) target_semaphore(%arg34 : memref<!tpu.dma_semaphore, #tpu.memory_space<semaphore_mem>>)
        }
        %scan3A_124 = arith.constant 16 : i32
        %shift_right_arithmetic3A = arith.constant 8 : i32
        %shift_right_arithmetic3A_125 = vector.broadcast %shift_right_arithmetic3A : i32 to vector<16xi32>
        %shift_right_arithmetic3A_126 = arith.shrsi %get3A_114, %shift_right_arithmetic3A_125 : vector<16xi32>
        %and3A = arith.constant 15 : i32
        %and3A_127 = vector.broadcast %and3A : i32 to vector<16xi32>
        %and3A_128 = arith.andi %shift_right_arithmetic3A_126, %and3A_127 : vector<16xi32>
        %shift_right_arithmetic3A_129 = arith.constant 12 : i32
        %shift_right_arithmetic3A_130 = vector.broadcast %shift_right_arithmetic3A_129 : i32 to vector<16xi32>
        %shift_right_arithmetic3A_131 = arith.shrsi %get3A_114, %shift_right_arithmetic3A_130 : vector<16xi32>
        %add3A_132 = arith.constant 9 : i32
        %add3A_133 = vector.broadcast %add3A_132 : i32 to vector<16xi32>
        %add3A_134 = arith.addi %shift_right_arithmetic3A_131, %add3A_133 : vector<16xi32>
        %mul3A_135 = arith.constant 512 : i32
        %mul3A_136 = vector.broadcast %mul3A_135 : i32 to vector<16xi32>
        %mul3A_137 = arith.muli %iota3A, %mul3A_136 : vector<16xi32>
        %add3A_138 = arith.constant 256 : i32
        %add3A_139 = vector.broadcast %add3A_138 : i32 to vector<16xi32>
        %add3A_140 = arith.addi %mul3A_137, %add3A_139 : vector<16xi32>
        %mul3A_141 = arith.constant 512 : i32
        %mul3A_142 = vector.broadcast %mul3A_141 : i32 to vector<16xi32>
        %mul3A_143 = arith.muli %iota3A, %mul3A_142 : vector<16xi32>
        %add3A_144 = arith.constant 384 : i32
        %add3A_145 = vector.broadcast %add3A_144 : i32 to vector<16xi32>
        %add3A_146 = arith.addi %mul3A_143, %add3A_145 : vector<16xi32>
        %parallel_loop3A = arith.constant 0 : i32
        %parallel_loop3A_147 = arith.constant 128 : i32
        %parallel_loop3A_148 = arith.constant 1 : i32
        scf.for %parallel_loop3A_163 = %parallel_loop3A to %parallel_loop3A_147 step %parallel_loop3A_148  : i32 {
          %parallel_loop3A_164 = vector.broadcast %parallel_loop3A_163 : i32 to vector<16xi32>
          %parallel_loop3A_165 = arith.addi %iota3A, %parallel_loop3A_164 : vector<16xi32>
          %parallel_loop3A_166 = arith.constant 127 : i32
          %parallel_loop3A_167 = vector.broadcast %parallel_loop3A_166 : i32 to vector<16xi32>
          %parallel_loop3A_168 = arith.andi %parallel_loop3A_165, %parallel_loop3A_167 : vector<16xi32>
          %parallel_loop3A_169 = tpu.vector_load_idx %arg12[%and3A_128, %parallel_loop3A_168] : memref<18x128xf32, #tpu.memory_space<vmem>>[vector<16xi32>, vector<16xi32>], vector<16xf32>,
          %parallel_loop3A_170 = arith.addi %add3A_140, %parallel_loop3A_168 : vector<16xi32>
          tpu.vector_store_idx %arg20[%parallel_loop3A_170], %parallel_loop3A_169 : memref<8192xf32, #tpu.memory_space<vmem>>[vector<16xi32>], vector<16xf32>,
          %parallel_loop3A_171 = tpu.vector_load_idx %arg12[%add3A_134, %parallel_loop3A_168] : memref<18x128xf32, #tpu.memory_space<vmem>>[vector<16xi32>, vector<16xi32>], vector<16xf32>,
          %parallel_loop3A_172 = arith.addi %add3A_146, %parallel_loop3A_168 : vector<16xi32>
          tpu.vector_store_idx %arg20[%parallel_loop3A_172], %parallel_loop3A_171 : memref<8192xf32, #tpu.memory_space<vmem>>[vector<16xi32>], vector<16xf32>,
        } {sc.loop_unroll_factor = 8 : i64, sc.parallel_access}
        %dma_wait3A_149 = arith.constant 0 : i32
        %dma_wait3A_150 = tpu.memref_slice %arg20[%dma_wait3A_149] : memref<8192xf32, #tpu.memory_space<vmem>> -> memref<4096xf32, #tpu.memory_space<vmem>>
        %dma_wait3A_151 = arith.constant 0 : i32
        %dma_wait3A_152 = tpu.memref_slice %arg10[%dma_wait3A_151] : memref<51200000xf32, #tpu.memory_space<hbm>> -> memref<4096xf32, #tpu.memory_space<hbm>>
        %dma_wait3A_153 = arith.constant 0 : i32
        %dma_wait3A_154 = tpu.memref_slice %arg20[%dma_wait3A_153] : memref<8192xf32, #tpu.memory_space<vmem>> -> memref<4096xf32, #tpu.memory_space<vmem>>
        %dma_wait3A_155 = arith.constant 0 : i32
        %dma_wait3A_156 = tpu.memref_slice %arg10[%dma_wait3A_155] : memref<51200000xf32, #tpu.memory_space<hbm>> -> memref<4096xf32, #tpu.memory_space<hbm>>
        tpu.wait_dma2 semaphore(%arg34 : memref<!tpu.dma_semaphore, #tpu.memory_space<semaphore_mem>>) src(%dma_wait3A_156 : memref<4096xf32, #tpu.memory_space<hbm>>) dst(%dma_wait3A_154 : memref<4096xf32, #tpu.memory_space<vmem>>)
        %mul3A_157 = arith.constant 16 : i32
        %mul3A_158 = arith.muli %add3A_75, %mul3A_157 : i32
        %add3A_159 = arith.addi %mul3A_2, %mul3A_158 : i32
        %mul3A_160 = arith.constant 512 : i32
        %mul3A_161 = arith.muli %add3A_159, %mul3A_160 : i32
        %dma_start3A = tpu.memref_slice %arg10[%mul3A_161] : memref<51200000xf32, #tpu.memory_space<hbm>> -> memref<8192xf32, #tpu.memory_space<hbm>>
        %dma_start3A_162 = tpu.memref_slice %arg10[%mul3A_161] : memref<51200000xf32, #tpu.memory_space<hbm>> -> memref<8192xf32, #tpu.memory_space<hbm>>
        tpu.enqueue_dma source(%arg20 : memref<8192xf32, #tpu.memory_space<vmem>>) target(%dma_start3A_162 : memref<8192xf32, #tpu.memory_space<hbm>>) target_semaphore(%arg27 : memref<!tpu.dma_semaphore, #tpu.memory_space<semaphore_mem>>)
      } else {
      }
      %mul3A_80 = arith.constant 7 : i32
      %mul3A_81 = arith.muli %scan3A_55, %mul3A_80 : i32
      %add3A_82 = arith.constant 3 : i32
      %add3A_83 = arith.addi %mul3A_81, %add3A_82 : i32
      %lt3A_84 = arith.cmpi slt, %add3A_83, %select_n3A : i32
      %convert_element_type3A_85 = arith.extui %lt3A_84 : i1 to i32
      %cond3A_86 = arith.constant 0 : i32
      %cond3A_87 = arith.cmpi ne, %convert_element_type3A_85, %cond3A_86 : i32
      scf.if %cond3A_87 {
        %mul3A_112 = arith.constant 16 : i32
        %mul3A_113 = arith.muli %add3A_83, %mul3A_112 : i32
        %get3A = arith.index_cast %mul3A_113 : i32 to index
        %get3A_114 = tpu.vector_load %arg17[%get3A] {strides = array<i32>} : memref<3136xi32, #tpu.memory_space<vmem>>, vector<16xi32>,
        %gt3A = arith.constant 0 : i32
        %gt3A_115 = arith.cmpi sgt, %scan3A_55, %gt3A : i32
        %convert_element_type3A_116 = arith.extui %gt3A_115 : i1 to i32
        %cond3A_117 = arith.constant 0 : i32
        %cond3A_118 = arith.cmpi ne, %convert_element_type3A_116, %cond3A_117 : i32
        scf.if %cond3A_118 {
          %dma_wait3A_163 = arith.constant 0 : i32
          %dma_wait3A_164 = tpu.memref_slice %arg10[%dma_wait3A_163] : memref<51200000xf32, #tpu.memory_space<hbm>> -> memref<8192xf32, #tpu.memory_space<hbm>>
          %dma_wait3A_165 = arith.constant 0 : i32
          %dma_wait3A_166 = tpu.memref_slice %arg10[%dma_wait3A_165] : memref<51200000xf32, #tpu.memory_space<hbm>> -> memref<8192xf32, #tpu.memory_space<hbm>>
          tpu.wait_dma2 semaphore(%arg28 : memref<!tpu.dma_semaphore, #tpu.memory_space<semaphore_mem>>) src(%arg21 : memref<8192xf32, #tpu.memory_space<vmem>>) dst(%dma_wait3A_166 : memref<8192xf32, #tpu.memory_space<hbm>>)
        } else {
        }
        %scan3A_119 = arith.constant 0 : i32
        %scan3A_120 = arith.constant 0 : i32
        %scan3A_121 = arith.constant 16 : i32
        %scan3A_122 = arith.addi %scan3A_120, %scan3A_121 : i32
        %scan3A_123 = arith.constant 4 : i32
        scf.for %scan3A_163 = %scan3A_120 to %scan3A_122 step %scan3A_123  : i32 {
          %eq3A_164 = vector.broadcast %scan3A_163 : i32 to vector<16xi32>
          %eq3A_165 = arith.cmpi eq, %iota3A, %eq3A_164 : vector<16xi32>
          %jit3A_166 = arith.constant 0 : i32
          %broadcast_in_dim3A = vector.broadcast %jit3A_166 : i32 to vector<16xi32>
          %select_n3A_167 = arith.select %eq3A_165, %get3A_114, %broadcast_in_dim3A : vector<16xi1>, vector<16xi32>
          %reduce_sum3A = arith.constant true
          %reduce_sum3A_168 = vector.broadcast %reduce_sum3A : i1 to vector<16xi1>
          %reduce_sum3A_169 = tpu.scan <sum>, %select_n3A_167 masked %reduce_sum3A_168 : vector<16xi32>, vector<16xi1> -> vector<16xi32>
          %reduce_sum3A_170 = vector.extract %reduce_sum3A_169[15] : i32 from vector<16xi32>
          %and3A_171 = arith.constant 127 : i32
          %and3A_172 = arith.andi %reduce_sum3A_170, %and3A_171 : i32
          %shift_right_arithmetic3A_173 = arith.constant 7 : i32
          %shift_right_arithmetic3A_174 = arith.shrsi %reduce_sum3A_170, %shift_right_arithmetic3A_173 : i32
          %and3A_175 = arith.constant 1 : i32
          %and3A_176 = arith.andi %shift_right_arithmetic3A_174, %and3A_175 : i32
          %add3A_177 = arith.constant 100 : i32
          %add3A_178 = arith.addi %and3A_176, %add3A_177 : i32
          %mul3A_179 = arith.constant 512 : i32
          %mul3A_180 = arith.muli %scan3A_163, %mul3A_179 : i32
          %add3A_181 = arith.constant 0 : i32
          %add3A_182 = arith.addi %mul3A_180, %add3A_181 : i32
          %dma_start3A_183 = tpu.memref_slice %arg21[%add3A_182] : memref<8192xf32, #tpu.memory_space<vmem>> -> memref<128xf32, #tpu.memory_space<vmem>>
          %dma_start3A_184 = arith.constant 0 : i32
          %dma_start3A_185 = tpu.memref_slice %arg11[%and3A_172, %dma_start3A_184] : memref<102x128xf32, #tpu.memory_space<vmem_shared>> -> memref<1x128xf32, #tpu.memory_space<vmem_shared>>
          %dma_start3A_186 = tpu.memref_squeeze %dma_start3A_185 : memref<1x128xf32, #tpu.memory_space<vmem_shared>> -> memref<128xf32, #tpu.memory_space<vmem_shared>>
          %dma_start3A_187 = tpu.memref_slice %arg21[%add3A_182] : memref<8192xf32, #tpu.memory_space<vmem>> -> memref<128xf32, #tpu.memory_space<vmem>>
          %dma_start3A_188 = arith.constant 0 : i32
          %dma_start3A_189 = tpu.memref_slice %arg11[%and3A_172, %dma_start3A_188] : memref<102x128xf32, #tpu.memory_space<vmem_shared>> -> memref<1x128xf32, #tpu.memory_space<vmem_shared>>
          %dma_start3A_190 = tpu.memref_squeeze %dma_start3A_189 : memref<1x128xf32, #tpu.memory_space<vmem_shared>> -> memref<128xf32, #tpu.memory_space<vmem_shared>>
          tpu.enqueue_dma source(%dma_start3A_190 : memref<128xf32, #tpu.memory_space<vmem_shared>>) target(%dma_start3A_187 : memref<128xf32, #tpu.memory_space<vmem>>) target_semaphore(%arg35 : memref<!tpu.dma_semaphore, #tpu.memory_space<semaphore_mem>>)
          %mul3A_191 = arith.constant 512 : i32
          %mul3A_192 = arith.muli %scan3A_163, %mul3A_191 : i32
          %add3A_193 = arith.constant 128 : i32
          %add3A_194 = arith.addi %mul3A_192, %add3A_193 : i32
          %dma_start3A_195 = tpu.memref_slice %arg21[%add3A_194] : memref<8192xf32, #tpu.memory_space<vmem>> -> memref<128xf32, #tpu.memory_space<vmem>>
          %dma_start3A_196 = arith.constant 0 : i32
          %dma_start3A_197 = tpu.memref_slice %arg11[%add3A_178, %dma_start3A_196] : memref<102x128xf32, #tpu.memory_space<vmem_shared>> -> memref<1x128xf32, #tpu.memory_space<vmem_shared>>
          %dma_start3A_198 = tpu.memref_squeeze %dma_start3A_197 : memref<1x128xf32, #tpu.memory_space<vmem_shared>> -> memref<128xf32, #tpu.memory_space<vmem_shared>>
          %dma_start3A_199 = tpu.memref_slice %arg21[%add3A_194] : memref<8192xf32, #tpu.memory_space<vmem>> -> memref<128xf32, #tpu.memory_space<vmem>>
          %dma_start3A_200 = arith.constant 0 : i32
          %dma_start3A_201 = tpu.memref_slice %arg11[%add3A_178, %dma_start3A_200] : memref<102x128xf32, #tpu.memory_space<vmem_shared>> -> memref<1x128xf32, #tpu.memory_space<vmem_shared>>
          %dma_start3A_202 = tpu.memref_squeeze %dma_start3A_201 : memref<1x128xf32, #tpu.memory_space<vmem_shared>> -> memref<128xf32, #tpu.memory_space<vmem_shared>>
          tpu.enqueue_dma source(%dma_start3A_202 : memref<128xf32, #tpu.memory_space<vmem_shared>>) target(%dma_start3A_199 : memref<128xf32, #tpu.memory_space<vmem>>) target_semaphore(%arg35 : memref<!tpu.dma_semaphore, #tpu.memory_space<semaphore_mem>>)
          %scan3A_203 = arith.constant 1 : i32
          %scan3A_204 = arith.addi %scan3A_163, %scan3A_203 : i32
          %eq3A_205 = vector.broadcast %scan3A_204 : i32 to vector<16xi32>
          %eq3A_206 = arith.cmpi eq, %iota3A, %eq3A_205 : vector<16xi32>
          %jit3A_207 = arith.constant 0 : i32
          %broadcast_in_dim3A_208 = vector.broadcast %jit3A_207 : i32 to vector<16xi32>
          %select_n3A_209 = arith.select %eq3A_206, %get3A_114, %broadcast_in_dim3A_208 : vector<16xi1>, vector<16xi32>
          %reduce_sum3A_210 = arith.constant true
          %reduce_sum3A_211 = vector.broadcast %reduce_sum3A_210 : i1 to vector<16xi1>
          %reduce_sum3A_212 = tpu.scan <sum>, %select_n3A_209 masked %reduce_sum3A_211 : vector<16xi32>, vector<16xi1> -> vector<16xi32>
          %reduce_sum3A_213 = vector.extract %reduce_sum3A_212[15] : i32 from vector<16xi32>
          %and3A_214 = arith.constant 127 : i32
          %and3A_215 = arith.andi %reduce_sum3A_213, %and3A_214 : i32
          %shift_right_arithmetic3A_216 = arith.constant 7 : i32
          %shift_right_arithmetic3A_217 = arith.shrsi %reduce_sum3A_213, %shift_right_arithmetic3A_216 : i32
          %and3A_218 = arith.constant 1 : i32
          %and3A_219 = arith.andi %shift_right_arithmetic3A_217, %and3A_218 : i32
          %add3A_220 = arith.constant 100 : i32
          %add3A_221 = arith.addi %and3A_219, %add3A_220 : i32
          %mul3A_222 = arith.constant 512 : i32
          %mul3A_223 = arith.muli %scan3A_204, %mul3A_222 : i32
          %add3A_224 = arith.constant 0 : i32
          %add3A_225 = arith.addi %mul3A_223, %add3A_224 : i32
          %dma_start3A_226 = tpu.memref_slice %arg21[%add3A_225] : memref<8192xf32, #tpu.memory_space<vmem>> -> memref<128xf32, #tpu.memory_space<vmem>>
          %dma_start3A_227 = arith.constant 0 : i32
          %dma_start3A_228 = tpu.memref_slice %arg11[%and3A_215, %dma_start3A_227] : memref<102x128xf32, #tpu.memory_space<vmem_shared>> -> memref<1x128xf32, #tpu.memory_space<vmem_shared>>
          %dma_start3A_229 = tpu.memref_squeeze %dma_start3A_228 : memref<1x128xf32, #tpu.memory_space<vmem_shared>> -> memref<128xf32, #tpu.memory_space<vmem_shared>>
          %dma_start3A_230 = tpu.memref_slice %arg21[%add3A_225] : memref<8192xf32, #tpu.memory_space<vmem>> -> memref<128xf32, #tpu.memory_space<vmem>>
          %dma_start3A_231 = arith.constant 0 : i32
          %dma_start3A_232 = tpu.memref_slice %arg11[%and3A_215, %dma_start3A_231] : memref<102x128xf32, #tpu.memory_space<vmem_shared>> -> memref<1x128xf32, #tpu.memory_space<vmem_shared>>
          %dma_start3A_233 = tpu.memref_squeeze %dma_start3A_232 : memref<1x128xf32, #tpu.memory_space<vmem_shared>> -> memref<128xf32, #tpu.memory_space<vmem_shared>>
          tpu.enqueue_dma source(%dma_start3A_233 : memref<128xf32, #tpu.memory_space<vmem_shared>>) target(%dma_start3A_230 : memref<128xf32, #tpu.memory_space<vmem>>) target_semaphore(%arg35 : memref<!tpu.dma_semaphore, #tpu.memory_space<semaphore_mem>>)
          %mul3A_234 = arith.constant 512 : i32
          %mul3A_235 = arith.muli %scan3A_204, %mul3A_234 : i32
          %add3A_236 = arith.constant 128 : i32
          %add3A_237 = arith.addi %mul3A_235, %add3A_236 : i32
          %dma_start3A_238 = tpu.memref_slice %arg21[%add3A_237] : memref<8192xf32, #tpu.memory_space<vmem>> -> memref<128xf32, #tpu.memory_space<vmem>>
          %dma_start3A_239 = arith.constant 0 : i32
          %dma_start3A_240 = tpu.memref_slice %arg11[%add3A_221, %dma_start3A_239] : memref<102x128xf32, #tpu.memory_space<vmem_shared>> -> memref<1x128xf32, #tpu.memory_space<vmem_shared>>
          %dma_start3A_241 = tpu.memref_squeeze %dma_start3A_240 : memref<1x128xf32, #tpu.memory_space<vmem_shared>> -> memref<128xf32, #tpu.memory_space<vmem_shared>>
          %dma_start3A_242 = tpu.memref_slice %arg21[%add3A_237] : memref<8192xf32, #tpu.memory_space<vmem>> -> memref<128xf32, #tpu.memory_space<vmem>>
          %dma_start3A_243 = arith.constant 0 : i32
          %dma_start3A_244 = tpu.memref_slice %arg11[%add3A_221, %dma_start3A_243] : memref<102x128xf32, #tpu.memory_space<vmem_shared>> -> memref<1x128xf32, #tpu.memory_space<vmem_shared>>
          %dma_start3A_245 = tpu.memref_squeeze %dma_start3A_244 : memref<1x128xf32, #tpu.memory_space<vmem_shared>> -> memref<128xf32, #tpu.memory_space<vmem_shared>>
          tpu.enqueue_dma source(%dma_start3A_245 : memref<128xf32, #tpu.memory_space<vmem_shared>>) target(%dma_start3A_242 : memref<128xf32, #tpu.memory_space<vmem>>) target_semaphore(%arg35 : memref<!tpu.dma_semaphore, #tpu.memory_space<semaphore_mem>>)
          %scan3A_246 = arith.constant 2 : i32
          %scan3A_247 = arith.addi %scan3A_163, %scan3A_246 : i32
          %eq3A_248 = vector.broadcast %scan3A_247 : i32 to vector<16xi32>
          %eq3A_249 = arith.cmpi eq, %iota3A, %eq3A_248 : vector<16xi32>
          %jit3A_250 = arith.constant 0 : i32
          %broadcast_in_dim3A_251 = vector.broadcast %jit3A_250 : i32 to vector<16xi32>
          %select_n3A_252 = arith.select %eq3A_249, %get3A_114, %broadcast_in_dim3A_251 : vector<16xi1>, vector<16xi32>
          %reduce_sum3A_253 = arith.constant true
          %reduce_sum3A_254 = vector.broadcast %reduce_sum3A_253 : i1 to vector<16xi1>
          %reduce_sum3A_255 = tpu.scan <sum>, %select_n3A_252 masked %reduce_sum3A_254 : vector<16xi32>, vector<16xi1> -> vector<16xi32>
          %reduce_sum3A_256 = vector.extract %reduce_sum3A_255[15] : i32 from vector<16xi32>
          %and3A_257 = arith.constant 127 : i32
          %and3A_258 = arith.andi %reduce_sum3A_256, %and3A_257 : i32
          %shift_right_arithmetic3A_259 = arith.constant 7 : i32
          %shift_right_arithmetic3A_260 = arith.shrsi %reduce_sum3A_256, %shift_right_arithmetic3A_259 : i32
          %and3A_261 = arith.constant 1 : i32
          %and3A_262 = arith.andi %shift_right_arithmetic3A_260, %and3A_261 : i32
          %add3A_263 = arith.constant 100 : i32
          %add3A_264 = arith.addi %and3A_262, %add3A_263 : i32
          %mul3A_265 = arith.constant 512 : i32
          %mul3A_266 = arith.muli %scan3A_247, %mul3A_265 : i32
          %add3A_267 = arith.constant 0 : i32
          %add3A_268 = arith.addi %mul3A_266, %add3A_267 : i32
          %dma_start3A_269 = tpu.memref_slice %arg21[%add3A_268] : memref<8192xf32, #tpu.memory_space<vmem>> -> memref<128xf32, #tpu.memory_space<vmem>>
          %dma_start3A_270 = arith.constant 0 : i32
          %dma_start3A_271 = tpu.memref_slice %arg11[%and3A_258, %dma_start3A_270] : memref<102x128xf32, #tpu.memory_space<vmem_shared>> -> memref<1x128xf32, #tpu.memory_space<vmem_shared>>
          %dma_start3A_272 = tpu.memref_squeeze %dma_start3A_271 : memref<1x128xf32, #tpu.memory_space<vmem_shared>> -> memref<128xf32, #tpu.memory_space<vmem_shared>>
          %dma_start3A_273 = tpu.memref_slice %arg21[%add3A_268] : memref<8192xf32, #tpu.memory_space<vmem>> -> memref<128xf32, #tpu.memory_space<vmem>>
          %dma_start3A_274 = arith.constant 0 : i32
          %dma_start3A_275 = tpu.memref_slice %arg11[%and3A_258, %dma_start3A_274] : memref<102x128xf32, #tpu.memory_space<vmem_shared>> -> memref<1x128xf32, #tpu.memory_space<vmem_shared>>
          %dma_start3A_276 = tpu.memref_squeeze %dma_start3A_275 : memref<1x128xf32, #tpu.memory_space<vmem_shared>> -> memref<128xf32, #tpu.memory_space<vmem_shared>>
          tpu.enqueue_dma source(%dma_start3A_276 : memref<128xf32, #tpu.memory_space<vmem_shared>>) target(%dma_start3A_273 : memref<128xf32, #tpu.memory_space<vmem>>) target_semaphore(%arg35 : memref<!tpu.dma_semaphore, #tpu.memory_space<semaphore_mem>>)
          %mul3A_277 = arith.constant 512 : i32
          %mul3A_278 = arith.muli %scan3A_247, %mul3A_277 : i32
          %add3A_279 = arith.constant 128 : i32
          %add3A_280 = arith.addi %mul3A_278, %add3A_279 : i32
          %dma_start3A_281 = tpu.memref_slice %arg21[%add3A_280] : memref<8192xf32, #tpu.memory_space<vmem>> -> memref<128xf32, #tpu.memory_space<vmem>>
          %dma_start3A_282 = arith.constant 0 : i32
          %dma_start3A_283 = tpu.memref_slice %arg11[%add3A_264, %dma_start3A_282] : memref<102x128xf32, #tpu.memory_space<vmem_shared>> -> memref<1x128xf32, #tpu.memory_space<vmem_shared>>
          %dma_start3A_284 = tpu.memref_squeeze %dma_start3A_283 : memref<1x128xf32, #tpu.memory_space<vmem_shared>> -> memref<128xf32, #tpu.memory_space<vmem_shared>>
          %dma_start3A_285 = tpu.memref_slice %arg21[%add3A_280] : memref<8192xf32, #tpu.memory_space<vmem>> -> memref<128xf32, #tpu.memory_space<vmem>>
          %dma_start3A_286 = arith.constant 0 : i32
          %dma_start3A_287 = tpu.memref_slice %arg11[%add3A_264, %dma_start3A_286] : memref<102x128xf32, #tpu.memory_space<vmem_shared>> -> memref<1x128xf32, #tpu.memory_space<vmem_shared>>
          %dma_start3A_288 = tpu.memref_squeeze %dma_start3A_287 : memref<1x128xf32, #tpu.memory_space<vmem_shared>> -> memref<128xf32, #tpu.memory_space<vmem_shared>>
          tpu.enqueue_dma source(%dma_start3A_288 : memref<128xf32, #tpu.memory_space<vmem_shared>>) target(%dma_start3A_285 : memref<128xf32, #tpu.memory_space<vmem>>) target_semaphore(%arg35 : memref<!tpu.dma_semaphore, #tpu.memory_space<semaphore_mem>>)
          %scan3A_289 = arith.constant 3 : i32
          %scan3A_290 = arith.addi %scan3A_163, %scan3A_289 : i32
          %eq3A_291 = vector.broadcast %scan3A_290 : i32 to vector<16xi32>
          %eq3A_292 = arith.cmpi eq, %iota3A, %eq3A_291 : vector<16xi32>
          %jit3A_293 = arith.constant 0 : i32
          %broadcast_in_dim3A_294 = vector.broadcast %jit3A_293 : i32 to vector<16xi32>
          %select_n3A_295 = arith.select %eq3A_292, %get3A_114, %broadcast_in_dim3A_294 : vector<16xi1>, vector<16xi32>
          %reduce_sum3A_296 = arith.constant true
          %reduce_sum3A_297 = vector.broadcast %reduce_sum3A_296 : i1 to vector<16xi1>
          %reduce_sum3A_298 = tpu.scan <sum>, %select_n3A_295 masked %reduce_sum3A_297 : vector<16xi32>, vector<16xi1> -> vector<16xi32>
          %reduce_sum3A_299 = vector.extract %reduce_sum3A_298[15] : i32 from vector<16xi32>
          %and3A_300 = arith.constant 127 : i32
          %and3A_301 = arith.andi %reduce_sum3A_299, %and3A_300 : i32
          %shift_right_arithmetic3A_302 = arith.constant 7 : i32
          %shift_right_arithmetic3A_303 = arith.shrsi %reduce_sum3A_299, %shift_right_arithmetic3A_302 : i32
          %and3A_304 = arith.constant 1 : i32
          %and3A_305 = arith.andi %shift_right_arithmetic3A_303, %and3A_304 : i32
          %add3A_306 = arith.constant 100 : i32
          %add3A_307 = arith.addi %and3A_305, %add3A_306 : i32
          %mul3A_308 = arith.constant 512 : i32
          %mul3A_309 = arith.muli %scan3A_290, %mul3A_308 : i32
          %add3A_310 = arith.constant 0 : i32
          %add3A_311 = arith.addi %mul3A_309, %add3A_310 : i32
          %dma_start3A_312 = tpu.memref_slice %arg21[%add3A_311] : memref<8192xf32, #tpu.memory_space<vmem>> -> memref<128xf32, #tpu.memory_space<vmem>>
          %dma_start3A_313 = arith.constant 0 : i32
          %dma_start3A_314 = tpu.memref_slice %arg11[%and3A_301, %dma_start3A_313] : memref<102x128xf32, #tpu.memory_space<vmem_shared>> -> memref<1x128xf32, #tpu.memory_space<vmem_shared>>
          %dma_start3A_315 = tpu.memref_squeeze %dma_start3A_314 : memref<1x128xf32, #tpu.memory_space<vmem_shared>> -> memref<128xf32, #tpu.memory_space<vmem_shared>>
          %dma_start3A_316 = tpu.memref_slice %arg21[%add3A_311] : memref<8192xf32, #tpu.memory_space<vmem>> -> memref<128xf32, #tpu.memory_space<vmem>>
          %dma_start3A_317 = arith.constant 0 : i32
          %dma_start3A_318 = tpu.memref_slice %arg11[%and3A_301, %dma_start3A_317] : memref<102x128xf32, #tpu.memory_space<vmem_shared>> -> memref<1x128xf32, #tpu.memory_space<vmem_shared>>
          %dma_start3A_319 = tpu.memref_squeeze %dma_start3A_318 : memref<1x128xf32, #tpu.memory_space<vmem_shared>> -> memref<128xf32, #tpu.memory_space<vmem_shared>>
          tpu.enqueue_dma source(%dma_start3A_319 : memref<128xf32, #tpu.memory_space<vmem_shared>>) target(%dma_start3A_316 : memref<128xf32, #tpu.memory_space<vmem>>) target_semaphore(%arg35 : memref<!tpu.dma_semaphore, #tpu.memory_space<semaphore_mem>>)
          %mul3A_320 = arith.constant 512 : i32
          %mul3A_321 = arith.muli %scan3A_290, %mul3A_320 : i32
          %add3A_322 = arith.constant 128 : i32
          %add3A_323 = arith.addi %mul3A_321, %add3A_322 : i32
          %dma_start3A_324 = tpu.memref_slice %arg21[%add3A_323] : memref<8192xf32, #tpu.memory_space<vmem>> -> memref<128xf32, #tpu.memory_space<vmem>>
          %dma_start3A_325 = arith.constant 0 : i32
          %dma_start3A_326 = tpu.memref_slice %arg11[%add3A_307, %dma_start3A_325] : memref<102x128xf32, #tpu.memory_space<vmem_shared>> -> memref<1x128xf32, #tpu.memory_space<vmem_shared>>
          %dma_start3A_327 = tpu.memref_squeeze %dma_start3A_326 : memref<1x128xf32, #tpu.memory_space<vmem_shared>> -> memref<128xf32, #tpu.memory_space<vmem_shared>>
          %dma_start3A_328 = tpu.memref_slice %arg21[%add3A_323] : memref<8192xf32, #tpu.memory_space<vmem>> -> memref<128xf32, #tpu.memory_space<vmem>>
          %dma_start3A_329 = arith.constant 0 : i32
          %dma_start3A_330 = tpu.memref_slice %arg11[%add3A_307, %dma_start3A_329] : memref<102x128xf32, #tpu.memory_space<vmem_shared>> -> memref<1x128xf32, #tpu.memory_space<vmem_shared>>
          %dma_start3A_331 = tpu.memref_squeeze %dma_start3A_330 : memref<1x128xf32, #tpu.memory_space<vmem_shared>> -> memref<128xf32, #tpu.memory_space<vmem_shared>>
          tpu.enqueue_dma source(%dma_start3A_331 : memref<128xf32, #tpu.memory_space<vmem_shared>>) target(%dma_start3A_328 : memref<128xf32, #tpu.memory_space<vmem>>) target_semaphore(%arg35 : memref<!tpu.dma_semaphore, #tpu.memory_space<semaphore_mem>>)
        }
        %scan3A_124 = arith.constant 16 : i32
        %shift_right_arithmetic3A = arith.constant 8 : i32
        %shift_right_arithmetic3A_125 = vector.broadcast %shift_right_arithmetic3A : i32 to vector<16xi32>
        %shift_right_arithmetic3A_126 = arith.shrsi %get3A_114, %shift_right_arithmetic3A_125 : vector<16xi32>
        %and3A = arith.constant 15 : i32
        %and3A_127 = vector.broadcast %and3A : i32 to vector<16xi32>
        %and3A_128 = arith.andi %shift_right_arithmetic3A_126, %and3A_127 : vector<16xi32>
        %shift_right_arithmetic3A_129 = arith.constant 12 : i32
        %shift_right_arithmetic3A_130 = vector.broadcast %shift_right_arithmetic3A_129 : i32 to vector<16xi32>
        %shift_right_arithmetic3A_131 = arith.shrsi %get3A_114, %shift_right_arithmetic3A_130 : vector<16xi32>
        %add3A_132 = arith.constant 9 : i32
        %add3A_133 = vector.broadcast %add3A_132 : i32 to vector<16xi32>
        %add3A_134 = arith.addi %shift_right_arithmetic3A_131, %add3A_133 : vector<16xi32>
        %mul3A_135 = arith.constant 512 : i32
        %mul3A_136 = vector.broadcast %mul3A_135 : i32 to vector<16xi32>
        %mul3A_137 = arith.muli %iota3A, %mul3A_136 : vector<16xi32>
        %add3A_138 = arith.constant 256 : i32
        %add3A_139 = vector.broadcast %add3A_138 : i32 to vector<16xi32>
        %add3A_140 = arith.addi %mul3A_137, %add3A_139 : vector<16xi32>
        %mul3A_141 = arith.constant 512 : i32
        %mul3A_142 = vector.broadcast %mul3A_141 : i32 to vector<16xi32>
        %mul3A_143 = arith.muli %iota3A, %mul3A_142 : vector<16xi32>
        %add3A_144 = arith.constant 384 : i32
        %add3A_145 = vector.broadcast %add3A_144 : i32 to vector<16xi32>
        %add3A_146 = arith.addi %mul3A_143, %add3A_145 : vector<16xi32>
        %parallel_loop3A = arith.constant 0 : i32
        %parallel_loop3A_147 = arith.constant 128 : i32
        %parallel_loop3A_148 = arith.constant 1 : i32
        scf.for %parallel_loop3A_163 = %parallel_loop3A to %parallel_loop3A_147 step %parallel_loop3A_148  : i32 {
          %parallel_loop3A_164 = vector.broadcast %parallel_loop3A_163 : i32 to vector<16xi32>
          %parallel_loop3A_165 = arith.addi %iota3A, %parallel_loop3A_164 : vector<16xi32>
          %parallel_loop3A_166 = arith.constant 127 : i32
          %parallel_loop3A_167 = vector.broadcast %parallel_loop3A_166 : i32 to vector<16xi32>
          %parallel_loop3A_168 = arith.andi %parallel_loop3A_165, %parallel_loop3A_167 : vector<16xi32>
          %parallel_loop3A_169 = tpu.vector_load_idx %arg12[%and3A_128, %parallel_loop3A_168] : memref<18x128xf32, #tpu.memory_space<vmem>>[vector<16xi32>, vector<16xi32>], vector<16xf32>,
          %parallel_loop3A_170 = arith.addi %add3A_140, %parallel_loop3A_168 : vector<16xi32>
          tpu.vector_store_idx %arg21[%parallel_loop3A_170], %parallel_loop3A_169 : memref<8192xf32, #tpu.memory_space<vmem>>[vector<16xi32>], vector<16xf32>,
          %parallel_loop3A_171 = tpu.vector_load_idx %arg12[%add3A_134, %parallel_loop3A_168] : memref<18x128xf32, #tpu.memory_space<vmem>>[vector<16xi32>, vector<16xi32>], vector<16xf32>,
          %parallel_loop3A_172 = arith.addi %add3A_146, %parallel_loop3A_168 : vector<16xi32>
          tpu.vector_store_idx %arg21[%parallel_loop3A_172], %parallel_loop3A_171 : memref<8192xf32, #tpu.memory_space<vmem>>[vector<16xi32>], vector<16xf32>,
        } {sc.loop_unroll_factor = 8 : i64, sc.parallel_access}
        %dma_wait3A_149 = arith.constant 0 : i32
        %dma_wait3A_150 = tpu.memref_slice %arg21[%dma_wait3A_149] : memref<8192xf32, #tpu.memory_space<vmem>> -> memref<4096xf32, #tpu.memory_space<vmem>>
        %dma_wait3A_151 = arith.constant 0 : i32
        %dma_wait3A_152 = tpu.memref_slice %arg10[%dma_wait3A_151] : memref<51200000xf32, #tpu.memory_space<hbm>> -> memref<4096xf32, #tpu.memory_space<hbm>>
        %dma_wait3A_153 = arith.constant 0 : i32
        %dma_wait3A_154 = tpu.memref_slice %arg21[%dma_wait3A_153] : memref<8192xf32, #tpu.memory_space<vmem>> -> memref<4096xf32, #tpu.memory_space<vmem>>
        %dma_wait3A_155 = arith.constant 0 : i32
        %dma_wait3A_156 = tpu.memref_slice %arg10[%dma_wait3A_155] : memref<51200000xf32, #tpu.memory_space<hbm>> -> memref<4096xf32, #tpu.memory_space<hbm>>
        tpu.wait_dma2 semaphore(%arg35 : memref<!tpu.dma_semaphore, #tpu.memory_space<semaphore_mem>>) src(%dma_wait3A_156 : memref<4096xf32, #tpu.memory_space<hbm>>) dst(%dma_wait3A_154 : memref<4096xf32, #tpu.memory_space<vmem>>)
        %mul3A_157 = arith.constant 16 : i32
        %mul3A_158 = arith.muli %add3A_83, %mul3A_157 : i32
        %add3A_159 = arith.addi %mul3A_2, %mul3A_158 : i32
        %mul3A_160 = arith.constant 512 : i32
        %mul3A_161 = arith.muli %add3A_159, %mul3A_160 : i32
        %dma_start3A = tpu.memref_slice %arg10[%mul3A_161] : memref<51200000xf32, #tpu.memory_space<hbm>> -> memref<8192xf32, #tpu.memory_space<hbm>>
        %dma_start3A_162 = tpu.memref_slice %arg10[%mul3A_161] : memref<51200000xf32, #tpu.memory_space<hbm>> -> memref<8192xf32, #tpu.memory_space<hbm>>
        tpu.enqueue_dma source(%arg21 : memref<8192xf32, #tpu.memory_space<vmem>>) target(%dma_start3A_162 : memref<8192xf32, #tpu.memory_space<hbm>>) target_semaphore(%arg28 : memref<!tpu.dma_semaphore, #tpu.memory_space<semaphore_mem>>)
      } else {
      }
      %mul3A_88 = arith.constant 7 : i32
      %mul3A_89 = arith.muli %scan3A_55, %mul3A_88 : i32
      %add3A_90 = arith.constant 4 : i32
      %add3A_91 = arith.addi %mul3A_89, %add3A_90 : i32
      %lt3A_92 = arith.cmpi slt, %add3A_91, %select_n3A : i32
      %convert_element_type3A_93 = arith.extui %lt3A_92 : i1 to i32
      %cond3A_94 = arith.constant 0 : i32
      %cond3A_95 = arith.cmpi ne, %convert_element_type3A_93, %cond3A_94 : i32
      scf.if %cond3A_95 {
        %mul3A_112 = arith.constant 16 : i32
        %mul3A_113 = arith.muli %add3A_91, %mul3A_112 : i32
        %get3A = arith.index_cast %mul3A_113 : i32 to index
        %get3A_114 = tpu.vector_load %arg17[%get3A] {strides = array<i32>} : memref<3136xi32, #tpu.memory_space<vmem>>, vector<16xi32>,
        %gt3A = arith.constant 0 : i32
        %gt3A_115 = arith.cmpi sgt, %scan3A_55, %gt3A : i32
        %convert_element_type3A_116 = arith.extui %gt3A_115 : i1 to i32
        %cond3A_117 = arith.constant 0 : i32
        %cond3A_118 = arith.cmpi ne, %convert_element_type3A_116, %cond3A_117 : i32
        scf.if %cond3A_118 {
          %dma_wait3A_163 = arith.constant 0 : i32
          %dma_wait3A_164 = tpu.memref_slice %arg10[%dma_wait3A_163] : memref<51200000xf32, #tpu.memory_space<hbm>> -> memref<8192xf32, #tpu.memory_space<hbm>>
          %dma_wait3A_165 = arith.constant 0 : i32
          %dma_wait3A_166 = tpu.memref_slice %arg10[%dma_wait3A_165] : memref<51200000xf32, #tpu.memory_space<hbm>> -> memref<8192xf32, #tpu.memory_space<hbm>>
          tpu.wait_dma2 semaphore(%arg29 : memref<!tpu.dma_semaphore, #tpu.memory_space<semaphore_mem>>) src(%arg22 : memref<8192xf32, #tpu.memory_space<vmem>>) dst(%dma_wait3A_166 : memref<8192xf32, #tpu.memory_space<hbm>>)
        } else {
        }
        %scan3A_119 = arith.constant 0 : i32
        %scan3A_120 = arith.constant 0 : i32
        %scan3A_121 = arith.constant 16 : i32
        %scan3A_122 = arith.addi %scan3A_120, %scan3A_121 : i32
        %scan3A_123 = arith.constant 4 : i32
        scf.for %scan3A_163 = %scan3A_120 to %scan3A_122 step %scan3A_123  : i32 {
          %eq3A_164 = vector.broadcast %scan3A_163 : i32 to vector<16xi32>
          %eq3A_165 = arith.cmpi eq, %iota3A, %eq3A_164 : vector<16xi32>
          %jit3A_166 = arith.constant 0 : i32
          %broadcast_in_dim3A = vector.broadcast %jit3A_166 : i32 to vector<16xi32>
          %select_n3A_167 = arith.select %eq3A_165, %get3A_114, %broadcast_in_dim3A : vector<16xi1>, vector<16xi32>
          %reduce_sum3A = arith.constant true
          %reduce_sum3A_168 = vector.broadcast %reduce_sum3A : i1 to vector<16xi1>
          %reduce_sum3A_169 = tpu.scan <sum>, %select_n3A_167 masked %reduce_sum3A_168 : vector<16xi32>, vector<16xi1> -> vector<16xi32>
          %reduce_sum3A_170 = vector.extract %reduce_sum3A_169[15] : i32 from vector<16xi32>
          %and3A_171 = arith.constant 127 : i32
          %and3A_172 = arith.andi %reduce_sum3A_170, %and3A_171 : i32
          %shift_right_arithmetic3A_173 = arith.constant 7 : i32
          %shift_right_arithmetic3A_174 = arith.shrsi %reduce_sum3A_170, %shift_right_arithmetic3A_173 : i32
          %and3A_175 = arith.constant 1 : i32
          %and3A_176 = arith.andi %shift_right_arithmetic3A_174, %and3A_175 : i32
          %add3A_177 = arith.constant 100 : i32
          %add3A_178 = arith.addi %and3A_176, %add3A_177 : i32
          %mul3A_179 = arith.constant 512 : i32
          %mul3A_180 = arith.muli %scan3A_163, %mul3A_179 : i32
          %add3A_181 = arith.constant 0 : i32
          %add3A_182 = arith.addi %mul3A_180, %add3A_181 : i32
          %dma_start3A_183 = tpu.memref_slice %arg22[%add3A_182] : memref<8192xf32, #tpu.memory_space<vmem>> -> memref<128xf32, #tpu.memory_space<vmem>>
          %dma_start3A_184 = arith.constant 0 : i32
          %dma_start3A_185 = tpu.memref_slice %arg11[%and3A_172, %dma_start3A_184] : memref<102x128xf32, #tpu.memory_space<vmem_shared>> -> memref<1x128xf32, #tpu.memory_space<vmem_shared>>
          %dma_start3A_186 = tpu.memref_squeeze %dma_start3A_185 : memref<1x128xf32, #tpu.memory_space<vmem_shared>> -> memref<128xf32, #tpu.memory_space<vmem_shared>>
          %dma_start3A_187 = tpu.memref_slice %arg22[%add3A_182] : memref<8192xf32, #tpu.memory_space<vmem>> -> memref<128xf32, #tpu.memory_space<vmem>>
          %dma_start3A_188 = arith.constant 0 : i32
          %dma_start3A_189 = tpu.memref_slice %arg11[%and3A_172, %dma_start3A_188] : memref<102x128xf32, #tpu.memory_space<vmem_shared>> -> memref<1x128xf32, #tpu.memory_space<vmem_shared>>
          %dma_start3A_190 = tpu.memref_squeeze %dma_start3A_189 : memref<1x128xf32, #tpu.memory_space<vmem_shared>> -> memref<128xf32, #tpu.memory_space<vmem_shared>>
          tpu.enqueue_dma source(%dma_start3A_190 : memref<128xf32, #tpu.memory_space<vmem_shared>>) target(%dma_start3A_187 : memref<128xf32, #tpu.memory_space<vmem>>) target_semaphore(%arg36 : memref<!tpu.dma_semaphore, #tpu.memory_space<semaphore_mem>>)
          %mul3A_191 = arith.constant 512 : i32
          %mul3A_192 = arith.muli %scan3A_163, %mul3A_191 : i32
          %add3A_193 = arith.constant 128 : i32
          %add3A_194 = arith.addi %mul3A_192, %add3A_193 : i32
          %dma_start3A_195 = tpu.memref_slice %arg22[%add3A_194] : memref<8192xf32, #tpu.memory_space<vmem>> -> memref<128xf32, #tpu.memory_space<vmem>>
          %dma_start3A_196 = arith.constant 0 : i32
          %dma_start3A_197 = tpu.memref_slice %arg11[%add3A_178, %dma_start3A_196] : memref<102x128xf32, #tpu.memory_space<vmem_shared>> -> memref<1x128xf32, #tpu.memory_space<vmem_shared>>
          %dma_start3A_198 = tpu.memref_squeeze %dma_start3A_197 : memref<1x128xf32, #tpu.memory_space<vmem_shared>> -> memref<128xf32, #tpu.memory_space<vmem_shared>>
          %dma_start3A_199 = tpu.memref_slice %arg22[%add3A_194] : memref<8192xf32, #tpu.memory_space<vmem>> -> memref<128xf32, #tpu.memory_space<vmem>>
          %dma_start3A_200 = arith.constant 0 : i32
          %dma_start3A_201 = tpu.memref_slice %arg11[%add3A_178, %dma_start3A_200] : memref<102x128xf32, #tpu.memory_space<vmem_shared>> -> memref<1x128xf32, #tpu.memory_space<vmem_shared>>
          %dma_start3A_202 = tpu.memref_squeeze %dma_start3A_201 : memref<1x128xf32, #tpu.memory_space<vmem_shared>> -> memref<128xf32, #tpu.memory_space<vmem_shared>>
          tpu.enqueue_dma source(%dma_start3A_202 : memref<128xf32, #tpu.memory_space<vmem_shared>>) target(%dma_start3A_199 : memref<128xf32, #tpu.memory_space<vmem>>) target_semaphore(%arg36 : memref<!tpu.dma_semaphore, #tpu.memory_space<semaphore_mem>>)
          %scan3A_203 = arith.constant 1 : i32
          %scan3A_204 = arith.addi %scan3A_163, %scan3A_203 : i32
          %eq3A_205 = vector.broadcast %scan3A_204 : i32 to vector<16xi32>
          %eq3A_206 = arith.cmpi eq, %iota3A, %eq3A_205 : vector<16xi32>
          %jit3A_207 = arith.constant 0 : i32
          %broadcast_in_dim3A_208 = vector.broadcast %jit3A_207 : i32 to vector<16xi32>
          %select_n3A_209 = arith.select %eq3A_206, %get3A_114, %broadcast_in_dim3A_208 : vector<16xi1>, vector<16xi32>
          %reduce_sum3A_210 = arith.constant true
          %reduce_sum3A_211 = vector.broadcast %reduce_sum3A_210 : i1 to vector<16xi1>
          %reduce_sum3A_212 = tpu.scan <sum>, %select_n3A_209 masked %reduce_sum3A_211 : vector<16xi32>, vector<16xi1> -> vector<16xi32>
          %reduce_sum3A_213 = vector.extract %reduce_sum3A_212[15] : i32 from vector<16xi32>
          %and3A_214 = arith.constant 127 : i32
          %and3A_215 = arith.andi %reduce_sum3A_213, %and3A_214 : i32
          %shift_right_arithmetic3A_216 = arith.constant 7 : i32
          %shift_right_arithmetic3A_217 = arith.shrsi %reduce_sum3A_213, %shift_right_arithmetic3A_216 : i32
          %and3A_218 = arith.constant 1 : i32
          %and3A_219 = arith.andi %shift_right_arithmetic3A_217, %and3A_218 : i32
          %add3A_220 = arith.constant 100 : i32
          %add3A_221 = arith.addi %and3A_219, %add3A_220 : i32
          %mul3A_222 = arith.constant 512 : i32
          %mul3A_223 = arith.muli %scan3A_204, %mul3A_222 : i32
          %add3A_224 = arith.constant 0 : i32
          %add3A_225 = arith.addi %mul3A_223, %add3A_224 : i32
          %dma_start3A_226 = tpu.memref_slice %arg22[%add3A_225] : memref<8192xf32, #tpu.memory_space<vmem>> -> memref<128xf32, #tpu.memory_space<vmem>>
          %dma_start3A_227 = arith.constant 0 : i32
          %dma_start3A_228 = tpu.memref_slice %arg11[%and3A_215, %dma_start3A_227] : memref<102x128xf32, #tpu.memory_space<vmem_shared>> -> memref<1x128xf32, #tpu.memory_space<vmem_shared>>
          %dma_start3A_229 = tpu.memref_squeeze %dma_start3A_228 : memref<1x128xf32, #tpu.memory_space<vmem_shared>> -> memref<128xf32, #tpu.memory_space<vmem_shared>>
          %dma_start3A_230 = tpu.memref_slice %arg22[%add3A_225] : memref<8192xf32, #tpu.memory_space<vmem>> -> memref<128xf32, #tpu.memory_space<vmem>>
          %dma_start3A_231 = arith.constant 0 : i32
          %dma_start3A_232 = tpu.memref_slice %arg11[%and3A_215, %dma_start3A_231] : memref<102x128xf32, #tpu.memory_space<vmem_shared>> -> memref<1x128xf32, #tpu.memory_space<vmem_shared>>
          %dma_start3A_233 = tpu.memref_squeeze %dma_start3A_232 : memref<1x128xf32, #tpu.memory_space<vmem_shared>> -> memref<128xf32, #tpu.memory_space<vmem_shared>>
          tpu.enqueue_dma source(%dma_start3A_233 : memref<128xf32, #tpu.memory_space<vmem_shared>>) target(%dma_start3A_230 : memref<128xf32, #tpu.memory_space<vmem>>) target_semaphore(%arg36 : memref<!tpu.dma_semaphore, #tpu.memory_space<semaphore_mem>>)
          %mul3A_234 = arith.constant 512 : i32
          %mul3A_235 = arith.muli %scan3A_204, %mul3A_234 : i32
          %add3A_236 = arith.constant 128 : i32
          %add3A_237 = arith.addi %mul3A_235, %add3A_236 : i32
          %dma_start3A_238 = tpu.memref_slice %arg22[%add3A_237] : memref<8192xf32, #tpu.memory_space<vmem>> -> memref<128xf32, #tpu.memory_space<vmem>>
          %dma_start3A_239 = arith.constant 0 : i32
          %dma_start3A_240 = tpu.memref_slice %arg11[%add3A_221, %dma_start3A_239] : memref<102x128xf32, #tpu.memory_space<vmem_shared>> -> memref<1x128xf32, #tpu.memory_space<vmem_shared>>
          %dma_start3A_241 = tpu.memref_squeeze %dma_start3A_240 : memref<1x128xf32, #tpu.memory_space<vmem_shared>> -> memref<128xf32, #tpu.memory_space<vmem_shared>>
          %dma_start3A_242 = tpu.memref_slice %arg22[%add3A_237] : memref<8192xf32, #tpu.memory_space<vmem>> -> memref<128xf32, #tpu.memory_space<vmem>>
          %dma_start3A_243 = arith.constant 0 : i32
          %dma_start3A_244 = tpu.memref_slice %arg11[%add3A_221, %dma_start3A_243] : memref<102x128xf32, #tpu.memory_space<vmem_shared>> -> memref<1x128xf32, #tpu.memory_space<vmem_shared>>
          %dma_start3A_245 = tpu.memref_squeeze %dma_start3A_244 : memref<1x128xf32, #tpu.memory_space<vmem_shared>> -> memref<128xf32, #tpu.memory_space<vmem_shared>>
          tpu.enqueue_dma source(%dma_start3A_245 : memref<128xf32, #tpu.memory_space<vmem_shared>>) target(%dma_start3A_242 : memref<128xf32, #tpu.memory_space<vmem>>) target_semaphore(%arg36 : memref<!tpu.dma_semaphore, #tpu.memory_space<semaphore_mem>>)
          %scan3A_246 = arith.constant 2 : i32
          %scan3A_247 = arith.addi %scan3A_163, %scan3A_246 : i32
          %eq3A_248 = vector.broadcast %scan3A_247 : i32 to vector<16xi32>
          %eq3A_249 = arith.cmpi eq, %iota3A, %eq3A_248 : vector<16xi32>
          %jit3A_250 = arith.constant 0 : i32
          %broadcast_in_dim3A_251 = vector.broadcast %jit3A_250 : i32 to vector<16xi32>
          %select_n3A_252 = arith.select %eq3A_249, %get3A_114, %broadcast_in_dim3A_251 : vector<16xi1>, vector<16xi32>
          %reduce_sum3A_253 = arith.constant true
          %reduce_sum3A_254 = vector.broadcast %reduce_sum3A_253 : i1 to vector<16xi1>
          %reduce_sum3A_255 = tpu.scan <sum>, %select_n3A_252 masked %reduce_sum3A_254 : vector<16xi32>, vector<16xi1> -> vector<16xi32>
          %reduce_sum3A_256 = vector.extract %reduce_sum3A_255[15] : i32 from vector<16xi32>
          %and3A_257 = arith.constant 127 : i32
          %and3A_258 = arith.andi %reduce_sum3A_256, %and3A_257 : i32
          %shift_right_arithmetic3A_259 = arith.constant 7 : i32
          %shift_right_arithmetic3A_260 = arith.shrsi %reduce_sum3A_256, %shift_right_arithmetic3A_259 : i32
          %and3A_261 = arith.constant 1 : i32
          %and3A_262 = arith.andi %shift_right_arithmetic3A_260, %and3A_261 : i32
          %add3A_263 = arith.constant 100 : i32
          %add3A_264 = arith.addi %and3A_262, %add3A_263 : i32
          %mul3A_265 = arith.constant 512 : i32
          %mul3A_266 = arith.muli %scan3A_247, %mul3A_265 : i32
          %add3A_267 = arith.constant 0 : i32
          %add3A_268 = arith.addi %mul3A_266, %add3A_267 : i32
          %dma_start3A_269 = tpu.memref_slice %arg22[%add3A_268] : memref<8192xf32, #tpu.memory_space<vmem>> -> memref<128xf32, #tpu.memory_space<vmem>>
          %dma_start3A_270 = arith.constant 0 : i32
          %dma_start3A_271 = tpu.memref_slice %arg11[%and3A_258, %dma_start3A_270] : memref<102x128xf32, #tpu.memory_space<vmem_shared>> -> memref<1x128xf32, #tpu.memory_space<vmem_shared>>
          %dma_start3A_272 = tpu.memref_squeeze %dma_start3A_271 : memref<1x128xf32, #tpu.memory_space<vmem_shared>> -> memref<128xf32, #tpu.memory_space<vmem_shared>>
          %dma_start3A_273 = tpu.memref_slice %arg22[%add3A_268] : memref<8192xf32, #tpu.memory_space<vmem>> -> memref<128xf32, #tpu.memory_space<vmem>>
          %dma_start3A_274 = arith.constant 0 : i32
          %dma_start3A_275 = tpu.memref_slice %arg11[%and3A_258, %dma_start3A_274] : memref<102x128xf32, #tpu.memory_space<vmem_shared>> -> memref<1x128xf32, #tpu.memory_space<vmem_shared>>
          %dma_start3A_276 = tpu.memref_squeeze %dma_start3A_275 : memref<1x128xf32, #tpu.memory_space<vmem_shared>> -> memref<128xf32, #tpu.memory_space<vmem_shared>>
          tpu.enqueue_dma source(%dma_start3A_276 : memref<128xf32, #tpu.memory_space<vmem_shared>>) target(%dma_start3A_273 : memref<128xf32, #tpu.memory_space<vmem>>) target_semaphore(%arg36 : memref<!tpu.dma_semaphore, #tpu.memory_space<semaphore_mem>>)
          %mul3A_277 = arith.constant 512 : i32
          %mul3A_278 = arith.muli %scan3A_247, %mul3A_277 : i32
          %add3A_279 = arith.constant 128 : i32
          %add3A_280 = arith.addi %mul3A_278, %add3A_279 : i32
          %dma_start3A_281 = tpu.memref_slice %arg22[%add3A_280] : memref<8192xf32, #tpu.memory_space<vmem>> -> memref<128xf32, #tpu.memory_space<vmem>>
          %dma_start3A_282 = arith.constant 0 : i32
          %dma_start3A_283 = tpu.memref_slice %arg11[%add3A_264, %dma_start3A_282] : memref<102x128xf32, #tpu.memory_space<vmem_shared>> -> memref<1x128xf32, #tpu.memory_space<vmem_shared>>
          %dma_start3A_284 = tpu.memref_squeeze %dma_start3A_283 : memref<1x128xf32, #tpu.memory_space<vmem_shared>> -> memref<128xf32, #tpu.memory_space<vmem_shared>>
          %dma_start3A_285 = tpu.memref_slice %arg22[%add3A_280] : memref<8192xf32, #tpu.memory_space<vmem>> -> memref<128xf32, #tpu.memory_space<vmem>>
          %dma_start3A_286 = arith.constant 0 : i32
          %dma_start3A_287 = tpu.memref_slice %arg11[%add3A_264, %dma_start3A_286] : memref<102x128xf32, #tpu.memory_space<vmem_shared>> -> memref<1x128xf32, #tpu.memory_space<vmem_shared>>
          %dma_start3A_288 = tpu.memref_squeeze %dma_start3A_287 : memref<1x128xf32, #tpu.memory_space<vmem_shared>> -> memref<128xf32, #tpu.memory_space<vmem_shared>>
          tpu.enqueue_dma source(%dma_start3A_288 : memref<128xf32, #tpu.memory_space<vmem_shared>>) target(%dma_start3A_285 : memref<128xf32, #tpu.memory_space<vmem>>) target_semaphore(%arg36 : memref<!tpu.dma_semaphore, #tpu.memory_space<semaphore_mem>>)
          %scan3A_289 = arith.constant 3 : i32
          %scan3A_290 = arith.addi %scan3A_163, %scan3A_289 : i32
          %eq3A_291 = vector.broadcast %scan3A_290 : i32 to vector<16xi32>
          %eq3A_292 = arith.cmpi eq, %iota3A, %eq3A_291 : vector<16xi32>
          %jit3A_293 = arith.constant 0 : i32
          %broadcast_in_dim3A_294 = vector.broadcast %jit3A_293 : i32 to vector<16xi32>
          %select_n3A_295 = arith.select %eq3A_292, %get3A_114, %broadcast_in_dim3A_294 : vector<16xi1>, vector<16xi32>
          %reduce_sum3A_296 = arith.constant true
          %reduce_sum3A_297 = vector.broadcast %reduce_sum3A_296 : i1 to vector<16xi1>
          %reduce_sum3A_298 = tpu.scan <sum>, %select_n3A_295 masked %reduce_sum3A_297 : vector<16xi32>, vector<16xi1> -> vector<16xi32>
          %reduce_sum3A_299 = vector.extract %reduce_sum3A_298[15] : i32 from vector<16xi32>
          %and3A_300 = arith.constant 127 : i32
          %and3A_301 = arith.andi %reduce_sum3A_299, %and3A_300 : i32
          %shift_right_arithmetic3A_302 = arith.constant 7 : i32
          %shift_right_arithmetic3A_303 = arith.shrsi %reduce_sum3A_299, %shift_right_arithmetic3A_302 : i32
          %and3A_304 = arith.constant 1 : i32
          %and3A_305 = arith.andi %shift_right_arithmetic3A_303, %and3A_304 : i32
          %add3A_306 = arith.constant 100 : i32
          %add3A_307 = arith.addi %and3A_305, %add3A_306 : i32
          %mul3A_308 = arith.constant 512 : i32
          %mul3A_309 = arith.muli %scan3A_290, %mul3A_308 : i32
          %add3A_310 = arith.constant 0 : i32
          %add3A_311 = arith.addi %mul3A_309, %add3A_310 : i32
          %dma_start3A_312 = tpu.memref_slice %arg22[%add3A_311] : memref<8192xf32, #tpu.memory_space<vmem>> -> memref<128xf32, #tpu.memory_space<vmem>>
          %dma_start3A_313 = arith.constant 0 : i32
          %dma_start3A_314 = tpu.memref_slice %arg11[%and3A_301, %dma_start3A_313] : memref<102x128xf32, #tpu.memory_space<vmem_shared>> -> memref<1x128xf32, #tpu.memory_space<vmem_shared>>
          %dma_start3A_315 = tpu.memref_squeeze %dma_start3A_314 : memref<1x128xf32, #tpu.memory_space<vmem_shared>> -> memref<128xf32, #tpu.memory_space<vmem_shared>>
          %dma_start3A_316 = tpu.memref_slice %arg22[%add3A_311] : memref<8192xf32, #tpu.memory_space<vmem>> -> memref<128xf32, #tpu.memory_space<vmem>>
          %dma_start3A_317 = arith.constant 0 : i32
          %dma_start3A_318 = tpu.memref_slice %arg11[%and3A_301, %dma_start3A_317] : memref<102x128xf32, #tpu.memory_space<vmem_shared>> -> memref<1x128xf32, #tpu.memory_space<vmem_shared>>
          %dma_start3A_319 = tpu.memref_squeeze %dma_start3A_318 : memref<1x128xf32, #tpu.memory_space<vmem_shared>> -> memref<128xf32, #tpu.memory_space<vmem_shared>>
          tpu.enqueue_dma source(%dma_start3A_319 : memref<128xf32, #tpu.memory_space<vmem_shared>>) target(%dma_start3A_316 : memref<128xf32, #tpu.memory_space<vmem>>) target_semaphore(%arg36 : memref<!tpu.dma_semaphore, #tpu.memory_space<semaphore_mem>>)
          %mul3A_320 = arith.constant 512 : i32
          %mul3A_321 = arith.muli %scan3A_290, %mul3A_320 : i32
          %add3A_322 = arith.constant 128 : i32
          %add3A_323 = arith.addi %mul3A_321, %add3A_322 : i32
          %dma_start3A_324 = tpu.memref_slice %arg22[%add3A_323] : memref<8192xf32, #tpu.memory_space<vmem>> -> memref<128xf32, #tpu.memory_space<vmem>>
          %dma_start3A_325 = arith.constant 0 : i32
          %dma_start3A_326 = tpu.memref_slice %arg11[%add3A_307, %dma_start3A_325] : memref<102x128xf32, #tpu.memory_space<vmem_shared>> -> memref<1x128xf32, #tpu.memory_space<vmem_shared>>
          %dma_start3A_327 = tpu.memref_squeeze %dma_start3A_326 : memref<1x128xf32, #tpu.memory_space<vmem_shared>> -> memref<128xf32, #tpu.memory_space<vmem_shared>>
          %dma_start3A_328 = tpu.memref_slice %arg22[%add3A_323] : memref<8192xf32, #tpu.memory_space<vmem>> -> memref<128xf32, #tpu.memory_space<vmem>>
          %dma_start3A_329 = arith.constant 0 : i32
          %dma_start3A_330 = tpu.memref_slice %arg11[%add3A_307, %dma_start3A_329] : memref<102x128xf32, #tpu.memory_space<vmem_shared>> -> memref<1x128xf32, #tpu.memory_space<vmem_shared>>
          %dma_start3A_331 = tpu.memref_squeeze %dma_start3A_330 : memref<1x128xf32, #tpu.memory_space<vmem_shared>> -> memref<128xf32, #tpu.memory_space<vmem_shared>>
          tpu.enqueue_dma source(%dma_start3A_331 : memref<128xf32, #tpu.memory_space<vmem_shared>>) target(%dma_start3A_328 : memref<128xf32, #tpu.memory_space<vmem>>) target_semaphore(%arg36 : memref<!tpu.dma_semaphore, #tpu.memory_space<semaphore_mem>>)
        }
        %scan3A_124 = arith.constant 16 : i32
        %shift_right_arithmetic3A = arith.constant 8 : i32
        %shift_right_arithmetic3A_125 = vector.broadcast %shift_right_arithmetic3A : i32 to vector<16xi32>
        %shift_right_arithmetic3A_126 = arith.shrsi %get3A_114, %shift_right_arithmetic3A_125 : vector<16xi32>
        %and3A = arith.constant 15 : i32
        %and3A_127 = vector.broadcast %and3A : i32 to vector<16xi32>
        %and3A_128 = arith.andi %shift_right_arithmetic3A_126, %and3A_127 : vector<16xi32>
        %shift_right_arithmetic3A_129 = arith.constant 12 : i32
        %shift_right_arithmetic3A_130 = vector.broadcast %shift_right_arithmetic3A_129 : i32 to vector<16xi32>
        %shift_right_arithmetic3A_131 = arith.shrsi %get3A_114, %shift_right_arithmetic3A_130 : vector<16xi32>
        %add3A_132 = arith.constant 9 : i32
        %add3A_133 = vector.broadcast %add3A_132 : i32 to vector<16xi32>
        %add3A_134 = arith.addi %shift_right_arithmetic3A_131, %add3A_133 : vector<16xi32>
        %mul3A_135 = arith.constant 512 : i32
        %mul3A_136 = vector.broadcast %mul3A_135 : i32 to vector<16xi32>
        %mul3A_137 = arith.muli %iota3A, %mul3A_136 : vector<16xi32>
        %add3A_138 = arith.constant 256 : i32
        %add3A_139 = vector.broadcast %add3A_138 : i32 to vector<16xi32>
        %add3A_140 = arith.addi %mul3A_137, %add3A_139 : vector<16xi32>
        %mul3A_141 = arith.constant 512 : i32
        %mul3A_142 = vector.broadcast %mul3A_141 : i32 to vector<16xi32>
        %mul3A_143 = arith.muli %iota3A, %mul3A_142 : vector<16xi32>
        %add3A_144 = arith.constant 384 : i32
        %add3A_145 = vector.broadcast %add3A_144 : i32 to vector<16xi32>
        %add3A_146 = arith.addi %mul3A_143, %add3A_145 : vector<16xi32>
        %parallel_loop3A = arith.constant 0 : i32
        %parallel_loop3A_147 = arith.constant 128 : i32
        %parallel_loop3A_148 = arith.constant 1 : i32
        scf.for %parallel_loop3A_163 = %parallel_loop3A to %parallel_loop3A_147 step %parallel_loop3A_148  : i32 {
          %parallel_loop3A_164 = vector.broadcast %parallel_loop3A_163 : i32 to vector<16xi32>
          %parallel_loop3A_165 = arith.addi %iota3A, %parallel_loop3A_164 : vector<16xi32>
          %parallel_loop3A_166 = arith.constant 127 : i32
          %parallel_loop3A_167 = vector.broadcast %parallel_loop3A_166 : i32 to vector<16xi32>
          %parallel_loop3A_168 = arith.andi %parallel_loop3A_165, %parallel_loop3A_167 : vector<16xi32>
          %parallel_loop3A_169 = tpu.vector_load_idx %arg12[%and3A_128, %parallel_loop3A_168] : memref<18x128xf32, #tpu.memory_space<vmem>>[vector<16xi32>, vector<16xi32>], vector<16xf32>,
          %parallel_loop3A_170 = arith.addi %add3A_140, %parallel_loop3A_168 : vector<16xi32>
          tpu.vector_store_idx %arg22[%parallel_loop3A_170], %parallel_loop3A_169 : memref<8192xf32, #tpu.memory_space<vmem>>[vector<16xi32>], vector<16xf32>,
          %parallel_loop3A_171 = tpu.vector_load_idx %arg12[%add3A_134, %parallel_loop3A_168] : memref<18x128xf32, #tpu.memory_space<vmem>>[vector<16xi32>, vector<16xi32>], vector<16xf32>,
          %parallel_loop3A_172 = arith.addi %add3A_146, %parallel_loop3A_168 : vector<16xi32>
          tpu.vector_store_idx %arg22[%parallel_loop3A_172], %parallel_loop3A_171 : memref<8192xf32, #tpu.memory_space<vmem>>[vector<16xi32>], vector<16xf32>,
        } {sc.loop_unroll_factor = 8 : i64, sc.parallel_access}
        %dma_wait3A_149 = arith.constant 0 : i32
        %dma_wait3A_150 = tpu.memref_slice %arg22[%dma_wait3A_149] : memref<8192xf32, #tpu.memory_space<vmem>> -> memref<4096xf32, #tpu.memory_space<vmem>>
        %dma_wait3A_151 = arith.constant 0 : i32
        %dma_wait3A_152 = tpu.memref_slice %arg10[%dma_wait3A_151] : memref<51200000xf32, #tpu.memory_space<hbm>> -> memref<4096xf32, #tpu.memory_space<hbm>>
        %dma_wait3A_153 = arith.constant 0 : i32
        %dma_wait3A_154 = tpu.memref_slice %arg22[%dma_wait3A_153] : memref<8192xf32, #tpu.memory_space<vmem>> -> memref<4096xf32, #tpu.memory_space<vmem>>
        %dma_wait3A_155 = arith.constant 0 : i32
        %dma_wait3A_156 = tpu.memref_slice %arg10[%dma_wait3A_155] : memref<51200000xf32, #tpu.memory_space<hbm>> -> memref<4096xf32, #tpu.memory_space<hbm>>
        tpu.wait_dma2 semaphore(%arg36 : memref<!tpu.dma_semaphore, #tpu.memory_space<semaphore_mem>>) src(%dma_wait3A_156 : memref<4096xf32, #tpu.memory_space<hbm>>) dst(%dma_wait3A_154 : memref<4096xf32, #tpu.memory_space<vmem>>)
        %mul3A_157 = arith.constant 16 : i32
        %mul3A_158 = arith.muli %add3A_91, %mul3A_157 : i32
        %add3A_159 = arith.addi %mul3A_2, %mul3A_158 : i32
        %mul3A_160 = arith.constant 512 : i32
        %mul3A_161 = arith.muli %add3A_159, %mul3A_160 : i32
        %dma_start3A = tpu.memref_slice %arg10[%mul3A_161] : memref<51200000xf32, #tpu.memory_space<hbm>> -> memref<8192xf32, #tpu.memory_space<hbm>>
        %dma_start3A_162 = tpu.memref_slice %arg10[%mul3A_161] : memref<51200000xf32, #tpu.memory_space<hbm>> -> memref<8192xf32, #tpu.memory_space<hbm>>
        tpu.enqueue_dma source(%arg22 : memref<8192xf32, #tpu.memory_space<vmem>>) target(%dma_start3A_162 : memref<8192xf32, #tpu.memory_space<hbm>>) target_semaphore(%arg29 : memref<!tpu.dma_semaphore, #tpu.memory_space<semaphore_mem>>)
      } else {
      }
      %mul3A_96 = arith.constant 7 : i32
      %mul3A_97 = arith.muli %scan3A_55, %mul3A_96 : i32
      %add3A_98 = arith.constant 5 : i32
      %add3A_99 = arith.addi %mul3A_97, %add3A_98 : i32
      %lt3A_100 = arith.cmpi slt, %add3A_99, %select_n3A : i32
      %convert_element_type3A_101 = arith.extui %lt3A_100 : i1 to i32
      %cond3A_102 = arith.constant 0 : i32
      %cond3A_103 = arith.cmpi ne, %convert_element_type3A_101, %cond3A_102 : i32
      scf.if %cond3A_103 {
        %mul3A_112 = arith.constant 16 : i32
        %mul3A_113 = arith.muli %add3A_99, %mul3A_112 : i32
        %get3A = arith.index_cast %mul3A_113 : i32 to index
        %get3A_114 = tpu.vector_load %arg17[%get3A] {strides = array<i32>} : memref<3136xi32, #tpu.memory_space<vmem>>, vector<16xi32>,
        %gt3A = arith.constant 0 : i32
        %gt3A_115 = arith.cmpi sgt, %scan3A_55, %gt3A : i32
        %convert_element_type3A_116 = arith.extui %gt3A_115 : i1 to i32
        %cond3A_117 = arith.constant 0 : i32
        %cond3A_118 = arith.cmpi ne, %convert_element_type3A_116, %cond3A_117 : i32
        scf.if %cond3A_118 {
          %dma_wait3A_163 = arith.constant 0 : i32
          %dma_wait3A_164 = tpu.memref_slice %arg10[%dma_wait3A_163] : memref<51200000xf32, #tpu.memory_space<hbm>> -> memref<8192xf32, #tpu.memory_space<hbm>>
          %dma_wait3A_165 = arith.constant 0 : i32
          %dma_wait3A_166 = tpu.memref_slice %arg10[%dma_wait3A_165] : memref<51200000xf32, #tpu.memory_space<hbm>> -> memref<8192xf32, #tpu.memory_space<hbm>>
          tpu.wait_dma2 semaphore(%arg30 : memref<!tpu.dma_semaphore, #tpu.memory_space<semaphore_mem>>) src(%arg23 : memref<8192xf32, #tpu.memory_space<vmem>>) dst(%dma_wait3A_166 : memref<8192xf32, #tpu.memory_space<hbm>>)
        } else {
        }
        %scan3A_119 = arith.constant 0 : i32
        %scan3A_120 = arith.constant 0 : i32
        %scan3A_121 = arith.constant 16 : i32
        %scan3A_122 = arith.addi %scan3A_120, %scan3A_121 : i32
        %scan3A_123 = arith.constant 4 : i32
        scf.for %scan3A_163 = %scan3A_120 to %scan3A_122 step %scan3A_123  : i32 {
          %eq3A_164 = vector.broadcast %scan3A_163 : i32 to vector<16xi32>
          %eq3A_165 = arith.cmpi eq, %iota3A, %eq3A_164 : vector<16xi32>
          %jit3A_166 = arith.constant 0 : i32
          %broadcast_in_dim3A = vector.broadcast %jit3A_166 : i32 to vector<16xi32>
          %select_n3A_167 = arith.select %eq3A_165, %get3A_114, %broadcast_in_dim3A : vector<16xi1>, vector<16xi32>
          %reduce_sum3A = arith.constant true
          %reduce_sum3A_168 = vector.broadcast %reduce_sum3A : i1 to vector<16xi1>
          %reduce_sum3A_169 = tpu.scan <sum>, %select_n3A_167 masked %reduce_sum3A_168 : vector<16xi32>, vector<16xi1> -> vector<16xi32>
          %reduce_sum3A_170 = vector.extract %reduce_sum3A_169[15] : i32 from vector<16xi32>
          %and3A_171 = arith.constant 127 : i32
          %and3A_172 = arith.andi %reduce_sum3A_170, %and3A_171 : i32
          %shift_right_arithmetic3A_173 = arith.constant 7 : i32
          %shift_right_arithmetic3A_174 = arith.shrsi %reduce_sum3A_170, %shift_right_arithmetic3A_173 : i32
          %and3A_175 = arith.constant 1 : i32
          %and3A_176 = arith.andi %shift_right_arithmetic3A_174, %and3A_175 : i32
          %add3A_177 = arith.constant 100 : i32
          %add3A_178 = arith.addi %and3A_176, %add3A_177 : i32
          %mul3A_179 = arith.constant 512 : i32
          %mul3A_180 = arith.muli %scan3A_163, %mul3A_179 : i32
          %add3A_181 = arith.constant 0 : i32
          %add3A_182 = arith.addi %mul3A_180, %add3A_181 : i32
          %dma_start3A_183 = tpu.memref_slice %arg23[%add3A_182] : memref<8192xf32, #tpu.memory_space<vmem>> -> memref<128xf32, #tpu.memory_space<vmem>>
          %dma_start3A_184 = arith.constant 0 : i32
          %dma_start3A_185 = tpu.memref_slice %arg11[%and3A_172, %dma_start3A_184] : memref<102x128xf32, #tpu.memory_space<vmem_shared>> -> memref<1x128xf32, #tpu.memory_space<vmem_shared>>
          %dma_start3A_186 = tpu.memref_squeeze %dma_start3A_185 : memref<1x128xf32, #tpu.memory_space<vmem_shared>> -> memref<128xf32, #tpu.memory_space<vmem_shared>>
          %dma_start3A_187 = tpu.memref_slice %arg23[%add3A_182] : memref<8192xf32, #tpu.memory_space<vmem>> -> memref<128xf32, #tpu.memory_space<vmem>>
          %dma_start3A_188 = arith.constant 0 : i32
          %dma_start3A_189 = tpu.memref_slice %arg11[%and3A_172, %dma_start3A_188] : memref<102x128xf32, #tpu.memory_space<vmem_shared>> -> memref<1x128xf32, #tpu.memory_space<vmem_shared>>
          %dma_start3A_190 = tpu.memref_squeeze %dma_start3A_189 : memref<1x128xf32, #tpu.memory_space<vmem_shared>> -> memref<128xf32, #tpu.memory_space<vmem_shared>>
          tpu.enqueue_dma source(%dma_start3A_190 : memref<128xf32, #tpu.memory_space<vmem_shared>>) target(%dma_start3A_187 : memref<128xf32, #tpu.memory_space<vmem>>) target_semaphore(%arg37 : memref<!tpu.dma_semaphore, #tpu.memory_space<semaphore_mem>>)
          %mul3A_191 = arith.constant 512 : i32
          %mul3A_192 = arith.muli %scan3A_163, %mul3A_191 : i32
          %add3A_193 = arith.constant 128 : i32
          %add3A_194 = arith.addi %mul3A_192, %add3A_193 : i32
          %dma_start3A_195 = tpu.memref_slice %arg23[%add3A_194] : memref<8192xf32, #tpu.memory_space<vmem>> -> memref<128xf32, #tpu.memory_space<vmem>>
          %dma_start3A_196 = arith.constant 0 : i32
          %dma_start3A_197 = tpu.memref_slice %arg11[%add3A_178, %dma_start3A_196] : memref<102x128xf32, #tpu.memory_space<vmem_shared>> -> memref<1x128xf32, #tpu.memory_space<vmem_shared>>
          %dma_start3A_198 = tpu.memref_squeeze %dma_start3A_197 : memref<1x128xf32, #tpu.memory_space<vmem_shared>> -> memref<128xf32, #tpu.memory_space<vmem_shared>>
          %dma_start3A_199 = tpu.memref_slice %arg23[%add3A_194] : memref<8192xf32, #tpu.memory_space<vmem>> -> memref<128xf32, #tpu.memory_space<vmem>>
          %dma_start3A_200 = arith.constant 0 : i32
          %dma_start3A_201 = tpu.memref_slice %arg11[%add3A_178, %dma_start3A_200] : memref<102x128xf32, #tpu.memory_space<vmem_shared>> -> memref<1x128xf32, #tpu.memory_space<vmem_shared>>
          %dma_start3A_202 = tpu.memref_squeeze %dma_start3A_201 : memref<1x128xf32, #tpu.memory_space<vmem_shared>> -> memref<128xf32, #tpu.memory_space<vmem_shared>>
          tpu.enqueue_dma source(%dma_start3A_202 : memref<128xf32, #tpu.memory_space<vmem_shared>>) target(%dma_start3A_199 : memref<128xf32, #tpu.memory_space<vmem>>) target_semaphore(%arg37 : memref<!tpu.dma_semaphore, #tpu.memory_space<semaphore_mem>>)
          %scan3A_203 = arith.constant 1 : i32
          %scan3A_204 = arith.addi %scan3A_163, %scan3A_203 : i32
          %eq3A_205 = vector.broadcast %scan3A_204 : i32 to vector<16xi32>
          %eq3A_206 = arith.cmpi eq, %iota3A, %eq3A_205 : vector<16xi32>
          %jit3A_207 = arith.constant 0 : i32
          %broadcast_in_dim3A_208 = vector.broadcast %jit3A_207 : i32 to vector<16xi32>
          %select_n3A_209 = arith.select %eq3A_206, %get3A_114, %broadcast_in_dim3A_208 : vector<16xi1>, vector<16xi32>
          %reduce_sum3A_210 = arith.constant true
          %reduce_sum3A_211 = vector.broadcast %reduce_sum3A_210 : i1 to vector<16xi1>
          %reduce_sum3A_212 = tpu.scan <sum>, %select_n3A_209 masked %reduce_sum3A_211 : vector<16xi32>, vector<16xi1> -> vector<16xi32>
          %reduce_sum3A_213 = vector.extract %reduce_sum3A_212[15] : i32 from vector<16xi32>
          %and3A_214 = arith.constant 127 : i32
          %and3A_215 = arith.andi %reduce_sum3A_213, %and3A_214 : i32
          %shift_right_arithmetic3A_216 = arith.constant 7 : i32
          %shift_right_arithmetic3A_217 = arith.shrsi %reduce_sum3A_213, %shift_right_arithmetic3A_216 : i32
          %and3A_218 = arith.constant 1 : i32
          %and3A_219 = arith.andi %shift_right_arithmetic3A_217, %and3A_218 : i32
          %add3A_220 = arith.constant 100 : i32
          %add3A_221 = arith.addi %and3A_219, %add3A_220 : i32
          %mul3A_222 = arith.constant 512 : i32
          %mul3A_223 = arith.muli %scan3A_204, %mul3A_222 : i32
          %add3A_224 = arith.constant 0 : i32
          %add3A_225 = arith.addi %mul3A_223, %add3A_224 : i32
          %dma_start3A_226 = tpu.memref_slice %arg23[%add3A_225] : memref<8192xf32, #tpu.memory_space<vmem>> -> memref<128xf32, #tpu.memory_space<vmem>>
          %dma_start3A_227 = arith.constant 0 : i32
          %dma_start3A_228 = tpu.memref_slice %arg11[%and3A_215, %dma_start3A_227] : memref<102x128xf32, #tpu.memory_space<vmem_shared>> -> memref<1x128xf32, #tpu.memory_space<vmem_shared>>
          %dma_start3A_229 = tpu.memref_squeeze %dma_start3A_228 : memref<1x128xf32, #tpu.memory_space<vmem_shared>> -> memref<128xf32, #tpu.memory_space<vmem_shared>>
          %dma_start3A_230 = tpu.memref_slice %arg23[%add3A_225] : memref<8192xf32, #tpu.memory_space<vmem>> -> memref<128xf32, #tpu.memory_space<vmem>>
          %dma_start3A_231 = arith.constant 0 : i32
          %dma_start3A_232 = tpu.memref_slice %arg11[%and3A_215, %dma_start3A_231] : memref<102x128xf32, #tpu.memory_space<vmem_shared>> -> memref<1x128xf32, #tpu.memory_space<vmem_shared>>
          %dma_start3A_233 = tpu.memref_squeeze %dma_start3A_232 : memref<1x128xf32, #tpu.memory_space<vmem_shared>> -> memref<128xf32, #tpu.memory_space<vmem_shared>>
          tpu.enqueue_dma source(%dma_start3A_233 : memref<128xf32, #tpu.memory_space<vmem_shared>>) target(%dma_start3A_230 : memref<128xf32, #tpu.memory_space<vmem>>) target_semaphore(%arg37 : memref<!tpu.dma_semaphore, #tpu.memory_space<semaphore_mem>>)
          %mul3A_234 = arith.constant 512 : i32
          %mul3A_235 = arith.muli %scan3A_204, %mul3A_234 : i32
          %add3A_236 = arith.constant 128 : i32
          %add3A_237 = arith.addi %mul3A_235, %add3A_236 : i32
          %dma_start3A_238 = tpu.memref_slice %arg23[%add3A_237] : memref<8192xf32, #tpu.memory_space<vmem>> -> memref<128xf32, #tpu.memory_space<vmem>>
          %dma_start3A_239 = arith.constant 0 : i32
          %dma_start3A_240 = tpu.memref_slice %arg11[%add3A_221, %dma_start3A_239] : memref<102x128xf32, #tpu.memory_space<vmem_shared>> -> memref<1x128xf32, #tpu.memory_space<vmem_shared>>
          %dma_start3A_241 = tpu.memref_squeeze %dma_start3A_240 : memref<1x128xf32, #tpu.memory_space<vmem_shared>> -> memref<128xf32, #tpu.memory_space<vmem_shared>>
          %dma_start3A_242 = tpu.memref_slice %arg23[%add3A_237] : memref<8192xf32, #tpu.memory_space<vmem>> -> memref<128xf32, #tpu.memory_space<vmem>>
          %dma_start3A_243 = arith.constant 0 : i32
          %dma_start3A_244 = tpu.memref_slice %arg11[%add3A_221, %dma_start3A_243] : memref<102x128xf32, #tpu.memory_space<vmem_shared>> -> memref<1x128xf32, #tpu.memory_space<vmem_shared>>
          %dma_start3A_245 = tpu.memref_squeeze %dma_start3A_244 : memref<1x128xf32, #tpu.memory_space<vmem_shared>> -> memref<128xf32, #tpu.memory_space<vmem_shared>>
          tpu.enqueue_dma source(%dma_start3A_245 : memref<128xf32, #tpu.memory_space<vmem_shared>>) target(%dma_start3A_242 : memref<128xf32, #tpu.memory_space<vmem>>) target_semaphore(%arg37 : memref<!tpu.dma_semaphore, #tpu.memory_space<semaphore_mem>>)
          %scan3A_246 = arith.constant 2 : i32
          %scan3A_247 = arith.addi %scan3A_163, %scan3A_246 : i32
          %eq3A_248 = vector.broadcast %scan3A_247 : i32 to vector<16xi32>
          %eq3A_249 = arith.cmpi eq, %iota3A, %eq3A_248 : vector<16xi32>
          %jit3A_250 = arith.constant 0 : i32
          %broadcast_in_dim3A_251 = vector.broadcast %jit3A_250 : i32 to vector<16xi32>
          %select_n3A_252 = arith.select %eq3A_249, %get3A_114, %broadcast_in_dim3A_251 : vector<16xi1>, vector<16xi32>
          %reduce_sum3A_253 = arith.constant true
          %reduce_sum3A_254 = vector.broadcast %reduce_sum3A_253 : i1 to vector<16xi1>
          %reduce_sum3A_255 = tpu.scan <sum>, %select_n3A_252 masked %reduce_sum3A_254 : vector<16xi32>, vector<16xi1> -> vector<16xi32>
          %reduce_sum3A_256 = vector.extract %reduce_sum3A_255[15] : i32 from vector<16xi32>
          %and3A_257 = arith.constant 127 : i32
          %and3A_258 = arith.andi %reduce_sum3A_256, %and3A_257 : i32
          %shift_right_arithmetic3A_259 = arith.constant 7 : i32
          %shift_right_arithmetic3A_260 = arith.shrsi %reduce_sum3A_256, %shift_right_arithmetic3A_259 : i32
          %and3A_261 = arith.constant 1 : i32
          %and3A_262 = arith.andi %shift_right_arithmetic3A_260, %and3A_261 : i32
          %add3A_263 = arith.constant 100 : i32
          %add3A_264 = arith.addi %and3A_262, %add3A_263 : i32
          %mul3A_265 = arith.constant 512 : i32
          %mul3A_266 = arith.muli %scan3A_247, %mul3A_265 : i32
          %add3A_267 = arith.constant 0 : i32
          %add3A_268 = arith.addi %mul3A_266, %add3A_267 : i32
          %dma_start3A_269 = tpu.memref_slice %arg23[%add3A_268] : memref<8192xf32, #tpu.memory_space<vmem>> -> memref<128xf32, #tpu.memory_space<vmem>>
          %dma_start3A_270 = arith.constant 0 : i32
          %dma_start3A_271 = tpu.memref_slice %arg11[%and3A_258, %dma_start3A_270] : memref<102x128xf32, #tpu.memory_space<vmem_shared>> -> memref<1x128xf32, #tpu.memory_space<vmem_shared>>
          %dma_start3A_272 = tpu.memref_squeeze %dma_start3A_271 : memref<1x128xf32, #tpu.memory_space<vmem_shared>> -> memref<128xf32, #tpu.memory_space<vmem_shared>>
          %dma_start3A_273 = tpu.memref_slice %arg23[%add3A_268] : memref<8192xf32, #tpu.memory_space<vmem>> -> memref<128xf32, #tpu.memory_space<vmem>>
          %dma_start3A_274 = arith.constant 0 : i32
          %dma_start3A_275 = tpu.memref_slice %arg11[%and3A_258, %dma_start3A_274] : memref<102x128xf32, #tpu.memory_space<vmem_shared>> -> memref<1x128xf32, #tpu.memory_space<vmem_shared>>
          %dma_start3A_276 = tpu.memref_squeeze %dma_start3A_275 : memref<1x128xf32, #tpu.memory_space<vmem_shared>> -> memref<128xf32, #tpu.memory_space<vmem_shared>>
          tpu.enqueue_dma source(%dma_start3A_276 : memref<128xf32, #tpu.memory_space<vmem_shared>>) target(%dma_start3A_273 : memref<128xf32, #tpu.memory_space<vmem>>) target_semaphore(%arg37 : memref<!tpu.dma_semaphore, #tpu.memory_space<semaphore_mem>>)
          %mul3A_277 = arith.constant 512 : i32
          %mul3A_278 = arith.muli %scan3A_247, %mul3A_277 : i32
          %add3A_279 = arith.constant 128 : i32
          %add3A_280 = arith.addi %mul3A_278, %add3A_279 : i32
          %dma_start3A_281 = tpu.memref_slice %arg23[%add3A_280] : memref<8192xf32, #tpu.memory_space<vmem>> -> memref<128xf32, #tpu.memory_space<vmem>>
          %dma_start3A_282 = arith.constant 0 : i32
          %dma_start3A_283 = tpu.memref_slice %arg11[%add3A_264, %dma_start3A_282] : memref<102x128xf32, #tpu.memory_space<vmem_shared>> -> memref<1x128xf32, #tpu.memory_space<vmem_shared>>
          %dma_start3A_284 = tpu.memref_squeeze %dma_start3A_283 : memref<1x128xf32, #tpu.memory_space<vmem_shared>> -> memref<128xf32, #tpu.memory_space<vmem_shared>>
          %dma_start3A_285 = tpu.memref_slice %arg23[%add3A_280] : memref<8192xf32, #tpu.memory_space<vmem>> -> memref<128xf32, #tpu.memory_space<vmem>>
          %dma_start3A_286 = arith.constant 0 : i32
          %dma_start3A_287 = tpu.memref_slice %arg11[%add3A_264, %dma_start3A_286] : memref<102x128xf32, #tpu.memory_space<vmem_shared>> -> memref<1x128xf32, #tpu.memory_space<vmem_shared>>
          %dma_start3A_288 = tpu.memref_squeeze %dma_start3A_287 : memref<1x128xf32, #tpu.memory_space<vmem_shared>> -> memref<128xf32, #tpu.memory_space<vmem_shared>>
          tpu.enqueue_dma source(%dma_start3A_288 : memref<128xf32, #tpu.memory_space<vmem_shared>>) target(%dma_start3A_285 : memref<128xf32, #tpu.memory_space<vmem>>) target_semaphore(%arg37 : memref<!tpu.dma_semaphore, #tpu.memory_space<semaphore_mem>>)
          %scan3A_289 = arith.constant 3 : i32
          %scan3A_290 = arith.addi %scan3A_163, %scan3A_289 : i32
          %eq3A_291 = vector.broadcast %scan3A_290 : i32 to vector<16xi32>
          %eq3A_292 = arith.cmpi eq, %iota3A, %eq3A_291 : vector<16xi32>
          %jit3A_293 = arith.constant 0 : i32
          %broadcast_in_dim3A_294 = vector.broadcast %jit3A_293 : i32 to vector<16xi32>
          %select_n3A_295 = arith.select %eq3A_292, %get3A_114, %broadcast_in_dim3A_294 : vector<16xi1>, vector<16xi32>
          %reduce_sum3A_296 = arith.constant true
          %reduce_sum3A_297 = vector.broadcast %reduce_sum3A_296 : i1 to vector<16xi1>
          %reduce_sum3A_298 = tpu.scan <sum>, %select_n3A_295 masked %reduce_sum3A_297 : vector<16xi32>, vector<16xi1> -> vector<16xi32>
          %reduce_sum3A_299 = vector.extract %reduce_sum3A_298[15] : i32 from vector<16xi32>
          %and3A_300 = arith.constant 127 : i32
          %and3A_301 = arith.andi %reduce_sum3A_299, %and3A_300 : i32
          %shift_right_arithmetic3A_302 = arith.constant 7 : i32
          %shift_right_arithmetic3A_303 = arith.shrsi %reduce_sum3A_299, %shift_right_arithmetic3A_302 : i32
          %and3A_304 = arith.constant 1 : i32
          %and3A_305 = arith.andi %shift_right_arithmetic3A_303, %and3A_304 : i32
          %add3A_306 = arith.constant 100 : i32
          %add3A_307 = arith.addi %and3A_305, %add3A_306 : i32
          %mul3A_308 = arith.constant 512 : i32
          %mul3A_309 = arith.muli %scan3A_290, %mul3A_308 : i32
          %add3A_310 = arith.constant 0 : i32
          %add3A_311 = arith.addi %mul3A_309, %add3A_310 : i32
          %dma_start3A_312 = tpu.memref_slice %arg23[%add3A_311] : memref<8192xf32, #tpu.memory_space<vmem>> -> memref<128xf32, #tpu.memory_space<vmem>>
          %dma_start3A_313 = arith.constant 0 : i32
          %dma_start3A_314 = tpu.memref_slice %arg11[%and3A_301, %dma_start3A_313] : memref<102x128xf32, #tpu.memory_space<vmem_shared>> -> memref<1x128xf32, #tpu.memory_space<vmem_shared>>
          %dma_start3A_315 = tpu.memref_squeeze %dma_start3A_314 : memref<1x128xf32, #tpu.memory_space<vmem_shared>> -> memref<128xf32, #tpu.memory_space<vmem_shared>>
          %dma_start3A_316 = tpu.memref_slice %arg23[%add3A_311] : memref<8192xf32, #tpu.memory_space<vmem>> -> memref<128xf32, #tpu.memory_space<vmem>>
          %dma_start3A_317 = arith.constant 0 : i32
          %dma_start3A_318 = tpu.memref_slice %arg11[%and3A_301, %dma_start3A_317] : memref<102x128xf32, #tpu.memory_space<vmem_shared>> -> memref<1x128xf32, #tpu.memory_space<vmem_shared>>
          %dma_start3A_319 = tpu.memref_squeeze %dma_start3A_318 : memref<1x128xf32, #tpu.memory_space<vmem_shared>> -> memref<128xf32, #tpu.memory_space<vmem_shared>>
          tpu.enqueue_dma source(%dma_start3A_319 : memref<128xf32, #tpu.memory_space<vmem_shared>>) target(%dma_start3A_316 : memref<128xf32, #tpu.memory_space<vmem>>) target_semaphore(%arg37 : memref<!tpu.dma_semaphore, #tpu.memory_space<semaphore_mem>>)
          %mul3A_320 = arith.constant 512 : i32
          %mul3A_321 = arith.muli %scan3A_290, %mul3A_320 : i32
          %add3A_322 = arith.constant 128 : i32
          %add3A_323 = arith.addi %mul3A_321, %add3A_322 : i32
          %dma_start3A_324 = tpu.memref_slice %arg23[%add3A_323] : memref<8192xf32, #tpu.memory_space<vmem>> -> memref<128xf32, #tpu.memory_space<vmem>>
          %dma_start3A_325 = arith.constant 0 : i32
          %dma_start3A_326 = tpu.memref_slice %arg11[%add3A_307, %dma_start3A_325] : memref<102x128xf32, #tpu.memory_space<vmem_shared>> -> memref<1x128xf32, #tpu.memory_space<vmem_shared>>
          %dma_start3A_327 = tpu.memref_squeeze %dma_start3A_326 : memref<1x128xf32, #tpu.memory_space<vmem_shared>> -> memref<128xf32, #tpu.memory_space<vmem_shared>>
          %dma_start3A_328 = tpu.memref_slice %arg23[%add3A_323] : memref<8192xf32, #tpu.memory_space<vmem>> -> memref<128xf32, #tpu.memory_space<vmem>>
          %dma_start3A_329 = arith.constant 0 : i32
          %dma_start3A_330 = tpu.memref_slice %arg11[%add3A_307, %dma_start3A_329] : memref<102x128xf32, #tpu.memory_space<vmem_shared>> -> memref<1x128xf32, #tpu.memory_space<vmem_shared>>
          %dma_start3A_331 = tpu.memref_squeeze %dma_start3A_330 : memref<1x128xf32, #tpu.memory_space<vmem_shared>> -> memref<128xf32, #tpu.memory_space<vmem_shared>>
          tpu.enqueue_dma source(%dma_start3A_331 : memref<128xf32, #tpu.memory_space<vmem_shared>>) target(%dma_start3A_328 : memref<128xf32, #tpu.memory_space<vmem>>) target_semaphore(%arg37 : memref<!tpu.dma_semaphore, #tpu.memory_space<semaphore_mem>>)
        }
        %scan3A_124 = arith.constant 16 : i32
        %shift_right_arithmetic3A = arith.constant 8 : i32
        %shift_right_arithmetic3A_125 = vector.broadcast %shift_right_arithmetic3A : i32 to vector<16xi32>
        %shift_right_arithmetic3A_126 = arith.shrsi %get3A_114, %shift_right_arithmetic3A_125 : vector<16xi32>
        %and3A = arith.constant 15 : i32
        %and3A_127 = vector.broadcast %and3A : i32 to vector<16xi32>
        %and3A_128 = arith.andi %shift_right_arithmetic3A_126, %and3A_127 : vector<16xi32>
        %shift_right_arithmetic3A_129 = arith.constant 12 : i32
        %shift_right_arithmetic3A_130 = vector.broadcast %shift_right_arithmetic3A_129 : i32 to vector<16xi32>
        %shift_right_arithmetic3A_131 = arith.shrsi %get3A_114, %shift_right_arithmetic3A_130 : vector<16xi32>
        %add3A_132 = arith.constant 9 : i32
        %add3A_133 = vector.broadcast %add3A_132 : i32 to vector<16xi32>
        %add3A_134 = arith.addi %shift_right_arithmetic3A_131, %add3A_133 : vector<16xi32>
        %mul3A_135 = arith.constant 512 : i32
        %mul3A_136 = vector.broadcast %mul3A_135 : i32 to vector<16xi32>
        %mul3A_137 = arith.muli %iota3A, %mul3A_136 : vector<16xi32>
        %add3A_138 = arith.constant 256 : i32
        %add3A_139 = vector.broadcast %add3A_138 : i32 to vector<16xi32>
        %add3A_140 = arith.addi %mul3A_137, %add3A_139 : vector<16xi32>
        %mul3A_141 = arith.constant 512 : i32
        %mul3A_142 = vector.broadcast %mul3A_141 : i32 to vector<16xi32>
        %mul3A_143 = arith.muli %iota3A, %mul3A_142 : vector<16xi32>
        %add3A_144 = arith.constant 384 : i32
        %add3A_145 = vector.broadcast %add3A_144 : i32 to vector<16xi32>
        %add3A_146 = arith.addi %mul3A_143, %add3A_145 : vector<16xi32>
        %parallel_loop3A = arith.constant 0 : i32
        %parallel_loop3A_147 = arith.constant 128 : i32
        %parallel_loop3A_148 = arith.constant 1 : i32
        scf.for %parallel_loop3A_163 = %parallel_loop3A to %parallel_loop3A_147 step %parallel_loop3A_148  : i32 {
          %parallel_loop3A_164 = vector.broadcast %parallel_loop3A_163 : i32 to vector<16xi32>
          %parallel_loop3A_165 = arith.addi %iota3A, %parallel_loop3A_164 : vector<16xi32>
          %parallel_loop3A_166 = arith.constant 127 : i32
          %parallel_loop3A_167 = vector.broadcast %parallel_loop3A_166 : i32 to vector<16xi32>
          %parallel_loop3A_168 = arith.andi %parallel_loop3A_165, %parallel_loop3A_167 : vector<16xi32>
          %parallel_loop3A_169 = tpu.vector_load_idx %arg12[%and3A_128, %parallel_loop3A_168] : memref<18x128xf32, #tpu.memory_space<vmem>>[vector<16xi32>, vector<16xi32>], vector<16xf32>,
          %parallel_loop3A_170 = arith.addi %add3A_140, %parallel_loop3A_168 : vector<16xi32>
          tpu.vector_store_idx %arg23[%parallel_loop3A_170], %parallel_loop3A_169 : memref<8192xf32, #tpu.memory_space<vmem>>[vector<16xi32>], vector<16xf32>,
          %parallel_loop3A_171 = tpu.vector_load_idx %arg12[%add3A_134, %parallel_loop3A_168] : memref<18x128xf32, #tpu.memory_space<vmem>>[vector<16xi32>, vector<16xi32>], vector<16xf32>,
          %parallel_loop3A_172 = arith.addi %add3A_146, %parallel_loop3A_168 : vector<16xi32>
          tpu.vector_store_idx %arg23[%parallel_loop3A_172], %parallel_loop3A_171 : memref<8192xf32, #tpu.memory_space<vmem>>[vector<16xi32>], vector<16xf32>,
        } {sc.loop_unroll_factor = 8 : i64, sc.parallel_access}
        %dma_wait3A_149 = arith.constant 0 : i32
        %dma_wait3A_150 = tpu.memref_slice %arg23[%dma_wait3A_149] : memref<8192xf32, #tpu.memory_space<vmem>> -> memref<4096xf32, #tpu.memory_space<vmem>>
        %dma_wait3A_151 = arith.constant 0 : i32
        %dma_wait3A_152 = tpu.memref_slice %arg10[%dma_wait3A_151] : memref<51200000xf32, #tpu.memory_space<hbm>> -> memref<4096xf32, #tpu.memory_space<hbm>>
        %dma_wait3A_153 = arith.constant 0 : i32
        %dma_wait3A_154 = tpu.memref_slice %arg23[%dma_wait3A_153] : memref<8192xf32, #tpu.memory_space<vmem>> -> memref<4096xf32, #tpu.memory_space<vmem>>
        %dma_wait3A_155 = arith.constant 0 : i32
        %dma_wait3A_156 = tpu.memref_slice %arg10[%dma_wait3A_155] : memref<51200000xf32, #tpu.memory_space<hbm>> -> memref<4096xf32, #tpu.memory_space<hbm>>
        tpu.wait_dma2 semaphore(%arg37 : memref<!tpu.dma_semaphore, #tpu.memory_space<semaphore_mem>>) src(%dma_wait3A_156 : memref<4096xf32, #tpu.memory_space<hbm>>) dst(%dma_wait3A_154 : memref<4096xf32, #tpu.memory_space<vmem>>)
        %mul3A_157 = arith.constant 16 : i32
        %mul3A_158 = arith.muli %add3A_99, %mul3A_157 : i32
        %add3A_159 = arith.addi %mul3A_2, %mul3A_158 : i32
        %mul3A_160 = arith.constant 512 : i32
        %mul3A_161 = arith.muli %add3A_159, %mul3A_160 : i32
        %dma_start3A = tpu.memref_slice %arg10[%mul3A_161] : memref<51200000xf32, #tpu.memory_space<hbm>> -> memref<8192xf32, #tpu.memory_space<hbm>>
        %dma_start3A_162 = tpu.memref_slice %arg10[%mul3A_161] : memref<51200000xf32, #tpu.memory_space<hbm>> -> memref<8192xf32, #tpu.memory_space<hbm>>
        tpu.enqueue_dma source(%arg23 : memref<8192xf32, #tpu.memory_space<vmem>>) target(%dma_start3A_162 : memref<8192xf32, #tpu.memory_space<hbm>>) target_semaphore(%arg30 : memref<!tpu.dma_semaphore, #tpu.memory_space<semaphore_mem>>)
      } else {
      }
      %mul3A_104 = arith.constant 7 : i32
      %mul3A_105 = arith.muli %scan3A_55, %mul3A_104 : i32
      %add3A_106 = arith.constant 6 : i32
      %add3A_107 = arith.addi %mul3A_105, %add3A_106 : i32
      %lt3A_108 = arith.cmpi slt, %add3A_107, %select_n3A : i32
      %convert_element_type3A_109 = arith.extui %lt3A_108 : i1 to i32
      %cond3A_110 = arith.constant 0 : i32
      %cond3A_111 = arith.cmpi ne, %convert_element_type3A_109, %cond3A_110 : i32
      scf.if %cond3A_111 {
        %mul3A_112 = arith.constant 16 : i32
        %mul3A_113 = arith.muli %add3A_107, %mul3A_112 : i32
        %get3A = arith.index_cast %mul3A_113 : i32 to index
        %get3A_114 = tpu.vector_load %arg17[%get3A] {strides = array<i32>} : memref<3136xi32, #tpu.memory_space<vmem>>, vector<16xi32>,
        %gt3A = arith.constant 0 : i32
        %gt3A_115 = arith.cmpi sgt, %scan3A_55, %gt3A : i32
        %convert_element_type3A_116 = arith.extui %gt3A_115 : i1 to i32
        %cond3A_117 = arith.constant 0 : i32
        %cond3A_118 = arith.cmpi ne, %convert_element_type3A_116, %cond3A_117 : i32
        scf.if %cond3A_118 {
          %dma_wait3A_163 = arith.constant 0 : i32
          %dma_wait3A_164 = tpu.memref_slice %arg10[%dma_wait3A_163] : memref<51200000xf32, #tpu.memory_space<hbm>> -> memref<8192xf32, #tpu.memory_space<hbm>>
          %dma_wait3A_165 = arith.constant 0 : i32
          %dma_wait3A_166 = tpu.memref_slice %arg10[%dma_wait3A_165] : memref<51200000xf32, #tpu.memory_space<hbm>> -> memref<8192xf32, #tpu.memory_space<hbm>>
          tpu.wait_dma2 semaphore(%arg31 : memref<!tpu.dma_semaphore, #tpu.memory_space<semaphore_mem>>) src(%arg24 : memref<8192xf32, #tpu.memory_space<vmem>>) dst(%dma_wait3A_166 : memref<8192xf32, #tpu.memory_space<hbm>>)
        } else {
        }
        %scan3A_119 = arith.constant 0 : i32
        %scan3A_120 = arith.constant 0 : i32
        %scan3A_121 = arith.constant 16 : i32
        %scan3A_122 = arith.addi %scan3A_120, %scan3A_121 : i32
        %scan3A_123 = arith.constant 4 : i32
        scf.for %scan3A_163 = %scan3A_120 to %scan3A_122 step %scan3A_123  : i32 {
          %eq3A_164 = vector.broadcast %scan3A_163 : i32 to vector<16xi32>
          %eq3A_165 = arith.cmpi eq, %iota3A, %eq3A_164 : vector<16xi32>
          %jit3A_166 = arith.constant 0 : i32
          %broadcast_in_dim3A = vector.broadcast %jit3A_166 : i32 to vector<16xi32>
          %select_n3A_167 = arith.select %eq3A_165, %get3A_114, %broadcast_in_dim3A : vector<16xi1>, vector<16xi32>
          %reduce_sum3A = arith.constant true
          %reduce_sum3A_168 = vector.broadcast %reduce_sum3A : i1 to vector<16xi1>
          %reduce_sum3A_169 = tpu.scan <sum>, %select_n3A_167 masked %reduce_sum3A_168 : vector<16xi32>, vector<16xi1> -> vector<16xi32>
          %reduce_sum3A_170 = vector.extract %reduce_sum3A_169[15] : i32 from vector<16xi32>
          %and3A_171 = arith.constant 127 : i32
          %and3A_172 = arith.andi %reduce_sum3A_170, %and3A_171 : i32
          %shift_right_arithmetic3A_173 = arith.constant 7 : i32
          %shift_right_arithmetic3A_174 = arith.shrsi %reduce_sum3A_170, %shift_right_arithmetic3A_173 : i32
          %and3A_175 = arith.constant 1 : i32
          %and3A_176 = arith.andi %shift_right_arithmetic3A_174, %and3A_175 : i32
          %add3A_177 = arith.constant 100 : i32
          %add3A_178 = arith.addi %and3A_176, %add3A_177 : i32
          %mul3A_179 = arith.constant 512 : i32
          %mul3A_180 = arith.muli %scan3A_163, %mul3A_179 : i32
          %add3A_181 = arith.constant 0 : i32
          %add3A_182 = arith.addi %mul3A_180, %add3A_181 : i32
          %dma_start3A_183 = tpu.memref_slice %arg24[%add3A_182] : memref<8192xf32, #tpu.memory_space<vmem>> -> memref<128xf32, #tpu.memory_space<vmem>>
          %dma_start3A_184 = arith.constant 0 : i32
          %dma_start3A_185 = tpu.memref_slice %arg11[%and3A_172, %dma_start3A_184] : memref<102x128xf32, #tpu.memory_space<vmem_shared>> -> memref<1x128xf32, #tpu.memory_space<vmem_shared>>
          %dma_start3A_186 = tpu.memref_squeeze %dma_start3A_185 : memref<1x128xf32, #tpu.memory_space<vmem_shared>> -> memref<128xf32, #tpu.memory_space<vmem_shared>>
          %dma_start3A_187 = tpu.memref_slice %arg24[%add3A_182] : memref<8192xf32, #tpu.memory_space<vmem>> -> memref<128xf32, #tpu.memory_space<vmem>>
          %dma_start3A_188 = arith.constant 0 : i32
          %dma_start3A_189 = tpu.memref_slice %arg11[%and3A_172, %dma_start3A_188] : memref<102x128xf32, #tpu.memory_space<vmem_shared>> -> memref<1x128xf32, #tpu.memory_space<vmem_shared>>
          %dma_start3A_190 = tpu.memref_squeeze %dma_start3A_189 : memref<1x128xf32, #tpu.memory_space<vmem_shared>> -> memref<128xf32, #tpu.memory_space<vmem_shared>>
          tpu.enqueue_dma source(%dma_start3A_190 : memref<128xf32, #tpu.memory_space<vmem_shared>>) target(%dma_start3A_187 : memref<128xf32, #tpu.memory_space<vmem>>) target_semaphore(%arg38 : memref<!tpu.dma_semaphore, #tpu.memory_space<semaphore_mem>>)
          %mul3A_191 = arith.constant 512 : i32
          %mul3A_192 = arith.muli %scan3A_163, %mul3A_191 : i32
          %add3A_193 = arith.constant 128 : i32
          %add3A_194 = arith.addi %mul3A_192, %add3A_193 : i32
          %dma_start3A_195 = tpu.memref_slice %arg24[%add3A_194] : memref<8192xf32, #tpu.memory_space<vmem>> -> memref<128xf32, #tpu.memory_space<vmem>>
          %dma_start3A_196 = arith.constant 0 : i32
          %dma_start3A_197 = tpu.memref_slice %arg11[%add3A_178, %dma_start3A_196] : memref<102x128xf32, #tpu.memory_space<vmem_shared>> -> memref<1x128xf32, #tpu.memory_space<vmem_shared>>
          %dma_start3A_198 = tpu.memref_squeeze %dma_start3A_197 : memref<1x128xf32, #tpu.memory_space<vmem_shared>> -> memref<128xf32, #tpu.memory_space<vmem_shared>>
          %dma_start3A_199 = tpu.memref_slice %arg24[%add3A_194] : memref<8192xf32, #tpu.memory_space<vmem>> -> memref<128xf32, #tpu.memory_space<vmem>>
          %dma_start3A_200 = arith.constant 0 : i32
          %dma_start3A_201 = tpu.memref_slice %arg11[%add3A_178, %dma_start3A_200] : memref<102x128xf32, #tpu.memory_space<vmem_shared>> -> memref<1x128xf32, #tpu.memory_space<vmem_shared>>
          %dma_start3A_202 = tpu.memref_squeeze %dma_start3A_201 : memref<1x128xf32, #tpu.memory_space<vmem_shared>> -> memref<128xf32, #tpu.memory_space<vmem_shared>>
          tpu.enqueue_dma source(%dma_start3A_202 : memref<128xf32, #tpu.memory_space<vmem_shared>>) target(%dma_start3A_199 : memref<128xf32, #tpu.memory_space<vmem>>) target_semaphore(%arg38 : memref<!tpu.dma_semaphore, #tpu.memory_space<semaphore_mem>>)
          %scan3A_203 = arith.constant 1 : i32
          %scan3A_204 = arith.addi %scan3A_163, %scan3A_203 : i32
          %eq3A_205 = vector.broadcast %scan3A_204 : i32 to vector<16xi32>
          %eq3A_206 = arith.cmpi eq, %iota3A, %eq3A_205 : vector<16xi32>
          %jit3A_207 = arith.constant 0 : i32
          %broadcast_in_dim3A_208 = vector.broadcast %jit3A_207 : i32 to vector<16xi32>
          %select_n3A_209 = arith.select %eq3A_206, %get3A_114, %broadcast_in_dim3A_208 : vector<16xi1>, vector<16xi32>
          %reduce_sum3A_210 = arith.constant true
          %reduce_sum3A_211 = vector.broadcast %reduce_sum3A_210 : i1 to vector<16xi1>
          %reduce_sum3A_212 = tpu.scan <sum>, %select_n3A_209 masked %reduce_sum3A_211 : vector<16xi32>, vector<16xi1> -> vector<16xi32>
          %reduce_sum3A_213 = vector.extract %reduce_sum3A_212[15] : i32 from vector<16xi32>
          %and3A_214 = arith.constant 127 : i32
          %and3A_215 = arith.andi %reduce_sum3A_213, %and3A_214 : i32
          %shift_right_arithmetic3A_216 = arith.constant 7 : i32
          %shift_right_arithmetic3A_217 = arith.shrsi %reduce_sum3A_213, %shift_right_arithmetic3A_216 : i32
          %and3A_218 = arith.constant 1 : i32
          %and3A_219 = arith.andi %shift_right_arithmetic3A_217, %and3A_218 : i32
          %add3A_220 = arith.constant 100 : i32
          %add3A_221 = arith.addi %and3A_219, %add3A_220 : i32
          %mul3A_222 = arith.constant 512 : i32
          %mul3A_223 = arith.muli %scan3A_204, %mul3A_222 : i32
          %add3A_224 = arith.constant 0 : i32
          %add3A_225 = arith.addi %mul3A_223, %add3A_224 : i32
          %dma_start3A_226 = tpu.memref_slice %arg24[%add3A_225] : memref<8192xf32, #tpu.memory_space<vmem>> -> memref<128xf32, #tpu.memory_space<vmem>>
          %dma_start3A_227 = arith.constant 0 : i32
          %dma_start3A_228 = tpu.memref_slice %arg11[%and3A_215, %dma_start3A_227] : memref<102x128xf32, #tpu.memory_space<vmem_shared>> -> memref<1x128xf32, #tpu.memory_space<vmem_shared>>
          %dma_start3A_229 = tpu.memref_squeeze %dma_start3A_228 : memref<1x128xf32, #tpu.memory_space<vmem_shared>> -> memref<128xf32, #tpu.memory_space<vmem_shared>>
          %dma_start3A_230 = tpu.memref_slice %arg24[%add3A_225] : memref<8192xf32, #tpu.memory_space<vmem>> -> memref<128xf32, #tpu.memory_space<vmem>>
          %dma_start3A_231 = arith.constant 0 : i32
          %dma_start3A_232 = tpu.memref_slice %arg11[%and3A_215, %dma_start3A_231] : memref<102x128xf32, #tpu.memory_space<vmem_shared>> -> memref<1x128xf32, #tpu.memory_space<vmem_shared>>
          %dma_start3A_233 = tpu.memref_squeeze %dma_start3A_232 : memref<1x128xf32, #tpu.memory_space<vmem_shared>> -> memref<128xf32, #tpu.memory_space<vmem_shared>>
          tpu.enqueue_dma source(%dma_start3A_233 : memref<128xf32, #tpu.memory_space<vmem_shared>>) target(%dma_start3A_230 : memref<128xf32, #tpu.memory_space<vmem>>) target_semaphore(%arg38 : memref<!tpu.dma_semaphore, #tpu.memory_space<semaphore_mem>>)
          %mul3A_234 = arith.constant 512 : i32
          %mul3A_235 = arith.muli %scan3A_204, %mul3A_234 : i32
          %add3A_236 = arith.constant 128 : i32
          %add3A_237 = arith.addi %mul3A_235, %add3A_236 : i32
          %dma_start3A_238 = tpu.memref_slice %arg24[%add3A_237] : memref<8192xf32, #tpu.memory_space<vmem>> -> memref<128xf32, #tpu.memory_space<vmem>>
          %dma_start3A_239 = arith.constant 0 : i32
          %dma_start3A_240 = tpu.memref_slice %arg11[%add3A_221, %dma_start3A_239] : memref<102x128xf32, #tpu.memory_space<vmem_shared>> -> memref<1x128xf32, #tpu.memory_space<vmem_shared>>
          %dma_start3A_241 = tpu.memref_squeeze %dma_start3A_240 : memref<1x128xf32, #tpu.memory_space<vmem_shared>> -> memref<128xf32, #tpu.memory_space<vmem_shared>>
          %dma_start3A_242 = tpu.memref_slice %arg24[%add3A_237] : memref<8192xf32, #tpu.memory_space<vmem>> -> memref<128xf32, #tpu.memory_space<vmem>>
          %dma_start3A_243 = arith.constant 0 : i32
          %dma_start3A_244 = tpu.memref_slice %arg11[%add3A_221, %dma_start3A_243] : memref<102x128xf32, #tpu.memory_space<vmem_shared>> -> memref<1x128xf32, #tpu.memory_space<vmem_shared>>
          %dma_start3A_245 = tpu.memref_squeeze %dma_start3A_244 : memref<1x128xf32, #tpu.memory_space<vmem_shared>> -> memref<128xf32, #tpu.memory_space<vmem_shared>>
          tpu.enqueue_dma source(%dma_start3A_245 : memref<128xf32, #tpu.memory_space<vmem_shared>>) target(%dma_start3A_242 : memref<128xf32, #tpu.memory_space<vmem>>) target_semaphore(%arg38 : memref<!tpu.dma_semaphore, #tpu.memory_space<semaphore_mem>>)
          %scan3A_246 = arith.constant 2 : i32
          %scan3A_247 = arith.addi %scan3A_163, %scan3A_246 : i32
          %eq3A_248 = vector.broadcast %scan3A_247 : i32 to vector<16xi32>
          %eq3A_249 = arith.cmpi eq, %iota3A, %eq3A_248 : vector<16xi32>
          %jit3A_250 = arith.constant 0 : i32
          %broadcast_in_dim3A_251 = vector.broadcast %jit3A_250 : i32 to vector<16xi32>
          %select_n3A_252 = arith.select %eq3A_249, %get3A_114, %broadcast_in_dim3A_251 : vector<16xi1>, vector<16xi32>
          %reduce_sum3A_253 = arith.constant true
          %reduce_sum3A_254 = vector.broadcast %reduce_sum3A_253 : i1 to vector<16xi1>
          %reduce_sum3A_255 = tpu.scan <sum>, %select_n3A_252 masked %reduce_sum3A_254 : vector<16xi32>, vector<16xi1> -> vector<16xi32>
          %reduce_sum3A_256 = vector.extract %reduce_sum3A_255[15] : i32 from vector<16xi32>
          %and3A_257 = arith.constant 127 : i32
          %and3A_258 = arith.andi %reduce_sum3A_256, %and3A_257 : i32
          %shift_right_arithmetic3A_259 = arith.constant 7 : i32
          %shift_right_arithmetic3A_260 = arith.shrsi %reduce_sum3A_256, %shift_right_arithmetic3A_259 : i32
          %and3A_261 = arith.constant 1 : i32
          %and3A_262 = arith.andi %shift_right_arithmetic3A_260, %and3A_261 : i32
          %add3A_263 = arith.constant 100 : i32
          %add3A_264 = arith.addi %and3A_262, %add3A_263 : i32
          %mul3A_265 = arith.constant 512 : i32
          %mul3A_266 = arith.muli %scan3A_247, %mul3A_265 : i32
          %add3A_267 = arith.constant 0 : i32
          %add3A_268 = arith.addi %mul3A_266, %add3A_267 : i32
          %dma_start3A_269 = tpu.memref_slice %arg24[%add3A_268] : memref<8192xf32, #tpu.memory_space<vmem>> -> memref<128xf32, #tpu.memory_space<vmem>>
          %dma_start3A_270 = arith.constant 0 : i32
          %dma_start3A_271 = tpu.memref_slice %arg11[%and3A_258, %dma_start3A_270] : memref<102x128xf32, #tpu.memory_space<vmem_shared>> -> memref<1x128xf32, #tpu.memory_space<vmem_shared>>
          %dma_start3A_272 = tpu.memref_squeeze %dma_start3A_271 : memref<1x128xf32, #tpu.memory_space<vmem_shared>> -> memref<128xf32, #tpu.memory_space<vmem_shared>>
          %dma_start3A_273 = tpu.memref_slice %arg24[%add3A_268] : memref<8192xf32, #tpu.memory_space<vmem>> -> memref<128xf32, #tpu.memory_space<vmem>>
          %dma_start3A_274 = arith.constant 0 : i32
          %dma_start3A_275 = tpu.memref_slice %arg11[%and3A_258, %dma_start3A_274] : memref<102x128xf32, #tpu.memory_space<vmem_shared>> -> memref<1x128xf32, #tpu.memory_space<vmem_shared>>
          %dma_start3A_276 = tpu.memref_squeeze %dma_start3A_275 : memref<1x128xf32, #tpu.memory_space<vmem_shared>> -> memref<128xf32, #tpu.memory_space<vmem_shared>>
          tpu.enqueue_dma source(%dma_start3A_276 : memref<128xf32, #tpu.memory_space<vmem_shared>>) target(%dma_start3A_273 : memref<128xf32, #tpu.memory_space<vmem>>) target_semaphore(%arg38 : memref<!tpu.dma_semaphore, #tpu.memory_space<semaphore_mem>>)
          %mul3A_277 = arith.constant 512 : i32
          %mul3A_278 = arith.muli %scan3A_247, %mul3A_277 : i32
          %add3A_279 = arith.constant 128 : i32
          %add3A_280 = arith.addi %mul3A_278, %add3A_279 : i32
          %dma_start3A_281 = tpu.memref_slice %arg24[%add3A_280] : memref<8192xf32, #tpu.memory_space<vmem>> -> memref<128xf32, #tpu.memory_space<vmem>>
          %dma_start3A_282 = arith.constant 0 : i32
          %dma_start3A_283 = tpu.memref_slice %arg11[%add3A_264, %dma_start3A_282] : memref<102x128xf32, #tpu.memory_space<vmem_shared>> -> memref<1x128xf32, #tpu.memory_space<vmem_shared>>
          %dma_start3A_284 = tpu.memref_squeeze %dma_start3A_283 : memref<1x128xf32, #tpu.memory_space<vmem_shared>> -> memref<128xf32, #tpu.memory_space<vmem_shared>>
          %dma_start3A_285 = tpu.memref_slice %arg24[%add3A_280] : memref<8192xf32, #tpu.memory_space<vmem>> -> memref<128xf32, #tpu.memory_space<vmem>>
          %dma_start3A_286 = arith.constant 0 : i32
          %dma_start3A_287 = tpu.memref_slice %arg11[%add3A_264, %dma_start3A_286] : memref<102x128xf32, #tpu.memory_space<vmem_shared>> -> memref<1x128xf32, #tpu.memory_space<vmem_shared>>
          %dma_start3A_288 = tpu.memref_squeeze %dma_start3A_287 : memref<1x128xf32, #tpu.memory_space<vmem_shared>> -> memref<128xf32, #tpu.memory_space<vmem_shared>>
          tpu.enqueue_dma source(%dma_start3A_288 : memref<128xf32, #tpu.memory_space<vmem_shared>>) target(%dma_start3A_285 : memref<128xf32, #tpu.memory_space<vmem>>) target_semaphore(%arg38 : memref<!tpu.dma_semaphore, #tpu.memory_space<semaphore_mem>>)
          %scan3A_289 = arith.constant 3 : i32
          %scan3A_290 = arith.addi %scan3A_163, %scan3A_289 : i32
          %eq3A_291 = vector.broadcast %scan3A_290 : i32 to vector<16xi32>
          %eq3A_292 = arith.cmpi eq, %iota3A, %eq3A_291 : vector<16xi32>
          %jit3A_293 = arith.constant 0 : i32
          %broadcast_in_dim3A_294 = vector.broadcast %jit3A_293 : i32 to vector<16xi32>
          %select_n3A_295 = arith.select %eq3A_292, %get3A_114, %broadcast_in_dim3A_294 : vector<16xi1>, vector<16xi32>
          %reduce_sum3A_296 = arith.constant true
          %reduce_sum3A_297 = vector.broadcast %reduce_sum3A_296 : i1 to vector<16xi1>
          %reduce_sum3A_298 = tpu.scan <sum>, %select_n3A_295 masked %reduce_sum3A_297 : vector<16xi32>, vector<16xi1> -> vector<16xi32>
          %reduce_sum3A_299 = vector.extract %reduce_sum3A_298[15] : i32 from vector<16xi32>
          %and3A_300 = arith.constant 127 : i32
          %and3A_301 = arith.andi %reduce_sum3A_299, %and3A_300 : i32
          %shift_right_arithmetic3A_302 = arith.constant 7 : i32
          %shift_right_arithmetic3A_303 = arith.shrsi %reduce_sum3A_299, %shift_right_arithmetic3A_302 : i32
          %and3A_304 = arith.constant 1 : i32
          %and3A_305 = arith.andi %shift_right_arithmetic3A_303, %and3A_304 : i32
          %add3A_306 = arith.constant 100 : i32
          %add3A_307 = arith.addi %and3A_305, %add3A_306 : i32
          %mul3A_308 = arith.constant 512 : i32
          %mul3A_309 = arith.muli %scan3A_290, %mul3A_308 : i32
          %add3A_310 = arith.constant 0 : i32
          %add3A_311 = arith.addi %mul3A_309, %add3A_310 : i32
          %dma_start3A_312 = tpu.memref_slice %arg24[%add3A_311] : memref<8192xf32, #tpu.memory_space<vmem>> -> memref<128xf32, #tpu.memory_space<vmem>>
          %dma_start3A_313 = arith.constant 0 : i32
          %dma_start3A_314 = tpu.memref_slice %arg11[%and3A_301, %dma_start3A_313] : memref<102x128xf32, #tpu.memory_space<vmem_shared>> -> memref<1x128xf32, #tpu.memory_space<vmem_shared>>
          %dma_start3A_315 = tpu.memref_squeeze %dma_start3A_314 : memref<1x128xf32, #tpu.memory_space<vmem_shared>> -> memref<128xf32, #tpu.memory_space<vmem_shared>>
          %dma_start3A_316 = tpu.memref_slice %arg24[%add3A_311] : memref<8192xf32, #tpu.memory_space<vmem>> -> memref<128xf32, #tpu.memory_space<vmem>>
          %dma_start3A_317 = arith.constant 0 : i32
          %dma_start3A_318 = tpu.memref_slice %arg11[%and3A_301, %dma_start3A_317] : memref<102x128xf32, #tpu.memory_space<vmem_shared>> -> memref<1x128xf32, #tpu.memory_space<vmem_shared>>
          %dma_start3A_319 = tpu.memref_squeeze %dma_start3A_318 : memref<1x128xf32, #tpu.memory_space<vmem_shared>> -> memref<128xf32, #tpu.memory_space<vmem_shared>>
          tpu.enqueue_dma source(%dma_start3A_319 : memref<128xf32, #tpu.memory_space<vmem_shared>>) target(%dma_start3A_316 : memref<128xf32, #tpu.memory_space<vmem>>) target_semaphore(%arg38 : memref<!tpu.dma_semaphore, #tpu.memory_space<semaphore_mem>>)
          %mul3A_320 = arith.constant 512 : i32
          %mul3A_321 = arith.muli %scan3A_290, %mul3A_320 : i32
          %add3A_322 = arith.constant 128 : i32
          %add3A_323 = arith.addi %mul3A_321, %add3A_322 : i32
          %dma_start3A_324 = tpu.memref_slice %arg24[%add3A_323] : memref<8192xf32, #tpu.memory_space<vmem>> -> memref<128xf32, #tpu.memory_space<vmem>>
          %dma_start3A_325 = arith.constant 0 : i32
          %dma_start3A_326 = tpu.memref_slice %arg11[%add3A_307, %dma_start3A_325] : memref<102x128xf32, #tpu.memory_space<vmem_shared>> -> memref<1x128xf32, #tpu.memory_space<vmem_shared>>
          %dma_start3A_327 = tpu.memref_squeeze %dma_start3A_326 : memref<1x128xf32, #tpu.memory_space<vmem_shared>> -> memref<128xf32, #tpu.memory_space<vmem_shared>>
          %dma_start3A_328 = tpu.memref_slice %arg24[%add3A_323] : memref<8192xf32, #tpu.memory_space<vmem>> -> memref<128xf32, #tpu.memory_space<vmem>>
          %dma_start3A_329 = arith.constant 0 : i32
          %dma_start3A_330 = tpu.memref_slice %arg11[%add3A_307, %dma_start3A_329] : memref<102x128xf32, #tpu.memory_space<vmem_shared>> -> memref<1x128xf32, #tpu.memory_space<vmem_shared>>
          %dma_start3A_331 = tpu.memref_squeeze %dma_start3A_330 : memref<1x128xf32, #tpu.memory_space<vmem_shared>> -> memref<128xf32, #tpu.memory_space<vmem_shared>>
          tpu.enqueue_dma source(%dma_start3A_331 : memref<128xf32, #tpu.memory_space<vmem_shared>>) target(%dma_start3A_328 : memref<128xf32, #tpu.memory_space<vmem>>) target_semaphore(%arg38 : memref<!tpu.dma_semaphore, #tpu.memory_space<semaphore_mem>>)
        }
        %scan3A_124 = arith.constant 16 : i32
        %shift_right_arithmetic3A = arith.constant 8 : i32
        %shift_right_arithmetic3A_125 = vector.broadcast %shift_right_arithmetic3A : i32 to vector<16xi32>
        %shift_right_arithmetic3A_126 = arith.shrsi %get3A_114, %shift_right_arithmetic3A_125 : vector<16xi32>
        %and3A = arith.constant 15 : i32
        %and3A_127 = vector.broadcast %and3A : i32 to vector<16xi32>
        %and3A_128 = arith.andi %shift_right_arithmetic3A_126, %and3A_127 : vector<16xi32>
        %shift_right_arithmetic3A_129 = arith.constant 12 : i32
        %shift_right_arithmetic3A_130 = vector.broadcast %shift_right_arithmetic3A_129 : i32 to vector<16xi32>
        %shift_right_arithmetic3A_131 = arith.shrsi %get3A_114, %shift_right_arithmetic3A_130 : vector<16xi32>
        %add3A_132 = arith.constant 9 : i32
        %add3A_133 = vector.broadcast %add3A_132 : i32 to vector<16xi32>
        %add3A_134 = arith.addi %shift_right_arithmetic3A_131, %add3A_133 : vector<16xi32>
        %mul3A_135 = arith.constant 512 : i32
        %mul3A_136 = vector.broadcast %mul3A_135 : i32 to vector<16xi32>
        %mul3A_137 = arith.muli %iota3A, %mul3A_136 : vector<16xi32>
        %add3A_138 = arith.constant 256 : i32
        %add3A_139 = vector.broadcast %add3A_138 : i32 to vector<16xi32>
        %add3A_140 = arith.addi %mul3A_137, %add3A_139 : vector<16xi32>
        %mul3A_141 = arith.constant 512 : i32
        %mul3A_142 = vector.broadcast %mul3A_141 : i32 to vector<16xi32>
        %mul3A_143 = arith.muli %iota3A, %mul3A_142 : vector<16xi32>
        %add3A_144 = arith.constant 384 : i32
        %add3A_145 = vector.broadcast %add3A_144 : i32 to vector<16xi32>
        %add3A_146 = arith.addi %mul3A_143, %add3A_145 : vector<16xi32>
        %parallel_loop3A = arith.constant 0 : i32
        %parallel_loop3A_147 = arith.constant 128 : i32
        %parallel_loop3A_148 = arith.constant 1 : i32
        scf.for %parallel_loop3A_163 = %parallel_loop3A to %parallel_loop3A_147 step %parallel_loop3A_148  : i32 {
          %parallel_loop3A_164 = vector.broadcast %parallel_loop3A_163 : i32 to vector<16xi32>
          %parallel_loop3A_165 = arith.addi %iota3A, %parallel_loop3A_164 : vector<16xi32>
          %parallel_loop3A_166 = arith.constant 127 : i32
          %parallel_loop3A_167 = vector.broadcast %parallel_loop3A_166 : i32 to vector<16xi32>
          %parallel_loop3A_168 = arith.andi %parallel_loop3A_165, %parallel_loop3A_167 : vector<16xi32>
          %parallel_loop3A_169 = tpu.vector_load_idx %arg12[%and3A_128, %parallel_loop3A_168] : memref<18x128xf32, #tpu.memory_space<vmem>>[vector<16xi32>, vector<16xi32>], vector<16xf32>,
          %parallel_loop3A_170 = arith.addi %add3A_140, %parallel_loop3A_168 : vector<16xi32>
          tpu.vector_store_idx %arg24[%parallel_loop3A_170], %parallel_loop3A_169 : memref<8192xf32, #tpu.memory_space<vmem>>[vector<16xi32>], vector<16xf32>,
          %parallel_loop3A_171 = tpu.vector_load_idx %arg12[%add3A_134, %parallel_loop3A_168] : memref<18x128xf32, #tpu.memory_space<vmem>>[vector<16xi32>, vector<16xi32>], vector<16xf32>,
          %parallel_loop3A_172 = arith.addi %add3A_146, %parallel_loop3A_168 : vector<16xi32>
          tpu.vector_store_idx %arg24[%parallel_loop3A_172], %parallel_loop3A_171 : memref<8192xf32, #tpu.memory_space<vmem>>[vector<16xi32>], vector<16xf32>,
        } {sc.loop_unroll_factor = 8 : i64, sc.parallel_access}
        %dma_wait3A_149 = arith.constant 0 : i32
        %dma_wait3A_150 = tpu.memref_slice %arg24[%dma_wait3A_149] : memref<8192xf32, #tpu.memory_space<vmem>> -> memref<4096xf32, #tpu.memory_space<vmem>>
        %dma_wait3A_151 = arith.constant 0 : i32
        %dma_wait3A_152 = tpu.memref_slice %arg10[%dma_wait3A_151] : memref<51200000xf32, #tpu.memory_space<hbm>> -> memref<4096xf32, #tpu.memory_space<hbm>>
        %dma_wait3A_153 = arith.constant 0 : i32
        %dma_wait3A_154 = tpu.memref_slice %arg24[%dma_wait3A_153] : memref<8192xf32, #tpu.memory_space<vmem>> -> memref<4096xf32, #tpu.memory_space<vmem>>
        %dma_wait3A_155 = arith.constant 0 : i32
        %dma_wait3A_156 = tpu.memref_slice %arg10[%dma_wait3A_155] : memref<51200000xf32, #tpu.memory_space<hbm>> -> memref<4096xf32, #tpu.memory_space<hbm>>
        tpu.wait_dma2 semaphore(%arg38 : memref<!tpu.dma_semaphore, #tpu.memory_space<semaphore_mem>>) src(%dma_wait3A_156 : memref<4096xf32, #tpu.memory_space<hbm>>) dst(%dma_wait3A_154 : memref<4096xf32, #tpu.memory_space<vmem>>)
        %mul3A_157 = arith.constant 16 : i32
        %mul3A_158 = arith.muli %add3A_107, %mul3A_157 : i32
        %add3A_159 = arith.addi %mul3A_2, %mul3A_158 : i32
        %mul3A_160 = arith.constant 512 : i32
        %mul3A_161 = arith.muli %add3A_159, %mul3A_160 : i32
        %dma_start3A = tpu.memref_slice %arg10[%mul3A_161] : memref<51200000xf32, #tpu.memory_space<hbm>> -> memref<8192xf32, #tpu.memory_space<hbm>>
        %dma_start3A_162 = tpu.memref_slice %arg10[%mul3A_161] : memref<51200000xf32, #tpu.memory_space<hbm>> -> memref<8192xf32, #tpu.memory_space<hbm>>
        tpu.enqueue_dma source(%arg24 : memref<8192xf32, #tpu.memory_space<vmem>>) target(%dma_start3A_162 : memref<8192xf32, #tpu.memory_space<hbm>>) target_semaphore(%arg31 : memref<!tpu.dma_semaphore, #tpu.memory_space<semaphore_mem>>)
      } else {
      }
    }
    %scan3A_27 = arith.constant 28 : i32
    %dma_wait3A = arith.constant 0 : i32
    %dma_wait3A_28 = tpu.memref_slice %arg10[%dma_wait3A] : memref<51200000xf32, #tpu.memory_space<hbm>> -> memref<8192xf32, #tpu.memory_space<hbm>>
    %dma_wait3A_29 = arith.constant 0 : i32
    %dma_wait3A_30 = tpu.memref_slice %arg10[%dma_wait3A_29] : memref<51200000xf32, #tpu.memory_space<hbm>> -> memref<8192xf32, #tpu.memory_space<hbm>>
    tpu.wait_dma2 semaphore(%arg25 : memref<!tpu.dma_semaphore, #tpu.memory_space<semaphore_mem>>) src(%arg18 : memref<8192xf32, #tpu.memory_space<vmem>>) dst(%dma_wait3A_30 : memref<8192xf32, #tpu.memory_space<hbm>>)
    %dma_wait3A_31 = arith.constant 0 : i32
    %dma_wait3A_32 = tpu.memref_slice %arg10[%dma_wait3A_31] : memref<51200000xf32, #tpu.memory_space<hbm>> -> memref<8192xf32, #tpu.memory_space<hbm>>
    %dma_wait3A_33 = arith.constant 0 : i32
    %dma_wait3A_34 = tpu.memref_slice %arg10[%dma_wait3A_33] : memref<51200000xf32, #tpu.memory_space<hbm>> -> memref<8192xf32, #tpu.memory_space<hbm>>
    tpu.wait_dma2 semaphore(%arg26 : memref<!tpu.dma_semaphore, #tpu.memory_space<semaphore_mem>>) src(%arg19 : memref<8192xf32, #tpu.memory_space<vmem>>) dst(%dma_wait3A_34 : memref<8192xf32, #tpu.memory_space<hbm>>)
    %dma_wait3A_35 = arith.constant 0 : i32
    %dma_wait3A_36 = tpu.memref_slice %arg10[%dma_wait3A_35] : memref<51200000xf32, #tpu.memory_space<hbm>> -> memref<8192xf32, #tpu.memory_space<hbm>>
    %dma_wait3A_37 = arith.constant 0 : i32
    %dma_wait3A_38 = tpu.memref_slice %arg10[%dma_wait3A_37] : memref<51200000xf32, #tpu.memory_space<hbm>> -> memref<8192xf32, #tpu.memory_space<hbm>>
    tpu.wait_dma2 semaphore(%arg27 : memref<!tpu.dma_semaphore, #tpu.memory_space<semaphore_mem>>) src(%arg20 : memref<8192xf32, #tpu.memory_space<vmem>>) dst(%dma_wait3A_38 : memref<8192xf32, #tpu.memory_space<hbm>>)
    %dma_wait3A_39 = arith.constant 0 : i32
    %dma_wait3A_40 = tpu.memref_slice %arg10[%dma_wait3A_39] : memref<51200000xf32, #tpu.memory_space<hbm>> -> memref<8192xf32, #tpu.memory_space<hbm>>
    %dma_wait3A_41 = arith.constant 0 : i32
    %dma_wait3A_42 = tpu.memref_slice %arg10[%dma_wait3A_41] : memref<51200000xf32, #tpu.memory_space<hbm>> -> memref<8192xf32, #tpu.memory_space<hbm>>
    tpu.wait_dma2 semaphore(%arg28 : memref<!tpu.dma_semaphore, #tpu.memory_space<semaphore_mem>>) src(%arg21 : memref<8192xf32, #tpu.memory_space<vmem>>) dst(%dma_wait3A_42 : memref<8192xf32, #tpu.memory_space<hbm>>)
    %dma_wait3A_43 = arith.constant 0 : i32
    %dma_wait3A_44 = tpu.memref_slice %arg10[%dma_wait3A_43] : memref<51200000xf32, #tpu.memory_space<hbm>> -> memref<8192xf32, #tpu.memory_space<hbm>>
    %dma_wait3A_45 = arith.constant 0 : i32
    %dma_wait3A_46 = tpu.memref_slice %arg10[%dma_wait3A_45] : memref<51200000xf32, #tpu.memory_space<hbm>> -> memref<8192xf32, #tpu.memory_space<hbm>>
    tpu.wait_dma2 semaphore(%arg29 : memref<!tpu.dma_semaphore, #tpu.memory_space<semaphore_mem>>) src(%arg22 : memref<8192xf32, #tpu.memory_space<vmem>>) dst(%dma_wait3A_46 : memref<8192xf32, #tpu.memory_space<hbm>>)
    %dma_wait3A_47 = arith.constant 0 : i32
    %dma_wait3A_48 = tpu.memref_slice %arg10[%dma_wait3A_47] : memref<51200000xf32, #tpu.memory_space<hbm>> -> memref<8192xf32, #tpu.memory_space<hbm>>
    %dma_wait3A_49 = arith.constant 0 : i32
    %dma_wait3A_50 = tpu.memref_slice %arg10[%dma_wait3A_49] : memref<51200000xf32, #tpu.memory_space<hbm>> -> memref<8192xf32, #tpu.memory_space<hbm>>
    tpu.wait_dma2 semaphore(%arg30 : memref<!tpu.dma_semaphore, #tpu.memory_space<semaphore_mem>>) src(%arg23 : memref<8192xf32, #tpu.memory_space<vmem>>) dst(%dma_wait3A_50 : memref<8192xf32, #tpu.memory_space<hbm>>)
    %dma_wait3A_51 = arith.constant 0 : i32
    %dma_wait3A_52 = tpu.memref_slice %arg10[%dma_wait3A_51] : memref<51200000xf32, #tpu.memory_space<hbm>> -> memref<8192xf32, #tpu.memory_space<hbm>>
    %dma_wait3A_53 = arith.constant 0 : i32
    %dma_wait3A_54 = tpu.memref_slice %arg10[%dma_wait3A_53] : memref<51200000xf32, #tpu.memory_space<hbm>> -> memref<8192xf32, #tpu.memory_space<hbm>>
    tpu.wait_dma2 semaphore(%arg31 : memref<!tpu.dma_semaphore, #tpu.memory_space<semaphore_mem>>) src(%arg24 : memref<8192xf32, #tpu.memory_space<vmem>>) dst(%dma_wait3A_54 : memref<8192xf32, #tpu.memory_space<hbm>>)
    return
  }
}

</mosaic_0001>

<sc_bundles>
// kernel: kernel.3.cloned.1.call-start
scs
__scs_entry_jumppad:
0x0: {  	(pc) =	sbr.rel $0x88, $3  }
0x1: {  	(tag) =	ssettag $0x0;
	lr =	simm.s32 $0x1  }
0x2: {  	[smem:$0x3F99] =	sst lr;
	_ =	strace $0xD0000000  }
0x3: {  	_ = 	snop  }
0x4: {  	_ = 	snop  }
0x5: {  	_ = 	snop  }
0x6: {  	_ = 	snop  }
0x7: {  	_ = 	snop  }
__scs_overlays_trampoline_lowered:
0x8: {  	[smem:$0x3FA8] =	sst s0  }
0x9: {  	[smem:$0x3FA9] =	sst s1  }
0xa: {  	[smem:$0x3FAA] =	sst s2  }
0xb: {  	[smem:$0x3FAB] =	sst s3  }
0xc: {  	[smem:$0x3FAC] =	sst s4  }
0xd: {  	[smem:$0x3FAD] =	sst s5  }
0xe: {  	[smem:$0x3FAE] =	sst s6  }
0xf: {  	[smem:$0x3FAF] =	sst s7  }
0x10: {  	[smem:$0x3FB0] =	sst s8  }
0x11: {  	[smem:$0x3FB1] =	sst s9;
	s0 =	simm.s32 @!p0 $0x0  }
0x12: {  	s1 =	sld [smem:$0x3F97];
	s0 =	simm.s32 @p0 $0x1  }
0x13: {  	[smem:$0x3FB2] =	sst s0;
	s0 =	simm.s32 @!p1 $0x0  }
0x14: {  	s2 =	sld [smem:$0x3F96];
	s0 =	simm.s32 @p1 $0x1  }
0x15: {  	[smem:$0x3FB3] =	sst s0;
	s0 =	simm.s32 @!p2 $0x0  }
0x16: {  	s3 =	sld [smem:$0x3FDB];
	s0 =	simm.s32 @p2 $0x1  }
0x17: {  	s4 =	simm.s32 $0x1BF5;
	[smem:$0x3FB5] =	sst s0  }
0x18: {  	s0 =	sld [smem:$0x3F98];
	_ =	swait.ge [sflag:s4], $0x0  }
0x19: {  	s7 =	sld [smem:$0x3F99]  }
0x1a: {  	s8 =	sadd.s32 $0xFFFFE003, lr  }
0x1b: {  	s9 =	sadd.s32 $0xFFFFFEF7, lr;
	s5 =	simm.s32 $0xFFFFFFFF;
	p2 =	slt.u32 s8, $0xFFFFF086  }
0x1c: {  	p1 =	slt.u32 s9, $0xF7A;
	s5 =	simm.s32 @!p2 $0x0  }
0x1d: {  	s5 =	simm.s32 @p1 $0x1;
	p0 =	seq.s32 s7, s2  }
0x1e: {  	s7 =	smul.u32 @!p0 $0xF7A, s2;
	p2 =	seq.s32 @!p0 s5, $0x0  }
0x1f: {  	s9 =	smul.u32 $0xF7A, s1;
	s8 =	simm.s32 @!p0 $0x1BF5;
	p2 =	por !p2, p0  }
0x20: {  	[sflag:s8] =	ssyncset.s32 @!p0 $0xFFFFF086;
	s6 =	sadd.s32 @!p0 s3, s7;
	s7 =	simm.s32 @!p0 $0x108  }
0x21: {  	s3 =	sadd.s32 s3, s9;
	s6 =	sadd.s32 @!p0 $0x88, s6;
	s7 =	simm.s32 @p2 $0x1082  }
0x22: {  	[simem:s7], [sflag:s8] =	dma.local @!p0 [hbm:s6], $0xF7A  }
0x23: {  	s9 =	sor.u32 $0xD0000000, s2;
	s6 =	simm.s32 $0x108;
	_ =	swait.ge @!p0 [sflag:s8], $0x0  }
0x24: {  	s3 =	sadd.s32 $0x88, s3;
	s6 =	simm.s32 @!p1 $0x1082;
	[sflag:s4] =	ssyncset.s32 $0xFFFFF086  }
0x25: {  	[simem:s6], [sflag:s4] =	dma.local [hbm:s3], $0xF7A  }
0x26: {  	[smem:$0x3F99] =	sst s1;
	(tag) =	ssettag s2;
	_ =	strace s9  }
0x27: {  	s1 =	sld [smem:$0x3FA9]  }
0x28: {  	s2 =	sld [smem:$0x3FAA]  }
0x29: {  	s4 =	sld [smem:$0x3FAC]  }
0x2a: {  	p0 =	seq.s32 s5, $0x0;
	s5 =	sld [smem:$0x3FAD]  }
0x2b: {  	s6 =	sld [smem:$0x3FAE]  }
0x2c: {  	s7 =	sld [smem:$0x3FAF]  }
0x2d: {  	s3 =	simm.s32 $0x108;
	s8 =	sld [smem:$0x3FB0]  }
0x2e: {  	s3 =	simm.s32 @!p0 $0x1082;
	s9 =	sld [smem:$0x3FB1]  }
0x2f: {  	lr =	sadd.s32 s0, s3;
	s0 =	sld [smem:$0x3FA8]  }
0x30: {  	s3 =	sld [smem:$0x3FAB]  }
0x31: {  	[smem:$0x3FB4] =	sst s10  }
0x32: {  	s10 =	sld [smem:$0x3FB2];
	_ =	sdelay $0x3  }
0x33: {  	p0 =	seq.s32 s10, $0x1;
	s10 =	sld [smem:$0x3FB4];
	_ =	sdelay $0x3  }
0x34: {  	[smem:$0x3FB4] =	sst s10  }
0x35: {  	s10 =	sld [smem:$0x3FB3];
	_ =	sdelay $0x3  }
0x36: {  	p1 =	seq.s32 s10, $0x1;
	s10 =	sld [smem:$0x3FB4];
	_ =	sdelay $0x3  }
0x37: {  	[smem:$0x3FB4] =	sst s10  }
0x38: {  	s10 =	sld [smem:$0x3FB5]  }
0x39: {  	_ = 	snop;
	(pc) =	sbr.ind lr, $3  }
0x3a: {  	_ = 	snop  }
0x3b: {  	_ = 	snop  }
0x3c: {  	p2 =	seq.s32 s10, $0x1;
	s10 =	sld [smem:$0x3FB4]  }
0x3d: {  	_ =	shalt  }
0x3e: {  	_ =	shalt  }
0x3f: {  	_ =	shalt  }
0x40: {  	_ =	shalt  }
0x41: {  	_ =	shalt  }
0x42: {  	_ =	shalt  }
0x43: {  	_ =	shalt  }
0x44: {  	_ =	shalt  }
0x45: {  	_ =	shalt  }
0x46: {  	_ =	shalt  }
0x47: {  	_ =	shalt  }
0x48: {  	_ =	shalt  }
0x49: {  	_ =	shalt  }
0x4a: {  	_ =	shalt  }
0x4b: {  	_ =	shalt  }
0x4c: {  	_ =	shalt  }
0x4d: {  	_ =	shalt  }
0x4e: {  	_ =	shalt  }
0x4f: {  	_ =	shalt  }
0x50: {  	_ =	shalt  }
0x51: {  	_ =	shalt  }
0x52: {  	_ =	shalt  }
0x53: {  	_ =	shalt  }
0x54: {  	_ =	shalt  }
0x55: {  	_ =	shalt  }
0x56: {  	_ =	shalt  }
0x57: {  	_ =	shalt  }
0x58: {  	_ =	shalt  }
0x59: {  	_ =	shalt  }
0x5a: {  	_ =	shalt  }
0x5b: {  	_ =	shalt  }
0x5c: {  	_ =	shalt  }
0x5d: {  	_ =	shalt  }
0x5e: {  	_ =	shalt  }
0x5f: {  	_ =	shalt  }
0x60: {  	_ =	shalt  }
0x61: {  	_ =	shalt  }
0x62: {  	_ =	shalt  }
0x63: {  	_ =	shalt  }
0x64: {  	_ =	shalt  }
0x65: {  	_ =	shalt  }
0x66: {  	_ =	shalt  }
0x67: {  	_ =	shalt  }
0x68: {  	_ =	shalt  }
0x69: {  	_ =	shalt  }
0x6a: {  	_ =	shalt  }
0x6b: {  	_ =	shalt  }
0x6c: {  	_ =	shalt  }
0x6d: {  	_ =	shalt  }
0x6e: {  	_ =	shalt  }
0x6f: {  	_ =	shalt  }
0x70: {  	_ =	shalt  }
0x71: {  	_ =	shalt  }
0x72: {  	_ =	shalt  }
0x73: {  	_ =	shalt  }
0x74: {  	_ =	shalt  }
0x75: {  	_ =	shalt  }
0x76: {  	_ =	shalt  }
0x77: {  	_ =	shalt  }
0x78: {  	_ =	shalt  }
0x79: {  	_ =	shalt  }
0x7a: {  	_ =	shalt  }
0x7b: {  	_ =	shalt  }
0x7c: {  	_ =	shalt  }
0x7d: {  	_ =	shalt  }
0x7e: {  	_ =	shalt  }
0x7f: {  	_ =	shalt  }
0x80: {  	_ =	shalt  }
0x81: {  	_ =	shalt  }
0x82: {  	_ =	shalt  }
0x83: {  	_ =	shalt  }
0x84: {  	_ =	shalt  }
0x85: {  	_ =	shalt  }
0x86: {  	_ =	shalt  }
0x87: {  	_ =	shalt  }
.Lfunc_end0:
.L_simem_size_0:
called_computation_lowered:
.L_overlay_start_0:
0x88: {  	s2 =	sld [smem:$0x3FD9]  }
0x89: {  	s3 =	sld [smem:$0x3FFE];
	_ =	sdelay $0x1  }
0x8a: {  	s1 =	srdreg.scid  }
0x8b: {  	s0 =	sand.u32 $0x1, s1  }
0x8c: {  	s17 =	sshll.u32 s0, $0xA;
	s2 =	sadd.s32 s3, s2  }
0x8d: {  	s2 =	sadd.s32 s2, s17  }
0x8e: {  	[smem:$0x3FC0] =	sst s2  }
0x8f: {  	_ = 	snop  }
0x90: {  	s2 =	sld [smem:$0x3FC9]  }
0x91: {  	s18 =	sld [smem:$0x3FC8]  }
0x92: {  	s4 =	sld [smem:$0x3FC7]  }
0x93: {  	s5 =	sld [smem:$0x3FC6]  }
0x94: {  	s6 =	sld [smem:$0x3FC5]  }
0x95: {  	s7 =	sld [smem:$0x3FC4]  }
0x96: {  	s8 =	sld [smem:$0x3FC3]  }
0x97: {  	s9 =	sld [smem:$0x3FC2];
	(tm) =	ssettm $0x1  }
0x98: {  	s10 =	sld [smem:$0x3FFB];
	_ =	sdelay $0x3  }
0x99: {  	_ =	strace s10  }
0x9a: {  	s10 =	sld [smem:$0x3FFC];
	_ =	sdelay $0x3  }
0x9b: {  	_ =	strace s10  }
0x9c: {  	s10 =	sld [smem:$0x3FFD];
	_ =	sdelay $0x3  }
0x9d: {  	_ =	strace s10  }
0x9e: {  	_ =	strace $0x8FFFFFFF  }
0x9f: {  	s19 =	sld [smem:$0x3FDB];
	_ =	sdelay $0x1  }
0xa0: {  	s11 =	simm.s32 $_scs_section_size  }
0xa1: {  	s12 =	simm.s32 $_size__tile_overlayer_lowered;
	s13 =	simm.s32 $_tile_overlayer_lowered  }
0xa2: {  	s22 =	simm.s32 $0x1BFF;
	s21 =	sshll.u32 s13, $0x1;
	s10 =	sadd.s32 s11, s19  }
0xa3: {  	s14 =	simm.s32 $0x0;
	s20 =	sshll.u32 s12, $0x1;
	s12 =	sadd.s32 s21, s10  }
0xa4: {  	[timem:s14], [sflag:s22] =	dma.local [hbm:s12], s20  }
0xa5: {  	_ =	swait.ge [sflag:s22], s20  }
0xa6: {  	s11 =	ssub.s32 $0x0, s20;
	[sflag:s22] =	ssyncset.done $0x0  }
0xa7: {  	[sflag:s22] =	ssyncadd.s32 s11;
	_ =	sdelay $0x1  }
0xa8: {  	s23 =	simm.s32 $0x1B8B  }
0xa9: {  	_ =	swait.ge [sflag:s23], $0x1  }
0xaa: {  	[sflag:s23] =	ssyncset.done $0x0  }
0xab: {  	s25 =	simm.s32 $0x1B8E;
	s24 =	sld [smem:$0x3FFE];
	[sflag:s23] =	ssyncadd.s32 $0xFFFFFFFF  }
0xac: {  	s26 =	simm.s32 $execute0_lowered;
	[smem:$0x3FD2] =	sst s25  }
0xad: {  	s12 =	sshll.u32 s26, $0x1;
	_ =	strace $0x80000046;
	[dreg:$0x1] =	wrdreg $0xFFFFFFFF  }
0xae: {  	s28 =	simm.s32 $_size_execute0_lowered;
	s10 =	sadd.s32 s10, s12;
	[dreg:$0x0] =	wrdreg $0x0  }
0xaf: {  	s12 =	sshll.u32 s28, $0x1;
	[dreg:$0x2] =	wrdreg s10  }
0xb0: {  	[dreg:$0x3] =	wrdreg s12  }
0xb1: {  	[dreg:$0x4] =	wrdreg $0xC0  }
0xb2: {  	_ =	task [dreg:s14], $0x5FFFF  }
0xb3: {  	[dreg:$0x1] =	wrdreg $0xFFFFFFFF  }
0xb4: {  	[dreg:$0x0] =	wrdreg $0x60  }
0xb5: {  	[dreg:$0x2] =	wrdreg s2  }
0xb6: {  	[dreg:$0x3] =	wrdreg s18  }
0xb7: {  	[dreg:$0x4] =	wrdreg s4  }
0xb8: {  	[dreg:$0x5] =	wrdreg s5  }
0xb9: {  	[dreg:$0x6] =	wrdreg s6  }
0xba: {  	[dreg:$0x7] =	wrdreg s7  }
0xbb: {  	[dreg:$0x8] =	wrdreg s8  }
0xbc: {  	[dreg:$0x9] =	wrdreg s9  }
0xbd: {  	[dreg:$0xa] =	wrdreg s24  }
0xbe: {  	[dreg:$0xb] =	wrdreg $0x0  }
0xbf: {  	[dreg:$0xc] =	wrdreg $0x9  }
0xc0: {  	_ =	task.clear_ibuf [dreg:s14], $0xDFFFF;
	_ =	strace $0x90000046  }
0xc1: {  	s29 =	simm.s32 $0x9;
	_ =	strace $0x80000048  }
0xc2: {  	_ =	swait.ge [sflag:s29], $0x1  }
0xc3: {  	[sflag:s29] =	ssyncadd.s32 $0xFFFFFFFF  }
0xc4: {  	_ =	strace $0x90000048  }
0xc5: {  	_ =	sfence  }
0xc6: {  	s30 =	sld [smem:$0x0];
	_ =	sdelay $0x2  }
0xc7: {  	s31 =	sshll.u32 s1, $0xD;
	s1 =	sshrl.u32 s1, $0x2  }
0xc8: {  	s3 =	sand.u32 $0x4000, s31;
	s1 =	sadd.s32 s1, s30  }
0xc9: {  	s0 =	sor.u32 s3, s0;
	s1 =	sshll.u32 s1, $0x11  }
0xca: {  	s0 =	sor.u32 s1, s0  }
0xcb: {  	s0 =	sadd.s32 $0x8F2B, s0  }
0xcc: {  	[sflag:s0] =	ssyncadd.remote.s32 $0x1  }
0xcd: {  	_ =	sfence.sel $0xFFFF  }
0xce: {  	[dreg:$0x0] =	wrdreg $0xFFFFFFFF;
	(pc) =	sbr.abs _section_cstart, $3  }
0xcf: {  	[dreg:$0x1] =	wrdreg $0xFFFFFFFF  }
0xd0: {  	_ =	task.clear_ibuf [dreg:s14], $0x2FFFF;
	_ =	strace $0x9FFFFFFF  }
0xd1: {  	(tm) =	ssettm $0x7FFFFFFF  }
tec
execute0_lowered:
.L_overlay_start_1:
0x0: {  	(tag) =	ssettag $0x1  }
0x1: {  	s0 =	rddreg [dreg:$0x0]  }
0x2: {  	s1 =	rddreg [dreg:$0x1]  }
0x3: {  	s2 =	rddreg [dreg:$0x2]  }
0x4: {  	s3 =	rddreg [dreg:$0x3]  }
0x5: {  	s4 =	rddreg [dreg:$0x8]  }
0x6: {  	s5 =	rddreg [dreg:$0x9]  }
0x7: {  	s6 =	srdreg.scid;
	s10 =	stileid.u32  }
0x8: {  	s29 =	simm.s32 $0x8DB0;
	s31 =	simm.s32 $0xADB0;
	s7 =	sand.u32 $0x1, s6  }
0x9: {  	s8 =	sshll.u32 s10, $0x1;
	s6 =	simm.s32 $0x0;
	s25 =	sadd.s32 $0x2F78, s1  }
0xa: {  	s26 =	sadd.s32 $0x2F78, s2;
	s28 =	sadd.s32 $0x2F78, s3;
	p1 =	sne.s32 s10, $0x0  }
0xb: {  	s10 =	simm.s32 $0xE;
	s9 =	ssub.s32 $0x2, s7;
	s11 =	sor.u32 s7, s8  }
0xc: {  	[smem:$0x7FF] =	sst s6;
	s8 =	sadd.s32 $0x400, s4;
	s4 =	simm.s32 $0xD  }
0xd: {  	s12 =	sshrl.u32 s9, $0x1;
	_ =	strace $0x80000047;
	[dreg:$0x10] =	wrdreg s25  }
0xe: {  	s7 =	smul.u32 $0xC40, s11;
	p0 =	seq.s32 s11, $0x1F;
	[dreg:$0x11] =	wrdreg s26  }
0xf: {  	[dreg:$0x12] =	wrdreg s28;
	s26 =	simm.s32 $0x6DB0;
	s21 =	ssub.s32 s9, s12  }
0x10: {  	s9 =	simm.s32 $0xAE;
	s22 =	sshrl.u32 s7, $0x3;
	s30 =	smax.u32 s21, $0x1  }
0x11: {  	s12 =	sadd.s32 $0x3200, s5;
	s13 =	sadd.s32 s0, s22;
	[dreg:$0x13] =	wrdreg s30  }
0x12: {  	s9 =	simm.s32 @!p0 $0xC4;
	s23 =	sadd.s32 s1, s22;
	[dreg:$0xb] =	wrdreg s13  }
0x13: {  	s21 =	simm.s32 $0x330;
	s24 =	sadd.s32 s2, s22;
	[dreg:$0xc] =	wrdreg s23  }
.Ltmp0:
0x14: {  	s11 =	sadd.s32 s3, s22;
	[dreg:$0xd] =	wrdreg s24;
	(pc) =	sbr.rel .LBB2_1-.Ltmp0, $4  }
0x15: {  	v0 =	vlaneseq.u32;
	s0 =	sadd.s32 $0x2F78, s0;
	s2 =	simm.s32 $0xEDB0;
	[dreg:$0xe] =	wrdreg s11  }
0x16: {  	v2 =	vmul.u32 $0x200, v0;
	[dreg:$0xf] =	wrdreg s0;
	s0 =	sshrl.u32 @!p1 s5, $0x3;
	s24 =	simm.s32 $0x4DB0  }
0x17: {  	s23 =	simm.s32 $0x10DB0;
	[dreg:$0x14] =	wrdreg s0;
	s0 =	sshrl.u32 @!p1 s12, $0x3  }
0x18: {  	v1 =	vor.u32 $0x100, v2;
	v2 =	vor.u32 $0x180, v2;
	s11 =	simm.s32 $0x0;
	[dreg:$0x15] =	wrdreg s0;
	s0 =	simm.s32 $0xCDB0  }
.LBB2_47:
0x19: {  	s1 =	simm.s32 $0x1  }
0x1a: {  	_ =	swait.ge [sflag:s1], $0x2000  }
0x1b: {  	[sflag:s1] =	ssyncset.done $0x0  }
0x1c: {  	s19 =	simm.s32 $0x2;
	[sflag:s1] =	ssyncadd.s32 $0xFFFFE000  }
0x1d: {  	_ =	swait.ge [sflag:s19], $0x2000  }
0x1e: {  	[sflag:s19] =	ssyncset.done $0x0  }
0x1f: {  	s20 =	simm.s32 $0x3;
	[sflag:s19] =	ssyncadd.s32 $0xFFFFE000  }
0x20: {  	_ =	swait.ge [sflag:s20], $0x2000  }
0x21: {  	[sflag:s20] =	ssyncset.done $0x0  }
0x22: {  	s22 =	simm.s32 $0x4;
	[sflag:s20] =	ssyncadd.s32 $0xFFFFE000  }
0x23: {  	_ =	swait.ge [sflag:s22], $0x2000  }
0x24: {  	[sflag:s22] =	ssyncset.done $0x0  }
0x25: {  	s25 =	simm.s32 $0x5;
	[sflag:s22] =	ssyncadd.s32 $0xFFFFE000  }
0x26: {  	_ =	swait.ge [sflag:s25], $0x2000  }
0x27: {  	[sflag:s25] =	ssyncset.done $0x0  }
0x28: {  	s28 =	simm.s32 $0x6;
	[sflag:s25] =	ssyncadd.s32 $0xFFFFE000  }
0x29: {  	_ =	swait.ge [sflag:s28], $0x2000  }
0x2a: {  	[sflag:s28] =	ssyncset.done $0x0  }
0x2b: {  	s3 =	simm.s32 $0x7;
	[sflag:s28] =	ssyncadd.s32 $0xFFFFE000  }
0x2c: {  	_ =	swait.ge [sflag:s3], $0x2000  }
0x2d: {  	s11 =	rddreg [dreg:$0x16]  }
0x2e: {  	s30 =	rddreg [dreg:$0x13];
	s11 =	sadd.s32 $0x1, s11  }
0x2f: {  	p2 =	sne.s32 s11, s30  }
.Ltmp1:
0x30: {  	_ = 	snop;
	(pc) =	sbr.rel @!p2 .LBB2_48-.Ltmp1, $3  }
0x31: {  	_ =	sdelay $0x1  }
0x32: {  	[sflag:s3] =	ssyncset.done $0x0  }
0x33: {  	[sflag:s3] =	ssyncadd.s32 $0xFFFFE000  }
.LBB2_1:
0x34: {  	[dreg:$0x16] =	wrdreg s11  }
0x35: {  	s1 =	rddreg [dreg:$0x4]  }
0x36: {  	s11 =	simm.s32 @!p1 $0x1C0F;
	s3 =	rddreg [dreg:$0x14];
	s12 =	simm.s32 @!p1 $0xF  }
0x37: {  	[spmem:s3], [sflag:s11] =	dma.local @!p1 [hbm:s1], $0x640  }
0x38: {  	_ =	swait.ge @!p1 [sflag:s12], $0x640  }
0x39: {  	[sflag:s12] =	ssyncset.done @!p1 $0x0  }
0x3a: {  	s3 =	rddreg [dreg:$0x15];
	[sflag:s12] =	ssyncadd.s32 @!p1 $0xFFFFF9C0  }
0x3b: {  	s1 =	rddreg [dreg:$0x5]  }
0x3c: {  	[spmem:s3], [sflag:s11] =	dma.local @!p1 [hbm:s1], $0x20  }
0x3d: {  	_ =	swait.ge @!p1 [sflag:s12], $0x20  }
0x3e: {  	[sflag:s12] =	ssyncset.done @!p1 $0x0  }
0x3f: {  	[sflag:s12] =	ssyncadd.s32 @!p1 $0xFFFFFFE0  }
0x40: {  	s25 =	simm.s32 $0xF;
	s22 =	rddreg [dreg:$0x6]  }
0x41: {  	[tilespmem:s21], [sflag:$0xF] =	stream.linear.gather [hbm4b:s22+s6], $0x480, $0x38;
	[tilespmem:$0x12DB0] =	vst v63  }
0x42: {  	_ =	swait.ge [sflag:s25], $0x480  }
0x43: {  	[sflag:s25] =	ssyncset.done $0x0  }
0x44: {  	[sflag:s25] =	ssyncadd.s32 $0xFFFFFB80  }
0x45: {  	s30 =	simm.s32 $0x7B0;
	s28 =	rddreg [dreg:$0x7]  }
0x46: {  	[tilespmem:s30], [sflag:$0xF] =	stream.linear.gather [hbm4b:s28+s6], $0x480, $0x38;
	[tilespmem:$0x12DB0] =	vst v63  }
0x47: {  	_ =	swait.ge [sflag:s25], $0x480  }
0x48: {  	s11 =	simm.s32 @p0 $0x0;
	[sflag:s25] =	ssyncset.done $0x0  }
0x49: {  	s12 =	simm.s32 @p0 $0xF30;
	s1 =	rddreg [dreg:$0xf];
	[sflag:s25] =	ssyncadd.s32 $0xFFFFFB80  }
0x4a: {  	[tilespmem:s12], [sflag:$0xF] =	stream.linear.gather @p0 [hbm4b:s1+s11], $0xAE0, $0x38;
	[tilespmem:$0x12DB0] =	vst v63  }
0x4b: {  	s12 =	simm.s32 @p0 $0xF  }
0x4c: {  	_ =	swait.ge @p0 [sflag:s12], $0xAE0  }
0x4d: {  	[sflag:s12] =	ssyncset.done @p0 $0x0  }
0x4e: {  	s13 =	simm.s32 @p0 $0x1BB0;
	s1 =	rddreg [dreg:$0x10];
	[sflag:s12] =	ssyncadd.s32 @p0 $0xFFFFF520  }
0x4f: {  	[tilespmem:s13], [sflag:$0xF] =	stream.linear.gather @p0 [hbm4b:s1+s11], $0xAE0, $0x38;
	[tilespmem:$0x12DB0] =	vst v63  }
0x50: {  	_ =	swait.ge @p0 [sflag:s12], $0xAE0  }
0x51: {  	[sflag:s12] =	ssyncset.done @p0 $0x0  }
0x52: {  	s13 =	simm.s32 @p0 $0x2830;
	s1 =	rddreg [dreg:$0x11];
	[sflag:s12] =	ssyncadd.s32 @p0 $0xFFFFF520  }
0x53: {  	[tilespmem:s13], [sflag:$0xF] =	stream.linear.gather @p0 [hbm4b:s1+s11], $0xAE0, $0x38;
	[tilespmem:$0x12DB0] =	vst v63  }
0x54: {  	_ =	swait.ge @p0 [sflag:s12], $0xAE0  }
0x55: {  	[sflag:s12] =	ssyncset.done @p0 $0x0  }
0x56: {  	s13 =	simm.s32 @p0 $0x34B0;
	s1 =	rddreg [dreg:$0x12];
	[sflag:s12] =	ssyncadd.s32 @p0 $0xFFFFF520  }
0x57: {  	[tilespmem:s13], [sflag:$0xF] =	stream.linear.gather @p0 [hbm4b:s1+s11], $0xAE0, $0x38;
	[tilespmem:$0x12DB0] =	vst v63  }
0x58: {  	_ =	swait.ge @p0 [sflag:s12], $0xAE0  }
0x59: {  	s11 =	simm.s32 @!p0 $0x0;
	[sflag:s12] =	ssyncset.done @p0 $0x0  }
0x5a: {  	s1 =	rddreg [dreg:$0xb];
	[sflag:s12] =	ssyncadd.s32 @p0 $0xFFFFF520;
	s12 =	simm.s32 @!p0 $0xF30  }
0x5b: {  	[tilespmem:s12], [sflag:$0xF] =	stream.linear.gather @!p0 [hbm4b:s1+s11], $0xC40, $0x38;
	[tilespmem:$0x12DB0] =	vst v63  }
0x5c: {  	s12 =	simm.s32 @!p0 $0xF  }
0x5d: {  	_ =	swait.ge @!p0 [sflag:s12], $0xC40  }
0x5e: {  	[sflag:s12] =	ssyncset.done @!p0 $0x0  }
0x5f: {  	s13 =	simm.s32 @!p0 $0x1BB0;
	s1 =	rddreg [dreg:$0xc];
	[sflag:s12] =	ssyncadd.s32 @!p0 $0xFFFFF3C0  }
0x60: {  	[tilespmem:s13], [sflag:$0xF] =	stream.linear.gather @!p0 [hbm4b:s1+s11], $0xC40, $0x38;
	[tilespmem:$0x12DB0] =	vst v63  }
0x61: {  	_ =	swait.ge @!p0 [sflag:s12], $0xC40  }
0x62: {  	[sflag:s12] =	ssyncset.done @!p0 $0x0  }
0x63: {  	s13 =	simm.s32 @!p0 $0x2830;
	s1 =	rddreg [dreg:$0xd];
	[sflag:s12] =	ssyncadd.s32 @!p0 $0xFFFFF3C0  }
0x64: {  	[tilespmem:s13], [sflag:$0xF] =	stream.linear.gather @!p0 [hbm4b:s1+s11], $0xC40, $0x38;
	[tilespmem:$0x12DB0] =	vst v63  }
0x65: {  	_ =	swait.ge @!p0 [sflag:s12], $0xC40  }
0x66: {  	[sflag:s12] =	ssyncset.done @!p0 $0x0  }
0x67: {  	s13 =	simm.s32 @!p0 $0x34B0;
	s1 =	rddreg [dreg:$0xe];
	[sflag:s12] =	ssyncadd.s32 @!p0 $0xFFFFF3C0  }
0x68: {  	[tilespmem:s13], [sflag:$0xF] =	stream.linear.gather @!p0 [hbm4b:s1+s11], $0xC40, $0x38;
	[tilespmem:$0x12DB0] =	vst v63  }
0x69: {  	_ =	swait.ge @!p0 [sflag:s12], $0xC40  }
0x6a: {  	[sflag:s12] =	ssyncset.done @!p0 $0x0  }
0x6b: {  	[sflag:s12] =	ssyncadd.s32 @!p0 $0xFFFFF3C0;
	s12 =	simm.s32 $0x1BD0  }
0x6c: {  	v3 =	vld [tilespmem:s12+$0xFFFFFFE0];
	_ =	sdelay $0x1  }
0x6d: {  	s11 =	simm.s32 $0xF50  }
0x6e: {  	s19 =	simm.s32 $0x2850;
	v4 =	vld [tilespmem:s11+$0xFFFFFFE0]  }
0x6f: {  	s15 =	simm.s32 $0x34D0;
	v5 =	vld [tilespmem:s19+$0xFFFFFFE0]  }
0x70: {  	v6 =	vshll.u32 v3, $0x7;
	v3 =	vld [tilespmem:s15+$0xFFFFFFE0];
	_ =	sdelay $0x1  }
0x71: {  	s14 =	simm.s32 $0x4150  }
0x72: {  	s16 =	simm.s32 $0x0;
	s17 =	simm.s32 $0x2890;
	s18 =	simm.s32 $0xF90  }
0x73: {  	s20 =	simm.s32 $0x4150;
	s22 =	simm.s32 $0x1C10;
	s13 =	simm.s32 $0x34D0;
	v5 =	vshll.u32 v5, $0x8;
	v4 =	vadd.s32 v4, v6  }
.LBB2_2:
0x74: {  	s16 =	sadd.s32 $0x4, s16;
	v4 =	vadd.s32 v5, v4;
	v3 =	vshll.u32 v3, $0xC;
	s14 =	sadd.s32 $0x40, s14;
	s15 =	sadd.s32 $0x40, s15  }
0x75: {  	p2 =	slt.u32 s16, $0xC0;
	v3 =	vadd.s32 v3, v4  }
0x76: {  	[tilespmem:s20+$0xFFFFFFE0] =	vst v3  }
0x77: {  	v3 =	vld [tilespmem:s11+$0xFFFFFFF0]  }
0x78: {  	v4 =	vld [tilespmem:s12+$0xFFFFFFF0]  }
0x79: {  	v5 =	vld [tilespmem:s19+$0xFFFFFFF0]  }
0x7a: {  	v6 =	vld [tilespmem:s13+$0xFFFFFFF0];
	_ =	sdelay $0x2  }
0x7b: {  	v4 =	vshll.u32 v4, $0x7  }
0x7c: {  	v3 =	vadd.s32 v3, v4;
	v4 =	vshll.u32 v5, $0x8  }
0x7d: {  	v3 =	vadd.s32 v4, v3;
	v4 =	vshll.u32 v6, $0xC  }
0x7e: {  	v3 =	vadd.s32 v4, v3  }
0x7f: {  	[tilespmem:s20+$0xFFFFFFF0] =	vst v3  }
0x80: {  	v3 =	vld [tilespmem:s12+$0x0]  }
0x81: {  	v4 =	vld [tilespmem:s11+$0x0]  }
0x82: {  	v5 =	vld [tilespmem:s19+$0x0]  }
0x83: {  	v6 =	vld [tilespmem:s13+$0x0];
	_ =	sdelay $0x1  }
0x84: {  	v3 =	vshll.u32 v3, $0x7  }
0x85: {  	v3 =	vadd.s32 v4, v3  }
0x86: {  	v4 =	vshll.u32 v5, $0x8  }
0x87: {  	v3 =	vadd.s32 v4, v3;
	v4 =	vshll.u32 v6, $0xC  }
0x88: {  	v3 =	vadd.s32 v4, v3  }
0x89: {  	[tilespmem:s20+$0x0] =	vst v3  }
0x8a: {  	v3 =	vld [tilespmem:s11+$0x10];
	s11 =	smov.u32 s18  }
0x8b: {  	v4 =	vld [tilespmem:s12+$0x10];
	s12 =	smov.u32 s22  }
0x8c: {  	v5 =	vld [tilespmem:s19+$0x10];
	s19 =	smov.u32 s17  }
0x8d: {  	v6 =	vld [tilespmem:s13+$0x10];
	s13 =	smov.u32 s15;
	_ =	sdelay $0x2  }
0x8e: {  	v4 =	vshll.u32 v4, $0x7  }
0x8f: {  	v3 =	vadd.s32 v3, v4;
	v4 =	vshll.u32 v5, $0x8  }
0x90: {  	v3 =	vadd.s32 v4, v3;
	v4 =	vshll.u32 v6, $0xC  }
0x91: {  	v3 =	vadd.s32 v4, v3  }
0x92: {  	[tilespmem:s20+$0x10] =	vst v3;
	s20 =	smov.u32 s14  }
0x93: {  	v4 =	vld [tilespmem:s18+$0xFFFFFFE0]  }
0x94: {  	v5 =	vld [tilespmem:s22+$0xFFFFFFE0]  }
0x95: {  	v6 =	vld [tilespmem:s17+$0xFFFFFFE0]  }
.Ltmp2:
0x96: {  	v3 =	vld [tilespmem:s15+$0xFFFFFFE0];
	(pc) =	sbr.rel @p2 .LBB2_2-.Ltmp2, $3  }
0x97: {  	_ =	sdelay $0x1  }
0x98: {  	v5 =	vshll.u32 v5, $0x7  }
0x99: {  	s18 =	sadd.s32 $0x40, s18;
	s22 =	sadd.s32 $0x40, s22;
	s17 =	sadd.s32 $0x40, s17;
	v4 =	vadd.s32 v4, v5;
	v5 =	vshll.u32 v6, $0x8  }
0x9a: {  	v4 =	vadd.s32 v5, v4;
	v3 =	vshll.u32 v3, $0xC  }
0x9b: {  	v3 =	vadd.s32 v3, v4  }
0x9c: {  	[tilespmem:s20+$0xFFFFFFE0] =	vst v3  }
0x9d: {  	v3 =	vld [tilespmem:s11+$0xFFFFFFF0]  }
0x9e: {  	v50 =	vld [tilespmem:s12+$0xFFFFFFF0]  }
0x9f: {  	v51 =	vld [tilespmem:s19+$0xFFFFFFF0]  }
0xa0: {  	v6 =	vld [tilespmem:s13+$0xFFFFFFF0];
	_ =	sdelay $0x2  }
0xa1: {  	v4 =	vshll.u32 v50, $0x7  }
0xa2: {  	v52 =	vshll.u32 v51, $0x8;
	v3 =	vadd.s32 v3, v4  }
0xa3: {  	v53 =	vshll.u32 v6, $0xC;
	v3 =	vadd.s32 v52, v3  }
0xa4: {  	v3 =	vadd.s32 v53, v3  }
0xa5: {  	[tilespmem:s20+$0xFFFFFFF0] =	vst v3  }
0xa6: {  	v3 =	vld [tilespmem:s12+$0x0]  }
0xa7: {  	v54 =	vld [tilespmem:s11+$0x0]  }
0xa8: {  	v55 =	vld [tilespmem:s19+$0x0]  }
0xa9: {  	v56 =	vld [tilespmem:s13+$0x0];
	_ =	sdelay $0x2  }
0xaa: {  	v3 =	vshll.u32 v3, $0x7  }
0xab: {  	v57 =	vshll.u32 v55, $0x8;
	v3 =	vadd.s32 v54, v3  }
0xac: {  	v58 =	vshll.u32 v56, $0xC;
	v3 =	vadd.s32 v57, v3  }
0xad: {  	v3 =	vadd.s32 v58, v3  }
0xae: {  	[tilespmem:s20+$0x0] =	vst v3  }
0xaf: {  	v3 =	vld [tilespmem:s11+$0x10]  }
0xb0: {  	v59 =	vld [tilespmem:s12+$0x10]  }
0xb1: {  	v60 =	vld [tilespmem:s19+$0x10]  }
0xb2: {  	v61 =	vld [tilespmem:s13+$0x10];
	_ =	sdelay $0x2  }
0xb3: {  	v4 =	vshll.u32 v59, $0x7  }
0xb4: {  	v62 =	vshll.u32 v60, $0x8;
	v3 =	vadd.s32 v3, v4  }
.Ltmp3:
0xb5: {  	v63 =	vshll.u32 v61, $0xC;
	v3 =	vadd.s32 v62, v3;
	(pc) =	sbr.rel .LBB2_4-.Ltmp3, $4  }
0xb6: {  	v3 =	vadd.s32 v63, v3  }
0xb7: {  	[tilespmem:s20+$0x10] =	vst v3  }
0xb8: {  	[bflag:$0x0] =	sbarrier.arrive $0xFFFF  }
0xb9: {  	s19 =	simm.s32 $0x0  }
.LBB2_46:
0xba: {  	s19 =	sadd.s32 $0x1, s19  }
0xbb: {  	p2 =	sne.s32 s19, $0x1C  }
.Ltmp4:
0xbc: {  	_ = 	snop;
	(pc) =	sbr.rel @!p2 .LBB2_47-.Ltmp4, $1  }
0xbd: {  	_ =	sdelay $0x3  }
.LBB2_4:
0xbe: {  	s20 =	smul.u32 $0x7, s19;
	_ =	sdelay $0x1  }
0xbf: {  	p3 =	sge.u32 s20, s9  }
.Ltmp5:
0xc0: {  	_ = 	snop;
	(pc) =	sbr.rel @p3 .LBB2_10-.Ltmp5, $2  }
0xc1: {  	_ =	sdelay $0x2  }
0xc2: {  	p2 =	sne.s32 s19, $0x0  }
0xc3: {  	s11 =	smul.u32 $0x70, s19;
	_ =	sdelay $0x1  }
0xc4: {  	v3 =	vld [tilespmem:s11+$0x4130];
	_ =	sdelay $0x1  }
0xc5: {  	s13 =	simm.s32 $0x0  }
0xc6: {  	v4 =	vmov s13  }
0xc7: {  	s12 =	simm.s32 @p2 $0x1;
	vm0 =	veq.s32 v4, v0  }
0xc8: {  	_ =	swait.ge @p2 [sflag:s12], $0x2000;
	v4 =	vnsel vm0, $0x0, v3  }
0xc9: {  	(xrf0) =	vadd.scan.msk.s32 $0xffff, v4;
	_ =	sdelay $0x3  }
0xca: {  	s22 =	simm.s32 $0x1  }
0xcb: {  	v4 =	vmov s22  }
0xcc: {  	vm9 =	veq.s32 v4, v0;
	v5, _, _ =	vpop (xrf0)  }
0xcd: {  	v4 =	vnsel vm9, $0x0, v3;
	(v2sf) =	vpush v5, $0xF  }
0xce: {  	s25 =	simm.s32 $0x2;
	(xrf0) =	vadd.scan.msk.s32 $0xffff, v4  }
0xcf: {  	v4 =	vmov s25  }
0xd0: {  	vm10 =	veq.s32 v4, v0  }
0xd1: {  	v4 =	vnsel vm10, $0x0, v3  }
0xd2: {  	s28 =	simm.s32 $0x3;
	(xrf0) =	vadd.scan.msk.s32 $0xffff, v4  }
0xd3: {  	v5 =	vmov s28  }
0xd4: {  	vm11 =	veq.s32 v5, v0;
	v4, _, _ =	vpop (xrf0)  }
0xd5: {  	(v2sf) =	vpush v4, $0xF;
	v4 =	vnsel vm11, $0x0, v3;
	_ =	sdelay $0x1  }
0xd6: {  	(xrf0) =	vadd.scan.msk.s32 $0xffff, v4  }
0xd7: {  	v4, _, _ =	vpop (xrf0)  }
0xd8: {  	(v2sf) =	vpush v4, $0xF;
	_ =	sdelay $0x2  }
0xd9: {  	s16 =	spop (v2sf)  }
0xda: {  	s30 =	simm.s32 $0x4;
	v4, _, _ =	vpop (xrf0);
	s22 =	sshll.u32 s16, $0x7  }
0xdb: {  	s17 =	simm.s32 $0x5;
	[sflag:s12] =	ssyncset.done @p2 $0x0;
	(v2sf) =	vpush v4, $0xF;
	v4 =	vmov s30;
	s22 =	sand.u32 $0x3F80, s22  }
0xdc: {  	[sflag:s12] =	ssyncadd.s32 @p2 $0xFFFFE000;
	s25 =	simm.s32 $0x4DB0;
	vm12 =	veq.s32 v4, v0;
	v4 =	vmov s17;
	s22 =	sadd.s32 s22, s5  }
0xdd: {  	v5 =	vnsel vm12, $0x0, v3;
	vm13 =	veq.s32 v4, v0;
	[tilespmem:s25], [sflag:$0x8] =	stream.linear.gather [spmem:s22], $0x80, $0x38;
	[tilespmem:$0x12DB0] =	vst v63  }
0xde: {  	s1 =	simm.s32 $0x6;
	(xrf0) =	vadd.scan.msk.s32 $0xffff, v5;
	v4 =	vnsel vm13, $0x0, v3;
	s22 =	simm.s32 $0x7  }
0xdf: {  	v5 =	vmov s1;
	(xrf0) =	vadd.scan.msk.s32 $0xffff, v4;
	v4 =	vmov s22  }
0xe0: {  	s14 =	simm.s32 $0x4FB0;
	vm14 =	veq.s32 v5, v0;
	s16 =	sand.u32 $0x80, s16;
	vm15 =	veq.s32 v4, v0  }
0xe1: {  	s15 =	simm.s32 $0x51B0;
	v5 =	vnsel vm14, $0x0, v3;
	s16 =	sadd.s32 s16, s5;
	s28 =	spop (v2sf);
	v4 =	vnsel vm15, $0x0, v3  }
0xe2: {  	s18 =	simm.s32 $0x4E30;
	(xrf0) =	vadd.scan.msk.s32 $0xffff, v5;
	s16 =	sadd.s32 $0x3200, s16;
	s3 =	sshll.u32 s28, $0x7  }
0xe3: {  	[tilespmem:s18], [sflag:$0x8] =	stream.linear.gather [spmem:s16], $0x80, $0x38;
	[tilespmem:$0x12DB0] =	vst v63  }
0xe4: {  	s12 =	simm.s32 $0x5430;
	s30 =	simm.s32 $0x5230;
	s17 =	sand.u32 $0x3F80, s3;
	(xrf0) =	vadd.scan.msk.s32 $0xffff, v4;
	v4, _, _ =	vpop (xrf0)  }
0xe5: {  	s18 =	sand.u32 $0x80, s28;
	s25 =	sadd.s32 s17, s5;
	s28 =	spop (v2sf);
	(v2sf) =	vpush v4, $0xF  }
0xe6: {  	[tilespmem:s14], [sflag:$0x8] =	stream.linear.gather [spmem:s25], $0x80, $0x38;
	[tilespmem:$0x12DB0] =	vst v63  }
0xe7: {  	s3 =	simm.s32 $0x5030;
	s13 =	sadd.s32 s18, s5;
	s1 =	sshll.u32 s28, $0x7  }
0xe8: {  	s13 =	sadd.s32 $0x3200, s13;
	s17 =	sand.u32 $0x80, s28;
	s16 =	sand.u32 $0x3F80, s1;
	v5, _, _ =	vpop (xrf0)  }
0xe9: {  	[tilespmem:s3], [sflag:$0x8] =	stream.linear.gather [spmem:s13], $0x80, $0x38;
	(v2sf) =	vpush v5, $0xF;
	[tilespmem:$0x12DB0] =	vst v63  }
0xea: {  	s18 =	sadd.s32 s17, s5;
	s16 =	sadd.s32 s16, s5;
	s22 =	spop (v2sf)  }
0xeb: {  	[tilespmem:s15], [sflag:$0x8] =	stream.linear.gather [spmem:s16], $0x80, $0x38;
	[tilespmem:$0x12DB0] =	vst v63  }
0xec: {  	s17 =	simm.s32 $0x5430;
	s13 =	sadd.s32 $0x3200, s18;
	s28 =	sshll.u32 s22, $0x7  }
0xed: {  	v4, _, _ =	vpop (xrf0);
	[tilespmem:s30], [sflag:$0x8] =	stream.linear.gather [spmem:s13], $0x80, $0x38;
	[tilespmem:$0x12DB0] =	vst v63  }
0xee: {  	s25 =	sand.u32 $0x80, s22;
	s15 =	simm.s32 $0x53B0;
	(v2sf) =	vpush v4, $0xF;
	s30 =	sand.u32 $0x3F80, s28  }
0xef: {  	s16 =	sadd.s32 s25, s5;
	s13 =	simm.s32 $0x8;
	v4, _, _ =	vpop (xrf0);
	s18 =	sadd.s32 s30, s5  }
.LBB2_6:
0xf0: {  	p3 =	slt.u32 s13, $0xC  }
0xf1: {  	v5 =	vmov s13;
	(v2sf) =	vpush v4, $0xF;
	s12 =	sadd.s32 $0x800, s12;
	s22 =	smov.u32 s13;
	s13 =	sadd.s32 $0x4, s13  }
0xf2: {  	vm0 =	veq.s32 v5, v0;
	[tilespmem:s15], [sflag:$0x8] =	stream.linear.gather [spmem:s18], $0x80, $0x38;
	[tilespmem:$0x12DB0] =	vst v63  }
0xf3: {  	s18 =	sadd.s32 $0xFFFFFB80, s12;
	s15 =	sadd.s32 $0xFFFFFD80, s12;
	s14 =	sadd.s32 $0xFFFFFE00, s12;
	v4 =	vnsel vm0, $0x0, v3  }
0xf4: {  	s25 =	sadd.s32 $0x1, s22;
	s28 =	sadd.s32 $0xFFFFFA00, s12;
	(xrf0) =	vadd.scan.msk.s32 $0xffff, v4;
	s30 =	spop (v2sf)  }
0xf5: {  	s16 =	sadd.s32 $0x3200, s16;
	v4 =	vmov s25;
	s25 =	sand.u32 $0x80, s30;
	s30 =	sshll.u32 s30, $0x7  }
0xf6: {  	s3 =	sadd.s32 $0x2, s22;
	s1 =	sadd.s32 $0xFFFFF980, s12;
	vm0 =	veq.s32 v4, v0;
	s30 =	sand.u32 $0x3F80, s30  }
0xf7: {  	v4 =	vnsel vm0, $0x0, v3;
	[tilespmem:s17], [sflag:$0x8] =	stream.linear.gather [spmem:s16], $0x80, $0x38;
	[tilespmem:$0x12DB0] =	vst v63  }
0xf8: {  	s16 =	sadd.s32 s30, s5;
	s17 =	sadd.s32 s25, s5;
	(xrf0) =	vadd.scan.msk.s32 $0xffff, v4;
	s25 =	spop (v2sf)  }
0xf9: {  	[tilespmem:s1], [sflag:$0x8] =	stream.linear.gather [spmem:s16], $0x80, $0x38;
	[tilespmem:$0x12DB0] =	vst v63  }
0xfa: {  	v4 =	vmov s3;
	s1 =	sadd.s32 $0x3200, s17;
	s3 =	sand.u32 $0x80, s25;
	s16 =	sshll.u32 s25, $0x7;
	v5, _, _ =	vpop (xrf0)  }
0xfb: {  	vm0 =	veq.s32 v4, v0;
	(v2sf) =	vpush v5, $0xF;
	[tilespmem:s28], [sflag:$0x8] =	stream.linear.gather [spmem:s1], $0x80, $0x38;
	[tilespmem:$0x12DB0] =	vst v63  }
0xfc: {  	v6 =	vnsel vm0, $0x0, v3;
	s16 =	sand.u32 $0x3F80, s16;
	s3 =	sadd.s32 s3, s5;
	s1 =	sadd.s32 $0x3, s22  }
0xfd: {  	s3 =	sadd.s32 $0x3200, s3;
	v5 =	vmov s1;
	s1 =	sadd.s32 s16, s5;
	(xrf0) =	vadd.scan.msk.s32 $0xffff, v6;
	s16 =	spop (v2sf)  }
0xfe: {  	vm0 =	veq.s32 v5, v0;
	v4, _, _ =	vpop (xrf0);
	[tilespmem:s18], [sflag:$0x8] =	stream.linear.gather [spmem:s1], $0x80, $0x38;
	[tilespmem:$0x12DB0] =	vst v63  }
0xff: {  	v5 =	vnsel vm0, $0x0, v3;
	s1 =	sadd.s32 $0xFFFFFC00, s12;
	s17 =	sand.u32 $0x80, s16;
	s16 =	sshll.u32 s16, $0x7;
	(v2sf) =	vpush v4, $0xF  }
0x100: {  	s16 =	sand.u32 $0x3F80, s16;
	s17 =	sadd.s32 s17, s5;
	(xrf0) =	vadd.scan.msk.s32 $0xffff, v5;
	s18 =	spop (v2sf)  }
0x101: {  	s22 =	sadd.s32 s16, s5;
	s16 =	sand.u32 $0x80, s18;
	s18 =	sshll.u32 s18, $0x7  }
0x102: {  	[tilespmem:s1], [sflag:$0x8] =	stream.linear.gather [spmem:s3], $0x80, $0x38;
	[tilespmem:$0x12DB0] =	vst v63  }
.Ltmp6:
0x103: {  	_ = 	snop;
	(pc) =	sbr.rel @p3 .LBB2_6-.Ltmp6, $4  }
0x104: {  	s1 =	sadd.s32 $0x3200, s17;
	s3 =	sand.u32 $0x3F80, s18;
	s16 =	sadd.s32 s16, s5;
	v4, _, _ =	vpop (xrf0)  }
0x105: {  	(v2sf) =	vpush v4, $0xF;
	[tilespmem:s15], [sflag:$0x8] =	stream.linear.gather [spmem:s22], $0x80, $0x38;
	[tilespmem:$0x12DB0] =	vst v63  }
0x106: {  	s17 =	smov.u32 s12;
	s18 =	sadd.s32 s3, s5;
	s15 =	sadd.s32 $0xFFFFFF80, s12  }
0x107: {  	v4, _, _ =	vpop (xrf0);
	[tilespmem:s14], [sflag:$0x8] =	stream.linear.gather [spmem:s1], $0x80, $0x38;
	[tilespmem:$0x12DB0] =	vst v63  }
0x108: {  	_ = 	snop  }
0x109: {  	(v2sf) =	vpush v4, $0xF;
	[tilespmem:s15], [sflag:$0x8] =	stream.linear.gather [spmem:s18], $0x80, $0x38;
	[tilespmem:$0x12DB0] =	vst v63  }
0x10a: {  	s18 =	sadd.s32 $0x3200, s16;
	s15 =	spop (v2sf)  }
0x10b: {  	[tilespmem:s17], [sflag:$0x8] =	stream.linear.gather [spmem:s18], $0x80, $0x38;
	[tilespmem:$0x12DB0] =	vst v63  }
0x10c: {  	s1 =	sadd.s32 $0x800, s12;
	s12 =	sshll.u32 s15, $0x7  }
0x10d: {  	s22 =	sadd.s32 $0xFFFFF980, s1;
	s14 =	sand.u32 $0x80, s15;
	s12 =	sand.u32 $0x3F80, s12  }
0x10e: {  	s14 =	sadd.s32 s14, s5;
	s12 =	sadd.s32 s12, s5;
	s25 =	spop (v2sf)  }
0x10f: {  	[tilespmem:s22], [sflag:$0x8] =	stream.linear.gather [spmem:s12], $0x80, $0x38;
	[tilespmem:$0x12DB0] =	vst v63  }
0x110: {  	s28 =	sadd.s32 $0xFFFFFA00, s1;
	s14 =	sadd.s32 $0x3200, s14;
	s30 =	sshll.u32 s25, $0x7  }
0x111: {  	[tilespmem:s28], [sflag:$0x8] =	stream.linear.gather [spmem:s14], $0x80, $0x38;
	[tilespmem:$0x12DB0] =	vst v63  }
0x112: {  	s15 =	sand.u32 $0x80, s25;
	s16 =	sand.u32 $0x3F80, s30  }
0x113: {  	s3 =	sadd.s32 $0xFFFFFB80, s1;
	s14 =	sadd.s32 s15, s5;
	s15 =	sadd.s32 s16, s5  }
0x114: {  	[tilespmem:s3], [sflag:$0x8] =	stream.linear.gather [spmem:s15], $0x80, $0x38;
	[tilespmem:$0x12DB0] =	vst v63  }
0x115: {  	s22 =	sadd.s32 $0xFFFFFC00, s1;
	s18 =	sadd.s32 $0x3200, s14;
	s17 =	spop (v2sf)  }
0x116: {  	[tilespmem:s22], [sflag:$0x8] =	stream.linear.gather [spmem:s18], $0x80, $0x38;
	[tilespmem:$0x12DB0] =	vst v63  }
0x117: {  	s13 =	sadd.s32 $0xFFFFFD80, s1;
	s12 =	sadd.s32 $0xFFFFFE00, s1;
	s25 =	sshll.u32 s17, $0x7  }
0x118: {  	s16 =	sand.u32 $0x80, s17;
	s15 =	sand.u32 $0x3F80, s25;
	s28 =	spop (v2sf)  }
0x119: {  	s30 =	sadd.s32 s16, s5;
	s15 =	sadd.s32 s15, s5;
	s16 =	sshll.u32 s28, $0x7  }
0x11a: {  	[tilespmem:s13], [sflag:$0x8] =	stream.linear.gather [spmem:s15], $0x80, $0x38;
	[tilespmem:$0x12DB0] =	vst v63  }
0x11b: {  	s3 =	sadd.s32 $0x3200, s30;
	s18 =	sand.u32 $0x80, s28;
	s22 =	sand.u32 $0x3F80, s16  }
0x11c: {  	[tilespmem:s12], [sflag:$0x8] =	stream.linear.gather [spmem:s3], $0x80, $0x38;
	[tilespmem:$0x12DB0] =	vst v63  }
0x11d: {  	s28 =	sadd.s32 $0xFFFFFF80, s1;
	s25 =	sadd.s32 s18, s5;
	s30 =	sadd.s32 s22, s5  }
0x11e: {  	[tilespmem:s28], [sflag:$0x8] =	stream.linear.gather [spmem:s30], $0x80, $0x38;
	[tilespmem:$0x12DB0] =	vst v63  }
0x11f: {  	s13 =	simm.s32 $0x4;
	s3 =	sadd.s32 $0x3200, s25  }
0x120: {  	v4 =	vshra.s32 v3, $0x5;
	v3 =	vshrl.u32 v3, $0x1;
	[tilespmem:s1], [sflag:$0x8] =	stream.linear.gather [spmem:s3], $0x80, $0x38;
	[tilespmem:$0x12DB0] =	vst v63  }
0x121: {  	v5 =	vand.u32 $0xFFFFFF80, v4;
	v4 =	vand.u32 $0x780, v3;
	v13 =	vadd.s32 s13, v0;
	s1 =	simm.s32 $0x0  }
0x122: {  	v3 =	vadd.s32 $0x480, v5;
	s14 =	simm.s32 $0x5;
	v15 =	vand.u32 $0x7F, v13;
	v6 =	vadd.s32 s1, v0  }
0x123: {  	v14 =	vadd.s32 s14, v0;
	v17 =	vor.u32 v4, v15;
	s3 =	simm.s32 $0x7;
	v5 =	vand.u32 $0x7F, v6  }
0x124: {  	v19 =	vand.u32 $0x7F, v14;
	s12 =	simm.s32 $0x2;
	v7 =	vadd.s32 s3, v0;
	v8 =	vor.u32 v4, v5  }
0x125: {  	v21 =	vor.u32 v4, v19;
	s17 =	simm.s32 $0x6;
	v9 =	vadd.s32 s12, v0;
	v10 =	vand.u32 $0x7F, v7  }
0x126: {  	v22 =	vadd.s32 s17, v0;
	s15 =	simm.s32 $0x3;
	v11 =	vand.u32 $0x7F, v9;
	v12 =	vor.u32 v4, v10  }
0x127: {  	v27 =	vand.u32 $0x7F, v22;
	v18 =	vadd.s32 s15, v0;
	v16 =	vor.u32 v4, v11  }
0x128: {  	v31 =	vor.u32 v4, v27;
	s16 =	simm.s32 $0x1;
	v20 =	vand.u32 $0x7F, v18;
	v34 =	vor.u32 v1, v15;
	v17 =	vld.idx.msk [tilespmem:v17+s21+$0x0], $0xffff  }
0x129: {  	v24 =	vadd.s32 s16, v0;
	v25 =	vor.u32 v4, v20;
	v23 =	vor.u32 v1, v5;
	v8 =	vld.idx.msk [tilespmem:v8+s21+$0x0], $0xffff  }
0x12a: {  	v38 =	vor.u32 v3, v19;
	v26 =	vand.u32 $0x7F, v24;
	v35 =	vor.u32 v3, v15;
	v36 =	vld.idx.msk [tilespmem:v21+s21+$0x0], $0xffff  }
0x12b: {  	v62 =	vor.u32 v1, v27;
	v30 =	vor.u32 v4, v26;
	v32 =	vor.u32 v1, v10;
	v29 =	vld.idx.msk [tilespmem:v12+s21+$0x0], $0xffff  }
0x12c: {  	v28 =	vor.u32 v3, v5;
	v5 =	vor.u32 v2, v22;
	v22 =	vor.u32 v1, v11;
	v16 =	vld.idx.msk [tilespmem:v16+s21+$0x0], $0xffff  }
0x12d: {  	v40 =	vor.u32 v3, v20;
	v33 =	vor.u32 v3, v11;
	v31 =	vld.idx.msk [tilespmem:v31+s21+$0x0], $0xffff;
	[tilespmem:v34+s24+$0x0] =	vst.idx.msk $0xffff, v17  }
0x12e: {  	v10 =	vor.u32 v3, v10;
	[tilespmem:v23+s24+$0x0] =	vst.idx.msk $0xffff, v8;
	v8 =	vld.idx.msk [tilespmem:v25+s21+$0x0], $0xffff;
	v25 =	vor.u32 v1, v19  }
0x12f: {  	v37 =	vor.u32 v1, v26;
	v12 =	vor.u32 v3, v26;
	v26 =	vor.u32 v1, v20;
	v20 =	vld.idx.msk [tilespmem:v35+s21+$0x0], $0xffff  }
0x130: {  	v63 =	vor.u32 v3, v27;
	v15 =	vor.u32 v2, v14;
	[tilespmem:v32+s24+$0x0] =	vst.idx.msk $0xffff, v29;
	v29 =	vld.idx.msk [tilespmem:v30+s21+$0x0], $0xffff  }
0x131: {  	v21 =	vor.u32 v2, v13;
	v39 =	vor.u32 v2, v6;
	[tilespmem:v22+s24+$0x0] =	vst.idx.msk $0xffff, v16;
	v28 =	vld.idx.msk [tilespmem:v28+s21+$0x0], $0xffff  }
0x132: {  	s18 =	simm.s32 $0x8;
	v13 =	vor.u32 v2, v24;
	[tilespmem:v62+s24+$0x0] =	vst.idx.msk $0xffff, v31;
	v19 =	vld.idx.msk [tilespmem:v33+s21+$0x0], $0xffff;
	v23 =	vor.u32 v2, v9  }
0x133: {  	s22 =	simm.s32 $0xF;
	v11 =	vor.u32 v2, v7;
	v7 =	vadd.s32 s18, v0;
	v24 =	vld.idx.msk [tilespmem:v10+s21+$0x0], $0xffff;
	[tilespmem:v25+s24+$0x0] =	vst.idx.msk $0xffff, v36  }
0x134: {  	s25 =	simm.s32 $0xC;
	v14 =	vor.u32 v2, v18;
	v6 =	vadd.s32 s22, v0;
	v16 =	vand.u32 $0x7F, v7;
	[tilespmem:v26+s24+$0x0] =	vst.idx.msk $0xffff, v8;
	v22 =	vld.idx.msk [tilespmem:v38+s21+$0x0], $0xffff  }
0x135: {  	s14 =	simm.s32 $0xE;
	s28 =	simm.s32 $0xD;
	s30 =	simm.s32 $0xA;
	v17 =	vand.u32 $0x7F, v6;
	v27 =	vor.u32 v4, v16;
	v8 =	vadd.s32 s25, v0;
	[tilespmem:v37+s24+$0x0] =	vst.idx.msk $0xffff, v29;
	v26 =	vld.idx.msk [tilespmem:v63+s21+$0x0], $0xffff  }
0x136: {  	s15 =	simm.s32 $0xB;
	s16 =	simm.s32 $0x9;
	s12 =	simm.s32 $0x10;
	v9 =	vadd.s32 s28, v0;
	v10 =	vadd.s32 s30, v0;
	[tilespmem:v39+s24+$0x0] =	vst.idx.msk $0xffff, v28;
	v25 =	vld.idx.msk [tilespmem:v40+s21+$0x0], $0xffff;
	v18 =	vand.u32 $0x7F, v8  }
.LBB2_8:
0x137: {  	p3 =	slt.u32 s12, $0x78;
	v28 =	vadd.s32 s16, v0;
	v29 =	vand.u32 $0x7F, v10;
	v30 =	vor.u32 v4, v17;
	v12 =	vld.idx.msk [tilespmem:v12+s21+$0x0], $0xffff;
	[tilespmem:v23+s24+$0x0] =	vst.idx.msk $0xffff, v19;
	s13 =	smov.u32 s12;
	s12 =	sadd.s32 $0x8, s12  }
0x138: {  	v31 =	vor.u32 v4, v18;
	v19 =	vand.u32 $0x7F, v28;
	v23 =	vor.u32 v4, v29;
	[tilespmem:v21+s24+$0x0] =	vst.idx.msk $0xffff, v20  }
0x139: {  	v32 =	vadd.s32 s15, v0;
	v21 =	vand.u32 $0x7F, v9;
	v20 =	vor.u32 v4, v19;
	[tilespmem:v15+s24+$0x0] =	vst.idx.msk $0xffff, v22  }
0x13a: {  	v33 =	vadd.s32 s14, v0;
	v22 =	vand.u32 $0x7F, v32;
	v15 =	vld.idx.msk [tilespmem:v27+s21+$0x0], $0xffff;
	v27 =	vor.u32 v4, v21;
	[tilespmem:v11+s24+$0x0] =	vst.idx.msk $0xffff, v24  }
0x13b: {  	v34 =	vand.u32 $0x7F, v33;
	v11 =	vor.u32 v1, v16;
	v24 =	vor.u32 v4, v22;
	[tilespmem:v14+s24+$0x0] =	vst.idx.msk $0xffff, v25  }
0x13c: {  	v14 =	vor.u32 v3, v16;
	v16 =	vor.u32 v4, v34;
	v25 =	vld.idx.msk [tilespmem:v30+s21+$0x0], $0xffff;
	[tilespmem:v5+s24+$0x0] =	vst.idx.msk $0xffff, v26  }
0x13d: {  	v5 =	vor.u32 v2, v33;
	v26 =	vor.u32 v1, v17;
	v23 =	vld.idx.msk [tilespmem:v23+s21+$0x0], $0xffff;
	[tilespmem:v13+s24+$0x0] =	vst.idx.msk $0xffff, v12  }
0x13e: {  	v17 =	vor.u32 v3, v17;
	v13 =	vor.u32 v1, v29;
	v30 =	vld.idx.msk [tilespmem:v31+s21+$0x0], $0xffff  }
0x13f: {  	v29 =	vor.u32 v3, v29;
	v31 =	vor.u32 v1, v18;
	v18 =	vor.u32 v3, v18;
	v27 =	vld.idx.msk [tilespmem:v27+s21+$0x0], $0xffff  }
0x140: {  	v35 =	vor.u32 v1, v21;
	v33 =	vor.u32 v1, v19;
	[tilespmem:v11+s24+$0x0] =	vst.idx.msk $0xffff, v15;
	v24 =	vld.idx.msk [tilespmem:v24+s21+$0x0], $0xffff  }
0x141: {  	v37 =	vor.u32 v3, v21;
	v12 =	vor.u32 v3, v19;
	v36 =	vld.idx.msk [tilespmem:v14+s21+$0x0], $0xffff;
	v14 =	vor.u32 v1, v22  }
0x142: {  	v38 =	vor.u32 v2, v7;
	v39 =	vor.u32 v3, v22;
	v40 =	vld.idx.msk [tilespmem:v16+s21+$0x0], $0xffff;
	[tilespmem:v26+s24+$0x0] =	vst.idx.msk $0xffff, v25  }
0x143: {  	v41 =	vor.u32 v1, v34;
	v11 =	vor.u32 v2, v6;
	v26 =	vld.idx.msk [tilespmem:v20+s21+$0x0], $0xffff;
	[tilespmem:v13+s24+$0x0] =	vst.idx.msk $0xffff, v23  }
0x144: {  	v15 =	vor.u32 v2, v9;
	v19 =	vld.idx.msk [tilespmem:v29+s21+$0x0], $0xffff;
	[tilespmem:v31+s24+$0x0] =	vst.idx.msk $0xffff, v30;
	v29 =	vor.u32 v3, v34  }
.Ltmp7:
0x145: {  	v21 =	vor.u32 v2, v8;
	v23 =	vor.u32 v2, v10;
	v20 =	vld.idx.msk [tilespmem:v18+s21+$0x0], $0xffff;
	[tilespmem:v35+s24+$0x0] =	vst.idx.msk $0xffff, v27;
	(pc) =	sbr.rel @p3 .LBB2_8-.Ltmp7, $4  }
0x146: {  	v7 =	vadd.s32 s13, v0;
	s1 =	sadd.s32 $0x7, s13;
	[tilespmem:v14+s24+$0x0] =	vst.idx.msk $0xffff, v24;
	v14 =	vor.u32 v2, v32;
	v22 =	vld.idx.msk [tilespmem:v37+s21+$0x0], $0xffff  }
0x147: {  	s3 =	sadd.s32 $0x4, s13;
	s17 =	sadd.s32 $0x5, s13;
	s14 =	sadd.s32 $0x6, s13;
	v6 =	vadd.s32 s1, v0;
	v16 =	vand.u32 $0x7F, v7;
	v13 =	vor.u32 v2, v28;
	[tilespmem:v38+s24+$0x0] =	vst.idx.msk $0xffff, v36;
	v24 =	vld.idx.msk [tilespmem:v17+s21+$0x0], $0xffff  }
0x148: {  	s16 =	sadd.s32 $0x1, s13;
	s15 =	sadd.s32 $0x3, s13;
	v8 =	vadd.s32 s3, v0;
	s1 =	sadd.s32 $0x2, s13;
	v9 =	vadd.s32 s17, v0;
	v27 =	vor.u32 v4, v16;
	v25 =	vld.idx.msk [tilespmem:v39+s21+$0x0], $0xffff;
	[tilespmem:v41+s24+$0x0] =	vst.idx.msk $0xffff, v40  }
0x149: {  	v10 =	vadd.s32 s1, v0;
	v18 =	vand.u32 $0x7F, v8;
	v17 =	vand.u32 $0x7F, v6;
	[tilespmem:v33+s24+$0x0] =	vst.idx.msk $0xffff, v26;
	v26 =	vld.idx.msk [tilespmem:v29+s21+$0x0], $0xffff  }
0x14a: {  	_ =	sdelay $0x2  }
0x14b: {  	v29 =	vor.u32 v4, v17  }
0x14c: {  	v28 =	vand.u32 $0x7F, v10;
	v60 =	vor.u32 v4, v18;
	[tilespmem:v21+s24+$0x0] =	vst.idx.msk $0xffff, v20;
	v20 =	vadd.s32 s15, v0  }
0x14d: {  	[tilespmem:v23+s24+$0x0] =	vst.idx.msk $0xffff, v19;
	v12 =	vld.idx.msk [tilespmem:v12+s21+$0x0], $0xffff;
	v61 =	vand.u32 $0x7F, v9;
	v32 =	vadd.s32 s14, v0;
	v59 =	vor.u32 v4, v28  }
0x14e: {  	v62 =	vld.idx.msk [tilespmem:v27+s21+$0x0], $0xffff;
	v37 =	vor.u32 v1, v16;
	v39 =	vor.u32 v3, v16;
	v36 =	vor.u32 v4, v61  }
0x14f: {  	v34 =	vor.u32 v1, v17;
	v44 =	vor.u32 v1, v18;
	[tilespmem:v15+s24+$0x0] =	vst.idx.msk $0xffff, v22;
	v63 =	vand.u32 $0x7F, v20  }
0x150: {  	v30 =	vadd.s32 s16, v0;
	v33 =	vand.u32 $0x7F, v32;
	[tilespmem:v11+s24+$0x0] =	vst.idx.msk $0xffff, v24;
	v38 =	vor.u32 v4, v63;
	v29 =	vld.idx.msk [tilespmem:v29+s21+$0x0], $0xffff  }
0x151: {  	v31 =	vand.u32 $0x7F, v30;
	v40 =	vor.u32 v4, v33;
	[tilespmem:v14+s24+$0x0] =	vst.idx.msk $0xffff, v25;
	v43 =	vld.idx.msk [tilespmem:v60+s21+$0x0], $0xffff  }
0x152: {  	v41 =	vor.u32 v1, v28;
	v42 =	vor.u32 v4, v31;
	[tilespmem:v5+s24+$0x0] =	vst.idx.msk $0xffff, v26;
	v19 =	vld.idx.msk [tilespmem:v59+s21+$0x0], $0xffff  }
0x153: {  	v48 =	vor.u32 v3, v18;
	v47 =	vor.u32 v1, v61;
	[tilespmem:v37+s24+$0x0] =	vst.idx.msk $0xffff, v62;
	v46 =	vld.idx.msk [tilespmem:v36+s21+$0x0], $0xffff  }
0x154: {  	v7 =	vor.u32 v2, v7;
	v51 =	vor.u32 v3, v17;
	[tilespmem:v13+s24+$0x0] =	vst.idx.msk $0xffff, v12;
	v16 =	vld.idx.msk [tilespmem:v39+s21+$0x0], $0xffff  }
0x155: {  	v45 =	vor.u32 v3, v28;
	v50 =	vor.u32 v1, v63;
	v49 =	vld.idx.msk [tilespmem:v38+s21+$0x0], $0xffff;
	[tilespmem:v34+s24+$0x0] =	vst.idx.msk $0xffff, v29  }
0x156: {  	v21 =	vor.u32 v3, v61;
	v52 =	vor.u32 v1, v33;
	v14 =	vld.idx.msk [tilespmem:v40+s21+$0x0], $0xffff;
	[tilespmem:v44+s24+$0x0] =	vst.idx.msk $0xffff, v43  }
0x157: {  	v53 =	vor.u32 v1, v31;
	v22 =	vor.u32 v3, v63;
	v4 =	vld.idx.msk [tilespmem:v42+s21+$0x0], $0xffff;
	[tilespmem:v41+s24+$0x0] =	vst.idx.msk $0xffff, v19  }
0x158: {  	v8 =	vor.u32 v2, v8;
	v55 =	vor.u32 v3, v33;
	[tilespmem:v47+s24+$0x0] =	vst.idx.msk $0xffff, v46;
	v57 =	vld.idx.msk [tilespmem:v48+s21+$0x0], $0xffff  }
0x159: {  	v6 =	vor.u32 v2, v6;
	v3 =	vor.u32 v3, v31;
	[tilespmem:v7+s24+$0x0] =	vst.idx.msk $0xffff, v16;
	v60 =	vld.idx.msk [tilespmem:v51+s21+$0x0], $0xffff  }
0x15a: {  	v56 =	vor.u32 v2, v10;
	v54 =	vld.idx.msk [tilespmem:v45+s21+$0x0], $0xffff;
	[tilespmem:v50+s24+$0x0] =	vst.idx.msk $0xffff, v49  }
0x15b: {  	v58 =	vor.u32 v2, v9;
	v59 =	vld.idx.msk [tilespmem:v21+s21+$0x0], $0xffff;
	[tilespmem:v52+s24+$0x0] =	vst.idx.msk $0xffff, v14  }
0x15c: {  	v61 =	vor.u32 v2, v20;
	[tilespmem:v53+s24+$0x0] =	vst.idx.msk $0xffff, v4;
	v15 =	vld.idx.msk [tilespmem:v22+s21+$0x0], $0xffff  }
0x15d: {  	v62 =	vor.u32 v2, v32;
	v12 =	vld.idx.msk [tilespmem:v55+s21+$0x0], $0xffff;
	[tilespmem:v8+s24+$0x0] =	vst.idx.msk $0xffff, v57  }
0x15e: {  	v63 =	vor.u32 v2, v30;
	v3 =	vld.idx.msk [tilespmem:v3+s21+$0x0], $0xffff;
	[tilespmem:v6+s24+$0x0] =	vst.idx.msk $0xffff, v60  }
0x15f: {  	[tilespmem:v56+s24+$0x0] =	vst.idx.msk $0xffff, v54  }
0x160: {  	[tilespmem:v58+s24+$0x0] =	vst.idx.msk $0xffff, v59  }
0x161: {  	[tilespmem:v61+s24+$0x0] =	vst.idx.msk $0xffff, v15  }
0x162: {  	[tilespmem:v62+s24+$0x0] =	vst.idx.msk $0xffff, v12  }
0x163: {  	s3 =	simm.s32 $0x8;
	[tilespmem:v63+s24+$0x0] =	vst.idx.msk $0xffff, v3  }
0x164: {  	s1 =	sadd.s32 s7, s11;
	_ =	swait.ge [sflag:s3], $0x1000  }
0x165: {  	s1 =	sshll.u32 s1, $0x6;
	[sflag:s3] =	ssyncset.done $0x0  }
0x166: {  	s1 =	sadd.s32 s8, s1;
	[sflag:s3] =	ssyncadd.s32 $0xFFFFF000  }
0x167: {  	[hbm4b:s1+s6] =	stream.linear.scatter [tilespmem:s24], [sflag:$0x1], $0x2000, $0x38;
	[tilespmem:$0x12DB0] =	vst v63  }
.LBB2_10:
0x168: {  	s11 =	sadd.s32 $0x1, s20  }
0x169: {  	p3 =	sge.u32 s11, s9  }
.Ltmp8:
0x16a: {  	_ = 	snop;
	(pc) =	sbr.rel @p3 .LBB2_16-.Ltmp8, $1  }
0x16b: {  	_ =	sdelay $0x3  }
0x16c: {  	s11 =	sshll.u32 s11, $0x4  }
0x16d: {  	v3 =	vld [tilespmem:s11+$0x4130];
	_ =	sdelay $0x1  }
0x16e: {  	s13 =	simm.s32 $0x0  }
0x16f: {  	v4 =	vmov s13  }
0x170: {  	s1 =	simm.s32 @p2 $0x2;
	vm0 =	veq.s32 v4, v0  }
0x171: {  	s22 =	simm.s32 $0x1;
	_ =	swait.ge @p2 [sflag:s1], $0x2000;
	v4 =	vnsel vm0, $0x0, v3  }
0x172: {  	(xrf0) =	vadd.scan.msk.s32 $0xffff, v4;
	v4 =	vmov s22  }
0x173: {  	vm9 =	veq.s32 v4, v0  }
0x174: {  	v4 =	vnsel vm9, $0x0, v3  }
0x175: {  	s25 =	simm.s32 $0x2;
	(xrf0) =	vadd.scan.msk.s32 $0xffff, v4  }
0x176: {  	v4 =	vmov s25  }
0x177: {  	vm10 =	veq.s32 v4, v0  }
0x178: {  	v4 =	vnsel vm10, $0x0, v3;
	v5, _, _ =	vpop (xrf0)  }
0x179: {  	(v2sf) =	vpush v5, $0xF;
	_ =	sdelay $0x1  }
0x17a: {  	(xrf0) =	vadd.scan.msk.s32 $0xffff, v4;
	v4, _, _ =	vpop (xrf0)  }
0x17b: {  	(v2sf) =	vpush v4, $0xF;
	_ =	sdelay $0x1  }
0x17c: {  	s28 =	simm.s32 $0x3  }
0x17d: {  	v5 =	vmov s28  }
0x17e: {  	vm11 =	veq.s32 v5, v0  }
0x17f: {  	v4 =	vnsel vm11, $0x0, v3;
	_ =	sdelay $0x1  }
0x180: {  	(xrf0) =	vadd.scan.msk.s32 $0xffff, v4  }
0x181: {  	v4, _, _ =	vpop (xrf0)  }
0x182: {  	(v2sf) =	vpush v4, $0xF;
	_ =	sdelay $0x2  }
0x183: {  	s30 =	simm.s32 $0x4;
	s14 =	spop (v2sf)  }
0x184: {  	s15 =	simm.s32 $0x5;
	[sflag:s1] =	ssyncset.done @p2 $0x0;
	v4, _, _ =	vpop (xrf0);
	s17 =	sshll.u32 s14, $0x7  }
0x185: {  	s18 =	simm.s32 $0x6DB0;
	[sflag:s1] =	ssyncadd.s32 @p2 $0xFFFFE000;
	(v2sf) =	vpush v4, $0xF;
	v4 =	vmov s30;
	s17 =	sand.u32 $0x3F80, s17  }
0x186: {  	vm12 =	veq.s32 v4, v0;
	v4 =	vmov s15;
	s15 =	simm.s32 $0x6;
	s17 =	sadd.s32 s17, s5;
	s22 =	spop (v2sf)  }
0x187: {  	v5 =	vnsel vm12, $0x0, v3;
	vm13 =	veq.s32 v4, v0;
	[tilespmem:s18], [sflag:$0x9] =	stream.linear.gather [spmem:s17], $0x80, $0x38;
	[tilespmem:$0x12DB0] =	vst v63  }
0x188: {  	(xrf0) =	vadd.scan.msk.s32 $0xffff, v5;
	v4 =	vnsel vm13, $0x0, v3;
	s17 =	sshll.u32 s22, $0x7;
	s18 =	sand.u32 $0x80, s22;
	s22 =	simm.s32 $0x7  }
0x189: {  	v5 =	vmov s15;
	(xrf0) =	vadd.scan.msk.s32 $0xffff, v4;
	v4 =	vmov s22  }
0x18a: {  	vm14 =	veq.s32 v5, v0;
	s14 =	sand.u32 $0x80, s14;
	vm15 =	veq.s32 v4, v0  }
0x18b: {  	v5 =	vnsel vm14, $0x0, v3;
	s14 =	sadd.s32 s14, s5;
	v4 =	vnsel vm15, $0x0, v3  }
0x18c: {  	s12 =	simm.s32 $0x7430;
	s16 =	simm.s32 $0x6E30;
	(xrf0) =	vadd.scan.msk.s32 $0xffff, v5;
	s14 =	sadd.s32 $0x3200, s14  }
0x18d: {  	[tilespmem:s16], [sflag:$0x9] =	stream.linear.gather [spmem:s14], $0x80, $0x38;
	[tilespmem:$0x12DB0] =	vst v63  }
0x18e: {  	s3 =	simm.s32 $0x6FB0;
	s13 =	simm.s32 $0x71B0;
	s15 =	sand.u32 $0x3F80, s17;
	(xrf0) =	vadd.scan.msk.s32 $0xffff, v4;
	v4, _, _ =	vpop (xrf0)  }
0x18f: {  	s30 =	simm.s32 $0x7230;
	s25 =	sadd.s32 s15, s5;
	s28 =	spop (v2sf);
	(v2sf) =	vpush v4, $0xF  }
0x190: {  	[tilespmem:s3], [sflag:$0x9] =	stream.linear.gather [spmem:s25], $0x80, $0x38;
	[tilespmem:$0x12DB0] =	vst v63  }
0x191: {  	s1 =	sadd.s32 s18, s5;
	s18 =	simm.s32 $0x7030;
	s17 =	sshll.u32 s28, $0x7  }
0x192: {  	s1 =	sadd.s32 $0x3200, s1;
	s15 =	sand.u32 $0x80, s28;
	s14 =	sand.u32 $0x3F80, s17;
	v5, _, _ =	vpop (xrf0)  }
0x193: {  	[tilespmem:s18], [sflag:$0x9] =	stream.linear.gather [spmem:s1], $0x80, $0x38;
	(v2sf) =	vpush v5, $0xF;
	[tilespmem:$0x12DB0] =	vst v63  }
0x194: {  	s22 =	sadd.s32 s15, s5;
	s14 =	sadd.s32 s14, s5;
	s25 =	spop (v2sf)  }
0x195: {  	[tilespmem:s13], [sflag:$0x9] =	stream.linear.gather [spmem:s14], $0x80, $0x38;
	[tilespmem:$0x12DB0] =	vst v63  }
0x196: {  	s17 =	simm.s32 $0x7430;
	s1 =	sadd.s32 $0x3200, s22;
	s15 =	sshll.u32 s25, $0x7  }
0x197: {  	v4, _, _ =	vpop (xrf0);
	[tilespmem:s30], [sflag:$0x9] =	stream.linear.gather [spmem:s1], $0x80, $0x38;
	[tilespmem:$0x12DB0] =	vst v63  }
0x198: {  	s28 =	sand.u32 $0x80, s25;
	s13 =	simm.s32 $0x8;
	(v2sf) =	vpush v4, $0xF;
	s30 =	sand.u32 $0x3F80, s15  }
0x199: {  	s16 =	sadd.s32 s28, s5;
	s15 =	simm.s32 $0x73B0;
	v4, _, _ =	vpop (xrf0);
	s18 =	sadd.s32 s30, s5  }
.LBB2_12:
0x19a: {  	p3 =	slt.u32 s13, $0xC  }
0x19b: {  	v5 =	vmov s13;
	(v2sf) =	vpush v4, $0xF;
	s12 =	sadd.s32 $0x800, s12;
	s1 =	smov.u32 s13;
	s13 =	sadd.s32 $0x4, s13  }
0x19c: {  	vm0 =	veq.s32 v5, v0;
	[tilespmem:s15], [sflag:$0x9] =	stream.linear.gather [spmem:s18], $0x80, $0x38;
	[tilespmem:$0x12DB0] =	vst v63  }
0x19d: {  	s3 =	sadd.s32 $0xFFFFFB80, s12;
	s15 =	sadd.s32 $0xFFFFFD80, s12;
	s14 =	sadd.s32 $0xFFFFFE00, s12;
	v4 =	vnsel vm0, $0x0, v3  }
0x19e: {  	s18 =	sadd.s32 $0x1, s1;
	s22 =	sadd.s32 $0xFFFFFA00, s12;
	(xrf0) =	vadd.scan.msk.s32 $0xffff, v4;
	s25 =	spop (v2sf)  }
0x19f: {  	s16 =	sadd.s32 $0x3200, s16;
	v4 =	vmov s18;
	s18 =	sand.u32 $0x80, s25;
	s25 =	sshll.u32 s25, $0x7  }
0x1a0: {  	s28 =	sadd.s32 $0x2, s1;
	s30 =	sadd.s32 $0xFFFFF980, s12;
	vm0 =	veq.s32 v4, v0;
	s25 =	sand.u32 $0x3F80, s25  }
0x1a1: {  	v4 =	vnsel vm0, $0x0, v3;
	[tilespmem:s17], [sflag:$0x9] =	stream.linear.gather [spmem:s16], $0x80, $0x38;
	[tilespmem:$0x12DB0] =	vst v63  }
0x1a2: {  	s16 =	sadd.s32 s25, s5;
	s17 =	sadd.s32 s18, s5;
	(xrf0) =	vadd.scan.msk.s32 $0xffff, v4;
	s18 =	spop (v2sf)  }
0x1a3: {  	[tilespmem:s30], [sflag:$0x9] =	stream.linear.gather [spmem:s16], $0x80, $0x38;
	[tilespmem:$0x12DB0] =	vst v63  }
0x1a4: {  	v4 =	vmov s28;
	s16 =	sadd.s32 $0x3200, s17;
	s17 =	sand.u32 $0x80, s18;
	s18 =	sshll.u32 s18, $0x7;
	v5, _, _ =	vpop (xrf0)  }
0x1a5: {  	vm0 =	veq.s32 v4, v0;
	(v2sf) =	vpush v5, $0xF;
	[tilespmem:s22], [sflag:$0x9] =	stream.linear.gather [spmem:s16], $0x80, $0x38;
	[tilespmem:$0x12DB0] =	vst v63  }
0x1a6: {  	s1 =	sadd.s32 $0x3, s1;
	v6 =	vnsel vm0, $0x0, v3;
	s17 =	sadd.s32 s17, s5;
	s16 =	sand.u32 $0x3F80, s18  }
0x1a7: {  	v5 =	vmov s1;
	s1 =	sadd.s32 s16, s5;
	s16 =	sadd.s32 $0x3200, s17;
	(xrf0) =	vadd.scan.msk.s32 $0xffff, v6;
	s17 =	spop (v2sf)  }
0x1a8: {  	vm0 =	veq.s32 v5, v0;
	v4, _, _ =	vpop (xrf0);
	[tilespmem:s3], [sflag:$0x9] =	stream.linear.gather [spmem:s1], $0x80, $0x38;
	[tilespmem:$0x12DB0] =	vst v63  }
0x1a9: {  	v5 =	vnsel vm0, $0x0, v3;
	s1 =	sadd.s32 $0xFFFFFC00, s12;
	s3 =	sand.u32 $0x80, s17;
	s17 =	sshll.u32 s17, $0x7;
	(v2sf) =	vpush v4, $0xF  }
0x1aa: {  	s17 =	sand.u32 $0x3F80, s17;
	s3 =	sadd.s32 s3, s5;
	(xrf0) =	vadd.scan.msk.s32 $0xffff, v5;
	s18 =	spop (v2sf)  }
0x1ab: {  	s17 =	sadd.s32 s17, s5;
	s22 =	sand.u32 $0x80, s18;
	s18 =	sshll.u32 s18, $0x7  }
0x1ac: {  	[tilespmem:s1], [sflag:$0x9] =	stream.linear.gather [spmem:s16], $0x80, $0x38;
	[tilespmem:$0x12DB0] =	vst v63  }
.Ltmp9:
0x1ad: {  	_ = 	snop;
	(pc) =	sbr.rel @p3 .LBB2_12-.Ltmp9, $4  }
0x1ae: {  	s1 =	sadd.s32 $0x3200, s3;
	s3 =	sand.u32 $0x3F80, s18;
	s16 =	sadd.s32 s22, s5;
	v4, _, _ =	vpop (xrf0)  }
0x1af: {  	(v2sf) =	vpush v4, $0xF;
	[tilespmem:s15], [sflag:$0x9] =	stream.linear.gather [spmem:s17], $0x80, $0x38;
	[tilespmem:$0x12DB0] =	vst v63  }
0x1b0: {  	s18 =	sadd.s32 s3, s5;
	s15 =	sadd.s32 $0xFFFFFF80, s12;
	s17 =	smov.u32 s12  }
0x1b1: {  	v4, _, _ =	vpop (xrf0);
	[tilespmem:s14], [sflag:$0x9] =	stream.linear.gather [spmem:s1], $0x80, $0x38;
	[tilespmem:$0x12DB0] =	vst v63  }
0x1b2: {  	_ = 	snop  }
0x1b3: {  	(v2sf) =	vpush v4, $0xF;
	[tilespmem:s15], [sflag:$0x9] =	stream.linear.gather [spmem:s18], $0x80, $0x38;
	[tilespmem:$0x12DB0] =	vst v63  }
0x1b4: {  	s18 =	sadd.s32 $0x3200, s16;
	s15 =	spop (v2sf)  }
0x1b5: {  	[tilespmem:s17], [sflag:$0x9] =	stream.linear.gather [spmem:s18], $0x80, $0x38;
	[tilespmem:$0x12DB0] =	vst v63  }
0x1b6: {  	s1 =	sadd.s32 $0x800, s12;
	s12 =	sshll.u32 s15, $0x7  }
0x1b7: {  	s22 =	sadd.s32 $0xFFFFF980, s1;
	s14 =	sand.u32 $0x80, s15;
	s12 =	sand.u32 $0x3F80, s12  }
0x1b8: {  	s14 =	sadd.s32 s14, s5;
	s12 =	sadd.s32 s12, s5;
	s25 =	spop (v2sf)  }
0x1b9: {  	[tilespmem:s22], [sflag:$0x9] =	stream.linear.gather [spmem:s12], $0x80, $0x38;
	[tilespmem:$0x12DB0] =	vst v63  }
0x1ba: {  	s28 =	sadd.s32 $0xFFFFFA00, s1;
	s14 =	sadd.s32 $0x3200, s14;
	s30 =	sshll.u32 s25, $0x7  }
0x1bb: {  	[tilespmem:s28], [sflag:$0x9] =	stream.linear.gather [spmem:s14], $0x80, $0x38;
	[tilespmem:$0x12DB0] =	vst v63  }
0x1bc: {  	s15 =	sand.u32 $0x80, s25;
	s16 =	sand.u32 $0x3F80, s30  }
0x1bd: {  	s3 =	sadd.s32 $0xFFFFFB80, s1;
	s14 =	sadd.s32 s15, s5;
	s15 =	sadd.s32 s16, s5  }
0x1be: {  	[tilespmem:s3], [sflag:$0x9] =	stream.linear.gather [spmem:s15], $0x80, $0x38;
	[tilespmem:$0x12DB0] =	vst v63  }
0x1bf: {  	s22 =	sadd.s32 $0xFFFFFC00, s1;
	s18 =	sadd.s32 $0x3200, s14;
	s17 =	spop (v2sf)  }
0x1c0: {  	[tilespmem:s22], [sflag:$0x9] =	stream.linear.gather [spmem:s18], $0x80, $0x38;
	[tilespmem:$0x12DB0] =	vst v63  }
0x1c1: {  	s13 =	sadd.s32 $0xFFFFFD80, s1;
	s12 =	sadd.s32 $0xFFFFFE00, s1;
	s25 =	sshll.u32 s17, $0x7  }
0x1c2: {  	s16 =	sand.u32 $0x80, s17;
	s15 =	sand.u32 $0x3F80, s25;
	s28 =	spop (v2sf)  }
0x1c3: {  	s30 =	sadd.s32 s16, s5;
	s15 =	sadd.s32 s15, s5;
	s16 =	sshll.u32 s28, $0x7  }
0x1c4: {  	[tilespmem:s13], [sflag:$0x9] =	stream.linear.gather [spmem:s15], $0x80, $0x38;
	[tilespmem:$0x12DB0] =	vst v63  }
0x1c5: {  	s3 =	sadd.s32 $0x3200, s30;
	s18 =	sand.u32 $0x80, s28;
	s22 =	sand.u32 $0x3F80, s16  }
0x1c6: {  	[tilespmem:s12], [sflag:$0x9] =	stream.linear.gather [spmem:s3], $0x80, $0x38;
	[tilespmem:$0x12DB0] =	vst v63  }
0x1c7: {  	s28 =	sadd.s32 $0xFFFFFF80, s1;
	s25 =	sadd.s32 s18, s5;
	s30 =	sadd.s32 s22, s5  }
0x1c8: {  	[tilespmem:s28], [sflag:$0x9] =	stream.linear.gather [spmem:s30], $0x80, $0x38;
	[tilespmem:$0x12DB0] =	vst v63  }
0x1c9: {  	s13 =	simm.s32 $0x4;
	s3 =	sadd.s32 $0x3200, s25  }
0x1ca: {  	v4 =	vshra.s32 v3, $0x5;
	v3 =	vshrl.u32 v3, $0x1;
	[tilespmem:s1], [sflag:$0x9] =	stream.linear.gather [spmem:s3], $0x80, $0x38;
	[tilespmem:$0x12DB0] =	vst v63  }
0x1cb: {  	v5 =	vand.u32 $0xFFFFFF80, v4;
	v4 =	vand.u32 $0x780, v3;
	v13 =	vadd.s32 s13, v0;
	s1 =	simm.s32 $0x0  }
0x1cc: {  	v3 =	vadd.s32 $0x480, v5;
	s14 =	simm.s32 $0x5;
	v15 =	vand.u32 $0x7F, v13;
	v6 =	vadd.s32 s1, v0  }
0x1cd: {  	v14 =	vadd.s32 s14, v0;
	v17 =	vor.u32 v4, v15;
	s3 =	simm.s32 $0x7;
	v5 =	vand.u32 $0x7F, v6  }
0x1ce: {  	v19 =	vand.u32 $0x7F, v14;
	s12 =	simm.s32 $0x2;
	v7 =	vadd.s32 s3, v0;
	v8 =	vor.u32 v4, v5  }
0x1cf: {  	v21 =	vor.u32 v4, v19;
	s17 =	simm.s32 $0x6;
	v9 =	vadd.s32 s12, v0;
	v10 =	vand.u32 $0x7F, v7  }
0x1d0: {  	v22 =	vadd.s32 s17, v0;
	s15 =	simm.s32 $0x3;
	v11 =	vand.u32 $0x7F, v9;
	v12 =	vor.u32 v4, v10  }
0x1d1: {  	v27 =	vand.u32 $0x7F, v22;
	v18 =	vadd.s32 s15, v0;
	v16 =	vor.u32 v4, v11  }
0x1d2: {  	v31 =	vor.u32 v4, v27;
	s16 =	simm.s32 $0x1;
	v20 =	vand.u32 $0x7F, v18;
	v34 =	vor.u32 v1, v15;
	v17 =	vld.idx.msk [tilespmem:v17+s21+$0x0], $0xffff  }
0x1d3: {  	v24 =	vadd.s32 s16, v0;
	v25 =	vor.u32 v4, v20;
	v23 =	vor.u32 v1, v5;
	v8 =	vld.idx.msk [tilespmem:v8+s21+$0x0], $0xffff  }
0x1d4: {  	v38 =	vor.u32 v3, v19;
	v26 =	vand.u32 $0x7F, v24;
	v35 =	vor.u32 v3, v15;
	v36 =	vld.idx.msk [tilespmem:v21+s21+$0x0], $0xffff  }
0x1d5: {  	v62 =	vor.u32 v1, v27;
	v30 =	vor.u32 v4, v26;
	v32 =	vor.u32 v1, v10;
	v29 =	vld.idx.msk [tilespmem:v12+s21+$0x0], $0xffff  }
0x1d6: {  	v28 =	vor.u32 v3, v5;
	v5 =	vor.u32 v2, v22;
	v22 =	vor.u32 v1, v11;
	v16 =	vld.idx.msk [tilespmem:v16+s21+$0x0], $0xffff  }
0x1d7: {  	v40 =	vor.u32 v3, v20;
	v33 =	vor.u32 v3, v11;
	v31 =	vld.idx.msk [tilespmem:v31+s21+$0x0], $0xffff;
	[tilespmem:v34+s26+$0x0] =	vst.idx.msk $0xffff, v17  }
0x1d8: {  	v10 =	vor.u32 v3, v10;
	[tilespmem:v23+s26+$0x0] =	vst.idx.msk $0xffff, v8;
	v8 =	vld.idx.msk [tilespmem:v25+s21+$0x0], $0xffff;
	v25 =	vor.u32 v1, v19  }
0x1d9: {  	v37 =	vor.u32 v1, v26;
	v12 =	vor.u32 v3, v26;
	v26 =	vor.u32 v1, v20;
	v20 =	vld.idx.msk [tilespmem:v35+s21+$0x0], $0xffff  }
0x1da: {  	v63 =	vor.u32 v3, v27;
	v15 =	vor.u32 v2, v14;
	[tilespmem:v32+s26+$0x0] =	vst.idx.msk $0xffff, v29;
	v29 =	vld.idx.msk [tilespmem:v30+s21+$0x0], $0xffff  }
0x1db: {  	v21 =	vor.u32 v2, v13;
	v39 =	vor.u32 v2, v6;
	[tilespmem:v22+s26+$0x0] =	vst.idx.msk $0xffff, v16;
	v28 =	vld.idx.msk [tilespmem:v28+s21+$0x0], $0xffff  }
0x1dc: {  	s18 =	simm.s32 $0x8;
	v13 =	vor.u32 v2, v24;
	[tilespmem:v62+s26+$0x0] =	vst.idx.msk $0xffff, v31;
	v19 =	vld.idx.msk [tilespmem:v33+s21+$0x0], $0xffff;
	v23 =	vor.u32 v2, v9  }
0x1dd: {  	s22 =	simm.s32 $0xF;
	v11 =	vor.u32 v2, v7;
	v7 =	vadd.s32 s18, v0;
	v24 =	vld.idx.msk [tilespmem:v10+s21+$0x0], $0xffff;
	[tilespmem:v25+s26+$0x0] =	vst.idx.msk $0xffff, v36  }
0x1de: {  	s25 =	simm.s32 $0xC;
	v14 =	vor.u32 v2, v18;
	v6 =	vadd.s32 s22, v0;
	v16 =	vand.u32 $0x7F, v7;
	[tilespmem:v26+s26+$0x0] =	vst.idx.msk $0xffff, v8;
	v22 =	vld.idx.msk [tilespmem:v38+s21+$0x0], $0xffff  }
0x1df: {  	s14 =	simm.s32 $0xE;
	s28 =	simm.s32 $0xD;
	s30 =	simm.s32 $0xA;
	v17 =	vand.u32 $0x7F, v6;
	v27 =	vor.u32 v4, v16;
	v8 =	vadd.s32 s25, v0;
	[tilespmem:v37+s26+$0x0] =	vst.idx.msk $0xffff, v29;
	v26 =	vld.idx.msk [tilespmem:v63+s21+$0x0], $0xffff  }
0x1e0: {  	s15 =	simm.s32 $0xB;
	s16 =	simm.s32 $0x9;
	s12 =	simm.s32 $0x10;
	v9 =	vadd.s32 s28, v0;
	v10 =	vadd.s32 s30, v0;
	[tilespmem:v39+s26+$0x0] =	vst.idx.msk $0xffff, v28;
	v25 =	vld.idx.msk [tilespmem:v40+s21+$0x0], $0xffff;
	v18 =	vand.u32 $0x7F, v8  }
.LBB2_14:
0x1e1: {  	p3 =	slt.u32 s12, $0x78;
	v28 =	vadd.s32 s16, v0;
	v29 =	vand.u32 $0x7F, v10;
	v30 =	vor.u32 v4, v17;
	v12 =	vld.idx.msk [tilespmem:v12+s21+$0x0], $0xffff;
	[tilespmem:v23+s26+$0x0] =	vst.idx.msk $0xffff, v19;
	s13 =	smov.u32 s12;
	s12 =	sadd.s32 $0x8, s12  }
0x1e2: {  	v31 =	vor.u32 v4, v18;
	v19 =	vand.u32 $0x7F, v28;
	v23 =	vor.u32 v4, v29;
	[tilespmem:v21+s26+$0x0] =	vst.idx.msk $0xffff, v20  }
0x1e3: {  	v32 =	vadd.s32 s15, v0;
	v21 =	vand.u32 $0x7F, v9;
	v20 =	vor.u32 v4, v19;
	[tilespmem:v15+s26+$0x0] =	vst.idx.msk $0xffff, v22  }
0x1e4: {  	v33 =	vadd.s32 s14, v0;
	v22 =	vand.u32 $0x7F, v32;
	v15 =	vld.idx.msk [tilespmem:v27+s21+$0x0], $0xffff;
	v27 =	vor.u32 v4, v21;
	[tilespmem:v11+s26+$0x0] =	vst.idx.msk $0xffff, v24  }
0x1e5: {  	v34 =	vand.u32 $0x7F, v33;
	v11 =	vor.u32 v1, v16;
	v24 =	vor.u32 v4, v22;
	[tilespmem:v14+s26+$0x0] =	vst.idx.msk $0xffff, v25  }
0x1e6: {  	v14 =	vor.u32 v3, v16;
	v16 =	vor.u32 v4, v34;
	v25 =	vld.idx.msk [tilespmem:v30+s21+$0x0], $0xffff;
	[tilespmem:v5+s26+$0x0] =	vst.idx.msk $0xffff, v26  }
0x1e7: {  	v5 =	vor.u32 v2, v33;
	v26 =	vor.u32 v1, v17;
	v23 =	vld.idx.msk [tilespmem:v23+s21+$0x0], $0xffff;
	[tilespmem:v13+s26+$0x0] =	vst.idx.msk $0xffff, v12  }
0x1e8: {  	v17 =	vor.u32 v3, v17;
	v13 =	vor.u32 v1, v29;
	v30 =	vld.idx.msk [tilespmem:v31+s21+$0x0], $0xffff  }
0x1e9: {  	v29 =	vor.u32 v3, v29;
	v31 =	vor.u32 v1, v18;
	v18 =	vor.u32 v3, v18;
	v27 =	vld.idx.msk [tilespmem:v27+s21+$0x0], $0xffff  }
0x1ea: {  	v35 =	vor.u32 v1, v21;
	v33 =	vor.u32 v1, v19;
	[tilespmem:v11+s26+$0x0] =	vst.idx.msk $0xffff, v15;
	v24 =	vld.idx.msk [tilespmem:v24+s21+$0x0], $0xffff  }
0x1eb: {  	v37 =	vor.u32 v3, v21;
	v12 =	vor.u32 v3, v19;
	v36 =	vld.idx.msk [tilespmem:v14+s21+$0x0], $0xffff;
	v14 =	vor.u32 v1, v22  }
0x1ec: {  	v38 =	vor.u32 v2, v7;
	v39 =	vor.u32 v3, v22;
	v40 =	vld.idx.msk [tilespmem:v16+s21+$0x0], $0xffff;
	[tilespmem:v26+s26+$0x0] =	vst.idx.msk $0xffff, v25  }
0x1ed: {  	v41 =	vor.u32 v1, v34;
	v11 =	vor.u32 v2, v6;
	v26 =	vld.idx.msk [tilespmem:v20+s21+$0x0], $0xffff;
	[tilespmem:v13+s26+$0x0] =	vst.idx.msk $0xffff, v23  }
0x1ee: {  	v15 =	vor.u32 v2, v9;
	v19 =	vld.idx.msk [tilespmem:v29+s21+$0x0], $0xffff;
	[tilespmem:v31+s26+$0x0] =	vst.idx.msk $0xffff, v30;
	v29 =	vor.u32 v3, v34  }
.Ltmp10:
0x1ef: {  	v21 =	vor.u32 v2, v8;
	v23 =	vor.u32 v2, v10;
	v20 =	vld.idx.msk [tilespmem:v18+s21+$0x0], $0xffff;
	[tilespmem:v35+s26+$0x0] =	vst.idx.msk $0xffff, v27;
	(pc) =	sbr.rel @p3 .LBB2_14-.Ltmp10, $4  }
0x1f0: {  	v7 =	vadd.s32 s13, v0;
	s1 =	sadd.s32 $0x7, s13;
	[tilespmem:v14+s26+$0x0] =	vst.idx.msk $0xffff, v24;
	v14 =	vor.u32 v2, v32;
	v22 =	vld.idx.msk [tilespmem:v37+s21+$0x0], $0xffff  }
0x1f1: {  	s3 =	sadd.s32 $0x4, s13;
	s17 =	sadd.s32 $0x5, s13;
	s14 =	sadd.s32 $0x6, s13;
	v6 =	vadd.s32 s1, v0;
	v16 =	vand.u32 $0x7F, v7;
	v13 =	vor.u32 v2, v28;
	[tilespmem:v38+s26+$0x0] =	vst.idx.msk $0xffff, v36;
	v24 =	vld.idx.msk [tilespmem:v17+s21+$0x0], $0xffff  }
0x1f2: {  	s16 =	sadd.s32 $0x1, s13;
	s15 =	sadd.s32 $0x3, s13;
	v8 =	vadd.s32 s3, v0;
	s1 =	sadd.s32 $0x2, s13;
	v9 =	vadd.s32 s17, v0;
	v27 =	vor.u32 v4, v16;
	v25 =	vld.idx.msk [tilespmem:v39+s21+$0x0], $0xffff;
	[tilespmem:v41+s26+$0x0] =	vst.idx.msk $0xffff, v40  }
0x1f3: {  	v10 =	vadd.s32 s1, v0;
	v18 =	vand.u32 $0x7F, v8;
	v17 =	vand.u32 $0x7F, v6;
	[tilespmem:v33+s26+$0x0] =	vst.idx.msk $0xffff, v26;
	v26 =	vld.idx.msk [tilespmem:v29+s21+$0x0], $0xffff  }
0x1f4: {  	_ =	sdelay $0x2  }
0x1f5: {  	v29 =	vor.u32 v4, v17  }
0x1f6: {  	v28 =	vand.u32 $0x7F, v10;
	v60 =	vor.u32 v4, v18;
	[tilespmem:v21+s26+$0x0] =	vst.idx.msk $0xffff, v20;
	v20 =	vadd.s32 s15, v0  }
0x1f7: {  	[tilespmem:v23+s26+$0x0] =	vst.idx.msk $0xffff, v19;
	v12 =	vld.idx.msk [tilespmem:v12+s21+$0x0], $0xffff;
	v61 =	vand.u32 $0x7F, v9;
	v32 =	vadd.s32 s14, v0;
	v59 =	vor.u32 v4, v28  }
0x1f8: {  	v62 =	vld.idx.msk [tilespmem:v27+s21+$0x0], $0xffff;
	v37 =	vor.u32 v1, v16;
	v39 =	vor.u32 v3, v16;
	v36 =	vor.u32 v4, v61  }
0x1f9: {  	v34 =	vor.u32 v1, v17;
	v44 =	vor.u32 v1, v18;
	[tilespmem:v15+s26+$0x0] =	vst.idx.msk $0xffff, v22;
	v63 =	vand.u32 $0x7F, v20  }
0x1fa: {  	v30 =	vadd.s32 s16, v0;
	v33 =	vand.u32 $0x7F, v32;
	[tilespmem:v11+s26+$0x0] =	vst.idx.msk $0xffff, v24;
	v38 =	vor.u32 v4, v63;
	v29 =	vld.idx.msk [tilespmem:v29+s21+$0x0], $0xffff  }
0x1fb: {  	v31 =	vand.u32 $0x7F, v30;
	v40 =	vor.u32 v4, v33;
	[tilespmem:v14+s26+$0x0] =	vst.idx.msk $0xffff, v25;
	v43 =	vld.idx.msk [tilespmem:v60+s21+$0x0], $0xffff  }
0x1fc: {  	v41 =	vor.u32 v1, v28;
	v42 =	vor.u32 v4, v31;
	[tilespmem:v5+s26+$0x0] =	vst.idx.msk $0xffff, v26;
	v19 =	vld.idx.msk [tilespmem:v59+s21+$0x0], $0xffff  }
0x1fd: {  	v48 =	vor.u32 v3, v18;
	v47 =	vor.u32 v1, v61;
	[tilespmem:v37+s26+$0x0] =	vst.idx.msk $0xffff, v62;
	v46 =	vld.idx.msk [tilespmem:v36+s21+$0x0], $0xffff  }
0x1fe: {  	v7 =	vor.u32 v2, v7;
	v51 =	vor.u32 v3, v17;
	[tilespmem:v13+s26+$0x0] =	vst.idx.msk $0xffff, v12;
	v16 =	vld.idx.msk [tilespmem:v39+s21+$0x0], $0xffff  }
0x1ff: {  	v45 =	vor.u32 v3, v28;
	v50 =	vor.u32 v1, v63;
	v49 =	vld.idx.msk [tilespmem:v38+s21+$0x0], $0xffff;
	[tilespmem:v34+s26+$0x0] =	vst.idx.msk $0xffff, v29  }
0x200: {  	v21 =	vor.u32 v3, v61;
	v52 =	vor.u32 v1, v33;
	v14 =	vld.idx.msk [tilespmem:v40+s21+$0x0], $0xffff;
	[tilespmem:v44+s26+$0x0] =	vst.idx.msk $0xffff, v43  }
0x201: {  	v53 =	vor.u32 v1, v31;
	v22 =	vor.u32 v3, v63;
	v4 =	vld.idx.msk [tilespmem:v42+s21+$0x0], $0xffff;
	[tilespmem:v41+s26+$0x0] =	vst.idx.msk $0xffff, v19  }
0x202: {  	v8 =	vor.u32 v2, v8;
	v55 =	vor.u32 v3, v33;
	[tilespmem:v47+s26+$0x0] =	vst.idx.msk $0xffff, v46;
	v57 =	vld.idx.msk [tilespmem:v48+s21+$0x0], $0xffff  }
0x203: {  	v6 =	vor.u32 v2, v6;
	v3 =	vor.u32 v3, v31;
	[tilespmem:v7+s26+$0x0] =	vst.idx.msk $0xffff, v16;
	v60 =	vld.idx.msk [tilespmem:v51+s21+$0x0], $0xffff  }
0x204: {  	v56 =	vor.u32 v2, v10;
	v54 =	vld.idx.msk [tilespmem:v45+s21+$0x0], $0xffff;
	[tilespmem:v50+s26+$0x0] =	vst.idx.msk $0xffff, v49  }
0x205: {  	v58 =	vor.u32 v2, v9;
	v59 =	vld.idx.msk [tilespmem:v21+s21+$0x0], $0xffff;
	[tilespmem:v52+s26+$0x0] =	vst.idx.msk $0xffff, v14  }
0x206: {  	v61 =	vor.u32 v2, v20;
	[tilespmem:v53+s26+$0x0] =	vst.idx.msk $0xffff, v4;
	v15 =	vld.idx.msk [tilespmem:v22+s21+$0x0], $0xffff  }
0x207: {  	v62 =	vor.u32 v2, v32;
	v12 =	vld.idx.msk [tilespmem:v55+s21+$0x0], $0xffff;
	[tilespmem:v8+s26+$0x0] =	vst.idx.msk $0xffff, v57  }
0x208: {  	v63 =	vor.u32 v2, v30;
	v3 =	vld.idx.msk [tilespmem:v3+s21+$0x0], $0xffff;
	[tilespmem:v6+s26+$0x0] =	vst.idx.msk $0xffff, v60  }
0x209: {  	[tilespmem:v56+s26+$0x0] =	vst.idx.msk $0xffff, v54  }
0x20a: {  	[tilespmem:v58+s26+$0x0] =	vst.idx.msk $0xffff, v59  }
0x20b: {  	[tilespmem:v61+s26+$0x0] =	vst.idx.msk $0xffff, v15  }
0x20c: {  	[tilespmem:v62+s26+$0x0] =	vst.idx.msk $0xffff, v12  }
0x20d: {  	s1 =	sadd.s32 s7, s11;
	s3 =	simm.s32 $0x9;
	[tilespmem:v63+s26+$0x0] =	vst.idx.msk $0xffff, v3  }
0x20e: {  	s1 =	sshll.u32 s1, $0x6;
	_ =	swait.ge [sflag:s3], $0x1000  }
0x20f: {  	s1 =	sand.u32 $0x1FFFFC00, s1;
	[sflag:s3] =	ssyncset.done $0x0  }
0x210: {  	s1 =	sadd.s32 s8, s1;
	[sflag:s3] =	ssyncadd.s32 $0xFFFFF000  }
0x211: {  	[hbm4b:s1+s6] =	stream.linear.scatter [tilespmem:s26], [sflag:$0x2], $0x2000, $0x38;
	[tilespmem:$0x12DB0] =	vst v63  }
.LBB2_16:
0x212: {  	s11 =	sadd.s32 $0x2, s20  }
0x213: {  	p3 =	sge.u32 s11, s9  }
.Ltmp11:
0x214: {  	_ = 	snop;
	(pc) =	sbr.rel @p3 .LBB2_22-.Ltmp11, $1  }
0x215: {  	_ =	sdelay $0x3  }
0x216: {  	s11 =	sshll.u32 s11, $0x4  }
0x217: {  	v3 =	vld [tilespmem:s11+$0x4130];
	_ =	sdelay $0x1  }
0x218: {  	s13 =	simm.s32 $0x0  }
0x219: {  	v4 =	vmov s13  }
0x21a: {  	s1 =	simm.s32 @p2 $0x3;
	vm0 =	veq.s32 v4, v0  }
0x21b: {  	s22 =	simm.s32 $0x1;
	_ =	swait.ge @p2 [sflag:s1], $0x2000;
	v4 =	vnsel vm0, $0x0, v3  }
0x21c: {  	(xrf0) =	vadd.scan.msk.s32 $0xffff, v4;
	v4 =	vmov s22  }
0x21d: {  	vm9 =	veq.s32 v4, v0  }
0x21e: {  	v4 =	vnsel vm9, $0x0, v3  }
0x21f: {  	s25 =	simm.s32 $0x2;
	(xrf0) =	vadd.scan.msk.s32 $0xffff, v4  }
0x220: {  	v4 =	vmov s25  }
0x221: {  	vm10 =	veq.s32 v4, v0  }
0x222: {  	v4 =	vnsel vm10, $0x0, v3;
	v5, _, _ =	vpop (xrf0)  }
0x223: {  	(v2sf) =	vpush v5, $0xF;
	_ =	sdelay $0x1  }
0x224: {  	(xrf0) =	vadd.scan.msk.s32 $0xffff, v4;
	v4, _, _ =	vpop (xrf0)  }
0x225: {  	(v2sf) =	vpush v4, $0xF;
	_ =	sdelay $0x1  }
0x226: {  	s28 =	simm.s32 $0x3  }
0x227: {  	v5 =	vmov s28  }
0x228: {  	vm11 =	veq.s32 v5, v0  }
0x229: {  	v4 =	vnsel vm11, $0x0, v3;
	_ =	sdelay $0x1  }
0x22a: {  	(xrf0) =	vadd.scan.msk.s32 $0xffff, v4  }
0x22b: {  	v4, _, _ =	vpop (xrf0)  }
0x22c: {  	(v2sf) =	vpush v4, $0xF;
	_ =	sdelay $0x2  }
0x22d: {  	s30 =	simm.s32 $0x4;
	s14 =	spop (v2sf)  }
0x22e: {  	s15 =	simm.s32 $0x5;
	[sflag:s1] =	ssyncset.done @p2 $0x0;
	v4, _, _ =	vpop (xrf0);
	s17 =	sshll.u32 s14, $0x7  }
0x22f: {  	s18 =	simm.s32 $0x8DB0;
	[sflag:s1] =	ssyncadd.s32 @p2 $0xFFFFE000;
	(v2sf) =	vpush v4, $0xF;
	v4 =	vmov s30;
	s17 =	sand.u32 $0x3F80, s17  }
0x230: {  	vm12 =	veq.s32 v4, v0;
	v4 =	vmov s15;
	s15 =	simm.s32 $0x6;
	s17 =	sadd.s32 s17, s5;
	s22 =	spop (v2sf)  }
0x231: {  	v5 =	vnsel vm12, $0x0, v3;
	vm13 =	veq.s32 v4, v0;
	[tilespmem:s18], [sflag:$0xA] =	stream.linear.gather [spmem:s17], $0x80, $0x38;
	[tilespmem:$0x12DB0] =	vst v63  }
0x232: {  	(xrf0) =	vadd.scan.msk.s32 $0xffff, v5;
	v4 =	vnsel vm13, $0x0, v3;
	s17 =	sshll.u32 s22, $0x7;
	s18 =	sand.u32 $0x80, s22;
	s22 =	simm.s32 $0x7  }
0x233: {  	v5 =	vmov s15;
	(xrf0) =	vadd.scan.msk.s32 $0xffff, v4;
	v4 =	vmov s22  }
0x234: {  	vm14 =	veq.s32 v5, v0;
	s14 =	sand.u32 $0x80, s14;
	vm15 =	veq.s32 v4, v0  }
0x235: {  	v5 =	vnsel vm14, $0x0, v3;
	s14 =	sadd.s32 s14, s5;
	v4 =	vnsel vm15, $0x0, v3  }
0x236: {  	s12 =	simm.s32 $0x9430;
	s16 =	simm.s32 $0x8E30;
	(xrf0) =	vadd.scan.msk.s32 $0xffff, v5;
	s14 =	sadd.s32 $0x3200, s14  }
0x237: {  	[tilespmem:s16], [sflag:$0xA] =	stream.linear.gather [spmem:s14], $0x80, $0x38;
	[tilespmem:$0x12DB0] =	vst v63  }
0x238: {  	s3 =	simm.s32 $0x8FB0;
	s13 =	simm.s32 $0x91B0;
	s15 =	sand.u32 $0x3F80, s17;
	(xrf0) =	vadd.scan.msk.s32 $0xffff, v4;
	v4, _, _ =	vpop (xrf0)  }
0x239: {  	s30 =	simm.s32 $0x9230;
	s25 =	sadd.s32 s15, s5;
	s28 =	spop (v2sf);
	(v2sf) =	vpush v4, $0xF  }
0x23a: {  	[tilespmem:s3], [sflag:$0xA] =	stream.linear.gather [spmem:s25], $0x80, $0x38;
	[tilespmem:$0x12DB0] =	vst v63  }
0x23b: {  	s1 =	sadd.s32 s18, s5;
	s18 =	simm.s32 $0x9030;
	s17 =	sshll.u32 s28, $0x7  }
0x23c: {  	s1 =	sadd.s32 $0x3200, s1;
	s15 =	sand.u32 $0x80, s28;
	s14 =	sand.u32 $0x3F80, s17;
	v5, _, _ =	vpop (xrf0)  }
0x23d: {  	[tilespmem:s18], [sflag:$0xA] =	stream.linear.gather [spmem:s1], $0x80, $0x38;
	(v2sf) =	vpush v5, $0xF;
	[tilespmem:$0x12DB0] =	vst v63  }
0x23e: {  	s22 =	sadd.s32 s15, s5;
	s14 =	sadd.s32 s14, s5;
	s25 =	spop (v2sf)  }
0x23f: {  	[tilespmem:s13], [sflag:$0xA] =	stream.linear.gather [spmem:s14], $0x80, $0x38;
	[tilespmem:$0x12DB0] =	vst v63  }
0x240: {  	s17 =	simm.s32 $0x9430;
	s1 =	sadd.s32 $0x3200, s22;
	s15 =	sshll.u32 s25, $0x7  }
0x241: {  	v4, _, _ =	vpop (xrf0);
	[tilespmem:s30], [sflag:$0xA] =	stream.linear.gather [spmem:s1], $0x80, $0x38;
	[tilespmem:$0x12DB0] =	vst v63  }
0x242: {  	s28 =	sand.u32 $0x80, s25;
	s13 =	simm.s32 $0x8;
	(v2sf) =	vpush v4, $0xF;
	s30 =	sand.u32 $0x3F80, s15  }
0x243: {  	s16 =	sadd.s32 s28, s5;
	s15 =	simm.s32 $0x93B0;
	v4, _, _ =	vpop (xrf0);
	s18 =	sadd.s32 s30, s5  }
.LBB2_18:
0x244: {  	p3 =	slt.u32 s13, $0xC  }
0x245: {  	v5 =	vmov s13;
	(v2sf) =	vpush v4, $0xF;
	s12 =	sadd.s32 $0x800, s12;
	s1 =	smov.u32 s13;
	s13 =	sadd.s32 $0x4, s13  }
0x246: {  	vm0 =	veq.s32 v5, v0;
	[tilespmem:s15], [sflag:$0xA] =	stream.linear.gather [spmem:s18], $0x80, $0x38;
	[tilespmem:$0x12DB0] =	vst v63  }
0x247: {  	s3 =	sadd.s32 $0xFFFFFB80, s12;
	s15 =	sadd.s32 $0xFFFFFD80, s12;
	s14 =	sadd.s32 $0xFFFFFE00, s12;
	v4 =	vnsel vm0, $0x0, v3  }
0x248: {  	s18 =	sadd.s32 $0x1, s1;
	s22 =	sadd.s32 $0xFFFFFA00, s12;
	(xrf0) =	vadd.scan.msk.s32 $0xffff, v4;
	s25 =	spop (v2sf)  }
0x249: {  	s16 =	sadd.s32 $0x3200, s16;
	v4 =	vmov s18;
	s18 =	sand.u32 $0x80, s25;
	s25 =	sshll.u32 s25, $0x7  }
0x24a: {  	s28 =	sadd.s32 $0x2, s1;
	s30 =	sadd.s32 $0xFFFFF980, s12;
	vm0 =	veq.s32 v4, v0;
	s25 =	sand.u32 $0x3F80, s25  }
0x24b: {  	v4 =	vnsel vm0, $0x0, v3;
	[tilespmem:s17], [sflag:$0xA] =	stream.linear.gather [spmem:s16], $0x80, $0x38;
	[tilespmem:$0x12DB0] =	vst v63  }
0x24c: {  	s16 =	sadd.s32 s25, s5;
	s17 =	sadd.s32 s18, s5;
	(xrf0) =	vadd.scan.msk.s32 $0xffff, v4;
	s18 =	spop (v2sf)  }
0x24d: {  	[tilespmem:s30], [sflag:$0xA] =	stream.linear.gather [spmem:s16], $0x80, $0x38;
	[tilespmem:$0x12DB0] =	vst v63  }
0x24e: {  	v4 =	vmov s28;
	s16 =	sadd.s32 $0x3200, s17;
	s17 =	sand.u32 $0x80, s18;
	s18 =	sshll.u32 s18, $0x7;
	v5, _, _ =	vpop (xrf0)  }
0x24f: {  	vm0 =	veq.s32 v4, v0;
	(v2sf) =	vpush v5, $0xF;
	[tilespmem:s22], [sflag:$0xA] =	stream.linear.gather [spmem:s16], $0x80, $0x38;
	[tilespmem:$0x12DB0] =	vst v63  }
0x250: {  	s1 =	sadd.s32 $0x3, s1;
	v6 =	vnsel vm0, $0x0, v3;
	s17 =	sadd.s32 s17, s5;
	s16 =	sand.u32 $0x3F80, s18  }
0x251: {  	v5 =	vmov s1;
	s1 =	sadd.s32 s16, s5;
	s16 =	sadd.s32 $0x3200, s17;
	(xrf0) =	vadd.scan.msk.s32 $0xffff, v6;
	s17 =	spop (v2sf)  }
0x252: {  	vm0 =	veq.s32 v5, v0;
	v4, _, _ =	vpop (xrf0);
	[tilespmem:s3], [sflag:$0xA] =	stream.linear.gather [spmem:s1], $0x80, $0x38;
	[tilespmem:$0x12DB0] =	vst v63  }
0x253: {  	v5 =	vnsel vm0, $0x0, v3;
	s1 =	sadd.s32 $0xFFFFFC00, s12;
	s3 =	sand.u32 $0x80, s17;
	s17 =	sshll.u32 s17, $0x7;
	(v2sf) =	vpush v4, $0xF  }
0x254: {  	s17 =	sand.u32 $0x3F80, s17;
	s3 =	sadd.s32 s3, s5;
	(xrf0) =	vadd.scan.msk.s32 $0xffff, v5;
	s18 =	spop (v2sf)  }
0x255: {  	s17 =	sadd.s32 s17, s5;
	s22 =	sand.u32 $0x80, s18;
	s18 =	sshll.u32 s18, $0x7  }
0x256: {  	[tilespmem:s1], [sflag:$0xA] =	stream.linear.gather [spmem:s16], $0x80, $0x38;
	[tilespmem:$0x12DB0] =	vst v63  }
.Ltmp12:
0x257: {  	_ = 	snop;
	(pc) =	sbr.rel @p3 .LBB2_18-.Ltmp12, $4  }
0x258: {  	s1 =	sadd.s32 $0x3200, s3;
	s3 =	sand.u32 $0x3F80, s18;
	s16 =	sadd.s32 s22, s5;
	v4, _, _ =	vpop (xrf0)  }
0x259: {  	(v2sf) =	vpush v4, $0xF;
	[tilespmem:s15], [sflag:$0xA] =	stream.linear.gather [spmem:s17], $0x80, $0x38;
	[tilespmem:$0x12DB0] =	vst v63  }
0x25a: {  	s18 =	sadd.s32 s3, s5;
	s15 =	sadd.s32 $0xFFFFFF80, s12;
	s17 =	smov.u32 s12  }
0x25b: {  	v4, _, _ =	vpop (xrf0);
	[tilespmem:s14], [sflag:$0xA] =	stream.linear.gather [spmem:s1], $0x80, $0x38;
	[tilespmem:$0x12DB0] =	vst v63  }
0x25c: {  	_ = 	snop  }
0x25d: {  	(v2sf) =	vpush v4, $0xF;
	[tilespmem:s15], [sflag:$0xA] =	stream.linear.gather [spmem:s18], $0x80, $0x38;
	[tilespmem:$0x12DB0] =	vst v63  }
0x25e: {  	s18 =	sadd.s32 $0x3200, s16;
	s15 =	spop (v2sf)  }
0x25f: {  	[tilespmem:s17], [sflag:$0xA] =	stream.linear.gather [spmem:s18], $0x80, $0x38;
	[tilespmem:$0x12DB0] =	vst v63  }
0x260: {  	s1 =	sadd.s32 $0x800, s12;
	s12 =	sshll.u32 s15, $0x7  }
0x261: {  	s22 =	sadd.s32 $0xFFFFF980, s1;
	s14 =	sand.u32 $0x80, s15;
	s12 =	sand.u32 $0x3F80, s12  }
0x262: {  	s14 =	sadd.s32 s14, s5;
	s12 =	sadd.s32 s12, s5;
	s25 =	spop (v2sf)  }
0x263: {  	[tilespmem:s22], [sflag:$0xA] =	stream.linear.gather [spmem:s12], $0x80, $0x38;
	[tilespmem:$0x12DB0] =	vst v63  }
0x264: {  	s28 =	sadd.s32 $0xFFFFFA00, s1;
	s14 =	sadd.s32 $0x3200, s14;
	s30 =	sshll.u32 s25, $0x7  }
0x265: {  	[tilespmem:s28], [sflag:$0xA] =	stream.linear.gather [spmem:s14], $0x80, $0x38;
	[tilespmem:$0x12DB0] =	vst v63  }
0x266: {  	s15 =	sand.u32 $0x80, s25;
	s16 =	sand.u32 $0x3F80, s30  }
0x267: {  	s3 =	sadd.s32 $0xFFFFFB80, s1;
	s14 =	sadd.s32 s15, s5;
	s15 =	sadd.s32 s16, s5  }
0x268: {  	[tilespmem:s3], [sflag:$0xA] =	stream.linear.gather [spmem:s15], $0x80, $0x38;
	[tilespmem:$0x12DB0] =	vst v63  }
0x269: {  	s22 =	sadd.s32 $0xFFFFFC00, s1;
	s18 =	sadd.s32 $0x3200, s14;
	s17 =	spop (v2sf)  }
0x26a: {  	[tilespmem:s22], [sflag:$0xA] =	stream.linear.gather [spmem:s18], $0x80, $0x38;
	[tilespmem:$0x12DB0] =	vst v63  }
0x26b: {  	s13 =	sadd.s32 $0xFFFFFD80, s1;
	s12 =	sadd.s32 $0xFFFFFE00, s1;
	s25 =	sshll.u32 s17, $0x7  }
0x26c: {  	s16 =	sand.u32 $0x80, s17;
	s15 =	sand.u32 $0x3F80, s25;
	s28 =	spop (v2sf)  }
0x26d: {  	s30 =	sadd.s32 s16, s5;
	s15 =	sadd.s32 s15, s5;
	s16 =	sshll.u32 s28, $0x7  }
0x26e: {  	[tilespmem:s13], [sflag:$0xA] =	stream.linear.gather [spmem:s15], $0x80, $0x38;
	[tilespmem:$0x12DB0] =	vst v63  }
0x26f: {  	s3 =	sadd.s32 $0x3200, s30;
	s18 =	sand.u32 $0x80, s28;
	s22 =	sand.u32 $0x3F80, s16  }
0x270: {  	[tilespmem:s12], [sflag:$0xA] =	stream.linear.gather [spmem:s3], $0x80, $0x38;
	[tilespmem:$0x12DB0] =	vst v63  }
0x271: {  	s28 =	sadd.s32 $0xFFFFFF80, s1;
	s25 =	sadd.s32 s18, s5;
	s30 =	sadd.s32 s22, s5  }
0x272: {  	[tilespmem:s28], [sflag:$0xA] =	stream.linear.gather [spmem:s30], $0x80, $0x38;
	[tilespmem:$0x12DB0] =	vst v63  }
0x273: {  	s13 =	simm.s32 $0x4;
	s3 =	sadd.s32 $0x3200, s25  }
0x274: {  	v4 =	vshra.s32 v3, $0x5;
	v3 =	vshrl.u32 v3, $0x1;
	[tilespmem:s1], [sflag:$0xA] =	stream.linear.gather [spmem:s3], $0x80, $0x38;
	[tilespmem:$0x12DB0] =	vst v63  }
0x275: {  	v5 =	vand.u32 $0xFFFFFF80, v4;
	v4 =	vand.u32 $0x780, v3;
	v13 =	vadd.s32 s13, v0;
	s1 =	simm.s32 $0x0  }
0x276: {  	v3 =	vadd.s32 $0x480, v5;
	s14 =	simm.s32 $0x5;
	v15 =	vand.u32 $0x7F, v13;
	v6 =	vadd.s32 s1, v0  }
0x277: {  	v14 =	vadd.s32 s14, v0;
	v17 =	vor.u32 v4, v15;
	s3 =	simm.s32 $0x7;
	v5 =	vand.u32 $0x7F, v6  }
0x278: {  	v19 =	vand.u32 $0x7F, v14;
	s12 =	simm.s32 $0x2;
	v7 =	vadd.s32 s3, v0;
	v8 =	vor.u32 v4, v5  }
0x279: {  	v21 =	vor.u32 v4, v19;
	s17 =	simm.s32 $0x6;
	v9 =	vadd.s32 s12, v0;
	v10 =	vand.u32 $0x7F, v7  }
0x27a: {  	v22 =	vadd.s32 s17, v0;
	s15 =	simm.s32 $0x3;
	v11 =	vand.u32 $0x7F, v9;
	v12 =	vor.u32 v4, v10  }
0x27b: {  	v27 =	vand.u32 $0x7F, v22;
	v18 =	vadd.s32 s15, v0;
	v16 =	vor.u32 v4, v11  }
0x27c: {  	v31 =	vor.u32 v4, v27;
	s16 =	simm.s32 $0x1;
	v20 =	vand.u32 $0x7F, v18;
	v34 =	vor.u32 v1, v15;
	v17 =	vld.idx.msk [tilespmem:v17+s21+$0x0], $0xffff  }
0x27d: {  	v24 =	vadd.s32 s16, v0;
	v25 =	vor.u32 v4, v20;
	v23 =	vor.u32 v1, v5;
	v8 =	vld.idx.msk [tilespmem:v8+s21+$0x0], $0xffff  }
0x27e: {  	v38 =	vor.u32 v3, v19;
	v26 =	vand.u32 $0x7F, v24;
	v35 =	vor.u32 v3, v15;
	v36 =	vld.idx.msk [tilespmem:v21+s21+$0x0], $0xffff  }
0x27f: {  	v62 =	vor.u32 v1, v27;
	v30 =	vor.u32 v4, v26;
	v32 =	vor.u32 v1, v10;
	v29 =	vld.idx.msk [tilespmem:v12+s21+$0x0], $0xffff  }
0x280: {  	v28 =	vor.u32 v3, v5;
	v5 =	vor.u32 v2, v22;
	v22 =	vor.u32 v1, v11;
	v16 =	vld.idx.msk [tilespmem:v16+s21+$0x0], $0xffff  }
0x281: {  	v40 =	vor.u32 v3, v20;
	v33 =	vor.u32 v3, v11;
	v31 =	vld.idx.msk [tilespmem:v31+s21+$0x0], $0xffff;
	[tilespmem:v34+s29+$0x0] =	vst.idx.msk $0xffff, v17  }
0x282: {  	v10 =	vor.u32 v3, v10;
	[tilespmem:v23+s29+$0x0] =	vst.idx.msk $0xffff, v8;
	v8 =	vld.idx.msk [tilespmem:v25+s21+$0x0], $0xffff;
	v25 =	vor.u32 v1, v19  }
0x283: {  	v37 =	vor.u32 v1, v26;
	v12 =	vor.u32 v3, v26;
	v26 =	vor.u32 v1, v20;
	v20 =	vld.idx.msk [tilespmem:v35+s21+$0x0], $0xffff  }
0x284: {  	v63 =	vor.u32 v3, v27;
	v15 =	vor.u32 v2, v14;
	[tilespmem:v32+s29+$0x0] =	vst.idx.msk $0xffff, v29;
	v29 =	vld.idx.msk [tilespmem:v30+s21+$0x0], $0xffff  }
0x285: {  	v21 =	vor.u32 v2, v13;
	v39 =	vor.u32 v2, v6;
	[tilespmem:v22+s29+$0x0] =	vst.idx.msk $0xffff, v16;
	v28 =	vld.idx.msk [tilespmem:v28+s21+$0x0], $0xffff  }
0x286: {  	s18 =	simm.s32 $0x8;
	v13 =	vor.u32 v2, v24;
	[tilespmem:v62+s29+$0x0] =	vst.idx.msk $0xffff, v31;
	v19 =	vld.idx.msk [tilespmem:v33+s21+$0x0], $0xffff;
	v23 =	vor.u32 v2, v9  }
0x287: {  	s22 =	simm.s32 $0xF;
	v11 =	vor.u32 v2, v7;
	v7 =	vadd.s32 s18, v0;
	v24 =	vld.idx.msk [tilespmem:v10+s21+$0x0], $0xffff;
	[tilespmem:v25+s29+$0x0] =	vst.idx.msk $0xffff, v36  }
0x288: {  	s25 =	simm.s32 $0xC;
	v14 =	vor.u32 v2, v18;
	v6 =	vadd.s32 s22, v0;
	v16 =	vand.u32 $0x7F, v7;
	[tilespmem:v26+s29+$0x0] =	vst.idx.msk $0xffff, v8;
	v22 =	vld.idx.msk [tilespmem:v38+s21+$0x0], $0xffff  }
0x289: {  	s14 =	simm.s32 $0xE;
	s28 =	simm.s32 $0xD;
	s30 =	simm.s32 $0xA;
	v17 =	vand.u32 $0x7F, v6;
	v27 =	vor.u32 v4, v16;
	v8 =	vadd.s32 s25, v0;
	[tilespmem:v37+s29+$0x0] =	vst.idx.msk $0xffff, v29;
	v26 =	vld.idx.msk [tilespmem:v63+s21+$0x0], $0xffff  }
0x28a: {  	s15 =	simm.s32 $0xB;
	s16 =	simm.s32 $0x9;
	s12 =	simm.s32 $0x10;
	v9 =	vadd.s32 s28, v0;
	v10 =	vadd.s32 s30, v0;
	[tilespmem:v39+s29+$0x0] =	vst.idx.msk $0xffff, v28;
	v25 =	vld.idx.msk [tilespmem:v40+s21+$0x0], $0xffff;
	v18 =	vand.u32 $0x7F, v8  }
.LBB2_20:
0x28b: {  	p3 =	slt.u32 s12, $0x78;
	v28 =	vadd.s32 s16, v0;
	v29 =	vand.u32 $0x7F, v10;
	v30 =	vor.u32 v4, v17;
	v12 =	vld.idx.msk [tilespmem:v12+s21+$0x0], $0xffff;
	[tilespmem:v23+s29+$0x0] =	vst.idx.msk $0xffff, v19;
	s13 =	smov.u32 s12;
	s12 =	sadd.s32 $0x8, s12  }
0x28c: {  	v31 =	vor.u32 v4, v18;
	v19 =	vand.u32 $0x7F, v28;
	v23 =	vor.u32 v4, v29;
	[tilespmem:v21+s29+$0x0] =	vst.idx.msk $0xffff, v20  }
0x28d: {  	v32 =	vadd.s32 s15, v0;
	v21 =	vand.u32 $0x7F, v9;
	v20 =	vor.u32 v4, v19;
	[tilespmem:v15+s29+$0x0] =	vst.idx.msk $0xffff, v22  }
0x28e: {  	v33 =	vadd.s32 s14, v0;
	v22 =	vand.u32 $0x7F, v32;
	v15 =	vld.idx.msk [tilespmem:v27+s21+$0x0], $0xffff;
	v27 =	vor.u32 v4, v21;
	[tilespmem:v11+s29+$0x0] =	vst.idx.msk $0xffff, v24  }
0x28f: {  	v34 =	vand.u32 $0x7F, v33;
	v11 =	vor.u32 v1, v16;
	v24 =	vor.u32 v4, v22;
	[tilespmem:v14+s29+$0x0] =	vst.idx.msk $0xffff, v25  }
0x290: {  	v14 =	vor.u32 v3, v16;
	v16 =	vor.u32 v4, v34;
	v25 =	vld.idx.msk [tilespmem:v30+s21+$0x0], $0xffff;
	[tilespmem:v5+s29+$0x0] =	vst.idx.msk $0xffff, v26  }
0x291: {  	v5 =	vor.u32 v2, v33;
	v26 =	vor.u32 v1, v17;
	v23 =	vld.idx.msk [tilespmem:v23+s21+$0x0], $0xffff;
	[tilespmem:v13+s29+$0x0] =	vst.idx.msk $0xffff, v12  }
0x292: {  	v17 =	vor.u32 v3, v17;
	v13 =	vor.u32 v1, v29;
	v30 =	vld.idx.msk [tilespmem:v31+s21+$0x0], $0xffff  }
0x293: {  	v29 =	vor.u32 v3, v29;
	v31 =	vor.u32 v1, v18;
	v18 =	vor.u32 v3, v18;
	v27 =	vld.idx.msk [tilespmem:v27+s21+$0x0], $0xffff  }
0x294: {  	v35 =	vor.u32 v1, v21;
	v33 =	vor.u32 v1, v19;
	[tilespmem:v11+s29+$0x0] =	vst.idx.msk $0xffff, v15;
	v24 =	vld.idx.msk [tilespmem:v24+s21+$0x0], $0xffff  }
0x295: {  	v37 =	vor.u32 v3, v21;
	v12 =	vor.u32 v3, v19;
	v36 =	vld.idx.msk [tilespmem:v14+s21+$0x0], $0xffff;
	v14 =	vor.u32 v1, v22  }
0x296: {  	v38 =	vor.u32 v2, v7;
	v39 =	vor.u32 v3, v22;
	v40 =	vld.idx.msk [tilespmem:v16+s21+$0x0], $0xffff;
	[tilespmem:v26+s29+$0x0] =	vst.idx.msk $0xffff, v25  }
0x297: {  	v41 =	vor.u32 v1, v34;
	v11 =	vor.u32 v2, v6;
	v26 =	vld.idx.msk [tilespmem:v20+s21+$0x0], $0xffff;
	[tilespmem:v13+s29+$0x0] =	vst.idx.msk $0xffff, v23  }
0x298: {  	v15 =	vor.u32 v2, v9;
	v19 =	vld.idx.msk [tilespmem:v29+s21+$0x0], $0xffff;
	[tilespmem:v31+s29+$0x0] =	vst.idx.msk $0xffff, v30;
	v29 =	vor.u32 v3, v34  }
.Ltmp13:
0x299: {  	v21 =	vor.u32 v2, v8;
	v23 =	vor.u32 v2, v10;
	v20 =	vld.idx.msk [tilespmem:v18+s21+$0x0], $0xffff;
	[tilespmem:v35+s29+$0x0] =	vst.idx.msk $0xffff, v27;
	(pc) =	sbr.rel @p3 .LBB2_20-.Ltmp13, $4  }
0x29a: {  	v7 =	vadd.s32 s13, v0;
	s1 =	sadd.s32 $0x7, s13;
	[tilespmem:v14+s29+$0x0] =	vst.idx.msk $0xffff, v24;
	v14 =	vor.u32 v2, v32;
	v22 =	vld.idx.msk [tilespmem:v37+s21+$0x0], $0xffff  }
0x29b: {  	s3 =	sadd.s32 $0x4, s13;
	s17 =	sadd.s32 $0x5, s13;
	s14 =	sadd.s32 $0x6, s13;
	v6 =	vadd.s32 s1, v0;
	v16 =	vand.u32 $0x7F, v7;
	v13 =	vor.u32 v2, v28;
	[tilespmem:v38+s29+$0x0] =	vst.idx.msk $0xffff, v36;
	v24 =	vld.idx.msk [tilespmem:v17+s21+$0x0], $0xffff  }
0x29c: {  	s16 =	sadd.s32 $0x1, s13;
	s15 =	sadd.s32 $0x3, s13;
	v8 =	vadd.s32 s3, v0;
	s1 =	sadd.s32 $0x2, s13;
	v9 =	vadd.s32 s17, v0;
	v27 =	vor.u32 v4, v16;
	v25 =	vld.idx.msk [tilespmem:v39+s21+$0x0], $0xffff;
	[tilespmem:v41+s29+$0x0] =	vst.idx.msk $0xffff, v40  }
0x29d: {  	v10 =	vadd.s32 s1, v0;
	v18 =	vand.u32 $0x7F, v8;
	v17 =	vand.u32 $0x7F, v6;
	[tilespmem:v33+s29+$0x0] =	vst.idx.msk $0xffff, v26;
	v26 =	vld.idx.msk [tilespmem:v29+s21+$0x0], $0xffff  }
0x29e: {  	_ =	sdelay $0x2  }
0x29f: {  	v29 =	vor.u32 v4, v17  }
0x2a0: {  	v28 =	vand.u32 $0x7F, v10;
	v60 =	vor.u32 v4, v18;
	[tilespmem:v21+s29+$0x0] =	vst.idx.msk $0xffff, v20;
	v20 =	vadd.s32 s15, v0  }
0x2a1: {  	[tilespmem:v23+s29+$0x0] =	vst.idx.msk $0xffff, v19;
	v12 =	vld.idx.msk [tilespmem:v12+s21+$0x0], $0xffff;
	v61 =	vand.u32 $0x7F, v9;
	v32 =	vadd.s32 s14, v0;
	v59 =	vor.u32 v4, v28  }
0x2a2: {  	v62 =	vld.idx.msk [tilespmem:v27+s21+$0x0], $0xffff;
	v37 =	vor.u32 v1, v16;
	v39 =	vor.u32 v3, v16;
	v36 =	vor.u32 v4, v61  }
0x2a3: {  	v34 =	vor.u32 v1, v17;
	v44 =	vor.u32 v1, v18;
	[tilespmem:v15+s29+$0x0] =	vst.idx.msk $0xffff, v22;
	v63 =	vand.u32 $0x7F, v20  }
0x2a4: {  	v30 =	vadd.s32 s16, v0;
	v33 =	vand.u32 $0x7F, v32;
	[tilespmem:v11+s29+$0x0] =	vst.idx.msk $0xffff, v24;
	v38 =	vor.u32 v4, v63;
	v29 =	vld.idx.msk [tilespmem:v29+s21+$0x0], $0xffff  }
0x2a5: {  	v31 =	vand.u32 $0x7F, v30;
	v40 =	vor.u32 v4, v33;
	[tilespmem:v14+s29+$0x0] =	vst.idx.msk $0xffff, v25;
	v43 =	vld.idx.msk [tilespmem:v60+s21+$0x0], $0xffff  }
0x2a6: {  	v41 =	vor.u32 v1, v28;
	v42 =	vor.u32 v4, v31;
	[tilespmem:v5+s29+$0x0] =	vst.idx.msk $0xffff, v26;
	v19 =	vld.idx.msk [tilespmem:v59+s21+$0x0], $0xffff  }
0x2a7: {  	v48 =	vor.u32 v3, v18;
	v47 =	vor.u32 v1, v61;
	[tilespmem:v37+s29+$0x0] =	vst.idx.msk $0xffff, v62;
	v46 =	vld.idx.msk [tilespmem:v36+s21+$0x0], $0xffff  }
0x2a8: {  	v7 =	vor.u32 v2, v7;
	v51 =	vor.u32 v3, v17;
	[tilespmem:v13+s29+$0x0] =	vst.idx.msk $0xffff, v12;
	v16 =	vld.idx.msk [tilespmem:v39+s21+$0x0], $0xffff  }
0x2a9: {  	v45 =	vor.u32 v3, v28;
	v50 =	vor.u32 v1, v63;
	v49 =	vld.idx.msk [tilespmem:v38+s21+$0x0], $0xffff;
	[tilespmem:v34+s29+$0x0] =	vst.idx.msk $0xffff, v29  }
0x2aa: {  	v21 =	vor.u32 v3, v61;
	v52 =	vor.u32 v1, v33;
	v14 =	vld.idx.msk [tilespmem:v40+s21+$0x0], $0xffff;
	[tilespmem:v44+s29+$0x0] =	vst.idx.msk $0xffff, v43  }
0x2ab: {  	v53 =	vor.u32 v1, v31;
	v22 =	vor.u32 v3, v63;
	v4 =	vld.idx.msk [tilespmem:v42+s21+$0x0], $0xffff;
	[tilespmem:v41+s29+$0x0] =	vst.idx.msk $0xffff, v19  }
0x2ac: {  	v8 =	vor.u32 v2, v8;
	v55 =	vor.u32 v3, v33;
	[tilespmem:v47+s29+$0x0] =	vst.idx.msk $0xffff, v46;
	v57 =	vld.idx.msk [tilespmem:v48+s21+$0x0], $0xffff  }
0x2ad: {  	v6 =	vor.u32 v2, v6;
	v3 =	vor.u32 v3, v31;
	[tilespmem:v7+s29+$0x0] =	vst.idx.msk $0xffff, v16;
	v60 =	vld.idx.msk [tilespmem:v51+s21+$0x0], $0xffff  }
0x2ae: {  	v56 =	vor.u32 v2, v10;
	v54 =	vld.idx.msk [tilespmem:v45+s21+$0x0], $0xffff;
	[tilespmem:v50+s29+$0x0] =	vst.idx.msk $0xffff, v49  }
0x2af: {  	v58 =	vor.u32 v2, v9;
	v59 =	vld.idx.msk [tilespmem:v21+s21+$0x0], $0xffff;
	[tilespmem:v52+s29+$0x0] =	vst.idx.msk $0xffff, v14  }
0x2b0: {  	v61 =	vor.u32 v2, v20;
	[tilespmem:v53+s29+$0x0] =	vst.idx.msk $0xffff, v4;
	v15 =	vld.idx.msk [tilespmem:v22+s21+$0x0], $0xffff  }
0x2b1: {  	v62 =	vor.u32 v2, v32;
	v12 =	vld.idx.msk [tilespmem:v55+s21+$0x0], $0xffff;
	[tilespmem:v8+s29+$0x0] =	vst.idx.msk $0xffff, v57  }
0x2b2: {  	v63 =	vor.u32 v2, v30;
	v3 =	vld.idx.msk [tilespmem:v3+s21+$0x0], $0xffff;
	[tilespmem:v6+s29+$0x0] =	vst.idx.msk $0xffff, v60  }
0x2b3: {  	[tilespmem:v56+s29+$0x0] =	vst.idx.msk $0xffff, v54  }
0x2b4: {  	[tilespmem:v58+s29+$0x0] =	vst.idx.msk $0xffff, v59  }
0x2b5: {  	[tilespmem:v61+s29+$0x0] =	vst.idx.msk $0xffff, v15  }
0x2b6: {  	[tilespmem:v62+s29+$0x0] =	vst.idx.msk $0xffff, v12  }
0x2b7: {  	s1 =	sadd.s32 s7, s11;
	s3 =	simm.s32 $0xA;
	[tilespmem:v63+s29+$0x0] =	vst.idx.msk $0xffff, v3  }
0x2b8: {  	s1 =	sshll.u32 s1, $0x6;
	_ =	swait.ge [sflag:s3], $0x1000  }
0x2b9: {  	s1 =	sand.u32 $0x1FFFFC00, s1;
	[sflag:s3] =	ssyncset.done $0x0  }
0x2ba: {  	s1 =	sadd.s32 s8, s1;
	[sflag:s3] =	ssyncadd.s32 $0xFFFFF000  }
0x2bb: {  	[hbm4b:s1+s6] =	stream.linear.scatter [tilespmem:s29], [sflag:$0x3], $0x2000, $0x38;
	[tilespmem:$0x12DB0] =	vst v63  }
.LBB2_22:
0x2bc: {  	s11 =	sadd.s32 $0x3, s20  }
0x2bd: {  	p3 =	sge.u32 s11, s9  }
.Ltmp14:
0x2be: {  	_ = 	snop;
	(pc) =	sbr.rel @p3 .LBB2_28-.Ltmp14, $1  }
0x2bf: {  	_ =	sdelay $0x3  }
0x2c0: {  	s11 =	sshll.u32 s11, $0x4  }
0x2c1: {  	v3 =	vld [tilespmem:s11+$0x4130];
	_ =	sdelay $0x1  }
0x2c2: {  	s13 =	simm.s32 $0x0  }
0x2c3: {  	v4 =	vmov s13  }
0x2c4: {  	s1 =	simm.s32 @p2 $0x4;
	vm0 =	veq.s32 v4, v0  }
0x2c5: {  	s22 =	simm.s32 $0x1;
	_ =	swait.ge @p2 [sflag:s1], $0x2000;
	v4 =	vnsel vm0, $0x0, v3  }
0x2c6: {  	(xrf0) =	vadd.scan.msk.s32 $0xffff, v4;
	v4 =	vmov s22  }
0x2c7: {  	vm9 =	veq.s32 v4, v0  }
0x2c8: {  	v4 =	vnsel vm9, $0x0, v3  }
0x2c9: {  	s25 =	simm.s32 $0x2;
	(xrf0) =	vadd.scan.msk.s32 $0xffff, v4  }
0x2ca: {  	v4 =	vmov s25  }
0x2cb: {  	vm10 =	veq.s32 v4, v0  }
0x2cc: {  	v4 =	vnsel vm10, $0x0, v3;
	v5, _, _ =	vpop (xrf0)  }
0x2cd: {  	(v2sf) =	vpush v5, $0xF;
	_ =	sdelay $0x1  }
0x2ce: {  	(xrf0) =	vadd.scan.msk.s32 $0xffff, v4;
	v4, _, _ =	vpop (xrf0)  }
0x2cf: {  	(v2sf) =	vpush v4, $0xF;
	_ =	sdelay $0x1  }
0x2d0: {  	s28 =	simm.s32 $0x3  }
0x2d1: {  	v5 =	vmov s28  }
0x2d2: {  	vm11 =	veq.s32 v5, v0  }
0x2d3: {  	v4 =	vnsel vm11, $0x0, v3;
	_ =	sdelay $0x1  }
0x2d4: {  	(xrf0) =	vadd.scan.msk.s32 $0xffff, v4  }
0x2d5: {  	v4, _, _ =	vpop (xrf0)  }
0x2d6: {  	(v2sf) =	vpush v4, $0xF;
	_ =	sdelay $0x2  }
0x2d7: {  	s30 =	simm.s32 $0x4;
	s14 =	spop (v2sf)  }
0x2d8: {  	s15 =	simm.s32 $0x5;
	[sflag:s1] =	ssyncset.done @p2 $0x0;
	v4, _, _ =	vpop (xrf0);
	s17 =	sshll.u32 s14, $0x7  }
0x2d9: {  	s18 =	simm.s32 $0xADB0;
	[sflag:s1] =	ssyncadd.s32 @p2 $0xFFFFE000;
	(v2sf) =	vpush v4, $0xF;
	v4 =	vmov s30;
	s17 =	sand.u32 $0x3F80, s17  }
0x2da: {  	vm12 =	veq.s32 v4, v0;
	v4 =	vmov s15;
	s15 =	simm.s32 $0x6;
	s17 =	sadd.s32 s17, s5;
	s22 =	spop (v2sf)  }
0x2db: {  	v5 =	vnsel vm12, $0x0, v3;
	vm13 =	veq.s32 v4, v0;
	[tilespmem:s18], [sflag:$0xB] =	stream.linear.gather [spmem:s17], $0x80, $0x38;
	[tilespmem:$0x12DB0] =	vst v63  }
0x2dc: {  	(xrf0) =	vadd.scan.msk.s32 $0xffff, v5;
	v4 =	vnsel vm13, $0x0, v3;
	s17 =	sshll.u32 s22, $0x7;
	s18 =	sand.u32 $0x80, s22;
	s22 =	simm.s32 $0x7  }
0x2dd: {  	v5 =	vmov s15;
	(xrf0) =	vadd.scan.msk.s32 $0xffff, v4;
	v4 =	vmov s22  }
0x2de: {  	vm14 =	veq.s32 v5, v0;
	s14 =	sand.u32 $0x80, s14;
	vm15 =	veq.s32 v4, v0  }
0x2df: {  	v5 =	vnsel vm14, $0x0, v3;
	s14 =	sadd.s32 s14, s5;
	v4 =	vnsel vm15, $0x0, v3  }
0x2e0: {  	s12 =	simm.s32 $0xB430;
	s16 =	simm.s32 $0xAE30;
	(xrf0) =	vadd.scan.msk.s32 $0xffff, v5;
	s14 =	sadd.s32 $0x3200, s14  }
0x2e1: {  	[tilespmem:s16], [sflag:$0xB] =	stream.linear.gather [spmem:s14], $0x80, $0x38;
	[tilespmem:$0x12DB0] =	vst v63  }
0x2e2: {  	s3 =	simm.s32 $0xAFB0;
	s13 =	simm.s32 $0xB1B0;
	s15 =	sand.u32 $0x3F80, s17;
	(xrf0) =	vadd.scan.msk.s32 $0xffff, v4;
	v4, _, _ =	vpop (xrf0)  }
0x2e3: {  	s30 =	simm.s32 $0xB230;
	s25 =	sadd.s32 s15, s5;
	s28 =	spop (v2sf);
	(v2sf) =	vpush v4, $0xF  }
0x2e4: {  	[tilespmem:s3], [sflag:$0xB] =	stream.linear.gather [spmem:s25], $0x80, $0x38;
	[tilespmem:$0x12DB0] =	vst v63  }
0x2e5: {  	s1 =	sadd.s32 s18, s5;
	s18 =	simm.s32 $0xB030;
	s17 =	sshll.u32 s28, $0x7  }
0x2e6: {  	s1 =	sadd.s32 $0x3200, s1;
	s15 =	sand.u32 $0x80, s28;
	s14 =	sand.u32 $0x3F80, s17;
	v5, _, _ =	vpop (xrf0)  }
0x2e7: {  	[tilespmem:s18], [sflag:$0xB] =	stream.linear.gather [spmem:s1], $0x80, $0x38;
	(v2sf) =	vpush v5, $0xF;
	[tilespmem:$0x12DB0] =	vst v63  }
0x2e8: {  	s22 =	sadd.s32 s15, s5;
	s14 =	sadd.s32 s14, s5;
	s25 =	spop (v2sf)  }
0x2e9: {  	[tilespmem:s13], [sflag:$0xB] =	stream.linear.gather [spmem:s14], $0x80, $0x38;
	[tilespmem:$0x12DB0] =	vst v63  }
0x2ea: {  	s17 =	simm.s32 $0xB430;
	s1 =	sadd.s32 $0x3200, s22;
	s15 =	sshll.u32 s25, $0x7  }
0x2eb: {  	v4, _, _ =	vpop (xrf0);
	[tilespmem:s30], [sflag:$0xB] =	stream.linear.gather [spmem:s1], $0x80, $0x38;
	[tilespmem:$0x12DB0] =	vst v63  }
0x2ec: {  	s28 =	sand.u32 $0x80, s25;
	s13 =	simm.s32 $0x8;
	(v2sf) =	vpush v4, $0xF;
	s30 =	sand.u32 $0x3F80, s15  }
0x2ed: {  	s16 =	sadd.s32 s28, s5;
	s15 =	simm.s32 $0xB3B0;
	v4, _, _ =	vpop (xrf0);
	s18 =	sadd.s32 s30, s5  }
.LBB2_24:
0x2ee: {  	p3 =	slt.u32 s13, $0xC  }
0x2ef: {  	v5 =	vmov s13;
	(v2sf) =	vpush v4, $0xF;
	s12 =	sadd.s32 $0x800, s12;
	s1 =	smov.u32 s13;
	s13 =	sadd.s32 $0x4, s13  }
0x2f0: {  	vm0 =	veq.s32 v5, v0;
	[tilespmem:s15], [sflag:$0xB] =	stream.linear.gather [spmem:s18], $0x80, $0x38;
	[tilespmem:$0x12DB0] =	vst v63  }
0x2f1: {  	s3 =	sadd.s32 $0xFFFFFB80, s12;
	s15 =	sadd.s32 $0xFFFFFD80, s12;
	s14 =	sadd.s32 $0xFFFFFE00, s12;
	v4 =	vnsel vm0, $0x0, v3  }
0x2f2: {  	s18 =	sadd.s32 $0x1, s1;
	s22 =	sadd.s32 $0xFFFFFA00, s12;
	(xrf0) =	vadd.scan.msk.s32 $0xffff, v4;
	s25 =	spop (v2sf)  }
0x2f3: {  	s16 =	sadd.s32 $0x3200, s16;
	v4 =	vmov s18;
	s18 =	sand.u32 $0x80, s25;
	s25 =	sshll.u32 s25, $0x7  }
0x2f4: {  	s28 =	sadd.s32 $0x2, s1;
	s30 =	sadd.s32 $0xFFFFF980, s12;
	vm0 =	veq.s32 v4, v0;
	s25 =	sand.u32 $0x3F80, s25  }
0x2f5: {  	v4 =	vnsel vm0, $0x0, v3;
	[tilespmem:s17], [sflag:$0xB] =	stream.linear.gather [spmem:s16], $0x80, $0x38;
	[tilespmem:$0x12DB0] =	vst v63  }
0x2f6: {  	s16 =	sadd.s32 s25, s5;
	s17 =	sadd.s32 s18, s5;
	(xrf0) =	vadd.scan.msk.s32 $0xffff, v4;
	s18 =	spop (v2sf)  }
0x2f7: {  	[tilespmem:s30], [sflag:$0xB] =	stream.linear.gather [spmem:s16], $0x80, $0x38;
	[tilespmem:$0x12DB0] =	vst v63  }
0x2f8: {  	v4 =	vmov s28;
	s16 =	sadd.s32 $0x3200, s17;
	s17 =	sand.u32 $0x80, s18;
	s18 =	sshll.u32 s18, $0x7;
	v5, _, _ =	vpop (xrf0)  }
0x2f9: {  	vm0 =	veq.s32 v4, v0;
	(v2sf) =	vpush v5, $0xF;
	[tilespmem:s22], [sflag:$0xB] =	stream.linear.gather [spmem:s16], $0x80, $0x38;
	[tilespmem:$0x12DB0] =	vst v63  }
0x2fa: {  	s1 =	sadd.s32 $0x3, s1;
	v6 =	vnsel vm0, $0x0, v3;
	s17 =	sadd.s32 s17, s5;
	s16 =	sand.u32 $0x3F80, s18  }
0x2fb: {  	v5 =	vmov s1;
	s1 =	sadd.s32 s16, s5;
	s16 =	sadd.s32 $0x3200, s17;
	(xrf0) =	vadd.scan.msk.s32 $0xffff, v6;
	s17 =	spop (v2sf)  }
0x2fc: {  	vm0 =	veq.s32 v5, v0;
	v4, _, _ =	vpop (xrf0);
	[tilespmem:s3], [sflag:$0xB] =	stream.linear.gather [spmem:s1], $0x80, $0x38;
	[tilespmem:$0x12DB0] =	vst v63  }
0x2fd: {  	v5 =	vnsel vm0, $0x0, v3;
	s1 =	sadd.s32 $0xFFFFFC00, s12;
	s3 =	sand.u32 $0x80, s17;
	s17 =	sshll.u32 s17, $0x7;
	(v2sf) =	vpush v4, $0xF  }
0x2fe: {  	s17 =	sand.u32 $0x3F80, s17;
	s3 =	sadd.s32 s3, s5;
	(xrf0) =	vadd.scan.msk.s32 $0xffff, v5;
	s18 =	spop (v2sf)  }
0x2ff: {  	s17 =	sadd.s32 s17, s5;
	s22 =	sand.u32 $0x80, s18;
	s18 =	sshll.u32 s18, $0x7  }
0x300: {  	[tilespmem:s1], [sflag:$0xB] =	stream.linear.gather [spmem:s16], $0x80, $0x38;
	[tilespmem:$0x12DB0] =	vst v63  }
.Ltmp15:
0x301: {  	_ = 	snop;
	(pc) =	sbr.rel @p3 .LBB2_24-.Ltmp15, $4  }
0x302: {  	s1 =	sadd.s32 $0x3200, s3;
	s3 =	sand.u32 $0x3F80, s18;
	s16 =	sadd.s32 s22, s5;
	v4, _, _ =	vpop (xrf0)  }
0x303: {  	(v2sf) =	vpush v4, $0xF;
	[tilespmem:s15], [sflag:$0xB] =	stream.linear.gather [spmem:s17], $0x80, $0x38;
	[tilespmem:$0x12DB0] =	vst v63  }
0x304: {  	s18 =	sadd.s32 s3, s5;
	s15 =	sadd.s32 $0xFFFFFF80, s12;
	s17 =	smov.u32 s12  }
0x305: {  	v4, _, _ =	vpop (xrf0);
	[tilespmem:s14], [sflag:$0xB] =	stream.linear.gather [spmem:s1], $0x80, $0x38;
	[tilespmem:$0x12DB0] =	vst v63  }
0x306: {  	_ = 	snop  }
0x307: {  	(v2sf) =	vpush v4, $0xF;
	[tilespmem:s15], [sflag:$0xB] =	stream.linear.gather [spmem:s18], $0x80, $0x38;
	[tilespmem:$0x12DB0] =	vst v63  }
0x308: {  	s18 =	sadd.s32 $0x3200, s16;
	s15 =	spop (v2sf)  }
0x309: {  	[tilespmem:s17], [sflag:$0xB] =	stream.linear.gather [spmem:s18], $0x80, $0x38;
	[tilespmem:$0x12DB0] =	vst v63  }
0x30a: {  	s1 =	sadd.s32 $0x800, s12;
	s12 =	sshll.u32 s15, $0x7  }
0x30b: {  	s22 =	sadd.s32 $0xFFFFF980, s1;
	s14 =	sand.u32 $0x80, s15;
	s12 =	sand.u32 $0x3F80, s12  }
0x30c: {  	s14 =	sadd.s32 s14, s5;
	s12 =	sadd.s32 s12, s5;
	s25 =	spop (v2sf)  }
0x30d: {  	[tilespmem:s22], [sflag:$0xB] =	stream.linear.gather [spmem:s12], $0x80, $0x38;
	[tilespmem:$0x12DB0] =	vst v63  }
0x30e: {  	s28 =	sadd.s32 $0xFFFFFA00, s1;
	s14 =	sadd.s32 $0x3200, s14;
	s30 =	sshll.u32 s25, $0x7  }
0x30f: {  	[tilespmem:s28], [sflag:$0xB] =	stream.linear.gather [spmem:s14], $0x80, $0x38;
	[tilespmem:$0x12DB0] =	vst v63  }
0x310: {  	s15 =	sand.u32 $0x80, s25;
	s16 =	sand.u32 $0x3F80, s30  }
0x311: {  	s3 =	sadd.s32 $0xFFFFFB80, s1;
	s14 =	sadd.s32 s15, s5;
	s15 =	sadd.s32 s16, s5  }
0x312: {  	[tilespmem:s3], [sflag:$0xB] =	stream.linear.gather [spmem:s15], $0x80, $0x38;
	[tilespmem:$0x12DB0] =	vst v63  }
0x313: {  	s22 =	sadd.s32 $0xFFFFFC00, s1;
	s18 =	sadd.s32 $0x3200, s14;
	s17 =	spop (v2sf)  }
0x314: {  	[tilespmem:s22], [sflag:$0xB] =	stream.linear.gather [spmem:s18], $0x80, $0x38;
	[tilespmem:$0x12DB0] =	vst v63  }
0x315: {  	s13 =	sadd.s32 $0xFFFFFD80, s1;
	s12 =	sadd.s32 $0xFFFFFE00, s1;
	s25 =	sshll.u32 s17, $0x7  }
0x316: {  	s16 =	sand.u32 $0x80, s17;
	s15 =	sand.u32 $0x3F80, s25;
	s28 =	spop (v2sf)  }
0x317: {  	s30 =	sadd.s32 s16, s5;
	s15 =	sadd.s32 s15, s5;
	s16 =	sshll.u32 s28, $0x7  }
0x318: {  	[tilespmem:s13], [sflag:$0xB] =	stream.linear.gather [spmem:s15], $0x80, $0x38;
	[tilespmem:$0x12DB0] =	vst v63  }
0x319: {  	s3 =	sadd.s32 $0x3200, s30;
	s18 =	sand.u32 $0x80, s28;
	s22 =	sand.u32 $0x3F80, s16  }
0x31a: {  	[tilespmem:s12], [sflag:$0xB] =	stream.linear.gather [spmem:s3], $0x80, $0x38;
	[tilespmem:$0x12DB0] =	vst v63  }
0x31b: {  	s28 =	sadd.s32 $0xFFFFFF80, s1;
	s25 =	sadd.s32 s18, s5;
	s30 =	sadd.s32 s22, s5  }
0x31c: {  	[tilespmem:s28], [sflag:$0xB] =	stream.linear.gather [spmem:s30], $0x80, $0x38;
	[tilespmem:$0x12DB0] =	vst v63  }
0x31d: {  	s13 =	simm.s32 $0x4;
	s3 =	sadd.s32 $0x3200, s25  }
0x31e: {  	v4 =	vshra.s32 v3, $0x5;
	v3 =	vshrl.u32 v3, $0x1;
	[tilespmem:s1], [sflag:$0xB] =	stream.linear.gather [spmem:s3], $0x80, $0x38;
	[tilespmem:$0x12DB0] =	vst v63  }
0x31f: {  	v5 =	vand.u32 $0xFFFFFF80, v4;
	v4 =	vand.u32 $0x780, v3;
	v13 =	vadd.s32 s13, v0;
	s1 =	simm.s32 $0x0  }
0x320: {  	v3 =	vadd.s32 $0x480, v5;
	s14 =	simm.s32 $0x5;
	v15 =	vand.u32 $0x7F, v13;
	v6 =	vadd.s32 s1, v0  }
0x321: {  	v14 =	vadd.s32 s14, v0;
	v17 =	vor.u32 v4, v15;
	s3 =	simm.s32 $0x7;
	v5 =	vand.u32 $0x7F, v6  }
0x322: {  	v19 =	vand.u32 $0x7F, v14;
	s12 =	simm.s32 $0x2;
	v7 =	vadd.s32 s3, v0;
	v8 =	vor.u32 v4, v5  }
0x323: {  	v21 =	vor.u32 v4, v19;
	s17 =	simm.s32 $0x6;
	v9 =	vadd.s32 s12, v0;
	v10 =	vand.u32 $0x7F, v7  }
0x324: {  	v22 =	vadd.s32 s17, v0;
	s15 =	simm.s32 $0x3;
	v11 =	vand.u32 $0x7F, v9;
	v12 =	vor.u32 v4, v10  }
0x325: {  	v27 =	vand.u32 $0x7F, v22;
	v18 =	vadd.s32 s15, v0;
	v16 =	vor.u32 v4, v11  }
0x326: {  	v31 =	vor.u32 v4, v27;
	s16 =	simm.s32 $0x1;
	v20 =	vand.u32 $0x7F, v18;
	v34 =	vor.u32 v1, v15;
	v17 =	vld.idx.msk [tilespmem:v17+s21+$0x0], $0xffff  }
0x327: {  	v24 =	vadd.s32 s16, v0;
	v25 =	vor.u32 v4, v20;
	v23 =	vor.u32 v1, v5;
	v8 =	vld.idx.msk [tilespmem:v8+s21+$0x0], $0xffff  }
0x328: {  	v38 =	vor.u32 v3, v19;
	v26 =	vand.u32 $0x7F, v24;
	v35 =	vor.u32 v3, v15;
	v36 =	vld.idx.msk [tilespmem:v21+s21+$0x0], $0xffff  }
0x329: {  	v62 =	vor.u32 v1, v27;
	v30 =	vor.u32 v4, v26;
	v32 =	vor.u32 v1, v10;
	v29 =	vld.idx.msk [tilespmem:v12+s21+$0x0], $0xffff  }
0x32a: {  	v28 =	vor.u32 v3, v5;
	v5 =	vor.u32 v2, v22;
	v22 =	vor.u32 v1, v11;
	v16 =	vld.idx.msk [tilespmem:v16+s21+$0x0], $0xffff  }
0x32b: {  	v40 =	vor.u32 v3, v20;
	v33 =	vor.u32 v3, v11;
	v31 =	vld.idx.msk [tilespmem:v31+s21+$0x0], $0xffff;
	[tilespmem:v34+s31+$0x0] =	vst.idx.msk $0xffff, v17  }
0x32c: {  	v10 =	vor.u32 v3, v10;
	[tilespmem:v23+s31+$0x0] =	vst.idx.msk $0xffff, v8;
	v8 =	vld.idx.msk [tilespmem:v25+s21+$0x0], $0xffff;
	v25 =	vor.u32 v1, v19  }
0x32d: {  	v37 =	vor.u32 v1, v26;
	v12 =	vor.u32 v3, v26;
	v26 =	vor.u32 v1, v20;
	v20 =	vld.idx.msk [tilespmem:v35+s21+$0x0], $0xffff  }
0x32e: {  	v63 =	vor.u32 v3, v27;
	v15 =	vor.u32 v2, v14;
	[tilespmem:v32+s31+$0x0] =	vst.idx.msk $0xffff, v29;
	v29 =	vld.idx.msk [tilespmem:v30+s21+$0x0], $0xffff  }
0x32f: {  	v21 =	vor.u32 v2, v13;
	v39 =	vor.u32 v2, v6;
	[tilespmem:v22+s31+$0x0] =	vst.idx.msk $0xffff, v16;
	v28 =	vld.idx.msk [tilespmem:v28+s21+$0x0], $0xffff  }
0x330: {  	s18 =	simm.s32 $0x8;
	v13 =	vor.u32 v2, v24;
	[tilespmem:v62+s31+$0x0] =	vst.idx.msk $0xffff, v31;
	v19 =	vld.idx.msk [tilespmem:v33+s21+$0x0], $0xffff;
	v23 =	vor.u32 v2, v9  }
0x331: {  	s22 =	simm.s32 $0xF;
	v11 =	vor.u32 v2, v7;
	v7 =	vadd.s32 s18, v0;
	v24 =	vld.idx.msk [tilespmem:v10+s21+$0x0], $0xffff;
	[tilespmem:v25+s31+$0x0] =	vst.idx.msk $0xffff, v36  }
0x332: {  	s25 =	simm.s32 $0xC;
	v14 =	vor.u32 v2, v18;
	v6 =	vadd.s32 s22, v0;
	v16 =	vand.u32 $0x7F, v7;
	[tilespmem:v26+s31+$0x0] =	vst.idx.msk $0xffff, v8;
	v22 =	vld.idx.msk [tilespmem:v38+s21+$0x0], $0xffff  }
0x333: {  	s14 =	simm.s32 $0xE;
	s28 =	simm.s32 $0xD;
	s30 =	simm.s32 $0xA;
	v17 =	vand.u32 $0x7F, v6;
	v27 =	vor.u32 v4, v16;
	v8 =	vadd.s32 s25, v0;
	[tilespmem:v37+s31+$0x0] =	vst.idx.msk $0xffff, v29;
	v26 =	vld.idx.msk [tilespmem:v63+s21+$0x0], $0xffff  }
0x334: {  	s15 =	simm.s32 $0xB;
	s16 =	simm.s32 $0x9;
	s12 =	simm.s32 $0x10;
	v9 =	vadd.s32 s28, v0;
	v10 =	vadd.s32 s30, v0;
	[tilespmem:v39+s31+$0x0] =	vst.idx.msk $0xffff, v28;
	v25 =	vld.idx.msk [tilespmem:v40+s21+$0x0], $0xffff;
	v18 =	vand.u32 $0x7F, v8  }
.LBB2_26:
0x335: {  	p3 =	slt.u32 s12, $0x78;
	v28 =	vadd.s32 s16, v0;
	v29 =	vand.u32 $0x7F, v10;
	v30 =	vor.u32 v4, v17;
	v12 =	vld.idx.msk [tilespmem:v12+s21+$0x0], $0xffff;
	[tilespmem:v23+s31+$0x0] =	vst.idx.msk $0xffff, v19;
	s13 =	smov.u32 s12;
	s12 =	sadd.s32 $0x8, s12  }
0x336: {  	v31 =	vor.u32 v4, v18;
	v19 =	vand.u32 $0x7F, v28;
	v23 =	vor.u32 v4, v29;
	[tilespmem:v21+s31+$0x0] =	vst.idx.msk $0xffff, v20  }
0x337: {  	v32 =	vadd.s32 s15, v0;
	v21 =	vand.u32 $0x7F, v9;
	v20 =	vor.u32 v4, v19;
	[tilespmem:v15+s31+$0x0] =	vst.idx.msk $0xffff, v22  }
0x338: {  	v33 =	vadd.s32 s14, v0;
	v22 =	vand.u32 $0x7F, v32;
	v15 =	vld.idx.msk [tilespmem:v27+s21+$0x0], $0xffff;
	v27 =	vor.u32 v4, v21;
	[tilespmem:v11+s31+$0x0] =	vst.idx.msk $0xffff, v24  }
0x339: {  	v34 =	vand.u32 $0x7F, v33;
	v11 =	vor.u32 v1, v16;
	v24 =	vor.u32 v4, v22;
	[tilespmem:v14+s31+$0x0] =	vst.idx.msk $0xffff, v25  }
0x33a: {  	v14 =	vor.u32 v3, v16;
	v16 =	vor.u32 v4, v34;
	v25 =	vld.idx.msk [tilespmem:v30+s21+$0x0], $0xffff;
	[tilespmem:v5+s31+$0x0] =	vst.idx.msk $0xffff, v26  }
0x33b: {  	v5 =	vor.u32 v2, v33;
	v26 =	vor.u32 v1, v17;
	v23 =	vld.idx.msk [tilespmem:v23+s21+$0x0], $0xffff;
	[tilespmem:v13+s31+$0x0] =	vst.idx.msk $0xffff, v12  }
0x33c: {  	v17 =	vor.u32 v3, v17;
	v13 =	vor.u32 v1, v29;
	v30 =	vld.idx.msk [tilespmem:v31+s21+$0x0], $0xffff  }
0x33d: {  	v29 =	vor.u32 v3, v29;
	v31 =	vor.u32 v1, v18;
	v18 =	vor.u32 v3, v18;
	v27 =	vld.idx.msk [tilespmem:v27+s21+$0x0], $0xffff  }
0x33e: {  	v35 =	vor.u32 v1, v21;
	v33 =	vor.u32 v1, v19;
	[tilespmem:v11+s31+$0x0] =	vst.idx.msk $0xffff, v15;
	v24 =	vld.idx.msk [tilespmem:v24+s21+$0x0], $0xffff  }
0x33f: {  	v37 =	vor.u32 v3, v21;
	v12 =	vor.u32 v3, v19;
	v36 =	vld.idx.msk [tilespmem:v14+s21+$0x0], $0xffff;
	v14 =	vor.u32 v1, v22  }
0x340: {  	v38 =	vor.u32 v2, v7;
	v39 =	vor.u32 v3, v22;
	v40 =	vld.idx.msk [tilespmem:v16+s21+$0x0], $0xffff;
	[tilespmem:v26+s31+$0x0] =	vst.idx.msk $0xffff, v25  }
0x341: {  	v41 =	vor.u32 v1, v34;
	v11 =	vor.u32 v2, v6;
	v26 =	vld.idx.msk [tilespmem:v20+s21+$0x0], $0xffff;
	[tilespmem:v13+s31+$0x0] =	vst.idx.msk $0xffff, v23  }
0x342: {  	v15 =	vor.u32 v2, v9;
	v19 =	vld.idx.msk [tilespmem:v29+s21+$0x0], $0xffff;
	[tilespmem:v31+s31+$0x0] =	vst.idx.msk $0xffff, v30;
	v29 =	vor.u32 v3, v34  }
.Ltmp16:
0x343: {  	v21 =	vor.u32 v2, v8;
	v23 =	vor.u32 v2, v10;
	v20 =	vld.idx.msk [tilespmem:v18+s21+$0x0], $0xffff;
	[tilespmem:v35+s31+$0x0] =	vst.idx.msk $0xffff, v27;
	(pc) =	sbr.rel @p3 .LBB2_26-.Ltmp16, $4  }
0x344: {  	v7 =	vadd.s32 s13, v0;
	s1 =	sadd.s32 $0x7, s13;
	[tilespmem:v14+s31+$0x0] =	vst.idx.msk $0xffff, v24;
	v14 =	vor.u32 v2, v32;
	v22 =	vld.idx.msk [tilespmem:v37+s21+$0x0], $0xffff  }
0x345: {  	s3 =	sadd.s32 $0x4, s13;
	s17 =	sadd.s32 $0x5, s13;
	s14 =	sadd.s32 $0x6, s13;
	v6 =	vadd.s32 s1, v0;
	v16 =	vand.u32 $0x7F, v7;
	v13 =	vor.u32 v2, v28;
	[tilespmem:v38+s31+$0x0] =	vst.idx.msk $0xffff, v36;
	v24 =	vld.idx.msk [tilespmem:v17+s21+$0x0], $0xffff  }
0x346: {  	s16 =	sadd.s32 $0x1, s13;
	s15 =	sadd.s32 $0x3, s13;
	v8 =	vadd.s32 s3, v0;
	s1 =	sadd.s32 $0x2, s13;
	v9 =	vadd.s32 s17, v0;
	v27 =	vor.u32 v4, v16;
	v25 =	vld.idx.msk [tilespmem:v39+s21+$0x0], $0xffff;
	[tilespmem:v41+s31+$0x0] =	vst.idx.msk $0xffff, v40  }
0x347: {  	v10 =	vadd.s32 s1, v0;
	v18 =	vand.u32 $0x7F, v8;
	v17 =	vand.u32 $0x7F, v6;
	[tilespmem:v33+s31+$0x0] =	vst.idx.msk $0xffff, v26;
	v26 =	vld.idx.msk [tilespmem:v29+s21+$0x0], $0xffff  }
0x348: {  	_ =	sdelay $0x2  }
0x349: {  	v29 =	vor.u32 v4, v17  }
0x34a: {  	v28 =	vand.u32 $0x7F, v10;
	v60 =	vor.u32 v4, v18;
	[tilespmem:v21+s31+$0x0] =	vst.idx.msk $0xffff, v20;
	v20 =	vadd.s32 s15, v0  }
0x34b: {  	[tilespmem:v23+s31+$0x0] =	vst.idx.msk $0xffff, v19;
	v12 =	vld.idx.msk [tilespmem:v12+s21+$0x0], $0xffff;
	v61 =	vand.u32 $0x7F, v9;
	v32 =	vadd.s32 s14, v0;
	v59 =	vor.u32 v4, v28  }
0x34c: {  	v62 =	vld.idx.msk [tilespmem:v27+s21+$0x0], $0xffff;
	v37 =	vor.u32 v1, v16;
	v39 =	vor.u32 v3, v16;
	v36 =	vor.u32 v4, v61  }
0x34d: {  	v34 =	vor.u32 v1, v17;
	v44 =	vor.u32 v1, v18;
	[tilespmem:v15+s31+$0x0] =	vst.idx.msk $0xffff, v22;
	v63 =	vand.u32 $0x7F, v20  }
0x34e: {  	v30 =	vadd.s32 s16, v0;
	v33 =	vand.u32 $0x7F, v32;
	[tilespmem:v11+s31+$0x0] =	vst.idx.msk $0xffff, v24;
	v38 =	vor.u32 v4, v63;
	v29 =	vld.idx.msk [tilespmem:v29+s21+$0x0], $0xffff  }
0x34f: {  	v31 =	vand.u32 $0x7F, v30;
	v40 =	vor.u32 v4, v33;
	[tilespmem:v14+s31+$0x0] =	vst.idx.msk $0xffff, v25;
	v43 =	vld.idx.msk [tilespmem:v60+s21+$0x0], $0xffff  }
0x350: {  	v41 =	vor.u32 v1, v28;
	v42 =	vor.u32 v4, v31;
	[tilespmem:v5+s31+$0x0] =	vst.idx.msk $0xffff, v26;
	v19 =	vld.idx.msk [tilespmem:v59+s21+$0x0], $0xffff  }
0x351: {  	v48 =	vor.u32 v3, v18;
	v47 =	vor.u32 v1, v61;
	[tilespmem:v37+s31+$0x0] =	vst.idx.msk $0xffff, v62;
	v46 =	vld.idx.msk [tilespmem:v36+s21+$0x0], $0xffff  }
0x352: {  	v7 =	vor.u32 v2, v7;
	v51 =	vor.u32 v3, v17;
	[tilespmem:v13+s31+$0x0] =	vst.idx.msk $0xffff, v12;
	v16 =	vld.idx.msk [tilespmem:v39+s21+$0x0], $0xffff  }
0x353: {  	v45 =	vor.u32 v3, v28;
	v50 =	vor.u32 v1, v63;
	v49 =	vld.idx.msk [tilespmem:v38+s21+$0x0], $0xffff;
	[tilespmem:v34+s31+$0x0] =	vst.idx.msk $0xffff, v29  }
0x354: {  	v21 =	vor.u32 v3, v61;
	v52 =	vor.u32 v1, v33;
	v14 =	vld.idx.msk [tilespmem:v40+s21+$0x0], $0xffff;
	[tilespmem:v44+s31+$0x0] =	vst.idx.msk $0xffff, v43  }
0x355: {  	v53 =	vor.u32 v1, v31;
	v22 =	vor.u32 v3, v63;
	v4 =	vld.idx.msk [tilespmem:v42+s21+$0x0], $0xffff;
	[tilespmem:v41+s31+$0x0] =	vst.idx.msk $0xffff, v19  }
0x356: {  	v8 =	vor.u32 v2, v8;
	v55 =	vor.u32 v3, v33;
	[tilespmem:v47+s31+$0x0] =	vst.idx.msk $0xffff, v46;
	v57 =	vld.idx.msk [tilespmem:v48+s21+$0x0], $0xffff  }
0x357: {  	v6 =	vor.u32 v2, v6;
	v3 =	vor.u32 v3, v31;
	[tilespmem:v7+s31+$0x0] =	vst.idx.msk $0xffff, v16;
	v60 =	vld.idx.msk [tilespmem:v51+s21+$0x0], $0xffff  }
0x358: {  	v56 =	vor.u32 v2, v10;
	v54 =	vld.idx.msk [tilespmem:v45+s21+$0x0], $0xffff;
	[tilespmem:v50+s31+$0x0] =	vst.idx.msk $0xffff, v49  }
0x359: {  	v58 =	vor.u32 v2, v9;
	v59 =	vld.idx.msk [tilespmem:v21+s21+$0x0], $0xffff;
	[tilespmem:v52+s31+$0x0] =	vst.idx.msk $0xffff, v14  }
0x35a: {  	v61 =	vor.u32 v2, v20;
	[tilespmem:v53+s31+$0x0] =	vst.idx.msk $0xffff, v4;
	v15 =	vld.idx.msk [tilespmem:v22+s21+$0x0], $0xffff  }
0x35b: {  	v62 =	vor.u32 v2, v32;
	v12 =	vld.idx.msk [tilespmem:v55+s21+$0x0], $0xffff;
	[tilespmem:v8+s31+$0x0] =	vst.idx.msk $0xffff, v57  }
0x35c: {  	v63 =	vor.u32 v2, v30;
	v3 =	vld.idx.msk [tilespmem:v3+s21+$0x0], $0xffff;
	[tilespmem:v6+s31+$0x0] =	vst.idx.msk $0xffff, v60  }
0x35d: {  	[tilespmem:v56+s31+$0x0] =	vst.idx.msk $0xffff, v54  }
0x35e: {  	[tilespmem:v58+s31+$0x0] =	vst.idx.msk $0xffff, v59  }
0x35f: {  	[tilespmem:v61+s31+$0x0] =	vst.idx.msk $0xffff, v15  }
0x360: {  	[tilespmem:v62+s31+$0x0] =	vst.idx.msk $0xffff, v12  }
0x361: {  	s1 =	sadd.s32 s7, s11;
	s3 =	simm.s32 $0xB;
	[tilespmem:v63+s31+$0x0] =	vst.idx.msk $0xffff, v3  }
0x362: {  	s1 =	sshll.u32 s1, $0x6;
	_ =	swait.ge [sflag:s3], $0x1000  }
0x363: {  	s1 =	sand.u32 $0x1FFFFC00, s1;
	[sflag:s3] =	ssyncset.done $0x0  }
0x364: {  	s1 =	sadd.s32 s8, s1;
	[sflag:s3] =	ssyncadd.s32 $0xFFFFF000  }
0x365: {  	[hbm4b:s1+s6] =	stream.linear.scatter [tilespmem:s31], [sflag:$0x4], $0x2000, $0x38;
	[tilespmem:$0x12DB0] =	vst v63  }
.LBB2_28:
0x366: {  	s11 =	sadd.s32 $0x4, s20  }
0x367: {  	p3 =	sge.u32 s11, s9  }
.Ltmp17:
0x368: {  	_ = 	snop;
	(pc) =	sbr.rel @p3 .LBB2_34-.Ltmp17, $1  }
0x369: {  	_ =	sdelay $0x3  }
0x36a: {  	s11 =	sshll.u32 s11, $0x4  }
0x36b: {  	v3 =	vld [tilespmem:s11+$0x4130];
	_ =	sdelay $0x1  }
0x36c: {  	s13 =	simm.s32 $0x0  }
0x36d: {  	v4 =	vmov s13  }
0x36e: {  	s1 =	simm.s32 @p2 $0x5;
	vm0 =	veq.s32 v4, v0  }
0x36f: {  	s22 =	simm.s32 $0x1;
	_ =	swait.ge @p2 [sflag:s1], $0x2000;
	v4 =	vnsel vm0, $0x0, v3  }
0x370: {  	(xrf0) =	vadd.scan.msk.s32 $0xffff, v4;
	v4 =	vmov s22  }
0x371: {  	vm9 =	veq.s32 v4, v0  }
0x372: {  	v4 =	vnsel vm9, $0x0, v3  }
0x373: {  	s25 =	simm.s32 $0x2;
	(xrf0) =	vadd.scan.msk.s32 $0xffff, v4  }
0x374: {  	v4 =	vmov s25  }
0x375: {  	vm10 =	veq.s32 v4, v0  }
0x376: {  	v4 =	vnsel vm10, $0x0, v3;
	v5, _, _ =	vpop (xrf0)  }
0x377: {  	(v2sf) =	vpush v5, $0xF;
	_ =	sdelay $0x1  }
0x378: {  	(xrf0) =	vadd.scan.msk.s32 $0xffff, v4;
	v4, _, _ =	vpop (xrf0)  }
0x379: {  	(v2sf) =	vpush v4, $0xF;
	_ =	sdelay $0x1  }
0x37a: {  	s28 =	simm.s32 $0x3  }
0x37b: {  	v5 =	vmov s28  }
0x37c: {  	vm11 =	veq.s32 v5, v0  }
0x37d: {  	v4 =	vnsel vm11, $0x0, v3;
	_ =	sdelay $0x1  }
0x37e: {  	(xrf0) =	vadd.scan.msk.s32 $0xffff, v4  }
0x37f: {  	v4, _, _ =	vpop (xrf0)  }
0x380: {  	(v2sf) =	vpush v4, $0xF;
	_ =	sdelay $0x2  }
0x381: {  	s30 =	simm.s32 $0x4;
	s14 =	spop (v2sf)  }
0x382: {  	s15 =	simm.s32 $0x5;
	[sflag:s1] =	ssyncset.done @p2 $0x0;
	v4, _, _ =	vpop (xrf0);
	s17 =	sshll.u32 s14, $0x7  }
0x383: {  	s18 =	simm.s32 $0xCDB0;
	[sflag:s1] =	ssyncadd.s32 @p2 $0xFFFFE000;
	(v2sf) =	vpush v4, $0xF;
	v4 =	vmov s30;
	s17 =	sand.u32 $0x3F80, s17  }
0x384: {  	vm12 =	veq.s32 v4, v0;
	v4 =	vmov s15;
	s15 =	simm.s32 $0x6;
	s17 =	sadd.s32 s17, s5;
	s22 =	spop (v2sf)  }
0x385: {  	v5 =	vnsel vm12, $0x0, v3;
	vm13 =	veq.s32 v4, v0;
	[tilespmem:s18], [sflag:$0xC] =	stream.linear.gather [spmem:s17], $0x80, $0x38;
	[tilespmem:$0x12DB0] =	vst v63  }
0x386: {  	(xrf0) =	vadd.scan.msk.s32 $0xffff, v5;
	v4 =	vnsel vm13, $0x0, v3;
	s17 =	sshll.u32 s22, $0x7;
	s18 =	sand.u32 $0x80, s22;
	s22 =	simm.s32 $0x7  }
0x387: {  	v5 =	vmov s15;
	(xrf0) =	vadd.scan.msk.s32 $0xffff, v4;
	v4 =	vmov s22  }
0x388: {  	vm14 =	veq.s32 v5, v0;
	s14 =	sand.u32 $0x80, s14;
	vm15 =	veq.s32 v4, v0  }
0x389: {  	v5 =	vnsel vm14, $0x0, v3;
	s14 =	sadd.s32 s14, s5;
	v4 =	vnsel vm15, $0x0, v3  }
0x38a: {  	s12 =	simm.s32 $0xD430;
	s16 =	simm.s32 $0xCE30;
	(xrf0) =	vadd.scan.msk.s32 $0xffff, v5;
	s14 =	sadd.s32 $0x3200, s14  }
0x38b: {  	[tilespmem:s16], [sflag:$0xC] =	stream.linear.gather [spmem:s14], $0x80, $0x38;
	[tilespmem:$0x12DB0] =	vst v63  }
0x38c: {  	s3 =	simm.s32 $0xCFB0;
	s13 =	simm.s32 $0xD1B0;
	s15 =	sand.u32 $0x3F80, s17;
	(xrf0) =	vadd.scan.msk.s32 $0xffff, v4;
	v4, _, _ =	vpop (xrf0)  }
0x38d: {  	s30 =	simm.s32 $0xD230;
	s25 =	sadd.s32 s15, s5;
	s28 =	spop (v2sf);
	(v2sf) =	vpush v4, $0xF  }
0x38e: {  	[tilespmem:s3], [sflag:$0xC] =	stream.linear.gather [spmem:s25], $0x80, $0x38;
	[tilespmem:$0x12DB0] =	vst v63  }
0x38f: {  	s1 =	sadd.s32 s18, s5;
	s18 =	simm.s32 $0xD030;
	s17 =	sshll.u32 s28, $0x7  }
0x390: {  	s1 =	sadd.s32 $0x3200, s1;
	s15 =	sand.u32 $0x80, s28;
	s14 =	sand.u32 $0x3F80, s17;
	v5, _, _ =	vpop (xrf0)  }
0x391: {  	[tilespmem:s18], [sflag:$0xC] =	stream.linear.gather [spmem:s1], $0x80, $0x38;
	(v2sf) =	vpush v5, $0xF;
	[tilespmem:$0x12DB0] =	vst v63  }
0x392: {  	s22 =	sadd.s32 s15, s5;
	s14 =	sadd.s32 s14, s5;
	s25 =	spop (v2sf)  }
0x393: {  	[tilespmem:s13], [sflag:$0xC] =	stream.linear.gather [spmem:s14], $0x80, $0x38;
	[tilespmem:$0x12DB0] =	vst v63  }
0x394: {  	s17 =	simm.s32 $0xD430;
	s1 =	sadd.s32 $0x3200, s22;
	s15 =	sshll.u32 s25, $0x7  }
0x395: {  	v4, _, _ =	vpop (xrf0);
	[tilespmem:s30], [sflag:$0xC] =	stream.linear.gather [spmem:s1], $0x80, $0x38;
	[tilespmem:$0x12DB0] =	vst v63  }
0x396: {  	s28 =	sand.u32 $0x80, s25;
	s13 =	simm.s32 $0x8;
	(v2sf) =	vpush v4, $0xF;
	s30 =	sand.u32 $0x3F80, s15  }
0x397: {  	s16 =	sadd.s32 s28, s5;
	s15 =	simm.s32 $0xD3B0;
	v4, _, _ =	vpop (xrf0);
	s18 =	sadd.s32 s30, s5  }
.LBB2_30:
0x398: {  	p3 =	slt.u32 s13, $0xC  }
0x399: {  	v5 =	vmov s13;
	(v2sf) =	vpush v4, $0xF;
	s12 =	sadd.s32 $0x800, s12;
	s1 =	smov.u32 s13;
	s13 =	sadd.s32 $0x4, s13  }
0x39a: {  	vm0 =	veq.s32 v5, v0;
	[tilespmem:s15], [sflag:$0xC] =	stream.linear.gather [spmem:s18], $0x80, $0x38;
	[tilespmem:$0x12DB0] =	vst v63  }
0x39b: {  	s3 =	sadd.s32 $0xFFFFFB80, s12;
	s15 =	sadd.s32 $0xFFFFFD80, s12;
	s14 =	sadd.s32 $0xFFFFFE00, s12;
	v4 =	vnsel vm0, $0x0, v3  }
0x39c: {  	s18 =	sadd.s32 $0x1, s1;
	s22 =	sadd.s32 $0xFFFFFA00, s12;
	(xrf0) =	vadd.scan.msk.s32 $0xffff, v4;
	s25 =	spop (v2sf)  }
0x39d: {  	s16 =	sadd.s32 $0x3200, s16;
	v4 =	vmov s18;
	s18 =	sand.u32 $0x80, s25;
	s25 =	sshll.u32 s25, $0x7  }
0x39e: {  	s28 =	sadd.s32 $0x2, s1;
	s30 =	sadd.s32 $0xFFFFF980, s12;
	vm0 =	veq.s32 v4, v0;
	s25 =	sand.u32 $0x3F80, s25  }
0x39f: {  	v4 =	vnsel vm0, $0x0, v3;
	[tilespmem:s17], [sflag:$0xC] =	stream.linear.gather [spmem:s16], $0x80, $0x38;
	[tilespmem:$0x12DB0] =	vst v63  }
0x3a0: {  	s16 =	sadd.s32 s25, s5;
	s17 =	sadd.s32 s18, s5;
	(xrf0) =	vadd.scan.msk.s32 $0xffff, v4;
	s18 =	spop (v2sf)  }
0x3a1: {  	[tilespmem:s30], [sflag:$0xC] =	stream.linear.gather [spmem:s16], $0x80, $0x38;
	[tilespmem:$0x12DB0] =	vst v63  }
0x3a2: {  	v4 =	vmov s28;
	s16 =	sadd.s32 $0x3200, s17;
	s17 =	sand.u32 $0x80, s18;
	s18 =	sshll.u32 s18, $0x7;
	v5, _, _ =	vpop (xrf0)  }
0x3a3: {  	vm0 =	veq.s32 v4, v0;
	(v2sf) =	vpush v5, $0xF;
	[tilespmem:s22], [sflag:$0xC] =	stream.linear.gather [spmem:s16], $0x80, $0x38;
	[tilespmem:$0x12DB0] =	vst v63  }
0x3a4: {  	s1 =	sadd.s32 $0x3, s1;
	v6 =	vnsel vm0, $0x0, v3;
	s17 =	sadd.s32 s17, s5;
	s16 =	sand.u32 $0x3F80, s18  }
0x3a5: {  	v5 =	vmov s1;
	s1 =	sadd.s32 s16, s5;
	s16 =	sadd.s32 $0x3200, s17;
	(xrf0) =	vadd.scan.msk.s32 $0xffff, v6;
	s17 =	spop (v2sf)  }
0x3a6: {  	vm0 =	veq.s32 v5, v0;
	v4, _, _ =	vpop (xrf0);
	[tilespmem:s3], [sflag:$0xC] =	stream.linear.gather [spmem:s1], $0x80, $0x38;
	[tilespmem:$0x12DB0] =	vst v63  }
0x3a7: {  	v5 =	vnsel vm0, $0x0, v3;
	s1 =	sadd.s32 $0xFFFFFC00, s12;
	s3 =	sand.u32 $0x80, s17;
	s17 =	sshll.u32 s17, $0x7;
	(v2sf) =	vpush v4, $0xF  }
0x3a8: {  	s17 =	sand.u32 $0x3F80, s17;
	s3 =	sadd.s32 s3, s5;
	(xrf0) =	vadd.scan.msk.s32 $0xffff, v5;
	s18 =	spop (v2sf)  }
0x3a9: {  	s17 =	sadd.s32 s17, s5;
	s22 =	sand.u32 $0x80, s18;
	s18 =	sshll.u32 s18, $0x7  }
0x3aa: {  	[tilespmem:s1], [sflag:$0xC] =	stream.linear.gather [spmem:s16], $0x80, $0x38;
	[tilespmem:$0x12DB0] =	vst v63  }
.Ltmp18:
0x3ab: {  	_ = 	snop;
	(pc) =	sbr.rel @p3 .LBB2_30-.Ltmp18, $4  }
0x3ac: {  	s1 =	sadd.s32 $0x3200, s3;
	s3 =	sand.u32 $0x3F80, s18;
	s16 =	sadd.s32 s22, s5;
	v4, _, _ =	vpop (xrf0)  }
0x3ad: {  	(v2sf) =	vpush v4, $0xF;
	[tilespmem:s15], [sflag:$0xC] =	stream.linear.gather [spmem:s17], $0x80, $0x38;
	[tilespmem:$0x12DB0] =	vst v63  }
0x3ae: {  	s18 =	sadd.s32 s3, s5;
	s15 =	sadd.s32 $0xFFFFFF80, s12;
	s17 =	smov.u32 s12  }
0x3af: {  	v4, _, _ =	vpop (xrf0);
	[tilespmem:s14], [sflag:$0xC] =	stream.linear.gather [spmem:s1], $0x80, $0x38;
	[tilespmem:$0x12DB0] =	vst v63  }
0x3b0: {  	_ = 	snop  }
0x3b1: {  	(v2sf) =	vpush v4, $0xF;
	[tilespmem:s15], [sflag:$0xC] =	stream.linear.gather [spmem:s18], $0x80, $0x38;
	[tilespmem:$0x12DB0] =	vst v63  }
0x3b2: {  	s18 =	sadd.s32 $0x3200, s16;
	s15 =	spop (v2sf)  }
0x3b3: {  	[tilespmem:s17], [sflag:$0xC] =	stream.linear.gather [spmem:s18], $0x80, $0x38;
	[tilespmem:$0x12DB0] =	vst v63  }
0x3b4: {  	s1 =	sadd.s32 $0x800, s12;
	s12 =	sshll.u32 s15, $0x7  }
0x3b5: {  	s22 =	sadd.s32 $0xFFFFF980, s1;
	s14 =	sand.u32 $0x80, s15;
	s12 =	sand.u32 $0x3F80, s12  }
0x3b6: {  	s14 =	sadd.s32 s14, s5;
	s12 =	sadd.s32 s12, s5;
	s25 =	spop (v2sf)  }
0x3b7: {  	[tilespmem:s22], [sflag:$0xC] =	stream.linear.gather [spmem:s12], $0x80, $0x38;
	[tilespmem:$0x12DB0] =	vst v63  }
0x3b8: {  	s28 =	sadd.s32 $0xFFFFFA00, s1;
	s14 =	sadd.s32 $0x3200, s14;
	s30 =	sshll.u32 s25, $0x7  }
0x3b9: {  	[tilespmem:s28], [sflag:$0xC] =	stream.linear.gather [spmem:s14], $0x80, $0x38;
	[tilespmem:$0x12DB0] =	vst v63  }
0x3ba: {  	s15 =	sand.u32 $0x80, s25;
	s16 =	sand.u32 $0x3F80, s30  }
0x3bb: {  	s3 =	sadd.s32 $0xFFFFFB80, s1;
	s14 =	sadd.s32 s15, s5;
	s15 =	sadd.s32 s16, s5  }
0x3bc: {  	[tilespmem:s3], [sflag:$0xC] =	stream.linear.gather [spmem:s15], $0x80, $0x38;
	[tilespmem:$0x12DB0] =	vst v63  }
0x3bd: {  	s22 =	sadd.s32 $0xFFFFFC00, s1;
	s18 =	sadd.s32 $0x3200, s14;
	s17 =	spop (v2sf)  }
0x3be: {  	[tilespmem:s22], [sflag:$0xC] =	stream.linear.gather [spmem:s18], $0x80, $0x38;
	[tilespmem:$0x12DB0] =	vst v63  }
0x3bf: {  	s13 =	sadd.s32 $0xFFFFFD80, s1;
	s12 =	sadd.s32 $0xFFFFFE00, s1;
	s25 =	sshll.u32 s17, $0x7  }
0x3c0: {  	s16 =	sand.u32 $0x80, s17;
	s15 =	sand.u32 $0x3F80, s25;
	s28 =	spop (v2sf)  }
0x3c1: {  	s30 =	sadd.s32 s16, s5;
	s15 =	sadd.s32 s15, s5;
	s16 =	sshll.u32 s28, $0x7  }
0x3c2: {  	[tilespmem:s13], [sflag:$0xC] =	stream.linear.gather [spmem:s15], $0x80, $0x38;
	[tilespmem:$0x12DB0] =	vst v63  }
0x3c3: {  	s3 =	sadd.s32 $0x3200, s30;
	s18 =	sand.u32 $0x80, s28;
	s22 =	sand.u32 $0x3F80, s16  }
0x3c4: {  	[tilespmem:s12], [sflag:$0xC] =	stream.linear.gather [spmem:s3], $0x80, $0x38;
	[tilespmem:$0x12DB0] =	vst v63  }
0x3c5: {  	s28 =	sadd.s32 $0xFFFFFF80, s1;
	s25 =	sadd.s32 s18, s5;
	s30 =	sadd.s32 s22, s5  }
0x3c6: {  	[tilespmem:s28], [sflag:$0xC] =	stream.linear.gather [spmem:s30], $0x80, $0x38;
	[tilespmem:$0x12DB0] =	vst v63  }
0x3c7: {  	s13 =	simm.s32 $0x4;
	s3 =	sadd.s32 $0x3200, s25  }
0x3c8: {  	v4 =	vshra.s32 v3, $0x5;
	v3 =	vshrl.u32 v3, $0x1;
	[tilespmem:s1], [sflag:$0xC] =	stream.linear.gather [spmem:s3], $0x80, $0x38;
	[tilespmem:$0x12DB0] =	vst v63  }
0x3c9: {  	v5 =	vand.u32 $0xFFFFFF80, v4;
	v4 =	vand.u32 $0x780, v3;
	v13 =	vadd.s32 s13, v0;
	s1 =	simm.s32 $0x0  }
0x3ca: {  	v3 =	vadd.s32 $0x480, v5;
	s14 =	simm.s32 $0x5;
	v15 =	vand.u32 $0x7F, v13;
	v6 =	vadd.s32 s1, v0  }
0x3cb: {  	v14 =	vadd.s32 s14, v0;
	v17 =	vor.u32 v4, v15;
	s3 =	simm.s32 $0x7;
	v5 =	vand.u32 $0x7F, v6  }
0x3cc: {  	v19 =	vand.u32 $0x7F, v14;
	s12 =	simm.s32 $0x2;
	v7 =	vadd.s32 s3, v0;
	v8 =	vor.u32 v4, v5  }
0x3cd: {  	v21 =	vor.u32 v4, v19;
	s17 =	simm.s32 $0x6;
	v9 =	vadd.s32 s12, v0;
	v10 =	vand.u32 $0x7F, v7  }
0x3ce: {  	v22 =	vadd.s32 s17, v0;
	s15 =	simm.s32 $0x3;
	v11 =	vand.u32 $0x7F, v9;
	v12 =	vor.u32 v4, v10  }
0x3cf: {  	v27 =	vand.u32 $0x7F, v22;
	v18 =	vadd.s32 s15, v0;
	v16 =	vor.u32 v4, v11  }
0x3d0: {  	v31 =	vor.u32 v4, v27;
	s16 =	simm.s32 $0x1;
	v20 =	vand.u32 $0x7F, v18;
	v34 =	vor.u32 v1, v15;
	v17 =	vld.idx.msk [tilespmem:v17+s21+$0x0], $0xffff  }
0x3d1: {  	v24 =	vadd.s32 s16, v0;
	v25 =	vor.u32 v4, v20;
	v23 =	vor.u32 v1, v5;
	v8 =	vld.idx.msk [tilespmem:v8+s21+$0x0], $0xffff  }
0x3d2: {  	v38 =	vor.u32 v3, v19;
	v26 =	vand.u32 $0x7F, v24;
	v35 =	vor.u32 v3, v15;
	v36 =	vld.idx.msk [tilespmem:v21+s21+$0x0], $0xffff  }
0x3d3: {  	v62 =	vor.u32 v1, v27;
	v30 =	vor.u32 v4, v26;
	v32 =	vor.u32 v1, v10;
	v29 =	vld.idx.msk [tilespmem:v12+s21+$0x0], $0xffff  }
0x3d4: {  	v28 =	vor.u32 v3, v5;
	v5 =	vor.u32 v2, v22;
	v22 =	vor.u32 v1, v11;
	v16 =	vld.idx.msk [tilespmem:v16+s21+$0x0], $0xffff  }
0x3d5: {  	v40 =	vor.u32 v3, v20;
	v33 =	vor.u32 v3, v11;
	v31 =	vld.idx.msk [tilespmem:v31+s21+$0x0], $0xffff;
	[tilespmem:v34+s0+$0x0] =	vst.idx.msk $0xffff, v17  }
0x3d6: {  	v10 =	vor.u32 v3, v10;
	[tilespmem:v23+s0+$0x0] =	vst.idx.msk $0xffff, v8;
	v8 =	vld.idx.msk [tilespmem:v25+s21+$0x0], $0xffff;
	v25 =	vor.u32 v1, v19  }
0x3d7: {  	v37 =	vor.u32 v1, v26;
	v12 =	vor.u32 v3, v26;
	v26 =	vor.u32 v1, v20;
	v20 =	vld.idx.msk [tilespmem:v35+s21+$0x0], $0xffff  }
0x3d8: {  	v63 =	vor.u32 v3, v27;
	v15 =	vor.u32 v2, v14;
	[tilespmem:v32+s0+$0x0] =	vst.idx.msk $0xffff, v29;
	v29 =	vld.idx.msk [tilespmem:v30+s21+$0x0], $0xffff  }
0x3d9: {  	v21 =	vor.u32 v2, v13;
	v39 =	vor.u32 v2, v6;
	[tilespmem:v22+s0+$0x0] =	vst.idx.msk $0xffff, v16;
	v28 =	vld.idx.msk [tilespmem:v28+s21+$0x0], $0xffff  }
0x3da: {  	s18 =	simm.s32 $0x8;
	v13 =	vor.u32 v2, v24;
	[tilespmem:v62+s0+$0x0] =	vst.idx.msk $0xffff, v31;
	v19 =	vld.idx.msk [tilespmem:v33+s21+$0x0], $0xffff;
	v23 =	vor.u32 v2, v9  }
0x3db: {  	s22 =	simm.s32 $0xF;
	v11 =	vor.u32 v2, v7;
	v7 =	vadd.s32 s18, v0;
	v24 =	vld.idx.msk [tilespmem:v10+s21+$0x0], $0xffff;
	[tilespmem:v25+s0+$0x0] =	vst.idx.msk $0xffff, v36  }
0x3dc: {  	s25 =	simm.s32 $0xC;
	v14 =	vor.u32 v2, v18;
	v6 =	vadd.s32 s22, v0;
	v16 =	vand.u32 $0x7F, v7;
	[tilespmem:v26+s0+$0x0] =	vst.idx.msk $0xffff, v8;
	v22 =	vld.idx.msk [tilespmem:v38+s21+$0x0], $0xffff  }
0x3dd: {  	s14 =	simm.s32 $0xE;
	s28 =	simm.s32 $0xD;
	s30 =	simm.s32 $0xA;
	v17 =	vand.u32 $0x7F, v6;
	v27 =	vor.u32 v4, v16;
	v8 =	vadd.s32 s25, v0;
	[tilespmem:v37+s0+$0x0] =	vst.idx.msk $0xffff, v29;
	v26 =	vld.idx.msk [tilespmem:v63+s21+$0x0], $0xffff  }
0x3de: {  	s15 =	simm.s32 $0xB;
	s16 =	simm.s32 $0x9;
	s12 =	simm.s32 $0x10;
	v9 =	vadd.s32 s28, v0;
	v10 =	vadd.s32 s30, v0;
	[tilespmem:v39+s0+$0x0] =	vst.idx.msk $0xffff, v28;
	v25 =	vld.idx.msk [tilespmem:v40+s21+$0x0], $0xffff;
	v18 =	vand.u32 $0x7F, v8  }
.LBB2_32:
0x3df: {  	p3 =	slt.u32 s12, $0x78;
	v28 =	vadd.s32 s16, v0;
	v29 =	vand.u32 $0x7F, v10;
	v30 =	vor.u32 v4, v17;
	v12 =	vld.idx.msk [tilespmem:v12+s21+$0x0], $0xffff;
	[tilespmem:v23+s0+$0x0] =	vst.idx.msk $0xffff, v19;
	s13 =	smov.u32 s12;
	s12 =	sadd.s32 $0x8, s12  }
0x3e0: {  	v31 =	vor.u32 v4, v18;
	v19 =	vand.u32 $0x7F, v28;
	v23 =	vor.u32 v4, v29;
	[tilespmem:v21+s0+$0x0] =	vst.idx.msk $0xffff, v20  }
0x3e1: {  	v32 =	vadd.s32 s15, v0;
	v21 =	vand.u32 $0x7F, v9;
	v20 =	vor.u32 v4, v19;
	[tilespmem:v15+s0+$0x0] =	vst.idx.msk $0xffff, v22  }
0x3e2: {  	v33 =	vadd.s32 s14, v0;
	v22 =	vand.u32 $0x7F, v32;
	v15 =	vld.idx.msk [tilespmem:v27+s21+$0x0], $0xffff;
	v27 =	vor.u32 v4, v21;
	[tilespmem:v11+s0+$0x0] =	vst.idx.msk $0xffff, v24  }
0x3e3: {  	v34 =	vand.u32 $0x7F, v33;
	v11 =	vor.u32 v1, v16;
	v24 =	vor.u32 v4, v22;
	[tilespmem:v14+s0+$0x0] =	vst.idx.msk $0xffff, v25  }
0x3e4: {  	v14 =	vor.u32 v3, v16;
	v16 =	vor.u32 v4, v34;
	v25 =	vld.idx.msk [tilespmem:v30+s21+$0x0], $0xffff;
	[tilespmem:v5+s0+$0x0] =	vst.idx.msk $0xffff, v26  }
0x3e5: {  	v5 =	vor.u32 v2, v33;
	v26 =	vor.u32 v1, v17;
	v23 =	vld.idx.msk [tilespmem:v23+s21+$0x0], $0xffff;
	[tilespmem:v13+s0+$0x0] =	vst.idx.msk $0xffff, v12  }
0x3e6: {  	v17 =	vor.u32 v3, v17;
	v13 =	vor.u32 v1, v29;
	v30 =	vld.idx.msk [tilespmem:v31+s21+$0x0], $0xffff  }
0x3e7: {  	v29 =	vor.u32 v3, v29;
	v31 =	vor.u32 v1, v18;
	v18 =	vor.u32 v3, v18;
	v27 =	vld.idx.msk [tilespmem:v27+s21+$0x0], $0xffff  }
0x3e8: {  	v35 =	vor.u32 v1, v21;
	v33 =	vor.u32 v1, v19;
	[tilespmem:v11+s0+$0x0] =	vst.idx.msk $0xffff, v15;
	v24 =	vld.idx.msk [tilespmem:v24+s21+$0x0], $0xffff  }
0x3e9: {  	v37 =	vor.u32 v3, v21;
	v12 =	vor.u32 v3, v19;
	v36 =	vld.idx.msk [tilespmem:v14+s21+$0x0], $0xffff;
	v14 =	vor.u32 v1, v22  }
0x3ea: {  	v38 =	vor.u32 v2, v7;
	v39 =	vor.u32 v3, v22;
	v40 =	vld.idx.msk [tilespmem:v16+s21+$0x0], $0xffff;
	[tilespmem:v26+s0+$0x0] =	vst.idx.msk $0xffff, v25  }
0x3eb: {  	v41 =	vor.u32 v1, v34;
	v11 =	vor.u32 v2, v6;
	v26 =	vld.idx.msk [tilespmem:v20+s21+$0x0], $0xffff;
	[tilespmem:v13+s0+$0x0] =	vst.idx.msk $0xffff, v23  }
0x3ec: {  	v15 =	vor.u32 v2, v9;
	v19 =	vld.idx.msk [tilespmem:v29+s21+$0x0], $0xffff;
	[tilespmem:v31+s0+$0x0] =	vst.idx.msk $0xffff, v30;
	v29 =	vor.u32 v3, v34  }
.Ltmp19:
0x3ed: {  	v21 =	vor.u32 v2, v8;
	v23 =	vor.u32 v2, v10;
	v20 =	vld.idx.msk [tilespmem:v18+s21+$0x0], $0xffff;
	[tilespmem:v35+s0+$0x0] =	vst.idx.msk $0xffff, v27;
	(pc) =	sbr.rel @p3 .LBB2_32-.Ltmp19, $4  }
0x3ee: {  	v7 =	vadd.s32 s13, v0;
	s1 =	sadd.s32 $0x7, s13;
	[tilespmem:v14+s0+$0x0] =	vst.idx.msk $0xffff, v24;
	v14 =	vor.u32 v2, v32;
	v22 =	vld.idx.msk [tilespmem:v37+s21+$0x0], $0xffff  }
0x3ef: {  	s3 =	sadd.s32 $0x4, s13;
	s17 =	sadd.s32 $0x5, s13;
	s14 =	sadd.s32 $0x6, s13;
	v6 =	vadd.s32 s1, v0;
	v16 =	vand.u32 $0x7F, v7;
	v13 =	vor.u32 v2, v28;
	[tilespmem:v38+s0+$0x0] =	vst.idx.msk $0xffff, v36;
	v24 =	vld.idx.msk [tilespmem:v17+s21+$0x0], $0xffff  }
0x3f0: {  	s16 =	sadd.s32 $0x1, s13;
	s15 =	sadd.s32 $0x3, s13;
	v8 =	vadd.s32 s3, v0;
	s1 =	sadd.s32 $0x2, s13;
	v9 =	vadd.s32 s17, v0;
	v27 =	vor.u32 v4, v16;
	v25 =	vld.idx.msk [tilespmem:v39+s21+$0x0], $0xffff;
	[tilespmem:v41+s0+$0x0] =	vst.idx.msk $0xffff, v40  }
0x3f1: {  	v10 =	vadd.s32 s1, v0;
	v18 =	vand.u32 $0x7F, v8;
	v17 =	vand.u32 $0x7F, v6;
	[tilespmem:v33+s0+$0x0] =	vst.idx.msk $0xffff, v26;
	v26 =	vld.idx.msk [tilespmem:v29+s21+$0x0], $0xffff  }
0x3f2: {  	_ =	sdelay $0x2  }
0x3f3: {  	v29 =	vor.u32 v4, v17  }
0x3f4: {  	v28 =	vand.u32 $0x7F, v10;
	v60 =	vor.u32 v4, v18;
	[tilespmem:v21+s0+$0x0] =	vst.idx.msk $0xffff, v20;
	v20 =	vadd.s32 s15, v0  }
0x3f5: {  	[tilespmem:v23+s0+$0x0] =	vst.idx.msk $0xffff, v19;
	v12 =	vld.idx.msk [tilespmem:v12+s21+$0x0], $0xffff;
	v61 =	vand.u32 $0x7F, v9;
	v32 =	vadd.s32 s14, v0;
	v59 =	vor.u32 v4, v28  }
0x3f6: {  	v62 =	vld.idx.msk [tilespmem:v27+s21+$0x0], $0xffff;
	v37 =	vor.u32 v1, v16;
	v39 =	vor.u32 v3, v16;
	v36 =	vor.u32 v4, v61  }
0x3f7: {  	v34 =	vor.u32 v1, v17;
	v44 =	vor.u32 v1, v18;
	[tilespmem:v15+s0+$0x0] =	vst.idx.msk $0xffff, v22;
	v63 =	vand.u32 $0x7F, v20  }
0x3f8: {  	v30 =	vadd.s32 s16, v0;
	v33 =	vand.u32 $0x7F, v32;
	[tilespmem:v11+s0+$0x0] =	vst.idx.msk $0xffff, v24;
	v38 =	vor.u32 v4, v63;
	v29 =	vld.idx.msk [tilespmem:v29+s21+$0x0], $0xffff  }
0x3f9: {  	v31 =	vand.u32 $0x7F, v30;
	v40 =	vor.u32 v4, v33;
	[tilespmem:v14+s0+$0x0] =	vst.idx.msk $0xffff, v25;
	v43 =	vld.idx.msk [tilespmem:v60+s21+$0x0], $0xffff  }
0x3fa: {  	v41 =	vor.u32 v1, v28;
	v42 =	vor.u32 v4, v31;
	[tilespmem:v5+s0+$0x0] =	vst.idx.msk $0xffff, v26;
	v19 =	vld.idx.msk [tilespmem:v59+s21+$0x0], $0xffff  }
0x3fb: {  	v48 =	vor.u32 v3, v18;
	v47 =	vor.u32 v1, v61;
	[tilespmem:v37+s0+$0x0] =	vst.idx.msk $0xffff, v62;
	v46 =	vld.idx.msk [tilespmem:v36+s21+$0x0], $0xffff  }
0x3fc: {  	v7 =	vor.u32 v2, v7;
	v51 =	vor.u32 v3, v17;
	[tilespmem:v13+s0+$0x0] =	vst.idx.msk $0xffff, v12;
	v16 =	vld.idx.msk [tilespmem:v39+s21+$0x0], $0xffff  }
0x3fd: {  	v45 =	vor.u32 v3, v28;
	v50 =	vor.u32 v1, v63;
	v49 =	vld.idx.msk [tilespmem:v38+s21+$0x0], $0xffff;
	[tilespmem:v34+s0+$0x0] =	vst.idx.msk $0xffff, v29  }
0x3fe: {  	v21 =	vor.u32 v3, v61;
	v52 =	vor.u32 v1, v33;
	v14 =	vld.idx.msk [tilespmem:v40+s21+$0x0], $0xffff;
	[tilespmem:v44+s0+$0x0] =	vst.idx.msk $0xffff, v43  }
0x3ff: {  	v53 =	vor.u32 v1, v31;
	v22 =	vor.u32 v3, v63;
	v4 =	vld.idx.msk [tilespmem:v42+s21+$0x0], $0xffff;
	[tilespmem:v41+s0+$0x0] =	vst.idx.msk $0xffff, v19  }
0x400: {  	v8 =	vor.u32 v2, v8;
	v55 =	vor.u32 v3, v33;
	[tilespmem:v47+s0+$0x0] =	vst.idx.msk $0xffff, v46;
	v57 =	vld.idx.msk [tilespmem:v48+s21+$0x0], $0xffff  }
0x401: {  	v6 =	vor.u32 v2, v6;
	v3 =	vor.u32 v3, v31;
	[tilespmem:v7+s0+$0x0] =	vst.idx.msk $0xffff, v16;
	v60 =	vld.idx.msk [tilespmem:v51+s21+$0x0], $0xffff  }
0x402: {  	v56 =	vor.u32 v2, v10;
	v54 =	vld.idx.msk [tilespmem:v45+s21+$0x0], $0xffff;
	[tilespmem:v50+s0+$0x0] =	vst.idx.msk $0xffff, v49  }
0x403: {  	v58 =	vor.u32 v2, v9;
	v59 =	vld.idx.msk [tilespmem:v21+s21+$0x0], $0xffff;
	[tilespmem:v52+s0+$0x0] =	vst.idx.msk $0xffff, v14  }
0x404: {  	v61 =	vor.u32 v2, v20;
	[tilespmem:v53+s0+$0x0] =	vst.idx.msk $0xffff, v4;
	v15 =	vld.idx.msk [tilespmem:v22+s21+$0x0], $0xffff  }
0x405: {  	v62 =	vor.u32 v2, v32;
	v12 =	vld.idx.msk [tilespmem:v55+s21+$0x0], $0xffff;
	[tilespmem:v8+s0+$0x0] =	vst.idx.msk $0xffff, v57  }
0x406: {  	v63 =	vor.u32 v2, v30;
	v3 =	vld.idx.msk [tilespmem:v3+s21+$0x0], $0xffff;
	[tilespmem:v6+s0+$0x0] =	vst.idx.msk $0xffff, v60  }
0x407: {  	[tilespmem:v56+s0+$0x0] =	vst.idx.msk $0xffff, v54  }
0x408: {  	[tilespmem:v58+s0+$0x0] =	vst.idx.msk $0xffff, v59  }
0x409: {  	[tilespmem:v61+s0+$0x0] =	vst.idx.msk $0xffff, v15  }
0x40a: {  	[tilespmem:v62+s0+$0x0] =	vst.idx.msk $0xffff, v12  }
0x40b: {  	s1 =	sadd.s32 s7, s11;
	s3 =	simm.s32 $0xC;
	[tilespmem:v63+s0+$0x0] =	vst.idx.msk $0xffff, v3  }
0x40c: {  	s1 =	sshll.u32 s1, $0x6;
	_ =	swait.ge [sflag:s3], $0x1000  }
0x40d: {  	s1 =	sand.u32 $0x1FFFFC00, s1;
	[sflag:s3] =	ssyncset.done $0x0  }
0x40e: {  	s1 =	sadd.s32 s8, s1;
	[sflag:s3] =	ssyncadd.s32 $0xFFFFF000  }
0x40f: {  	[hbm4b:s1+s6] =	stream.linear.scatter [tilespmem:s0], [sflag:$0x5], $0x2000, $0x38;
	[tilespmem:$0x12DB0] =	vst v63  }
.LBB2_34:
0x410: {  	s11 =	sadd.s32 $0x5, s20  }
0x411: {  	p3 =	sge.u32 s11, s9  }
.Ltmp20:
0x412: {  	_ = 	snop;
	(pc) =	sbr.rel @p3 .LBB2_40-.Ltmp20, $1  }
0x413: {  	_ =	sdelay $0x3  }
0x414: {  	s11 =	sshll.u32 s11, $0x4  }
0x415: {  	v3 =	vld [tilespmem:s11+$0x4130];
	_ =	sdelay $0x1  }
0x416: {  	s13 =	simm.s32 $0x0  }
0x417: {  	v4 =	vmov s13  }
0x418: {  	s1 =	simm.s32 @p2 $0x6;
	vm0 =	veq.s32 v4, v0  }
0x419: {  	s22 =	simm.s32 $0x1;
	_ =	swait.ge @p2 [sflag:s1], $0x2000;
	v4 =	vnsel vm0, $0x0, v3  }
0x41a: {  	(xrf0) =	vadd.scan.msk.s32 $0xffff, v4;
	v4 =	vmov s22  }
0x41b: {  	vm9 =	veq.s32 v4, v0  }
0x41c: {  	v4 =	vnsel vm9, $0x0, v3  }
0x41d: {  	s25 =	simm.s32 $0x2;
	(xrf0) =	vadd.scan.msk.s32 $0xffff, v4  }
0x41e: {  	v4 =	vmov s25  }
0x41f: {  	vm10 =	veq.s32 v4, v0  }
0x420: {  	v4 =	vnsel vm10, $0x0, v3;
	v5, _, _ =	vpop (xrf0)  }
0x421: {  	(v2sf) =	vpush v5, $0xF;
	_ =	sdelay $0x1  }
0x422: {  	(xrf0) =	vadd.scan.msk.s32 $0xffff, v4;
	v4, _, _ =	vpop (xrf0)  }
0x423: {  	(v2sf) =	vpush v4, $0xF;
	_ =	sdelay $0x1  }
0x424: {  	s28 =	simm.s32 $0x3  }
0x425: {  	v5 =	vmov s28  }
0x426: {  	vm11 =	veq.s32 v5, v0  }
0x427: {  	v4 =	vnsel vm11, $0x0, v3;
	_ =	sdelay $0x1  }
0x428: {  	(xrf0) =	vadd.scan.msk.s32 $0xffff, v4  }
0x429: {  	v4, _, _ =	vpop (xrf0)  }
0x42a: {  	(v2sf) =	vpush v4, $0xF;
	_ =	sdelay $0x2  }
0x42b: {  	s30 =	simm.s32 $0x4;
	s14 =	spop (v2sf)  }
0x42c: {  	s15 =	simm.s32 $0x5;
	[sflag:s1] =	ssyncset.done @p2 $0x0;
	v4, _, _ =	vpop (xrf0);
	s17 =	sshll.u32 s14, $0x7  }
0x42d: {  	s18 =	simm.s32 $0xEDB0;
	[sflag:s1] =	ssyncadd.s32 @p2 $0xFFFFE000;
	(v2sf) =	vpush v4, $0xF;
	v4 =	vmov s30;
	s17 =	sand.u32 $0x3F80, s17  }
0x42e: {  	vm12 =	veq.s32 v4, v0;
	v4 =	vmov s15;
	s15 =	simm.s32 $0x6;
	s17 =	sadd.s32 s17, s5;
	s22 =	spop (v2sf)  }
0x42f: {  	v5 =	vnsel vm12, $0x0, v3;
	vm13 =	veq.s32 v4, v0;
	[tilespmem:s18], [sflag:$0xD] =	stream.linear.gather [spmem:s17], $0x80, $0x38;
	[tilespmem:$0x12DB0] =	vst v63  }
0x430: {  	(xrf0) =	vadd.scan.msk.s32 $0xffff, v5;
	v4 =	vnsel vm13, $0x0, v3;
	s17 =	sshll.u32 s22, $0x7;
	s18 =	sand.u32 $0x80, s22;
	s22 =	simm.s32 $0x7  }
0x431: {  	v5 =	vmov s15;
	(xrf0) =	vadd.scan.msk.s32 $0xffff, v4;
	v4 =	vmov s22  }
0x432: {  	vm14 =	veq.s32 v5, v0;
	s14 =	sand.u32 $0x80, s14;
	vm15 =	veq.s32 v4, v0  }
0x433: {  	v5 =	vnsel vm14, $0x0, v3;
	s14 =	sadd.s32 s14, s5;
	v4 =	vnsel vm15, $0x0, v3  }
0x434: {  	s12 =	simm.s32 $0xF430;
	s16 =	simm.s32 $0xEE30;
	(xrf0) =	vadd.scan.msk.s32 $0xffff, v5;
	s14 =	sadd.s32 $0x3200, s14  }
0x435: {  	[tilespmem:s16], [sflag:$0xD] =	stream.linear.gather [spmem:s14], $0x80, $0x38;
	[tilespmem:$0x12DB0] =	vst v63  }
0x436: {  	s3 =	simm.s32 $0xEFB0;
	s13 =	simm.s32 $0xF1B0;
	s15 =	sand.u32 $0x3F80, s17;
	(xrf0) =	vadd.scan.msk.s32 $0xffff, v4;
	v4, _, _ =	vpop (xrf0)  }
0x437: {  	s30 =	simm.s32 $0xF230;
	s25 =	sadd.s32 s15, s5;
	s28 =	spop (v2sf);
	(v2sf) =	vpush v4, $0xF  }
0x438: {  	[tilespmem:s3], [sflag:$0xD] =	stream.linear.gather [spmem:s25], $0x80, $0x38;
	[tilespmem:$0x12DB0] =	vst v63  }
0x439: {  	s1 =	sadd.s32 s18, s5;
	s18 =	simm.s32 $0xF030;
	s17 =	sshll.u32 s28, $0x7  }
0x43a: {  	s1 =	sadd.s32 $0x3200, s1;
	s15 =	sand.u32 $0x80, s28;
	s14 =	sand.u32 $0x3F80, s17;
	v5, _, _ =	vpop (xrf0)  }
0x43b: {  	[tilespmem:s18], [sflag:$0xD] =	stream.linear.gather [spmem:s1], $0x80, $0x38;
	(v2sf) =	vpush v5, $0xF;
	[tilespmem:$0x12DB0] =	vst v63  }
0x43c: {  	s22 =	sadd.s32 s15, s5;
	s14 =	sadd.s32 s14, s5;
	s25 =	spop (v2sf)  }
0x43d: {  	[tilespmem:s13], [sflag:$0xD] =	stream.linear.gather [spmem:s14], $0x80, $0x38;
	[tilespmem:$0x12DB0] =	vst v63  }
0x43e: {  	s17 =	simm.s32 $0xF430;
	s1 =	sadd.s32 $0x3200, s22;
	s15 =	sshll.u32 s25, $0x7  }
0x43f: {  	v4, _, _ =	vpop (xrf0);
	[tilespmem:s30], [sflag:$0xD] =	stream.linear.gather [spmem:s1], $0x80, $0x38;
	[tilespmem:$0x12DB0] =	vst v63  }
0x440: {  	s28 =	sand.u32 $0x80, s25;
	s13 =	simm.s32 $0x8;
	(v2sf) =	vpush v4, $0xF;
	s30 =	sand.u32 $0x3F80, s15  }
0x441: {  	s16 =	sadd.s32 s28, s5;
	s15 =	simm.s32 $0xF3B0;
	v4, _, _ =	vpop (xrf0);
	s18 =	sadd.s32 s30, s5  }
.LBB2_36:
0x442: {  	p3 =	slt.u32 s13, $0xC  }
0x443: {  	v5 =	vmov s13;
	(v2sf) =	vpush v4, $0xF;
	s12 =	sadd.s32 $0x800, s12;
	s1 =	smov.u32 s13;
	s13 =	sadd.s32 $0x4, s13  }
0x444: {  	vm0 =	veq.s32 v5, v0;
	[tilespmem:s15], [sflag:$0xD] =	stream.linear.gather [spmem:s18], $0x80, $0x38;
	[tilespmem:$0x12DB0] =	vst v63  }
0x445: {  	s3 =	sadd.s32 $0xFFFFFB80, s12;
	s15 =	sadd.s32 $0xFFFFFD80, s12;
	s14 =	sadd.s32 $0xFFFFFE00, s12;
	v4 =	vnsel vm0, $0x0, v3  }
0x446: {  	s18 =	sadd.s32 $0x1, s1;
	s22 =	sadd.s32 $0xFFFFFA00, s12;
	(xrf0) =	vadd.scan.msk.s32 $0xffff, v4;
	s25 =	spop (v2sf)  }
0x447: {  	s16 =	sadd.s32 $0x3200, s16;
	v4 =	vmov s18;
	s18 =	sand.u32 $0x80, s25;
	s25 =	sshll.u32 s25, $0x7  }
0x448: {  	s28 =	sadd.s32 $0x2, s1;
	s30 =	sadd.s32 $0xFFFFF980, s12;
	vm0 =	veq.s32 v4, v0;
	s25 =	sand.u32 $0x3F80, s25  }
0x449: {  	v4 =	vnsel vm0, $0x0, v3;
	[tilespmem:s17], [sflag:$0xD] =	stream.linear.gather [spmem:s16], $0x80, $0x38;
	[tilespmem:$0x12DB0] =	vst v63  }
0x44a: {  	s16 =	sadd.s32 s25, s5;
	s17 =	sadd.s32 s18, s5;
	(xrf0) =	vadd.scan.msk.s32 $0xffff, v4;
	s18 =	spop (v2sf)  }
0x44b: {  	[tilespmem:s30], [sflag:$0xD] =	stream.linear.gather [spmem:s16], $0x80, $0x38;
	[tilespmem:$0x12DB0] =	vst v63  }
0x44c: {  	v4 =	vmov s28;
	s16 =	sadd.s32 $0x3200, s17;
	s17 =	sand.u32 $0x80, s18;
	s18 =	sshll.u32 s18, $0x7;
	v5, _, _ =	vpop (xrf0)  }
0x44d: {  	vm0 =	veq.s32 v4, v0;
	(v2sf) =	vpush v5, $0xF;
	[tilespmem:s22], [sflag:$0xD] =	stream.linear.gather [spmem:s16], $0x80, $0x38;
	[tilespmem:$0x12DB0] =	vst v63  }
0x44e: {  	s1 =	sadd.s32 $0x3, s1;
	v6 =	vnsel vm0, $0x0, v3;
	s17 =	sadd.s32 s17, s5;
	s16 =	sand.u32 $0x3F80, s18  }
0x44f: {  	v5 =	vmov s1;
	s1 =	sadd.s32 s16, s5;
	s16 =	sadd.s32 $0x3200, s17;
	(xrf0) =	vadd.scan.msk.s32 $0xffff, v6;
	s17 =	spop (v2sf)  }
0x450: {  	vm0 =	veq.s32 v5, v0;
	v4, _, _ =	vpop (xrf0);
	[tilespmem:s3], [sflag:$0xD] =	stream.linear.gather [spmem:s1], $0x80, $0x38;
	[tilespmem:$0x12DB0] =	vst v63  }
0x451: {  	v5 =	vnsel vm0, $0x0, v3;
	s1 =	sadd.s32 $0xFFFFFC00, s12;
	s3 =	sand.u32 $0x80, s17;
	s17 =	sshll.u32 s17, $0x7;
	(v2sf) =	vpush v4, $0xF  }
0x452: {  	s17 =	sand.u32 $0x3F80, s17;
	s3 =	sadd.s32 s3, s5;
	(xrf0) =	vadd.scan.msk.s32 $0xffff, v5;
	s18 =	spop (v2sf)  }
0x453: {  	s17 =	sadd.s32 s17, s5;
	s22 =	sand.u32 $0x80, s18;
	s18 =	sshll.u32 s18, $0x7  }
0x454: {  	[tilespmem:s1], [sflag:$0xD] =	stream.linear.gather [spmem:s16], $0x80, $0x38;
	[tilespmem:$0x12DB0] =	vst v63  }
.Ltmp21:
0x455: {  	_ = 	snop;
	(pc) =	sbr.rel @p3 .LBB2_36-.Ltmp21, $4  }
0x456: {  	s1 =	sadd.s32 $0x3200, s3;
	s3 =	sand.u32 $0x3F80, s18;
	s16 =	sadd.s32 s22, s5;
	v4, _, _ =	vpop (xrf0)  }
0x457: {  	(v2sf) =	vpush v4, $0xF;
	[tilespmem:s15], [sflag:$0xD] =	stream.linear.gather [spmem:s17], $0x80, $0x38;
	[tilespmem:$0x12DB0] =	vst v63  }
0x458: {  	s18 =	sadd.s32 s3, s5;
	s15 =	sadd.s32 $0xFFFFFF80, s12;
	s17 =	smov.u32 s12  }
0x459: {  	v4, _, _ =	vpop (xrf0);
	[tilespmem:s14], [sflag:$0xD] =	stream.linear.gather [spmem:s1], $0x80, $0x38;
	[tilespmem:$0x12DB0] =	vst v63  }
0x45a: {  	_ = 	snop  }
0x45b: {  	(v2sf) =	vpush v4, $0xF;
	[tilespmem:s15], [sflag:$0xD] =	stream.linear.gather [spmem:s18], $0x80, $0x38;
	[tilespmem:$0x12DB0] =	vst v63  }
0x45c: {  	s18 =	sadd.s32 $0x3200, s16;
	s15 =	spop (v2sf)  }
0x45d: {  	[tilespmem:s17], [sflag:$0xD] =	stream.linear.gather [spmem:s18], $0x80, $0x38;
	[tilespmem:$0x12DB0] =	vst v63  }
0x45e: {  	s1 =	sadd.s32 $0x800, s12;
	s12 =	sshll.u32 s15, $0x7  }
0x45f: {  	s22 =	sadd.s32 $0xFFFFF980, s1;
	s14 =	sand.u32 $0x80, s15;
	s12 =	sand.u32 $0x3F80, s12  }
0x460: {  	s14 =	sadd.s32 s14, s5;
	s12 =	sadd.s32 s12, s5;
	s25 =	spop (v2sf)  }
0x461: {  	[tilespmem:s22], [sflag:$0xD] =	stream.linear.gather [spmem:s12], $0x80, $0x38;
	[tilespmem:$0x12DB0] =	vst v63  }
0x462: {  	s28 =	sadd.s32 $0xFFFFFA00, s1;
	s14 =	sadd.s32 $0x3200, s14;
	s30 =	sshll.u32 s25, $0x7  }
0x463: {  	[tilespmem:s28], [sflag:$0xD] =	stream.linear.gather [spmem:s14], $0x80, $0x38;
	[tilespmem:$0x12DB0] =	vst v63  }
0x464: {  	s15 =	sand.u32 $0x80, s25;
	s16 =	sand.u32 $0x3F80, s30  }
0x465: {  	s3 =	sadd.s32 $0xFFFFFB80, s1;
	s14 =	sadd.s32 s15, s5;
	s15 =	sadd.s32 s16, s5  }
0x466: {  	[tilespmem:s3], [sflag:$0xD] =	stream.linear.gather [spmem:s15], $0x80, $0x38;
	[tilespmem:$0x12DB0] =	vst v63  }
0x467: {  	s22 =	sadd.s32 $0xFFFFFC00, s1;
	s18 =	sadd.s32 $0x3200, s14;
	s17 =	spop (v2sf)  }
0x468: {  	[tilespmem:s22], [sflag:$0xD] =	stream.linear.gather [spmem:s18], $0x80, $0x38;
	[tilespmem:$0x12DB0] =	vst v63  }
0x469: {  	s13 =	sadd.s32 $0xFFFFFD80, s1;
	s12 =	sadd.s32 $0xFFFFFE00, s1;
	s25 =	sshll.u32 s17, $0x7  }
0x46a: {  	s16 =	sand.u32 $0x80, s17;
	s15 =	sand.u32 $0x3F80, s25;
	s28 =	spop (v2sf)  }
0x46b: {  	s30 =	sadd.s32 s16, s5;
	s15 =	sadd.s32 s15, s5;
	s16 =	sshll.u32 s28, $0x7  }
0x46c: {  	[tilespmem:s13], [sflag:$0xD] =	stream.linear.gather [spmem:s15], $0x80, $0x38;
	[tilespmem:$0x12DB0] =	vst v63  }
0x46d: {  	s3 =	sadd.s32 $0x3200, s30;
	s18 =	sand.u32 $0x80, s28;
	s22 =	sand.u32 $0x3F80, s16  }
0x46e: {  	[tilespmem:s12], [sflag:$0xD] =	stream.linear.gather [spmem:s3], $0x80, $0x38;
	[tilespmem:$0x12DB0] =	vst v63  }
0x46f: {  	s28 =	sadd.s32 $0xFFFFFF80, s1;
	s25 =	sadd.s32 s18, s5;
	s30 =	sadd.s32 s22, s5  }
0x470: {  	[tilespmem:s28], [sflag:$0xD] =	stream.linear.gather [spmem:s30], $0x80, $0x38;
	[tilespmem:$0x12DB0] =	vst v63  }
0x471: {  	s13 =	simm.s32 $0x4;
	s3 =	sadd.s32 $0x3200, s25  }
0x472: {  	v4 =	vshra.s32 v3, $0x5;
	v3 =	vshrl.u32 v3, $0x1;
	[tilespmem:s1], [sflag:$0xD] =	stream.linear.gather [spmem:s3], $0x80, $0x38;
	[tilespmem:$0x12DB0] =	vst v63  }
0x473: {  	v5 =	vand.u32 $0xFFFFFF80, v4;
	v4 =	vand.u32 $0x780, v3;
	v13 =	vadd.s32 s13, v0;
	s1 =	simm.s32 $0x0  }
0x474: {  	v3 =	vadd.s32 $0x480, v5;
	s14 =	simm.s32 $0x5;
	v15 =	vand.u32 $0x7F, v13;
	v6 =	vadd.s32 s1, v0  }
0x475: {  	v14 =	vadd.s32 s14, v0;
	v17 =	vor.u32 v4, v15;
	s3 =	simm.s32 $0x7;
	v5 =	vand.u32 $0x7F, v6  }
0x476: {  	v19 =	vand.u32 $0x7F, v14;
	s12 =	simm.s32 $0x2;
	v7 =	vadd.s32 s3, v0;
	v8 =	vor.u32 v4, v5  }
0x477: {  	v21 =	vor.u32 v4, v19;
	s17 =	simm.s32 $0x6;
	v9 =	vadd.s32 s12, v0;
	v10 =	vand.u32 $0x7F, v7  }
0x478: {  	v22 =	vadd.s32 s17, v0;
	s15 =	simm.s32 $0x3;
	v11 =	vand.u32 $0x7F, v9;
	v12 =	vor.u32 v4, v10  }
0x479: {  	v27 =	vand.u32 $0x7F, v22;
	v18 =	vadd.s32 s15, v0;
	v16 =	vor.u32 v4, v11  }
0x47a: {  	v31 =	vor.u32 v4, v27;
	s16 =	simm.s32 $0x1;
	v20 =	vand.u32 $0x7F, v18;
	v34 =	vor.u32 v1, v15;
	v17 =	vld.idx.msk [tilespmem:v17+s21+$0x0], $0xffff  }
0x47b: {  	v24 =	vadd.s32 s16, v0;
	v25 =	vor.u32 v4, v20;
	v23 =	vor.u32 v1, v5;
	v8 =	vld.idx.msk [tilespmem:v8+s21+$0x0], $0xffff  }
0x47c: {  	v38 =	vor.u32 v3, v19;
	v26 =	vand.u32 $0x7F, v24;
	v35 =	vor.u32 v3, v15;
	v36 =	vld.idx.msk [tilespmem:v21+s21+$0x0], $0xffff  }
0x47d: {  	v62 =	vor.u32 v1, v27;
	v30 =	vor.u32 v4, v26;
	v32 =	vor.u32 v1, v10;
	v29 =	vld.idx.msk [tilespmem:v12+s21+$0x0], $0xffff  }
0x47e: {  	v28 =	vor.u32 v3, v5;
	v5 =	vor.u32 v2, v22;
	v22 =	vor.u32 v1, v11;
	v16 =	vld.idx.msk [tilespmem:v16+s21+$0x0], $0xffff  }
0x47f: {  	v40 =	vor.u32 v3, v20;
	v33 =	vor.u32 v3, v11;
	v31 =	vld.idx.msk [tilespmem:v31+s21+$0x0], $0xffff;
	[tilespmem:v34+s2+$0x0] =	vst.idx.msk $0xffff, v17  }
0x480: {  	v10 =	vor.u32 v3, v10;
	[tilespmem:v23+s2+$0x0] =	vst.idx.msk $0xffff, v8;
	v8 =	vld.idx.msk [tilespmem:v25+s21+$0x0], $0xffff;
	v25 =	vor.u32 v1, v19  }
0x481: {  	v37 =	vor.u32 v1, v26;
	v12 =	vor.u32 v3, v26;
	v26 =	vor.u32 v1, v20;
	v20 =	vld.idx.msk [tilespmem:v35+s21+$0x0], $0xffff  }
0x482: {  	v63 =	vor.u32 v3, v27;
	v15 =	vor.u32 v2, v14;
	[tilespmem:v32+s2+$0x0] =	vst.idx.msk $0xffff, v29;
	v29 =	vld.idx.msk [tilespmem:v30+s21+$0x0], $0xffff  }
0x483: {  	v21 =	vor.u32 v2, v13;
	v39 =	vor.u32 v2, v6;
	[tilespmem:v22+s2+$0x0] =	vst.idx.msk $0xffff, v16;
	v28 =	vld.idx.msk [tilespmem:v28+s21+$0x0], $0xffff  }
0x484: {  	s18 =	simm.s32 $0x8;
	v13 =	vor.u32 v2, v24;
	[tilespmem:v62+s2+$0x0] =	vst.idx.msk $0xffff, v31;
	v19 =	vld.idx.msk [tilespmem:v33+s21+$0x0], $0xffff;
	v23 =	vor.u32 v2, v9  }
0x485: {  	s22 =	simm.s32 $0xF;
	v11 =	vor.u32 v2, v7;
	v7 =	vadd.s32 s18, v0;
	v24 =	vld.idx.msk [tilespmem:v10+s21+$0x0], $0xffff;
	[tilespmem:v25+s2+$0x0] =	vst.idx.msk $0xffff, v36  }
0x486: {  	s25 =	simm.s32 $0xC;
	v14 =	vor.u32 v2, v18;
	v6 =	vadd.s32 s22, v0;
	v16 =	vand.u32 $0x7F, v7;
	[tilespmem:v26+s2+$0x0] =	vst.idx.msk $0xffff, v8;
	v22 =	vld.idx.msk [tilespmem:v38+s21+$0x0], $0xffff  }
0x487: {  	s14 =	simm.s32 $0xE;
	s28 =	simm.s32 $0xD;
	s30 =	simm.s32 $0xA;
	v17 =	vand.u32 $0x7F, v6;
	v27 =	vor.u32 v4, v16;
	v8 =	vadd.s32 s25, v0;
	[tilespmem:v37+s2+$0x0] =	vst.idx.msk $0xffff, v29;
	v26 =	vld.idx.msk [tilespmem:v63+s21+$0x0], $0xffff  }
0x488: {  	s15 =	simm.s32 $0xB;
	s16 =	simm.s32 $0x9;
	s12 =	simm.s32 $0x10;
	v9 =	vadd.s32 s28, v0;
	v10 =	vadd.s32 s30, v0;
	[tilespmem:v39+s2+$0x0] =	vst.idx.msk $0xffff, v28;
	v25 =	vld.idx.msk [tilespmem:v40+s21+$0x0], $0xffff;
	v18 =	vand.u32 $0x7F, v8  }
.LBB2_38:
0x489: {  	p3 =	slt.u32 s12, $0x78;
	v28 =	vadd.s32 s16, v0;
	v29 =	vand.u32 $0x7F, v10;
	v30 =	vor.u32 v4, v17;
	v12 =	vld.idx.msk [tilespmem:v12+s21+$0x0], $0xffff;
	[tilespmem:v23+s2+$0x0] =	vst.idx.msk $0xffff, v19;
	s13 =	smov.u32 s12;
	s12 =	sadd.s32 $0x8, s12  }
0x48a: {  	v31 =	vor.u32 v4, v18;
	v19 =	vand.u32 $0x7F, v28;
	v23 =	vor.u32 v4, v29;
	[tilespmem:v21+s2+$0x0] =	vst.idx.msk $0xffff, v20  }
0x48b: {  	v32 =	vadd.s32 s15, v0;
	v21 =	vand.u32 $0x7F, v9;
	v20 =	vor.u32 v4, v19;
	[tilespmem:v15+s2+$0x0] =	vst.idx.msk $0xffff, v22  }
0x48c: {  	v33 =	vadd.s32 s14, v0;
	v22 =	vand.u32 $0x7F, v32;
	v15 =	vld.idx.msk [tilespmem:v27+s21+$0x0], $0xffff;
	v27 =	vor.u32 v4, v21;
	[tilespmem:v11+s2+$0x0] =	vst.idx.msk $0xffff, v24  }
0x48d: {  	v34 =	vand.u32 $0x7F, v33;
	v11 =	vor.u32 v1, v16;
	v24 =	vor.u32 v4, v22;
	[tilespmem:v14+s2+$0x0] =	vst.idx.msk $0xffff, v25  }
0x48e: {  	v14 =	vor.u32 v3, v16;
	v16 =	vor.u32 v4, v34;
	v25 =	vld.idx.msk [tilespmem:v30+s21+$0x0], $0xffff;
	[tilespmem:v5+s2+$0x0] =	vst.idx.msk $0xffff, v26  }
0x48f: {  	v5 =	vor.u32 v2, v33;
	v26 =	vor.u32 v1, v17;
	v23 =	vld.idx.msk [tilespmem:v23+s21+$0x0], $0xffff;
	[tilespmem:v13+s2+$0x0] =	vst.idx.msk $0xffff, v12  }
0x490: {  	v17 =	vor.u32 v3, v17;
	v13 =	vor.u32 v1, v29;
	v30 =	vld.idx.msk [tilespmem:v31+s21+$0x0], $0xffff  }
0x491: {  	v29 =	vor.u32 v3, v29;
	v31 =	vor.u32 v1, v18;
	v18 =	vor.u32 v3, v18;
	v27 =	vld.idx.msk [tilespmem:v27+s21+$0x0], $0xffff  }
0x492: {  	v35 =	vor.u32 v1, v21;
	v33 =	vor.u32 v1, v19;
	[tilespmem:v11+s2+$0x0] =	vst.idx.msk $0xffff, v15;
	v24 =	vld.idx.msk [tilespmem:v24+s21+$0x0], $0xffff  }
0x493: {  	v37 =	vor.u32 v3, v21;
	v12 =	vor.u32 v3, v19;
	v36 =	vld.idx.msk [tilespmem:v14+s21+$0x0], $0xffff;
	v14 =	vor.u32 v1, v22  }
0x494: {  	v38 =	vor.u32 v2, v7;
	v39 =	vor.u32 v3, v22;
	v40 =	vld.idx.msk [tilespmem:v16+s21+$0x0], $0xffff;
	[tilespmem:v26+s2+$0x0] =	vst.idx.msk $0xffff, v25  }
0x495: {  	v41 =	vor.u32 v1, v34;
	v11 =	vor.u32 v2, v6;
	v26 =	vld.idx.msk [tilespmem:v20+s21+$0x0], $0xffff;
	[tilespmem:v13+s2+$0x0] =	vst.idx.msk $0xffff, v23  }
0x496: {  	v15 =	vor.u32 v2, v9;
	v19 =	vld.idx.msk [tilespmem:v29+s21+$0x0], $0xffff;
	[tilespmem:v31+s2+$0x0] =	vst.idx.msk $0xffff, v30;
	v29 =	vor.u32 v3, v34  }
.Ltmp22:
0x497: {  	v21 =	vor.u32 v2, v8;
	v23 =	vor.u32 v2, v10;
	v20 =	vld.idx.msk [tilespmem:v18+s21+$0x0], $0xffff;
	[tilespmem:v35+s2+$0x0] =	vst.idx.msk $0xffff, v27;
	(pc) =	sbr.rel @p3 .LBB2_38-.Ltmp22, $4  }
0x498: {  	v7 =	vadd.s32 s13, v0;
	s1 =	sadd.s32 $0x7, s13;
	[tilespmem:v14+s2+$0x0] =	vst.idx.msk $0xffff, v24;
	v14 =	vor.u32 v2, v32;
	v22 =	vld.idx.msk [tilespmem:v37+s21+$0x0], $0xffff  }
0x499: {  	s3 =	sadd.s32 $0x4, s13;
	s17 =	sadd.s32 $0x5, s13;
	s14 =	sadd.s32 $0x6, s13;
	v6 =	vadd.s32 s1, v0;
	v16 =	vand.u32 $0x7F, v7;
	v13 =	vor.u32 v2, v28;
	[tilespmem:v38+s2+$0x0] =	vst.idx.msk $0xffff, v36;
	v24 =	vld.idx.msk [tilespmem:v17+s21+$0x0], $0xffff  }
0x49a: {  	s16 =	sadd.s32 $0x1, s13;
	s15 =	sadd.s32 $0x3, s13;
	v8 =	vadd.s32 s3, v0;
	s1 =	sadd.s32 $0x2, s13;
	v9 =	vadd.s32 s17, v0;
	v27 =	vor.u32 v4, v16;
	v25 =	vld.idx.msk [tilespmem:v39+s21+$0x0], $0xffff;
	[tilespmem:v41+s2+$0x0] =	vst.idx.msk $0xffff, v40  }
0x49b: {  	v10 =	vadd.s32 s1, v0;
	v18 =	vand.u32 $0x7F, v8;
	v17 =	vand.u32 $0x7F, v6;
	[tilespmem:v33+s2+$0x0] =	vst.idx.msk $0xffff, v26;
	v26 =	vld.idx.msk [tilespmem:v29+s21+$0x0], $0xffff  }
0x49c: {  	_ =	sdelay $0x2  }
0x49d: {  	v29 =	vor.u32 v4, v17  }
0x49e: {  	v28 =	vand.u32 $0x7F, v10;
	v60 =	vor.u32 v4, v18;
	[tilespmem:v21+s2+$0x0] =	vst.idx.msk $0xffff, v20;
	v20 =	vadd.s32 s15, v0  }
0x49f: {  	[tilespmem:v23+s2+$0x0] =	vst.idx.msk $0xffff, v19;
	v12 =	vld.idx.msk [tilespmem:v12+s21+$0x0], $0xffff;
	v61 =	vand.u32 $0x7F, v9;
	v32 =	vadd.s32 s14, v0;
	v59 =	vor.u32 v4, v28  }
0x4a0: {  	v62 =	vld.idx.msk [tilespmem:v27+s21+$0x0], $0xffff;
	v37 =	vor.u32 v1, v16;
	v39 =	vor.u32 v3, v16;
	v36 =	vor.u32 v4, v61  }
0x4a1: {  	v34 =	vor.u32 v1, v17;
	v44 =	vor.u32 v1, v18;
	[tilespmem:v15+s2+$0x0] =	vst.idx.msk $0xffff, v22;
	v63 =	vand.u32 $0x7F, v20  }
0x4a2: {  	v30 =	vadd.s32 s16, v0;
	v33 =	vand.u32 $0x7F, v32;
	[tilespmem:v11+s2+$0x0] =	vst.idx.msk $0xffff, v24;
	v38 =	vor.u32 v4, v63;
	v29 =	vld.idx.msk [tilespmem:v29+s21+$0x0], $0xffff  }
0x4a3: {  	v31 =	vand.u32 $0x7F, v30;
	v40 =	vor.u32 v4, v33;
	[tilespmem:v14+s2+$0x0] =	vst.idx.msk $0xffff, v25;
	v43 =	vld.idx.msk [tilespmem:v60+s21+$0x0], $0xffff  }
0x4a4: {  	v41 =	vor.u32 v1, v28;
	v42 =	vor.u32 v4, v31;
	[tilespmem:v5+s2+$0x0] =	vst.idx.msk $0xffff, v26;
	v19 =	vld.idx.msk [tilespmem:v59+s21+$0x0], $0xffff  }
0x4a5: {  	v48 =	vor.u32 v3, v18;
	v47 =	vor.u32 v1, v61;
	[tilespmem:v37+s2+$0x0] =	vst.idx.msk $0xffff, v62;
	v46 =	vld.idx.msk [tilespmem:v36+s21+$0x0], $0xffff  }
0x4a6: {  	v7 =	vor.u32 v2, v7;
	v51 =	vor.u32 v3, v17;
	[tilespmem:v13+s2+$0x0] =	vst.idx.msk $0xffff, v12;
	v16 =	vld.idx.msk [tilespmem:v39+s21+$0x0], $0xffff  }
0x4a7: {  	v45 =	vor.u32 v3, v28;
	v50 =	vor.u32 v1, v63;
	v49 =	vld.idx.msk [tilespmem:v38+s21+$0x0], $0xffff;
	[tilespmem:v34+s2+$0x0] =	vst.idx.msk $0xffff, v29  }
0x4a8: {  	v21 =	vor.u32 v3, v61;
	v52 =	vor.u32 v1, v33;
	v14 =	vld.idx.msk [tilespmem:v40+s21+$0x0], $0xffff;
	[tilespmem:v44+s2+$0x0] =	vst.idx.msk $0xffff, v43  }
0x4a9: {  	v53 =	vor.u32 v1, v31;
	v22 =	vor.u32 v3, v63;
	v4 =	vld.idx.msk [tilespmem:v42+s21+$0x0], $0xffff;
	[tilespmem:v41+s2+$0x0] =	vst.idx.msk $0xffff, v19  }
0x4aa: {  	v8 =	vor.u32 v2, v8;
	v55 =	vor.u32 v3, v33;
	[tilespmem:v47+s2+$0x0] =	vst.idx.msk $0xffff, v46;
	v57 =	vld.idx.msk [tilespmem:v48+s21+$0x0], $0xffff  }
0x4ab: {  	v6 =	vor.u32 v2, v6;
	v3 =	vor.u32 v3, v31;
	[tilespmem:v7+s2+$0x0] =	vst.idx.msk $0xffff, v16;
	v60 =	vld.idx.msk [tilespmem:v51+s21+$0x0], $0xffff  }
0x4ac: {  	v56 =	vor.u32 v2, v10;
	v54 =	vld.idx.msk [tilespmem:v45+s21+$0x0], $0xffff;
	[tilespmem:v50+s2+$0x0] =	vst.idx.msk $0xffff, v49  }
0x4ad: {  	v58 =	vor.u32 v2, v9;
	v59 =	vld.idx.msk [tilespmem:v21+s21+$0x0], $0xffff;
	[tilespmem:v52+s2+$0x0] =	vst.idx.msk $0xffff, v14  }
0x4ae: {  	v61 =	vor.u32 v2, v20;
	[tilespmem:v53+s2+$0x0] =	vst.idx.msk $0xffff, v4;
	v15 =	vld.idx.msk [tilespmem:v22+s21+$0x0], $0xffff  }
0x4af: {  	v62 =	vor.u32 v2, v32;
	v12 =	vld.idx.msk [tilespmem:v55+s21+$0x0], $0xffff;
	[tilespmem:v8+s2+$0x0] =	vst.idx.msk $0xffff, v57  }
0x4b0: {  	v63 =	vor.u32 v2, v30;
	v3 =	vld.idx.msk [tilespmem:v3+s21+$0x0], $0xffff;
	[tilespmem:v6+s2+$0x0] =	vst.idx.msk $0xffff, v60  }
0x4b1: {  	[tilespmem:v56+s2+$0x0] =	vst.idx.msk $0xffff, v54  }
0x4b2: {  	[tilespmem:v58+s2+$0x0] =	vst.idx.msk $0xffff, v59  }
0x4b3: {  	[tilespmem:v61+s2+$0x0] =	vst.idx.msk $0xffff, v15  }
0x4b4: {  	[tilespmem:v62+s2+$0x0] =	vst.idx.msk $0xffff, v12  }
0x4b5: {  	s1 =	sadd.s32 s7, s11;
	[tilespmem:v63+s2+$0x0] =	vst.idx.msk $0xffff, v3  }
0x4b6: {  	s1 =	sshll.u32 s1, $0x6;
	_ =	swait.ge [sflag:s4], $0x1000  }
0x4b7: {  	s1 =	sand.u32 $0x1FFFFC00, s1;
	[sflag:s4] =	ssyncset.done $0x0  }
0x4b8: {  	s1 =	sadd.s32 s8, s1;
	[sflag:s4] =	ssyncadd.s32 $0xFFFFF000  }
0x4b9: {  	[hbm4b:s1+s6] =	stream.linear.scatter [tilespmem:s2], [sflag:$0x6], $0x2000, $0x38;
	[tilespmem:$0x12DB0] =	vst v63  }
.LBB2_40:
0x4ba: {  	s11 =	sadd.s32 $0x6, s20  }
0x4bb: {  	p3 =	sge.u32 s11, s9  }
.Ltmp23:
0x4bc: {  	_ = 	snop;
	(pc) =	sbr.rel @p3 .LBB2_46-.Ltmp23, $1  }
0x4bd: {  	_ =	sdelay $0x3  }
0x4be: {  	s11 =	sshll.u32 s11, $0x4  }
0x4bf: {  	v3 =	vld [tilespmem:s11+$0x4130];
	_ =	sdelay $0x1  }
0x4c0: {  	s13 =	simm.s32 $0x0  }
0x4c1: {  	v4 =	vmov s13  }
0x4c2: {  	s1 =	simm.s32 @p2 $0x7;
	vm0 =	veq.s32 v4, v0  }
0x4c3: {  	s22 =	simm.s32 $0x1;
	_ =	swait.ge @p2 [sflag:s1], $0x2000;
	v4 =	vnsel vm0, $0x0, v3  }
0x4c4: {  	(xrf0) =	vadd.scan.msk.s32 $0xffff, v4;
	v4 =	vmov s22  }
0x4c5: {  	vm9 =	veq.s32 v4, v0  }
0x4c6: {  	v4 =	vnsel vm9, $0x0, v3  }
0x4c7: {  	s25 =	simm.s32 $0x2;
	(xrf0) =	vadd.scan.msk.s32 $0xffff, v4  }
0x4c8: {  	v4 =	vmov s25  }
0x4c9: {  	vm10 =	veq.s32 v4, v0  }
0x4ca: {  	v4 =	vnsel vm10, $0x0, v3;
	v5, _, _ =	vpop (xrf0)  }
0x4cb: {  	(v2sf) =	vpush v5, $0xF  }
0x4cc: {  	s28 =	simm.s32 $0x3;
	(xrf0) =	vadd.scan.msk.s32 $0xffff, v4  }
0x4cd: {  	v5 =	vmov s28;
	v4, _, _ =	vpop (xrf0)  }
0x4ce: {  	vm11 =	veq.s32 v5, v0;
	(v2sf) =	vpush v4, $0xF  }
0x4cf: {  	v4 =	vnsel vm11, $0x0, v3;
	_ =	sdelay $0x1  }
0x4d0: {  	(xrf0) =	vadd.scan.msk.s32 $0xffff, v4  }
0x4d1: {  	v4, _, _ =	vpop (xrf0)  }
0x4d2: {  	(v2sf) =	vpush v4, $0xF;
	_ =	sdelay $0x3  }
0x4d3: {  	s30 =	simm.s32 $0x4;
	v4, _, _ =	vpop (xrf0)  }
0x4d4: {  	s15 =	simm.s32 $0x5;
	(v2sf) =	vpush v4, $0xF;
	v4 =	vmov s30  }
0x4d5: {  	s12 =	simm.s32 $0x11430;
	s3 =	simm.s32 $0x10FB0;
	vm12 =	veq.s32 v4, v0;
	v4 =	vmov s15  }
0x4d6: {  	s16 =	simm.s32 $0x10E30;
	[sflag:s1] =	ssyncset.done @p2 $0x0;
	v5 =	vnsel vm12, $0x0, v3;
	vm13 =	veq.s32 v4, v0;
	s14 =	spop (v2sf)  }
0x4d7: {  	s22 =	simm.s32 $0x6;
	s30 =	simm.s32 $0x7;
	(xrf0) =	vadd.scan.msk.s32 $0xffff, v5;
	v4 =	vnsel vm13, $0x0, v3;
	s17 =	sshll.u32 s14, $0x7  }
0x4d8: {  	s18 =	simm.s32 $0x10DB0;
	[sflag:s1] =	ssyncadd.s32 @p2 $0xFFFFE000;
	v5 =	vmov s22;
	(xrf0) =	vadd.scan.msk.s32 $0xffff, v4;
	v4 =	vmov s30;
	s17 =	sand.u32 $0x3F80, s17  }
0x4d9: {  	vm14 =	veq.s32 v5, v0;
	s14 =	sand.u32 $0x80, s14;
	vm15 =	veq.s32 v4, v0;
	s17 =	sadd.s32 s17, s5;
	s20 =	spop (v2sf)  }
0x4da: {  	v5 =	vnsel vm14, $0x0, v3;
	v4 =	vnsel vm15, $0x0, v3;
	[tilespmem:s18], [sflag:$0xE] =	stream.linear.gather [spmem:s17], $0x80, $0x38;
	[tilespmem:$0x12DB0] =	vst v63  }
0x4db: {  	s13 =	simm.s32 $0x111B0;
	s14 =	sadd.s32 s14, s5;
	(xrf0) =	vadd.scan.msk.s32 $0xffff, v5;
	s25 =	sshll.u32 s20, $0x7  }
0x4dc: {  	s14 =	sadd.s32 $0x3200, s14;
	(xrf0) =	vadd.scan.msk.s32 $0xffff, v4;
	s28 =	sand.u32 $0x80, s20;
	s15 =	sand.u32 $0x3F80, s25  }
0x4dd: {  	v4, _, _ =	vpop (xrf0);
	[tilespmem:s16], [sflag:$0xE] =	stream.linear.gather [spmem:s14], $0x80, $0x38;
	[tilespmem:$0x12DB0] =	vst v63  }
0x4de: {  	s17 =	simm.s32 $0x11230;
	s15 =	sadd.s32 s15, s5;
	s16 =	spop (v2sf);
	(v2sf) =	vpush v4, $0xF  }
0x4df: {  	[tilespmem:s3], [sflag:$0xE] =	stream.linear.gather [spmem:s15], $0x80, $0x38;
	[tilespmem:$0x12DB0] =	vst v63  }
0x4e0: {  	s20 =	simm.s32 $0x11030;
	s1 =	sadd.s32 s28, s5;
	s18 =	sshll.u32 s16, $0x7  }
0x4e1: {  	s1 =	sadd.s32 $0x3200, s1;
	v5, _, _ =	vpop (xrf0);
	s15 =	sand.u32 $0x80, s16;
	s14 =	sand.u32 $0x3F80, s18  }
0x4e2: {  	(v2sf) =	vpush v5, $0xF;
	[tilespmem:s20], [sflag:$0xE] =	stream.linear.gather [spmem:s1], $0x80, $0x38;
	[tilespmem:$0x12DB0] =	vst v63  }
0x4e3: {  	s22 =	sadd.s32 s15, s5;
	s14 =	sadd.s32 s14, s5;
	s25 =	spop (v2sf)  }
0x4e4: {  	[tilespmem:s13], [sflag:$0xE] =	stream.linear.gather [spmem:s14], $0x80, $0x38;
	[tilespmem:$0x12DB0] =	vst v63  }
0x4e5: {  	s1 =	sadd.s32 $0x3200, s22;
	s28 =	sand.u32 $0x80, s25;
	s15 =	sshll.u32 s25, $0x7  }
0x4e6: {  	v4, _, _ =	vpop (xrf0);
	s13 =	simm.s32 $0x8;
	s30 =	sand.u32 $0x3F80, s15;
	s16 =	sadd.s32 s28, s5  }
0x4e7: {  	(v2sf) =	vpush v4, $0xF;
	[tilespmem:s17], [sflag:$0xE] =	stream.linear.gather [spmem:s1], $0x80, $0x38;
	[tilespmem:$0x12DB0] =	vst v63  }
0x4e8: {  	v4, _, _ =	vpop (xrf0);
	s15 =	simm.s32 $0x113B0;
	s18 =	sadd.s32 s30, s5;
	s17 =	simm.s32 $0x11430  }
.LBB2_42:
0x4e9: {  	p2 =	slt.u32 s13, $0xC  }
0x4ea: {  	v5 =	vmov s13;
	(v2sf) =	vpush v4, $0xF;
	s12 =	sadd.s32 $0x800, s12;
	s1 =	smov.u32 s13;
	s13 =	sadd.s32 $0x4, s13  }
0x4eb: {  	vm0 =	veq.s32 v5, v0;
	[tilespmem:s15], [sflag:$0xE] =	stream.linear.gather [spmem:s18], $0x80, $0x38;
	[tilespmem:$0x12DB0] =	vst v63  }
0x4ec: {  	s3 =	sadd.s32 $0xFFFFFB80, s12;
	s15 =	sadd.s32 $0xFFFFFD80, s12;
	s14 =	sadd.s32 $0xFFFFFE00, s12;
	v4 =	vnsel vm0, $0x0, v3  }
0x4ed: {  	s18 =	sadd.s32 $0x1, s1;
	s20 =	sadd.s32 $0xFFFFFA00, s12;
	(xrf0) =	vadd.scan.msk.s32 $0xffff, v4;
	s22 =	spop (v2sf)  }
0x4ee: {  	s16 =	sadd.s32 $0x3200, s16;
	v4 =	vmov s18;
	s18 =	sand.u32 $0x80, s22;
	s22 =	sshll.u32 s22, $0x7  }
0x4ef: {  	s25 =	sadd.s32 $0x2, s1;
	s28 =	sadd.s32 $0xFFFFF980, s12;
	vm0 =	veq.s32 v4, v0;
	s22 =	sand.u32 $0x3F80, s22  }
0x4f0: {  	v4 =	vnsel vm0, $0x0, v3;
	[tilespmem:s17], [sflag:$0xE] =	stream.linear.gather [spmem:s16], $0x80, $0x38;
	[tilespmem:$0x12DB0] =	vst v63  }
0x4f1: {  	s16 =	sadd.s32 s22, s5;
	s17 =	sadd.s32 s18, s5;
	(xrf0) =	vadd.scan.msk.s32 $0xffff, v4;
	s18 =	spop (v2sf)  }
0x4f2: {  	[tilespmem:s28], [sflag:$0xE] =	stream.linear.gather [spmem:s16], $0x80, $0x38;
	[tilespmem:$0x12DB0] =	vst v63  }
0x4f3: {  	v4 =	vmov s25;
	s16 =	sadd.s32 $0x3200, s17;
	s17 =	sand.u32 $0x80, s18;
	s18 =	sshll.u32 s18, $0x7;
	v5, _, _ =	vpop (xrf0)  }
0x4f4: {  	vm0 =	veq.s32 v4, v0;
	(v2sf) =	vpush v5, $0xF;
	[tilespmem:s20], [sflag:$0xE] =	stream.linear.gather [spmem:s16], $0x80, $0x38;
	[tilespmem:$0x12DB0] =	vst v63  }
0x4f5: {  	s1 =	sadd.s32 $0x3, s1;
	v6 =	vnsel vm0, $0x0, v3;
	s17 =	sadd.s32 s17, s5;
	s16 =	sand.u32 $0x3F80, s18  }
0x4f6: {  	v5 =	vmov s1;
	s1 =	sadd.s32 s16, s5;
	s16 =	sadd.s32 $0x3200, s17;
	(xrf0) =	vadd.scan.msk.s32 $0xffff, v6;
	s17 =	spop (v2sf)  }
0x4f7: {  	vm0 =	veq.s32 v5, v0;
	v4, _, _ =	vpop (xrf0);
	[tilespmem:s3], [sflag:$0xE] =	stream.linear.gather [spmem:s1], $0x80, $0x38;
	[tilespmem:$0x12DB0] =	vst v63  }
0x4f8: {  	v5 =	vnsel vm0, $0x0, v3;
	s1 =	sadd.s32 $0xFFFFFC00, s12;
	s3 =	sand.u32 $0x80, s17;
	s17 =	sshll.u32 s17, $0x7;
	(v2sf) =	vpush v4, $0xF  }
0x4f9: {  	s17 =	sand.u32 $0x3F80, s17;
	s3 =	sadd.s32 s3, s5;
	(xrf0) =	vadd.scan.msk.s32 $0xffff, v5;
	s18 =	spop (v2sf)  }
0x4fa: {  	s17 =	sadd.s32 s17, s5;
	s20 =	sand.u32 $0x80, s18;
	s18 =	sshll.u32 s18, $0x7  }
0x4fb: {  	[tilespmem:s1], [sflag:$0xE] =	stream.linear.gather [spmem:s16], $0x80, $0x38;
	[tilespmem:$0x12DB0] =	vst v63  }
.Ltmp24:
0x4fc: {  	_ = 	snop;
	(pc) =	sbr.rel @p2 .LBB2_42-.Ltmp24, $4  }
0x4fd: {  	s1 =	sadd.s32 $0x3200, s3;
	s3 =	sand.u32 $0x3F80, s18;
	s16 =	sadd.s32 s20, s5;
	v4, _, _ =	vpop (xrf0)  }
0x4fe: {  	(v2sf) =	vpush v4, $0xF;
	[tilespmem:s15], [sflag:$0xE] =	stream.linear.gather [spmem:s17], $0x80, $0x38;
	[tilespmem:$0x12DB0] =	vst v63  }
0x4ff: {  	s18 =	sadd.s32 s3, s5;
	s15 =	sadd.s32 $0xFFFFFF80, s12;
	s17 =	smov.u32 s12  }
0x500: {  	v4, _, _ =	vpop (xrf0);
	[tilespmem:s14], [sflag:$0xE] =	stream.linear.gather [spmem:s1], $0x80, $0x38;
	[tilespmem:$0x12DB0] =	vst v63  }
0x501: {  	_ = 	snop  }
0x502: {  	(v2sf) =	vpush v4, $0xF;
	[tilespmem:s15], [sflag:$0xE] =	stream.linear.gather [spmem:s18], $0x80, $0x38;
	[tilespmem:$0x12DB0] =	vst v63  }
0x503: {  	s20 =	sadd.s32 $0x3200, s16;
	s18 =	spop (v2sf)  }
0x504: {  	[tilespmem:s17], [sflag:$0xE] =	stream.linear.gather [spmem:s20], $0x80, $0x38;
	[tilespmem:$0x12DB0] =	vst v63  }
0x505: {  	s1 =	sadd.s32 $0x800, s12;
	s12 =	sshll.u32 s18, $0x7  }
0x506: {  	s22 =	sadd.s32 $0xFFFFF980, s1;
	s14 =	sand.u32 $0x80, s18;
	s12 =	sand.u32 $0x3F80, s12  }
0x507: {  	s14 =	sadd.s32 s14, s5;
	s12 =	sadd.s32 s12, s5;
	s25 =	spop (v2sf)  }
0x508: {  	[tilespmem:s22], [sflag:$0xE] =	stream.linear.gather [spmem:s12], $0x80, $0x38;
	[tilespmem:$0x12DB0] =	vst v63  }
0x509: {  	s28 =	sadd.s32 $0xFFFFFA00, s1;
	s14 =	sadd.s32 $0x3200, s14;
	s30 =	sshll.u32 s25, $0x7  }
0x50a: {  	[tilespmem:s28], [sflag:$0xE] =	stream.linear.gather [spmem:s14], $0x80, $0x38;
	[tilespmem:$0x12DB0] =	vst v63  }
0x50b: {  	s15 =	sand.u32 $0x80, s25;
	s17 =	sand.u32 $0x3F80, s30  }
0x50c: {  	s3 =	sadd.s32 $0xFFFFFB80, s1;
	s14 =	sadd.s32 s15, s5;
	s15 =	sadd.s32 s17, s5  }
0x50d: {  	[tilespmem:s3], [sflag:$0xE] =	stream.linear.gather [spmem:s15], $0x80, $0x38;
	[tilespmem:$0x12DB0] =	vst v63  }
0x50e: {  	s22 =	sadd.s32 $0xFFFFFC00, s1;
	s20 =	sadd.s32 $0x3200, s14;
	s18 =	spop (v2sf)  }
0x50f: {  	[tilespmem:s22], [sflag:$0xE] =	stream.linear.gather [spmem:s20], $0x80, $0x38;
	[tilespmem:$0x12DB0] =	vst v63  }
0x510: {  	s13 =	sadd.s32 $0xFFFFFD80, s1;
	s12 =	sadd.s32 $0xFFFFFE00, s1;
	s25 =	sshll.u32 s18, $0x7  }
0x511: {  	s16 =	sand.u32 $0x80, s18;
	s15 =	sand.u32 $0x3F80, s25;
	s28 =	spop (v2sf)  }
0x512: {  	s30 =	sadd.s32 s16, s5;
	s16 =	sadd.s32 s15, s5;
	s18 =	sshll.u32 s28, $0x7  }
0x513: {  	[tilespmem:s13], [sflag:$0xE] =	stream.linear.gather [spmem:s16], $0x80, $0x38;
	[tilespmem:$0x12DB0] =	vst v63  }
0x514: {  	s3 =	sadd.s32 $0x3200, s30;
	s20 =	sand.u32 $0x80, s28;
	s22 =	sand.u32 $0x3F80, s18  }
0x515: {  	[tilespmem:s12], [sflag:$0xE] =	stream.linear.gather [spmem:s3], $0x80, $0x38;
	[tilespmem:$0x12DB0] =	vst v63  }
0x516: {  	s28 =	sadd.s32 $0xFFFFFF80, s1;
	s25 =	sadd.s32 s20, s5;
	s30 =	sadd.s32 s22, s5  }
0x517: {  	[tilespmem:s28], [sflag:$0xE] =	stream.linear.gather [spmem:s30], $0x80, $0x38;
	[tilespmem:$0x12DB0] =	vst v63  }
0x518: {  	v4 =	vshra.s32 v3, $0x5;
	s14 =	simm.s32 $0x4;
	s3 =	sadd.s32 $0x3200, s25  }
0x519: {  	v3 =	vshrl.u32 v3, $0x1;
	v5 =	vand.u32 $0xFFFFFF80, v4;
	[tilespmem:s1], [sflag:$0xE] =	stream.linear.gather [spmem:s3], $0x80, $0x38;
	[tilespmem:$0x12DB0] =	vst v63  }
0x51a: {  	v4 =	vand.u32 $0x780, v3;
	v3 =	vadd.s32 $0x480, v5;
	s17 =	simm.s32 $0x1;
	v13 =	vadd.s32 s14, v0;
	s3 =	simm.s32 $0x0  }
0x51b: {  	v24 =	vadd.s32 s17, v0;
	v15 =	vand.u32 $0x7F, v13;
	s12 =	simm.s32 $0x7;
	v6 =	vadd.s32 s3, v0  }
0x51c: {  	v17 =	vor.u32 v4, v15;
	s15 =	simm.s32 $0x5;
	v7 =	vadd.s32 s12, v0;
	v5 =	vand.u32 $0x7F, v6  }
0x51d: {  	s13 =	simm.s32 $0x2;
	v14 =	vadd.s32 s15, v0;
	v10 =	vand.u32 $0x7F, v7;
	v8 =	vor.u32 v4, v5  }
0x51e: {  	v9 =	vadd.s32 s13, v0;
	v19 =	vand.u32 $0x7F, v14;
	s18 =	simm.s32 $0x6;
	v12 =	vor.u32 v4, v10  }
0x51f: {  	s16 =	simm.s32 $0x3;
	v11 =	vand.u32 $0x7F, v9;
	v21 =	vor.u32 v4, v19;
	v22 =	vadd.s32 s18, v0  }
0x520: {  	v18 =	vadd.s32 s16, v0;
	v16 =	vor.u32 v4, v11;
	v27 =	vand.u32 $0x7F, v22  }
0x521: {  	v34 =	vor.u32 v1, v15;
	v20 =	vand.u32 $0x7F, v18;
	v31 =	vor.u32 v4, v27;
	v17 =	vld.idx.msk [tilespmem:v17+s21+$0x0], $0xffff  }
0x522: {  	v26 =	vand.u32 $0x7F, v24;
	v25 =	vor.u32 v4, v20;
	v23 =	vor.u32 v1, v5;
	v8 =	vld.idx.msk [tilespmem:v8+s21+$0x0], $0xffff  }
0x523: {  	v30 =	vor.u32 v4, v26;
	v32 =	vor.u32 v1, v10;
	v29 =	vld.idx.msk [tilespmem:v12+s21+$0x0], $0xffff  }
0x524: {  	v35 =	vor.u32 v3, v15;
	v37 =	vor.u32 v1, v26;
	v15 =	vor.u32 v2, v14;
	v36 =	vld.idx.msk [tilespmem:v21+s21+$0x0], $0xffff  }
0x525: {  	v16 =	vld.idx.msk [tilespmem:v16+s21+$0x0], $0xffff;
	v28 =	vor.u32 v3, v5;
	v5 =	vor.u32 v2, v22;
	v22 =	vor.u32 v1, v11  }
0x526: {  	v33 =	vor.u32 v3, v11;
	v62 =	vor.u32 v1, v27;
	v31 =	vld.idx.msk [tilespmem:v31+s21+$0x0], $0xffff;
	[tilespmem:v34+s23+$0x0] =	vst.idx.msk $0xffff, v17  }
0x527: {  	v10 =	vor.u32 v3, v10;
	[tilespmem:v23+s23+$0x0] =	vst.idx.msk $0xffff, v8;
	v8 =	vld.idx.msk [tilespmem:v25+s21+$0x0], $0xffff;
	v25 =	vor.u32 v1, v19  }
0x528: {  	v38 =	vor.u32 v3, v19;
	v40 =	vor.u32 v3, v20;
	[tilespmem:v32+s23+$0x0] =	vst.idx.msk $0xffff, v29;
	v29 =	vld.idx.msk [tilespmem:v30+s21+$0x0], $0xffff  }
0x529: {  	v63 =	vor.u32 v3, v27;
	v12 =	vor.u32 v3, v26;
	v26 =	vor.u32 v1, v20;
	v20 =	vld.idx.msk [tilespmem:v35+s21+$0x0], $0xffff  }
0x52a: {  	v21 =	vor.u32 v2, v13;
	v39 =	vor.u32 v2, v6;
	[tilespmem:v22+s23+$0x0] =	vst.idx.msk $0xffff, v16;
	v28 =	vld.idx.msk [tilespmem:v28+s21+$0x0], $0xffff  }
0x52b: {  	s20 =	simm.s32 $0x8;
	v13 =	vor.u32 v2, v24;
	[tilespmem:v62+s23+$0x0] =	vst.idx.msk $0xffff, v31;
	v19 =	vld.idx.msk [tilespmem:v33+s21+$0x0], $0xffff;
	v23 =	vor.u32 v2, v9  }
0x52c: {  	s22 =	simm.s32 $0xF;
	v11 =	vor.u32 v2, v7;
	v7 =	vadd.s32 s20, v0;
	v24 =	vld.idx.msk [tilespmem:v10+s21+$0x0], $0xffff;
	[tilespmem:v25+s23+$0x0] =	vst.idx.msk $0xffff, v36  }
0x52d: {  	v14 =	vor.u32 v2, v18;
	s25 =	simm.s32 $0xC;
	v6 =	vadd.s32 s22, v0;
	v16 =	vand.u32 $0x7F, v7;
	[tilespmem:v37+s23+$0x0] =	vst.idx.msk $0xffff, v29;
	v22 =	vld.idx.msk [tilespmem:v38+s21+$0x0], $0xffff  }
0x52e: {  	s14 =	simm.s32 $0xE;
	s28 =	simm.s32 $0xD;
	s30 =	simm.s32 $0xA;
	v17 =	vand.u32 $0x7F, v6;
	v27 =	vor.u32 v4, v16;
	[tilespmem:v26+s23+$0x0] =	vst.idx.msk $0xffff, v8;
	v8 =	vadd.s32 s25, v0;
	v26 =	vld.idx.msk [tilespmem:v63+s21+$0x0], $0xffff  }
0x52f: {  	s15 =	simm.s32 $0xB;
	s16 =	simm.s32 $0x9;
	s12 =	simm.s32 $0x10;
	v10 =	vadd.s32 s30, v0;
	v9 =	vadd.s32 s28, v0;
	[tilespmem:v39+s23+$0x0] =	vst.idx.msk $0xffff, v28;
	v25 =	vld.idx.msk [tilespmem:v40+s21+$0x0], $0xffff;
	v18 =	vand.u32 $0x7F, v8  }
.LBB2_44:
0x530: {  	p2 =	slt.u32 s12, $0x78;
	v28 =	vadd.s32 s16, v0;
	v29 =	vand.u32 $0x7F, v10;
	v30 =	vor.u32 v4, v17;
	v12 =	vld.idx.msk [tilespmem:v12+s21+$0x0], $0xffff;
	[tilespmem:v23+s23+$0x0] =	vst.idx.msk $0xffff, v19;
	s13 =	smov.u32 s12;
	s12 =	sadd.s32 $0x8, s12  }
0x531: {  	v31 =	vor.u32 v4, v18;
	v19 =	vand.u32 $0x7F, v28;
	v23 =	vor.u32 v4, v29;
	[tilespmem:v21+s23+$0x0] =	vst.idx.msk $0xffff, v20  }
0x532: {  	v32 =	vadd.s32 s15, v0;
	v21 =	vand.u32 $0x7F, v9;
	v20 =	vor.u32 v4, v19;
	[tilespmem:v15+s23+$0x0] =	vst.idx.msk $0xffff, v22  }
0x533: {  	v33 =	vadd.s32 s14, v0;
	v22 =	vand.u32 $0x7F, v32;
	v15 =	vld.idx.msk [tilespmem:v27+s21+$0x0], $0xffff;
	v27 =	vor.u32 v4, v21;
	[tilespmem:v11+s23+$0x0] =	vst.idx.msk $0xffff, v24  }
0x534: {  	v34 =	vand.u32 $0x7F, v33;
	v11 =	vor.u32 v1, v16;
	v24 =	vor.u32 v4, v22;
	[tilespmem:v14+s23+$0x0] =	vst.idx.msk $0xffff, v25  }
0x535: {  	v14 =	vor.u32 v3, v16;
	v16 =	vor.u32 v4, v34;
	v25 =	vld.idx.msk [tilespmem:v30+s21+$0x0], $0xffff;
	[tilespmem:v5+s23+$0x0] =	vst.idx.msk $0xffff, v26  }
0x536: {  	v5 =	vor.u32 v2, v33;
	v26 =	vor.u32 v1, v17;
	v23 =	vld.idx.msk [tilespmem:v23+s21+$0x0], $0xffff;
	[tilespmem:v13+s23+$0x0] =	vst.idx.msk $0xffff, v12  }
0x537: {  	v17 =	vor.u32 v3, v17;
	v13 =	vor.u32 v1, v29;
	v30 =	vld.idx.msk [tilespmem:v31+s21+$0x0], $0xffff  }
0x538: {  	v29 =	vor.u32 v3, v29;
	v31 =	vor.u32 v1, v18;
	v18 =	vor.u32 v3, v18;
	v27 =	vld.idx.msk [tilespmem:v27+s21+$0x0], $0xffff  }
0x539: {  	v35 =	vor.u32 v1, v21;
	v33 =	vor.u32 v1, v19;
	[tilespmem:v11+s23+$0x0] =	vst.idx.msk $0xffff, v15;
	v24 =	vld.idx.msk [tilespmem:v24+s21+$0x0], $0xffff  }
0x53a: {  	v37 =	vor.u32 v3, v21;
	v12 =	vor.u32 v3, v19;
	v36 =	vld.idx.msk [tilespmem:v14+s21+$0x0], $0xffff;
	v14 =	vor.u32 v1, v22  }
0x53b: {  	v38 =	vor.u32 v2, v7;
	v39 =	vor.u32 v3, v22;
	v40 =	vld.idx.msk [tilespmem:v16+s21+$0x0], $0xffff;
	[tilespmem:v26+s23+$0x0] =	vst.idx.msk $0xffff, v25  }
0x53c: {  	v41 =	vor.u32 v1, v34;
	v11 =	vor.u32 v2, v6;
	v26 =	vld.idx.msk [tilespmem:v20+s21+$0x0], $0xffff;
	[tilespmem:v13+s23+$0x0] =	vst.idx.msk $0xffff, v23  }
0x53d: {  	v15 =	vor.u32 v2, v9;
	v19 =	vld.idx.msk [tilespmem:v29+s21+$0x0], $0xffff;
	[tilespmem:v31+s23+$0x0] =	vst.idx.msk $0xffff, v30;
	v29 =	vor.u32 v3, v34  }
.Ltmp25:
0x53e: {  	v21 =	vor.u32 v2, v8;
	v23 =	vor.u32 v2, v10;
	v20 =	vld.idx.msk [tilespmem:v18+s21+$0x0], $0xffff;
	[tilespmem:v35+s23+$0x0] =	vst.idx.msk $0xffff, v27;
	(pc) =	sbr.rel @p2 .LBB2_44-.Ltmp25, $4  }
0x53f: {  	v7 =	vadd.s32 s13, v0;
	s1 =	sadd.s32 $0x7, s13;
	[tilespmem:v14+s23+$0x0] =	vst.idx.msk $0xffff, v24;
	v14 =	vor.u32 v2, v32;
	v22 =	vld.idx.msk [tilespmem:v37+s21+$0x0], $0xffff  }
0x540: {  	s3 =	sadd.s32 $0x4, s13;
	s17 =	sadd.s32 $0x5, s13;
	s14 =	sadd.s32 $0x6, s13;
	v6 =	vadd.s32 s1, v0;
	v16 =	vand.u32 $0x7F, v7;
	v13 =	vor.u32 v2, v28;
	[tilespmem:v38+s23+$0x0] =	vst.idx.msk $0xffff, v36;
	v24 =	vld.idx.msk [tilespmem:v17+s21+$0x0], $0xffff  }
0x541: {  	s16 =	sadd.s32 $0x1, s13;
	s15 =	sadd.s32 $0x3, s13;
	v8 =	vadd.s32 s3, v0;
	s1 =	sadd.s32 $0x2, s13;
	v9 =	vadd.s32 s17, v0;
	v27 =	vor.u32 v4, v16;
	v25 =	vld.idx.msk [tilespmem:v39+s21+$0x0], $0xffff;
	[tilespmem:v41+s23+$0x0] =	vst.idx.msk $0xffff, v40  }
0x542: {  	v10 =	vadd.s32 s1, v0;
	v18 =	vand.u32 $0x7F, v8;
	v17 =	vand.u32 $0x7F, v6;
	[tilespmem:v33+s23+$0x0] =	vst.idx.msk $0xffff, v26;
	v26 =	vld.idx.msk [tilespmem:v29+s21+$0x0], $0xffff  }
0x543: {  	_ =	sdelay $0x2  }
0x544: {  	v29 =	vor.u32 v4, v17  }
0x545: {  	v28 =	vand.u32 $0x7F, v10;
	v60 =	vor.u32 v4, v18;
	[tilespmem:v21+s23+$0x0] =	vst.idx.msk $0xffff, v20;
	v20 =	vadd.s32 s15, v0  }
0x546: {  	[tilespmem:v23+s23+$0x0] =	vst.idx.msk $0xffff, v19;
	v12 =	vld.idx.msk [tilespmem:v12+s21+$0x0], $0xffff;
	v61 =	vand.u32 $0x7F, v9;
	v32 =	vadd.s32 s14, v0;
	v59 =	vor.u32 v4, v28  }
0x547: {  	v62 =	vld.idx.msk [tilespmem:v27+s21+$0x0], $0xffff;
	v37 =	vor.u32 v1, v16;
	v39 =	vor.u32 v3, v16;
	v36 =	vor.u32 v4, v61  }
0x548: {  	v34 =	vor.u32 v1, v17;
	v44 =	vor.u32 v1, v18;
	[tilespmem:v15+s23+$0x0] =	vst.idx.msk $0xffff, v22;
	v63 =	vand.u32 $0x7F, v20  }
0x549: {  	v30 =	vadd.s32 s16, v0;
	v33 =	vand.u32 $0x7F, v32;
	[tilespmem:v11+s23+$0x0] =	vst.idx.msk $0xffff, v24;
	v38 =	vor.u32 v4, v63;
	v29 =	vld.idx.msk [tilespmem:v29+s21+$0x0], $0xffff  }
0x54a: {  	v31 =	vand.u32 $0x7F, v30;
	v40 =	vor.u32 v4, v33;
	[tilespmem:v14+s23+$0x0] =	vst.idx.msk $0xffff, v25;
	v43 =	vld.idx.msk [tilespmem:v60+s21+$0x0], $0xffff  }
0x54b: {  	v41 =	vor.u32 v1, v28;
	v42 =	vor.u32 v4, v31;
	[tilespmem:v5+s23+$0x0] =	vst.idx.msk $0xffff, v26;
	v19 =	vld.idx.msk [tilespmem:v59+s21+$0x0], $0xffff  }
0x54c: {  	v48 =	vor.u32 v3, v18;
	v47 =	vor.u32 v1, v61;
	[tilespmem:v37+s23+$0x0] =	vst.idx.msk $0xffff, v62;
	v46 =	vld.idx.msk [tilespmem:v36+s21+$0x0], $0xffff  }
0x54d: {  	v7 =	vor.u32 v2, v7;
	v51 =	vor.u32 v3, v17;
	[tilespmem:v13+s23+$0x0] =	vst.idx.msk $0xffff, v12;
	v16 =	vld.idx.msk [tilespmem:v39+s21+$0x0], $0xffff  }
0x54e: {  	v45 =	vor.u32 v3, v28;
	v50 =	vor.u32 v1, v63;
	v49 =	vld.idx.msk [tilespmem:v38+s21+$0x0], $0xffff;
	[tilespmem:v34+s23+$0x0] =	vst.idx.msk $0xffff, v29  }
0x54f: {  	v21 =	vor.u32 v3, v61;
	v52 =	vor.u32 v1, v33;
	v14 =	vld.idx.msk [tilespmem:v40+s21+$0x0], $0xffff;
	[tilespmem:v44+s23+$0x0] =	vst.idx.msk $0xffff, v43  }
0x550: {  	v53 =	vor.u32 v1, v31;
	v22 =	vor.u32 v3, v63;
	v4 =	vld.idx.msk [tilespmem:v42+s21+$0x0], $0xffff;
	[tilespmem:v41+s23+$0x0] =	vst.idx.msk $0xffff, v19  }
0x551: {  	v8 =	vor.u32 v2, v8;
	v55 =	vor.u32 v3, v33;
	[tilespmem:v47+s23+$0x0] =	vst.idx.msk $0xffff, v46;
	v57 =	vld.idx.msk [tilespmem:v48+s21+$0x0], $0xffff  }
0x552: {  	v6 =	vor.u32 v2, v6;
	v3 =	vor.u32 v3, v31;
	[tilespmem:v7+s23+$0x0] =	vst.idx.msk $0xffff, v16;
	v60 =	vld.idx.msk [tilespmem:v51+s21+$0x0], $0xffff  }
0x553: {  	v56 =	vor.u32 v2, v10;
	v54 =	vld.idx.msk [tilespmem:v45+s21+$0x0], $0xffff;
	[tilespmem:v50+s23+$0x0] =	vst.idx.msk $0xffff, v49  }
0x554: {  	v58 =	vor.u32 v2, v9;
	v59 =	vld.idx.msk [tilespmem:v21+s21+$0x0], $0xffff;
	[tilespmem:v52+s23+$0x0] =	vst.idx.msk $0xffff, v14  }
0x555: {  	v61 =	vor.u32 v2, v20;
	[tilespmem:v53+s23+$0x0] =	vst.idx.msk $0xffff, v4;
	v15 =	vld.idx.msk [tilespmem:v22+s21+$0x0], $0xffff  }
0x556: {  	v62 =	vor.u32 v2, v32;
	v12 =	vld.idx.msk [tilespmem:v55+s21+$0x0], $0xffff;
	[tilespmem:v8+s23+$0x0] =	vst.idx.msk $0xffff, v57  }
0x557: {  	v63 =	vor.u32 v2, v30;
	v3 =	vld.idx.msk [tilespmem:v3+s21+$0x0], $0xffff;
	[tilespmem:v6+s23+$0x0] =	vst.idx.msk $0xffff, v60  }
0x558: {  	[tilespmem:v56+s23+$0x0] =	vst.idx.msk $0xffff, v54  }
0x559: {  	[tilespmem:v58+s23+$0x0] =	vst.idx.msk $0xffff, v59  }
0x55a: {  	[tilespmem:v61+s23+$0x0] =	vst.idx.msk $0xffff, v15  }
0x55b: {  	[tilespmem:v62+s23+$0x0] =	vst.idx.msk $0xffff, v12  }
.Ltmp26:
0x55c: {  	s1 =	sadd.s32 s7, s11;
	[tilespmem:v63+s23+$0x0] =	vst.idx.msk $0xffff, v3;
	(pc) =	sbr.rel .LBB2_46-.Ltmp26, $4  }
0x55d: {  	s1 =	sshll.u32 s1, $0x6;
	_ =	swait.ge [sflag:s10], $0x1000  }
0x55e: {  	s1 =	sand.u32 $0x1FFFFC00, s1;
	[sflag:s10] =	ssyncset.done $0x0  }
0x55f: {  	s1 =	sadd.s32 s8, s1;
	[sflag:s10] =	ssyncadd.s32 $0xFFFFF000  }
0x560: {  	[hbm4b:s1+s6] =	stream.linear.scatter [tilespmem:s23], [sflag:$0x7], $0x2000, $0x38;
	[tilespmem:$0x12DB0] =	vst v63  }
.LBB2_48:
0x561: {  	_ =	sfence.sel $0x180000  }
0x562: {  	[bflag:$0x0] =	sbarrier.arrive $0xFFFF  }
0x563: {  	_ =	strace $0x90000047  }
0x564: {  	[bflag:$0x2] =	sbarrier.arrive $0xFFFF  }
0x565: {  	s0 =	rddreg [dreg:$0xa]  }
0x566: {  	s0 =	sadd.s32 @!p1 $0x100000, s0  }
0x567: {  	[sflag:s0] =	ssyncadd.tile.s32 @!p1 $0x1;
	_ =	shalt  }
.Lfunc_end2:
_tile_overlayer_lowered:
.L_overlay_start_2:
0x568: {  	(tag) =	ssettag $0x2  }
0x569: {  	s0 =	rddreg [dreg:$0x0];
	s2 =	stileid.u32  }
0x56a: {  	s1 =	rddreg [dreg:$0x1];
	p0 =	sne.s32 s2, $0x0  }
0x56b: {  	s3 =	rddreg [dreg:$0x2];
	[bflag:$0x3] =	sbarrier.arrive $0xFFFF;
	s2 =	simm.s32 @!p0 $0x1C0F  }
0x56c: {  	[timem:s3], [sflag:s2] =	dma.local @!p0 [hbm:s0], s1  }
0x56d: {  	s0 =	simm.s32 @!p0 $0xF  }
0x56e: {  	_ =	swait.ge @!p0 [sflag:s0], s1  }
0x56f: {  	s1 =	ssub.s32 @!p0 $0x0, s1;
	[sflag:s0] =	ssyncset.done @!p0 $0x0  }
0x570: {  	[sflag:s0] =	ssyncadd.s32 @!p0 s1  }
0x571: {  	[bflag:$0x3] =	sbarrier.arrive $0xFFFF  }
0x572: {  	_ =	shalt  }

</sc_bundles>
